<compile_context>
chip_gen: v7x
topology: tpu7x:2x2x1
jax: 0.10.2.dev20260603
libtpu: 0.0.44.dev20260713+nightly
codegen_flags: <defaults>
</compile_context>

<pallas_src>
import functools

import jax
import jax.numpy as jnp
from jax import lax
from jax.experimental import pallas as pl
from jax.experimental.pallas import tpu as pltpu
from jax.experimental.pallas import tpu_sc as plsc

NC = 2
NS = 16
NW = NC * NS

SUB = 256
CHUNK = 256
SUBS = CHUNK // SUB
NBUF = 5
L16 = 16


def _emb_body(total_rows, seq_len, txt_hbm, seg_hbm, tok_tab_hbm, psg_hbm,
              out_hbm, psg_sh, tok_idx, seg_raw, fidx, rows,
              sem_g0, sem_g1, sem_g2, sem_g3, sem_g4,
              sem_w0, sem_w1, sem_w2, sem_w3, sem_w4,
              sem_i0, sem_i1, sem_i2, sem_i3, sem_i4, sem_a):
  wid = lax.axis_index("s") * NC + lax.axis_index("c")
  per_w = total_rows // NW
  n_chunks = per_w // CHUNK
  base = wid * per_w
  iota = lax.iota(jnp.int32, L16)
  sem_g = (sem_g0, sem_g1, sem_g2, sem_g3, sem_g4)
  sem_w = (sem_w0, sem_w1, sem_w2, sem_w3, sem_w4)
  sem_i = (sem_i0, sem_i1, sem_i2, sem_i3, sem_i4)

  @pl.when(lax.axis_index("s") == 0)
  def _():
    pltpu.sync_copy(psg_hbm, psg_sh)
  plsc.subcore_barrier()

  def _stage_descs(cc, b):
    off = base + cc * CHUNK
    return (
        pltpu.make_async_copy(txt_hbm.at[pl.ds(off, CHUNK)], tok_idx.at[b],
                              sem_i[b]),
        pltpu.make_async_copy(seg_hbm.at[pl.ds(off, CHUNK)], seg_raw.at[b],
                              sem_i[b]),
    )

  def _start_stage(cc, b):
    for d in _stage_descs(cc, b):
      d.start()

  def _finish_stage(cc, b):
    for d in _stage_descs(cc, b):
      d.wait()
    off = base + cc * CHUNK
    for g in range(CHUNK // L16):
      pos_v = lax.rem(off + (g * L16) + iota, seq_len)
      seg_v = seg_raw[b, pl.ds(g * L16, L16)]
      fidx[b, pl.ds(g * L16, L16)] = pos_v * 3 + seg_v

  def _start_gathers(b):
    for g in range(CHUNK // L16):
      idx_vals = tok_idx[b, pl.ds(g * L16, L16)]
      pltpu.async_copy(tok_tab_hbm.at[idx_vals],
                       rows.at[b, pl.ds(g * L16, L16)], sem_g[b])

  def _gather_descs(b):
    return [
        pltpu.make_async_copy(
            tok_tab_hbm.at[tok_idx.at[b, pl.ds(j * SUB, SUB)]],
            rows.at[b, pl.ds(j * SUB, SUB)], sem_g[b])
        for j in range(SUBS)
    ]

  def _write_desc(cc, b):
    off = base + cc * CHUNK
    return pltpu.make_async_copy(rows.at[b], out_hbm.at[pl.ds(off, CHUNK)],
                                 sem_w[b])

  _start_stage(0, 0)
  _start_stage(1, 1)
  _finish_stage(0, 0)
  _start_gathers(0)

  @pl.loop(0, n_chunks, step=NBUF)
  def _chunks(c):
    for u in range(NBUF):
      cc = c + u
      b = u
      b1 = (u + 1) % NBUF
      b2 = (u + 2) % NBUF

      @pl.when(cc + 2 < n_chunks)
      def _():
        _start_stage(cc + 2, b2)

      @pl.when(cc + 1 < n_chunks)
      def _():
        _finish_stage(cc + 1, b1)

        @pl.when(cc + 1 >= NBUF)
        def _():
          _write_desc(cc + 1 - NBUF, b1).wait()
        _start_gathers(b1)

      for d in _gather_descs(b):
        d.wait()
      for j in range(SUBS):
        pltpu.async_copy(psg_sh.at[fidx.at[b, pl.ds(j * SUB, SUB)]],
                         rows.at[b, pl.ds(j * SUB, SUB)], sem_a, add=True)
      for j in range(SUBS):
        pltpu.make_async_copy(psg_sh.at[fidx.at[b, pl.ds(j * SUB, SUB)]],
                              rows.at[b, pl.ds(j * SUB, SUB)], sem_a).wait()
      _write_desc(cc, b).start()

  for u in range(NBUF):
    cc = n_chunks - NBUF + u
    _write_desc(cc, cc % NBUF).wait()


def kernel(txt, seg, tok_table, pos_table, seg_table):
  B, L = txt.shape
  D = tok_table.shape[1]
  N = B * L

  txt_flat = txt.reshape(N).astype(jnp.int32)
  seg_flat = seg.reshape(N).astype(jnp.int32)
  psg = (pos_table[:, None, :] + seg_table[None, :, :]).reshape(L * 3, D)

  mesh = plsc.VectorSubcoreMesh(core_axis_name="c", subcore_axis_name="s")
  k = pl.kernel(
      functools.partial(_emb_body, N, L),
      out_type=jax.ShapeDtypeStruct((N, D), jnp.float32),
      mesh=mesh,
      compiler_params=pltpu.CompilerParams(use_tc_tiling_on_sc=False),
      scratch_types=[
          pltpu.VMEM_SHARED((L * 3, D), jnp.float32),
          pltpu.VMEM((NBUF, CHUNK), jnp.int32),
          pltpu.VMEM((NBUF, CHUNK), jnp.int32),
          pltpu.VMEM((NBUF, CHUNK), jnp.int32),
          pltpu.VMEM((NBUF, CHUNK, D), jnp.float32),
          pltpu.SemaphoreType.DMA,
          pltpu.SemaphoreType.DMA,
          pltpu.SemaphoreType.DMA,
          pltpu.SemaphoreType.DMA,
          pltpu.SemaphoreType.DMA,
          pltpu.SemaphoreType.DMA,
          pltpu.SemaphoreType.DMA,
          pltpu.SemaphoreType.DMA,
          pltpu.SemaphoreType.DMA,
          pltpu.SemaphoreType.DMA,
          pltpu.SemaphoreType.DMA,
          pltpu.SemaphoreType.DMA,
          pltpu.SemaphoreType.DMA,
          pltpu.SemaphoreType.DMA,
          pltpu.SemaphoreType.DMA,
          pltpu.SemaphoreType.DMA,
      ],
  )
  out = k(txt_flat, seg_flat, tok_table, psg)
  return out.reshape(B, L, D)

# --- scband reference (transcript-rebuilt; emitter-appended) ---
"""Pipeline reference for scband-input-embedding-86732569575815 (READ-ONLY COPY).

The authoritative reference and input builder live on the scoring server;
editing this copy changes nothing except your own understanding.
"""

import jax, jax.numpy as jnp
import numpy as np

VOCAB = 1000000
SEQ_LEN = 200
D_MODEL = 64
PAD_IDX = 0
BATCH = 4096


def setup_inputs(seed: int = 0) -> dict:
    key = jax.random.key(seed)
    k1, k2, k3, k4, k5 = jax.random.split(key, 5)
    txt = jax.random.randint(k1, (BATCH, SEQ_LEN), 0, VOCAB, dtype=jnp.int64 if jax.config.jax_enable_x64 else jnp.int32)
    seg = jax.random.randint(k2, (BATCH, SEQ_LEN), 0, 3, dtype=jnp.int64 if jax.config.jax_enable_x64 else jnp.int32)
    tok_table = jax.random.normal(k3, (VOCAB, D_MODEL), dtype=jnp.float32)
    tok_table = tok_table.at[PAD_IDX].set(0.0)  # padding_idx row zeroed like nn.Embedding
    pos_table = jax.random.normal(k4, (SEQ_LEN, D_MODEL), dtype=jnp.float32)
    seg_table = jax.random.normal(k5, (3, D_MODEL), dtype=jnp.float32)
    seg_table = seg_table.at[PAD_IDX].set(0.0)
    return {"txt": txt, "seg": seg, "tok_table": tok_table, "pos_table": pos_table, "seg_table": seg_table}


def reference(txt, seg, tok_table, pos_table, seg_table):
    # emb = self.tok_emb(txt)
    emb = jnp.take(tok_table, txt, axis=0)
    # pos = arange(L) broadcast over batch; self.pos_emb(pos)
    L = txt.shape[1]
    pos_e = jnp.take(pos_table, jnp.arange(L), axis=0)[None, :, :]
    # self.seg_emb(seg)
    seg_e = jnp.take(seg_table, seg, axis=0)
    summed = emb + pos_e + seg_e
    return summed

if __name__ == "__main__":
    import jax
    _d = setup_inputs()
    print(jax.jit(kernel)(*tuple(_d.values())))

</pallas_src>

<mosaic_0001>
#map = affine_map<(d0, d1) -> (0)>
#map1 = affine_map<(d0, d1) -> (0, 0)>
module attributes {stable_mosaic.version = 14 : i64} {
  func.func @_emb_body(%arg0: i32, %arg1: i32, %arg2: memref<819200xi32, #tpu.memory_space<hbm>>, %arg3: memref<819200xi32, #tpu.memory_space<hbm>>, %arg4: memref<1000000x64xf32, #tpu.memory_space<hbm>>, %arg5: memref<600x64xf32, #tpu.memory_space<hbm>>, %arg6: memref<819200x64xf32, #tpu.memory_space<hbm>>, %arg7: memref<600x64xf32, #tpu.memory_space<vmem_shared>>, %arg8: memref<5x256xi32, #tpu.memory_space<vmem>>, %arg9: memref<5x256xi32, #tpu.memory_space<vmem>>, %arg10: memref<5x256xi32, #tpu.memory_space<vmem>>, %arg11: memref<5x256x64xf32, #tpu.memory_space<vmem>>, %arg12: memref<!tpu.dma_semaphore, #tpu.memory_space<semaphore_mem>>, %arg13: memref<!tpu.dma_semaphore, #tpu.memory_space<semaphore_mem>>, %arg14: memref<!tpu.dma_semaphore, #tpu.memory_space<semaphore_mem>>, %arg15: memref<!tpu.dma_semaphore, #tpu.memory_space<semaphore_mem>>, %arg16: memref<!tpu.dma_semaphore, #tpu.memory_space<semaphore_mem>>, %arg17: memref<!tpu.dma_semaphore, #tpu.memory_space<semaphore_mem>>, %arg18: memref<!tpu.dma_semaphore, #tpu.memory_space<semaphore_mem>>, %arg19: memref<!tpu.dma_semaphore, #tpu.memory_space<semaphore_mem>>, %arg20: memref<!tpu.dma_semaphore, #tpu.memory_space<semaphore_mem>>, %arg21: memref<!tpu.dma_semaphore, #tpu.memory_space<semaphore_mem>>, %arg22: memref<!tpu.dma_semaphore, #tpu.memory_space<semaphore_mem>>, %arg23: memref<!tpu.dma_semaphore, #tpu.memory_space<semaphore_mem>>, %arg24: memref<!tpu.dma_semaphore, #tpu.memory_space<semaphore_mem>>, %arg25: memref<!tpu.dma_semaphore, #tpu.memory_space<semaphore_mem>>, %arg26: memref<!tpu.dma_semaphore, #tpu.memory_space<semaphore_mem>>, %arg27: memref<!tpu.dma_semaphore, #tpu.memory_space<semaphore_mem>>) attributes {dimension_semantics = [#tpu.dimension_semantics<core_parallel>, #tpu.dimension_semantics<subcore_parallel>], iteration_bounds = array<i64: 2, 16>, scalar_prefetch = 0 : i64, scratch_operands = 21 : i64, tpu.core_type = #tpu.core_type<sc_vector_subcore>, window_params = [{transform_indices = #map}, {transform_indices = #map}, {transform_indices = #map1}, {transform_indices = #map1}, {transform_indices = #map1}]} {
    %mul3A = arith.constant 2 : i32
    %mul3A_0 = arith.muli %arg1, %mul3A : i32
    %add3A = arith.addi %mul3A_0, %arg0 : i32
    %mul3A_1 = arith.constant 25600 : i32
    %mul3A_2 = arith.muli %add3A, %mul3A_1 : i32
    %iota3A = tpu.iota {dimensions = array<i32: 0>} : vector<16xi32>
    %eq3A = arith.constant 0 : i32
    %eq3A_3 = arith.cmpi eq, %arg1, %eq3A : i32
    %convert_element_type3A = arith.extui %eq3A_3 : i1 to i32
    %cond3A = arith.constant 0 : i32
    %cond3A_4 = arith.cmpi ne, %convert_element_type3A, %cond3A : i32
    scf.if %cond3A_4 {
      "tpu.region"() ({
        %run_scoped3A = tpu.sem_alloc : memref<!tpu.dma_semaphore, #tpu.memory_space<semaphore_mem>>
        tpu.enqueue_dma source(%arg5 : memref<600x64xf32, #tpu.memory_space<hbm>>) target(%arg7 : memref<600x64xf32, #tpu.memory_space<vmem_shared>>) target_semaphore(%run_scoped3A : memref<!tpu.dma_semaphore, #tpu.memory_space<semaphore_mem>>)
        tpu.wait_dma2 semaphore(%run_scoped3A : memref<!tpu.dma_semaphore, #tpu.memory_space<semaphore_mem>>) src(%arg5 : memref<600x64xf32, #tpu.memory_space<hbm>>) dst(%arg7 : memref<600x64xf32, #tpu.memory_space<vmem_shared>>)
        tpu.yield
      }) : () -> ()
    } else {
    }
    %barrier3A = arith.constant 0 : index
    tpu.barrier barrier_id(%barrier3A)
    %add3A_5 = arith.constant 0 : i32
    %add3A_6 = arith.addi %mul3A_2, %add3A_5 : i32
    %dma_start3A = arith.constant 0 : i32
    %dma_start3A_7 = arith.constant 0 : i32
    %dma_start3A_8 = tpu.memref_slice %arg8[%dma_start3A, %dma_start3A_7] : memref<5x256xi32, #tpu.memory_space<vmem>> -> memref<1x256xi32, #tpu.memory_space<vmem>>
    %dma_start3A_9 = tpu.memref_squeeze %dma_start3A_8 : memref<1x256xi32, #tpu.memory_space<vmem>> -> memref<256xi32, #tpu.memory_space<vmem>>
    %dma_start3A_10 = tpu.memref_slice %arg2[%add3A_6] : memref<819200xi32, #tpu.memory_space<hbm>> -> memref<256xi32, #tpu.memory_space<hbm>>
    %dma_start3A_11 = arith.constant 0 : i32
    %dma_start3A_12 = tpu.memref_slice %arg8[%dma_start3A, %dma_start3A_11] : memref<5x256xi32, #tpu.memory_space<vmem>> -> memref<1x256xi32, #tpu.memory_space<vmem>>
    %dma_start3A_13 = tpu.memref_squeeze %dma_start3A_12 : memref<1x256xi32, #tpu.memory_space<vmem>> -> memref<256xi32, #tpu.memory_space<vmem>>
    %dma_start3A_14 = tpu.memref_slice %arg2[%add3A_6] : memref<819200xi32, #tpu.memory_space<hbm>> -> memref<256xi32, #tpu.memory_space<hbm>>
    tpu.enqueue_dma source(%dma_start3A_14 : memref<256xi32, #tpu.memory_space<hbm>>) target(%dma_start3A_13 : memref<256xi32, #tpu.memory_space<vmem>>) target_semaphore(%arg22 : memref<!tpu.dma_semaphore, #tpu.memory_space<semaphore_mem>>)
    %dma_start3A_15 = arith.constant 0 : i32
    %dma_start3A_16 = arith.constant 0 : i32
    %dma_start3A_17 = tpu.memref_slice %arg9[%dma_start3A_15, %dma_start3A_16] : memref<5x256xi32, #tpu.memory_space<vmem>> -> memref<1x256xi32, #tpu.memory_space<vmem>>
    %dma_start3A_18 = tpu.memref_squeeze %dma_start3A_17 : memref<1x256xi32, #tpu.memory_space<vmem>> -> memref<256xi32, #tpu.memory_space<vmem>>
    %dma_start3A_19 = tpu.memref_slice %arg3[%add3A_6] : memref<819200xi32, #tpu.memory_space<hbm>> -> memref<256xi32, #tpu.memory_space<hbm>>
    %dma_start3A_20 = arith.constant 0 : i32
    %dma_start3A_21 = tpu.memref_slice %arg9[%dma_start3A_15, %dma_start3A_20] : memref<5x256xi32, #tpu.memory_space<vmem>> -> memref<1x256xi32, #tpu.memory_space<vmem>>
    %dma_start3A_22 = tpu.memref_squeeze %dma_start3A_21 : memref<1x256xi32, #tpu.memory_space<vmem>> -> memref<256xi32, #tpu.memory_space<vmem>>
    %dma_start3A_23 = tpu.memref_slice %arg3[%add3A_6] : memref<819200xi32, #tpu.memory_space<hbm>> -> memref<256xi32, #tpu.memory_space<hbm>>
    tpu.enqueue_dma source(%dma_start3A_23 : memref<256xi32, #tpu.memory_space<hbm>>) target(%dma_start3A_22 : memref<256xi32, #tpu.memory_space<vmem>>) target_semaphore(%arg22 : memref<!tpu.dma_semaphore, #tpu.memory_space<semaphore_mem>>)
    %add3A_24 = arith.constant 256 : i32
    %add3A_25 = arith.addi %mul3A_2, %add3A_24 : i32
    %dma_start3A_26 = arith.constant 1 : i32
    %dma_start3A_27 = arith.constant 0 : i32
    %dma_start3A_28 = tpu.memref_slice %arg8[%dma_start3A_26, %dma_start3A_27] : memref<5x256xi32, #tpu.memory_space<vmem>> -> memref<1x256xi32, #tpu.memory_space<vmem>>
    %dma_start3A_29 = tpu.memref_squeeze %dma_start3A_28 : memref<1x256xi32, #tpu.memory_space<vmem>> -> memref<256xi32, #tpu.memory_space<vmem>>
    %dma_start3A_30 = tpu.memref_slice %arg2[%add3A_25] : memref<819200xi32, #tpu.memory_space<hbm>> -> memref<256xi32, #tpu.memory_space<hbm>>
    %dma_start3A_31 = arith.constant 0 : i32
    %dma_start3A_32 = tpu.memref_slice %arg8[%dma_start3A_26, %dma_start3A_31] : memref<5x256xi32, #tpu.memory_space<vmem>> -> memref<1x256xi32, #tpu.memory_space<vmem>>
    %dma_start3A_33 = tpu.memref_squeeze %dma_start3A_32 : memref<1x256xi32, #tpu.memory_space<vmem>> -> memref<256xi32, #tpu.memory_space<vmem>>
    %dma_start3A_34 = tpu.memref_slice %arg2[%add3A_25] : memref<819200xi32, #tpu.memory_space<hbm>> -> memref<256xi32, #tpu.memory_space<hbm>>
    tpu.enqueue_dma source(%dma_start3A_34 : memref<256xi32, #tpu.memory_space<hbm>>) target(%dma_start3A_33 : memref<256xi32, #tpu.memory_space<vmem>>) target_semaphore(%arg23 : memref<!tpu.dma_semaphore, #tpu.memory_space<semaphore_mem>>)
    %dma_start3A_35 = arith.constant 1 : i32
    %dma_start3A_36 = arith.constant 0 : i32
    %dma_start3A_37 = tpu.memref_slice %arg9[%dma_start3A_35, %dma_start3A_36] : memref<5x256xi32, #tpu.memory_space<vmem>> -> memref<1x256xi32, #tpu.memory_space<vmem>>
    %dma_start3A_38 = tpu.memref_squeeze %dma_start3A_37 : memref<1x256xi32, #tpu.memory_space<vmem>> -> memref<256xi32, #tpu.memory_space<vmem>>
    %dma_start3A_39 = tpu.memref_slice %arg3[%add3A_25] : memref<819200xi32, #tpu.memory_space<hbm>> -> memref<256xi32, #tpu.memory_space<hbm>>
    %dma_start3A_40 = arith.constant 0 : i32
    %dma_start3A_41 = tpu.memref_slice %arg9[%dma_start3A_35, %dma_start3A_40] : memref<5x256xi32, #tpu.memory_space<vmem>> -> memref<1x256xi32, #tpu.memory_space<vmem>>
    %dma_start3A_42 = tpu.memref_squeeze %dma_start3A_41 : memref<1x256xi32, #tpu.memory_space<vmem>> -> memref<256xi32, #tpu.memory_space<vmem>>
    %dma_start3A_43 = tpu.memref_slice %arg3[%add3A_25] : memref<819200xi32, #tpu.memory_space<hbm>> -> memref<256xi32, #tpu.memory_space<hbm>>
    tpu.enqueue_dma source(%dma_start3A_43 : memref<256xi32, #tpu.memory_space<hbm>>) target(%dma_start3A_42 : memref<256xi32, #tpu.memory_space<vmem>>) target_semaphore(%arg23 : memref<!tpu.dma_semaphore, #tpu.memory_space<semaphore_mem>>)
    %add3A_44 = arith.constant 0 : i32
    %add3A_45 = arith.addi %mul3A_2, %add3A_44 : i32
    %dma_wait3A = arith.constant 0 : i32
    %dma_wait3A_46 = arith.constant 0 : i32
    %dma_wait3A_47 = tpu.memref_slice %arg8[%dma_wait3A, %dma_wait3A_46] : memref<5x256xi32, #tpu.memory_space<vmem>> -> memref<1x256xi32, #tpu.memory_space<vmem>>
    %dma_wait3A_48 = tpu.memref_squeeze %dma_wait3A_47 : memref<1x256xi32, #tpu.memory_space<vmem>> -> memref<256xi32, #tpu.memory_space<vmem>>
    %dma_wait3A_49 = tpu.memref_slice %arg2[%add3A_45] : memref<819200xi32, #tpu.memory_space<hbm>> -> memref<256xi32, #tpu.memory_space<hbm>>
    %dma_wait3A_50 = arith.constant 0 : i32
    %dma_wait3A_51 = tpu.memref_slice %arg8[%dma_wait3A, %dma_wait3A_50] : memref<5x256xi32, #tpu.memory_space<vmem>> -> memref<1x256xi32, #tpu.memory_space<vmem>>
    %dma_wait3A_52 = tpu.memref_squeeze %dma_wait3A_51 : memref<1x256xi32, #tpu.memory_space<vmem>> -> memref<256xi32, #tpu.memory_space<vmem>>
    %dma_wait3A_53 = tpu.memref_slice %arg2[%add3A_45] : memref<819200xi32, #tpu.memory_space<hbm>> -> memref<256xi32, #tpu.memory_space<hbm>>
    tpu.wait_dma2 semaphore(%arg22 : memref<!tpu.dma_semaphore, #tpu.memory_space<semaphore_mem>>) src(%dma_wait3A_53 : memref<256xi32, #tpu.memory_space<hbm>>) dst(%dma_wait3A_52 : memref<256xi32, #tpu.memory_space<vmem>>)
    %dma_wait3A_54 = arith.constant 0 : i32
    %dma_wait3A_55 = arith.constant 0 : i32
    %dma_wait3A_56 = tpu.memref_slice %arg9[%dma_wait3A_54, %dma_wait3A_55] : memref<5x256xi32, #tpu.memory_space<vmem>> -> memref<1x256xi32, #tpu.memory_space<vmem>>
    %dma_wait3A_57 = tpu.memref_squeeze %dma_wait3A_56 : memref<1x256xi32, #tpu.memory_space<vmem>> -> memref<256xi32, #tpu.memory_space<vmem>>
    %dma_wait3A_58 = tpu.memref_slice %arg3[%add3A_45] : memref<819200xi32, #tpu.memory_space<hbm>> -> memref<256xi32, #tpu.memory_space<hbm>>
    %dma_wait3A_59 = arith.constant 0 : i32
    %dma_wait3A_60 = tpu.memref_slice %arg9[%dma_wait3A_54, %dma_wait3A_59] : memref<5x256xi32, #tpu.memory_space<vmem>> -> memref<1x256xi32, #tpu.memory_space<vmem>>
    %dma_wait3A_61 = tpu.memref_squeeze %dma_wait3A_60 : memref<1x256xi32, #tpu.memory_space<vmem>> -> memref<256xi32, #tpu.memory_space<vmem>>
    %dma_wait3A_62 = tpu.memref_slice %arg3[%add3A_45] : memref<819200xi32, #tpu.memory_space<hbm>> -> memref<256xi32, #tpu.memory_space<hbm>>
    tpu.wait_dma2 semaphore(%arg22 : memref<!tpu.dma_semaphore, #tpu.memory_space<semaphore_mem>>) src(%dma_wait3A_62 : memref<256xi32, #tpu.memory_space<hbm>>) dst(%dma_wait3A_61 : memref<256xi32, #tpu.memory_space<vmem>>)
    %add3A_63 = arith.constant 0 : i32
    %add3A_64 = arith.addi %mul3A_2, %add3A_63 : i32
    %add3A_65 = arith.constant 0 : i32
    %add3A_66 = arith.addi %add3A_64, %add3A_65 : i32
    %add3A_67 = vector.broadcast %add3A_66 : i32 to vector<16xi32>
    %add3A_68 = arith.addi %add3A_67, %iota3A : vector<16xi32>
    %rem3A = arith.constant 200 : i32
    %rem3A_69 = vector.broadcast %rem3A : i32 to vector<16xi32>
    %rem3A_70 = arith.remsi %add3A_68, %rem3A_69 : vector<16xi32>
    %get3A = arith.constant 0 : i32
    %get3A_71 = arith.index_cast %get3A : i32 to index
    %get3A_72 = arith.constant 0 : index
    %get3A_73 = tpu.vector_load %arg9[%get3A_71, %get3A_72] {strides = array<i32>} : memref<5x256xi32, #tpu.memory_space<vmem>>, vector<1x16xi32>,
    %get3A_74 = vector.shape_cast %get3A_73 : vector<1x16xi32> to vector<16xi32>
    %mul3A_75 = arith.constant 3 : i32
    %mul3A_76 = vector.broadcast %mul3A_75 : i32 to vector<16xi32>
    %mul3A_77 = arith.muli %rem3A_70, %mul3A_76 : vector<16xi32>
    %add3A_78 = arith.addi %mul3A_77, %get3A_74 : vector<16xi32>
    %swap3A = arith.constant 0 : i32
    %swap3A_79 = arith.index_cast %swap3A : i32 to index
    %swap3A_80 = arith.constant 0 : index
    %swap3A_81 = tpu.vector_load %arg10[%swap3A_79, %swap3A_80] {strides = array<i32>} : memref<5x256xi32, #tpu.memory_space<vmem>>, vector<1x16xi32>,
    %swap3A_82 = vector.shape_cast %swap3A_81 : vector<1x16xi32> to vector<16xi32>
    %swap3A_83 = vector.shape_cast %add3A_78 : vector<16xi32> to vector<1x16xi32>
    tpu.vector_store %arg10[%swap3A_79, %swap3A_80], %swap3A_83 {strides = array<i32>} : memref<5x256xi32, #tpu.memory_space<vmem>>, vector<1x16xi32>,
    %add3A_84 = arith.constant 16 : i32
    %add3A_85 = arith.addi %add3A_64, %add3A_84 : i32
    %add3A_86 = vector.broadcast %add3A_85 : i32 to vector<16xi32>
    %add3A_87 = arith.addi %add3A_86, %iota3A : vector<16xi32>
    %rem3A_88 = arith.constant 200 : i32
    %rem3A_89 = vector.broadcast %rem3A_88 : i32 to vector<16xi32>
    %rem3A_90 = arith.remsi %add3A_87, %rem3A_89 : vector<16xi32>
    %get3A_91 = arith.constant 0 : i32
    %get3A_92 = arith.index_cast %get3A_91 : i32 to index
    %get3A_93 = arith.constant 16 : index
    %get3A_94 = tpu.vector_load %arg9[%get3A_92, %get3A_93] {strides = array<i32>} : memref<5x256xi32, #tpu.memory_space<vmem>>, vector<1x16xi32>,
    %get3A_95 = vector.shape_cast %get3A_94 : vector<1x16xi32> to vector<16xi32>
    %mul3A_96 = arith.constant 3 : i32
    %mul3A_97 = vector.broadcast %mul3A_96 : i32 to vector<16xi32>
    %mul3A_98 = arith.muli %rem3A_90, %mul3A_97 : vector<16xi32>
    %add3A_99 = arith.addi %mul3A_98, %get3A_95 : vector<16xi32>
    %swap3A_100 = arith.constant 0 : i32
    %swap3A_101 = arith.index_cast %swap3A_100 : i32 to index
    %swap3A_102 = arith.constant 16 : index
    %swap3A_103 = tpu.vector_load %arg10[%swap3A_101, %swap3A_102] {strides = array<i32>} : memref<5x256xi32, #tpu.memory_space<vmem>>, vector<1x16xi32>,
    %swap3A_104 = vector.shape_cast %swap3A_103 : vector<1x16xi32> to vector<16xi32>
    %swap3A_105 = vector.shape_cast %add3A_99 : vector<16xi32> to vector<1x16xi32>
    tpu.vector_store %arg10[%swap3A_101, %swap3A_102], %swap3A_105 {strides = array<i32>} : memref<5x256xi32, #tpu.memory_space<vmem>>, vector<1x16xi32>,
    %add3A_106 = arith.constant 32 : i32
    %add3A_107 = arith.addi %add3A_64, %add3A_106 : i32
    %add3A_108 = vector.broadcast %add3A_107 : i32 to vector<16xi32>
    %add3A_109 = arith.addi %add3A_108, %iota3A : vector<16xi32>
    %rem3A_110 = arith.constant 200 : i32
    %rem3A_111 = vector.broadcast %rem3A_110 : i32 to vector<16xi32>
    %rem3A_112 = arith.remsi %add3A_109, %rem3A_111 : vector<16xi32>
    %get3A_113 = arith.constant 0 : i32
    %get3A_114 = arith.index_cast %get3A_113 : i32 to index
    %get3A_115 = arith.constant 32 : index
    %get3A_116 = tpu.vector_load %arg9[%get3A_114, %get3A_115] {strides = array<i32>} : memref<5x256xi32, #tpu.memory_space<vmem>>, vector<1x16xi32>,
    %get3A_117 = vector.shape_cast %get3A_116 : vector<1x16xi32> to vector<16xi32>
    %mul3A_118 = arith.constant 3 : i32
    %mul3A_119 = vector.broadcast %mul3A_118 : i32 to vector<16xi32>
    %mul3A_120 = arith.muli %rem3A_112, %mul3A_119 : vector<16xi32>
    %add3A_121 = arith.addi %mul3A_120, %get3A_117 : vector<16xi32>
    %swap3A_122 = arith.constant 0 : i32
    %swap3A_123 = arith.index_cast %swap3A_122 : i32 to index
    %swap3A_124 = arith.constant 32 : index
    %swap3A_125 = tpu.vector_load %arg10[%swap3A_123, %swap3A_124] {strides = array<i32>} : memref<5x256xi32, #tpu.memory_space<vmem>>, vector<1x16xi32>,
    %swap3A_126 = vector.shape_cast %swap3A_125 : vector<1x16xi32> to vector<16xi32>
    %swap3A_127 = vector.shape_cast %add3A_121 : vector<16xi32> to vector<1x16xi32>
    tpu.vector_store %arg10[%swap3A_123, %swap3A_124], %swap3A_127 {strides = array<i32>} : memref<5x256xi32, #tpu.memory_space<vmem>>, vector<1x16xi32>,
    %add3A_128 = arith.constant 48 : i32
    %add3A_129 = arith.addi %add3A_64, %add3A_128 : i32
    %add3A_130 = vector.broadcast %add3A_129 : i32 to vector<16xi32>
    %add3A_131 = arith.addi %add3A_130, %iota3A : vector<16xi32>
    %rem3A_132 = arith.constant 200 : i32
    %rem3A_133 = vector.broadcast %rem3A_132 : i32 to vector<16xi32>
    %rem3A_134 = arith.remsi %add3A_131, %rem3A_133 : vector<16xi32>
    %get3A_135 = arith.constant 0 : i32
    %get3A_136 = arith.index_cast %get3A_135 : i32 to index
    %get3A_137 = arith.constant 48 : index
    %get3A_138 = tpu.vector_load %arg9[%get3A_136, %get3A_137] {strides = array<i32>} : memref<5x256xi32, #tpu.memory_space<vmem>>, vector<1x16xi32>,
    %get3A_139 = vector.shape_cast %get3A_138 : vector<1x16xi32> to vector<16xi32>
    %mul3A_140 = arith.constant 3 : i32
    %mul3A_141 = vector.broadcast %mul3A_140 : i32 to vector<16xi32>
    %mul3A_142 = arith.muli %rem3A_134, %mul3A_141 : vector<16xi32>
    %add3A_143 = arith.addi %mul3A_142, %get3A_139 : vector<16xi32>
    %swap3A_144 = arith.constant 0 : i32
    %swap3A_145 = arith.index_cast %swap3A_144 : i32 to index
    %swap3A_146 = arith.constant 48 : index
    %swap3A_147 = tpu.vector_load %arg10[%swap3A_145, %swap3A_146] {strides = array<i32>} : memref<5x256xi32, #tpu.memory_space<vmem>>, vector<1x16xi32>,
    %swap3A_148 = vector.shape_cast %swap3A_147 : vector<1x16xi32> to vector<16xi32>
    %swap3A_149 = vector.shape_cast %add3A_143 : vector<16xi32> to vector<1x16xi32>
    tpu.vector_store %arg10[%swap3A_145, %swap3A_146], %swap3A_149 {strides = array<i32>} : memref<5x256xi32, #tpu.memory_space<vmem>>, vector<1x16xi32>,
    %add3A_150 = arith.constant 64 : i32
    %add3A_151 = arith.addi %add3A_64, %add3A_150 : i32
    %add3A_152 = vector.broadcast %add3A_151 : i32 to vector<16xi32>
    %add3A_153 = arith.addi %add3A_152, %iota3A : vector<16xi32>
    %rem3A_154 = arith.constant 200 : i32
    %rem3A_155 = vector.broadcast %rem3A_154 : i32 to vector<16xi32>
    %rem3A_156 = arith.remsi %add3A_153, %rem3A_155 : vector<16xi32>
    %get3A_157 = arith.constant 0 : i32
    %get3A_158 = arith.index_cast %get3A_157 : i32 to index
    %get3A_159 = arith.constant 64 : index
    %get3A_160 = tpu.vector_load %arg9[%get3A_158, %get3A_159] {strides = array<i32>} : memref<5x256xi32, #tpu.memory_space<vmem>>, vector<1x16xi32>,
    %get3A_161 = vector.shape_cast %get3A_160 : vector<1x16xi32> to vector<16xi32>
    %mul3A_162 = arith.constant 3 : i32
    %mul3A_163 = vector.broadcast %mul3A_162 : i32 to vector<16xi32>
    %mul3A_164 = arith.muli %rem3A_156, %mul3A_163 : vector<16xi32>
    %add3A_165 = arith.addi %mul3A_164, %get3A_161 : vector<16xi32>
    %swap3A_166 = arith.constant 0 : i32
    %swap3A_167 = arith.index_cast %swap3A_166 : i32 to index
    %swap3A_168 = arith.constant 64 : index
    %swap3A_169 = tpu.vector_load %arg10[%swap3A_167, %swap3A_168] {strides = array<i32>} : memref<5x256xi32, #tpu.memory_space<vmem>>, vector<1x16xi32>,
    %swap3A_170 = vector.shape_cast %swap3A_169 : vector<1x16xi32> to vector<16xi32>
    %swap3A_171 = vector.shape_cast %add3A_165 : vector<16xi32> to vector<1x16xi32>
    tpu.vector_store %arg10[%swap3A_167, %swap3A_168], %swap3A_171 {strides = array<i32>} : memref<5x256xi32, #tpu.memory_space<vmem>>, vector<1x16xi32>,
    %add3A_172 = arith.constant 80 : i32
    %add3A_173 = arith.addi %add3A_64, %add3A_172 : i32
    %add3A_174 = vector.broadcast %add3A_173 : i32 to vector<16xi32>
    %add3A_175 = arith.addi %add3A_174, %iota3A : vector<16xi32>
    %rem3A_176 = arith.constant 200 : i32
    %rem3A_177 = vector.broadcast %rem3A_176 : i32 to vector<16xi32>
    %rem3A_178 = arith.remsi %add3A_175, %rem3A_177 : vector<16xi32>
    %get3A_179 = arith.constant 0 : i32
    %get3A_180 = arith.index_cast %get3A_179 : i32 to index
    %get3A_181 = arith.constant 80 : index
    %get3A_182 = tpu.vector_load %arg9[%get3A_180, %get3A_181] {strides = array<i32>} : memref<5x256xi32, #tpu.memory_space<vmem>>, vector<1x16xi32>,
    %get3A_183 = vector.shape_cast %get3A_182 : vector<1x16xi32> to vector<16xi32>
    %mul3A_184 = arith.constant 3 : i32
    %mul3A_185 = vector.broadcast %mul3A_184 : i32 to vector<16xi32>
    %mul3A_186 = arith.muli %rem3A_178, %mul3A_185 : vector<16xi32>
    %add3A_187 = arith.addi %mul3A_186, %get3A_183 : vector<16xi32>
    %swap3A_188 = arith.constant 0 : i32
    %swap3A_189 = arith.index_cast %swap3A_188 : i32 to index
    %swap3A_190 = arith.constant 80 : index
    %swap3A_191 = tpu.vector_load %arg10[%swap3A_189, %swap3A_190] {strides = array<i32>} : memref<5x256xi32, #tpu.memory_space<vmem>>, vector<1x16xi32>,
    %swap3A_192 = vector.shape_cast %swap3A_191 : vector<1x16xi32> to vector<16xi32>
    %swap3A_193 = vector.shape_cast %add3A_187 : vector<16xi32> to vector<1x16xi32>
    tpu.vector_store %arg10[%swap3A_189, %swap3A_190], %swap3A_193 {strides = array<i32>} : memref<5x256xi32, #tpu.memory_space<vmem>>, vector<1x16xi32>,
    %add3A_194 = arith.constant 96 : i32
    %add3A_195 = arith.addi %add3A_64, %add3A_194 : i32
    %add3A_196 = vector.broadcast %add3A_195 : i32 to vector<16xi32>
    %add3A_197 = arith.addi %add3A_196, %iota3A : vector<16xi32>
    %rem3A_198 = arith.constant 200 : i32
    %rem3A_199 = vector.broadcast %rem3A_198 : i32 to vector<16xi32>
    %rem3A_200 = arith.remsi %add3A_197, %rem3A_199 : vector<16xi32>
    %get3A_201 = arith.constant 0 : i32
    %get3A_202 = arith.index_cast %get3A_201 : i32 to index
    %get3A_203 = arith.constant 96 : index
    %get3A_204 = tpu.vector_load %arg9[%get3A_202, %get3A_203] {strides = array<i32>} : memref<5x256xi32, #tpu.memory_space<vmem>>, vector<1x16xi32>,
    %get3A_205 = vector.shape_cast %get3A_204 : vector<1x16xi32> to vector<16xi32>
    %mul3A_206 = arith.constant 3 : i32
    %mul3A_207 = vector.broadcast %mul3A_206 : i32 to vector<16xi32>
    %mul3A_208 = arith.muli %rem3A_200, %mul3A_207 : vector<16xi32>
    %add3A_209 = arith.addi %mul3A_208, %get3A_205 : vector<16xi32>
    %swap3A_210 = arith.constant 0 : i32
    %swap3A_211 = arith.index_cast %swap3A_210 : i32 to index
    %swap3A_212 = arith.constant 96 : index
    %swap3A_213 = tpu.vector_load %arg10[%swap3A_211, %swap3A_212] {strides = array<i32>} : memref<5x256xi32, #tpu.memory_space<vmem>>, vector<1x16xi32>,
    %swap3A_214 = vector.shape_cast %swap3A_213 : vector<1x16xi32> to vector<16xi32>
    %swap3A_215 = vector.shape_cast %add3A_209 : vector<16xi32> to vector<1x16xi32>
    tpu.vector_store %arg10[%swap3A_211, %swap3A_212], %swap3A_215 {strides = array<i32>} : memref<5x256xi32, #tpu.memory_space<vmem>>, vector<1x16xi32>,
    %add3A_216 = arith.constant 112 : i32
    %add3A_217 = arith.addi %add3A_64, %add3A_216 : i32
    %add3A_218 = vector.broadcast %add3A_217 : i32 to vector<16xi32>
    %add3A_219 = arith.addi %add3A_218, %iota3A : vector<16xi32>
    %rem3A_220 = arith.constant 200 : i32
    %rem3A_221 = vector.broadcast %rem3A_220 : i32 to vector<16xi32>
    %rem3A_222 = arith.remsi %add3A_219, %rem3A_221 : vector<16xi32>
    %get3A_223 = arith.constant 0 : i32
    %get3A_224 = arith.index_cast %get3A_223 : i32 to index
    %get3A_225 = arith.constant 112 : index
    %get3A_226 = tpu.vector_load %arg9[%get3A_224, %get3A_225] {strides = array<i32>} : memref<5x256xi32, #tpu.memory_space<vmem>>, vector<1x16xi32>,
    %get3A_227 = vector.shape_cast %get3A_226 : vector<1x16xi32> to vector<16xi32>
    %mul3A_228 = arith.constant 3 : i32
    %mul3A_229 = vector.broadcast %mul3A_228 : i32 to vector<16xi32>
    %mul3A_230 = arith.muli %rem3A_222, %mul3A_229 : vector<16xi32>
    %add3A_231 = arith.addi %mul3A_230, %get3A_227 : vector<16xi32>
    %swap3A_232 = arith.constant 0 : i32
    %swap3A_233 = arith.index_cast %swap3A_232 : i32 to index
    %swap3A_234 = arith.constant 112 : index
    %swap3A_235 = tpu.vector_load %arg10[%swap3A_233, %swap3A_234] {strides = array<i32>} : memref<5x256xi32, #tpu.memory_space<vmem>>, vector<1x16xi32>,
    %swap3A_236 = vector.shape_cast %swap3A_235 : vector<1x16xi32> to vector<16xi32>
    %swap3A_237 = vector.shape_cast %add3A_231 : vector<16xi32> to vector<1x16xi32>
    tpu.vector_store %arg10[%swap3A_233, %swap3A_234], %swap3A_237 {strides = array<i32>} : memref<5x256xi32, #tpu.memory_space<vmem>>, vector<1x16xi32>,
    %add3A_238 = arith.constant 128 : i32
    %add3A_239 = arith.addi %add3A_64, %add3A_238 : i32
    %add3A_240 = vector.broadcast %add3A_239 : i32 to vector<16xi32>
    %add3A_241 = arith.addi %add3A_240, %iota3A : vector<16xi32>
    %rem3A_242 = arith.constant 200 : i32
    %rem3A_243 = vector.broadcast %rem3A_242 : i32 to vector<16xi32>
    %rem3A_244 = arith.remsi %add3A_241, %rem3A_243 : vector<16xi32>
    %get3A_245 = arith.constant 0 : i32
    %get3A_246 = arith.index_cast %get3A_245 : i32 to index
    %get3A_247 = arith.constant 128 : index
    %get3A_248 = tpu.vector_load %arg9[%get3A_246, %get3A_247] {strides = array<i32>} : memref<5x256xi32, #tpu.memory_space<vmem>>, vector<1x16xi32>,
    %get3A_249 = vector.shape_cast %get3A_248 : vector<1x16xi32> to vector<16xi32>
    %mul3A_250 = arith.constant 3 : i32
    %mul3A_251 = vector.broadcast %mul3A_250 : i32 to vector<16xi32>
    %mul3A_252 = arith.muli %rem3A_244, %mul3A_251 : vector<16xi32>
    %add3A_253 = arith.addi %mul3A_252, %get3A_249 : vector<16xi32>
    %swap3A_254 = arith.constant 0 : i32
    %swap3A_255 = arith.index_cast %swap3A_254 : i32 to index
    %swap3A_256 = arith.constant 128 : index
    %swap3A_257 = tpu.vector_load %arg10[%swap3A_255, %swap3A_256] {strides = array<i32>} : memref<5x256xi32, #tpu.memory_space<vmem>>, vector<1x16xi32>,
    %swap3A_258 = vector.shape_cast %swap3A_257 : vector<1x16xi32> to vector<16xi32>
    %swap3A_259 = vector.shape_cast %add3A_253 : vector<16xi32> to vector<1x16xi32>
    tpu.vector_store %arg10[%swap3A_255, %swap3A_256], %swap3A_259 {strides = array<i32>} : memref<5x256xi32, #tpu.memory_space<vmem>>, vector<1x16xi32>,
    %add3A_260 = arith.constant 144 : i32
    %add3A_261 = arith.addi %add3A_64, %add3A_260 : i32
    %add3A_262 = vector.broadcast %add3A_261 : i32 to vector<16xi32>
    %add3A_263 = arith.addi %add3A_262, %iota3A : vector<16xi32>
    %rem3A_264 = arith.constant 200 : i32
    %rem3A_265 = vector.broadcast %rem3A_264 : i32 to vector<16xi32>
    %rem3A_266 = arith.remsi %add3A_263, %rem3A_265 : vector<16xi32>
    %get3A_267 = arith.constant 0 : i32
    %get3A_268 = arith.index_cast %get3A_267 : i32 to index
    %get3A_269 = arith.constant 144 : index
    %get3A_270 = tpu.vector_load %arg9[%get3A_268, %get3A_269] {strides = array<i32>} : memref<5x256xi32, #tpu.memory_space<vmem>>, vector<1x16xi32>,
    %get3A_271 = vector.shape_cast %get3A_270 : vector<1x16xi32> to vector<16xi32>
    %mul3A_272 = arith.constant 3 : i32
    %mul3A_273 = vector.broadcast %mul3A_272 : i32 to vector<16xi32>
    %mul3A_274 = arith.muli %rem3A_266, %mul3A_273 : vector<16xi32>
    %add3A_275 = arith.addi %mul3A_274, %get3A_271 : vector<16xi32>
    %swap3A_276 = arith.constant 0 : i32
    %swap3A_277 = arith.index_cast %swap3A_276 : i32 to index
    %swap3A_278 = arith.constant 144 : index
    %swap3A_279 = tpu.vector_load %arg10[%swap3A_277, %swap3A_278] {strides = array<i32>} : memref<5x256xi32, #tpu.memory_space<vmem>>, vector<1x16xi32>,
    %swap3A_280 = vector.shape_cast %swap3A_279 : vector<1x16xi32> to vector<16xi32>
    %swap3A_281 = vector.shape_cast %add3A_275 : vector<16xi32> to vector<1x16xi32>
    tpu.vector_store %arg10[%swap3A_277, %swap3A_278], %swap3A_281 {strides = array<i32>} : memref<5x256xi32, #tpu.memory_space<vmem>>, vector<1x16xi32>,
    %add3A_282 = arith.constant 160 : i32
    %add3A_283 = arith.addi %add3A_64, %add3A_282 : i32
    %add3A_284 = vector.broadcast %add3A_283 : i32 to vector<16xi32>
    %add3A_285 = arith.addi %add3A_284, %iota3A : vector<16xi32>
    %rem3A_286 = arith.constant 200 : i32
    %rem3A_287 = vector.broadcast %rem3A_286 : i32 to vector<16xi32>
    %rem3A_288 = arith.remsi %add3A_285, %rem3A_287 : vector<16xi32>
    %get3A_289 = arith.constant 0 : i32
    %get3A_290 = arith.index_cast %get3A_289 : i32 to index
    %get3A_291 = arith.constant 160 : index
    %get3A_292 = tpu.vector_load %arg9[%get3A_290, %get3A_291] {strides = array<i32>} : memref<5x256xi32, #tpu.memory_space<vmem>>, vector<1x16xi32>,
    %get3A_293 = vector.shape_cast %get3A_292 : vector<1x16xi32> to vector<16xi32>
    %mul3A_294 = arith.constant 3 : i32
    %mul3A_295 = vector.broadcast %mul3A_294 : i32 to vector<16xi32>
    %mul3A_296 = arith.muli %rem3A_288, %mul3A_295 : vector<16xi32>
    %add3A_297 = arith.addi %mul3A_296, %get3A_293 : vector<16xi32>
    %swap3A_298 = arith.constant 0 : i32
    %swap3A_299 = arith.index_cast %swap3A_298 : i32 to index
    %swap3A_300 = arith.constant 160 : index
    %swap3A_301 = tpu.vector_load %arg10[%swap3A_299, %swap3A_300] {strides = array<i32>} : memref<5x256xi32, #tpu.memory_space<vmem>>, vector<1x16xi32>,
    %swap3A_302 = vector.shape_cast %swap3A_301 : vector<1x16xi32> to vector<16xi32>
    %swap3A_303 = vector.shape_cast %add3A_297 : vector<16xi32> to vector<1x16xi32>
    tpu.vector_store %arg10[%swap3A_299, %swap3A_300], %swap3A_303 {strides = array<i32>} : memref<5x256xi32, #tpu.memory_space<vmem>>, vector<1x16xi32>,
    %add3A_304 = arith.constant 176 : i32
    %add3A_305 = arith.addi %add3A_64, %add3A_304 : i32
    %add3A_306 = vector.broadcast %add3A_305 : i32 to vector<16xi32>
    %add3A_307 = arith.addi %add3A_306, %iota3A : vector<16xi32>
    %rem3A_308 = arith.constant 200 : i32
    %rem3A_309 = vector.broadcast %rem3A_308 : i32 to vector<16xi32>
    %rem3A_310 = arith.remsi %add3A_307, %rem3A_309 : vector<16xi32>
    %get3A_311 = arith.constant 0 : i32
    %get3A_312 = arith.index_cast %get3A_311 : i32 to index
    %get3A_313 = arith.constant 176 : index
    %get3A_314 = tpu.vector_load %arg9[%get3A_312, %get3A_313] {strides = array<i32>} : memref<5x256xi32, #tpu.memory_space<vmem>>, vector<1x16xi32>,
    %get3A_315 = vector.shape_cast %get3A_314 : vector<1x16xi32> to vector<16xi32>
    %mul3A_316 = arith.constant 3 : i32
    %mul3A_317 = vector.broadcast %mul3A_316 : i32 to vector<16xi32>
    %mul3A_318 = arith.muli %rem3A_310, %mul3A_317 : vector<16xi32>
    %add3A_319 = arith.addi %mul3A_318, %get3A_315 : vector<16xi32>
    %swap3A_320 = arith.constant 0 : i32
    %swap3A_321 = arith.index_cast %swap3A_320 : i32 to index
    %swap3A_322 = arith.constant 176 : index
    %swap3A_323 = tpu.vector_load %arg10[%swap3A_321, %swap3A_322] {strides = array<i32>} : memref<5x256xi32, #tpu.memory_space<vmem>>, vector<1x16xi32>,
    %swap3A_324 = vector.shape_cast %swap3A_323 : vector<1x16xi32> to vector<16xi32>
    %swap3A_325 = vector.shape_cast %add3A_319 : vector<16xi32> to vector<1x16xi32>
    tpu.vector_store %arg10[%swap3A_321, %swap3A_322], %swap3A_325 {strides = array<i32>} : memref<5x256xi32, #tpu.memory_space<vmem>>, vector<1x16xi32>,
    %add3A_326 = arith.constant 192 : i32
    %add3A_327 = arith.addi %add3A_64, %add3A_326 : i32
    %add3A_328 = vector.broadcast %add3A_327 : i32 to vector<16xi32>
    %add3A_329 = arith.addi %add3A_328, %iota3A : vector<16xi32>
    %rem3A_330 = arith.constant 200 : i32
    %rem3A_331 = vector.broadcast %rem3A_330 : i32 to vector<16xi32>
    %rem3A_332 = arith.remsi %add3A_329, %rem3A_331 : vector<16xi32>
    %get3A_333 = arith.constant 0 : i32
    %get3A_334 = arith.index_cast %get3A_333 : i32 to index
    %get3A_335 = arith.constant 192 : index
    %get3A_336 = tpu.vector_load %arg9[%get3A_334, %get3A_335] {strides = array<i32>} : memref<5x256xi32, #tpu.memory_space<vmem>>, vector<1x16xi32>,
    %get3A_337 = vector.shape_cast %get3A_336 : vector<1x16xi32> to vector<16xi32>
    %mul3A_338 = arith.constant 3 : i32
    %mul3A_339 = vector.broadcast %mul3A_338 : i32 to vector<16xi32>
    %mul3A_340 = arith.muli %rem3A_332, %mul3A_339 : vector<16xi32>
    %add3A_341 = arith.addi %mul3A_340, %get3A_337 : vector<16xi32>
    %swap3A_342 = arith.constant 0 : i32
    %swap3A_343 = arith.index_cast %swap3A_342 : i32 to index
    %swap3A_344 = arith.constant 192 : index
    %swap3A_345 = tpu.vector_load %arg10[%swap3A_343, %swap3A_344] {strides = array<i32>} : memref<5x256xi32, #tpu.memory_space<vmem>>, vector<1x16xi32>,
    %swap3A_346 = vector.shape_cast %swap3A_345 : vector<1x16xi32> to vector<16xi32>
    %swap3A_347 = vector.shape_cast %add3A_341 : vector<16xi32> to vector<1x16xi32>
    tpu.vector_store %arg10[%swap3A_343, %swap3A_344], %swap3A_347 {strides = array<i32>} : memref<5x256xi32, #tpu.memory_space<vmem>>, vector<1x16xi32>,
    %add3A_348 = arith.constant 208 : i32
    %add3A_349 = arith.addi %add3A_64, %add3A_348 : i32
    %add3A_350 = vector.broadcast %add3A_349 : i32 to vector<16xi32>
    %add3A_351 = arith.addi %add3A_350, %iota3A : vector<16xi32>
    %rem3A_352 = arith.constant 200 : i32
    %rem3A_353 = vector.broadcast %rem3A_352 : i32 to vector<16xi32>
    %rem3A_354 = arith.remsi %add3A_351, %rem3A_353 : vector<16xi32>
    %get3A_355 = arith.constant 0 : i32
    %get3A_356 = arith.index_cast %get3A_355 : i32 to index
    %get3A_357 = arith.constant 208 : index
    %get3A_358 = tpu.vector_load %arg9[%get3A_356, %get3A_357] {strides = array<i32>} : memref<5x256xi32, #tpu.memory_space<vmem>>, vector<1x16xi32>,
    %get3A_359 = vector.shape_cast %get3A_358 : vector<1x16xi32> to vector<16xi32>
    %mul3A_360 = arith.constant 3 : i32
    %mul3A_361 = vector.broadcast %mul3A_360 : i32 to vector<16xi32>
    %mul3A_362 = arith.muli %rem3A_354, %mul3A_361 : vector<16xi32>
    %add3A_363 = arith.addi %mul3A_362, %get3A_359 : vector<16xi32>
    %swap3A_364 = arith.constant 0 : i32
    %swap3A_365 = arith.index_cast %swap3A_364 : i32 to index
    %swap3A_366 = arith.constant 208 : index
    %swap3A_367 = tpu.vector_load %arg10[%swap3A_365, %swap3A_366] {strides = array<i32>} : memref<5x256xi32, #tpu.memory_space<vmem>>, vector<1x16xi32>,
    %swap3A_368 = vector.shape_cast %swap3A_367 : vector<1x16xi32> to vector<16xi32>
    %swap3A_369 = vector.shape_cast %add3A_363 : vector<16xi32> to vector<1x16xi32>
    tpu.vector_store %arg10[%swap3A_365, %swap3A_366], %swap3A_369 {strides = array<i32>} : memref<5x256xi32, #tpu.memory_space<vmem>>, vector<1x16xi32>,
    %add3A_370 = arith.constant 224 : i32
    %add3A_371 = arith.addi %add3A_64, %add3A_370 : i32
    %add3A_372 = vector.broadcast %add3A_371 : i32 to vector<16xi32>
    %add3A_373 = arith.addi %add3A_372, %iota3A : vector<16xi32>
    %rem3A_374 = arith.constant 200 : i32
    %rem3A_375 = vector.broadcast %rem3A_374 : i32 to vector<16xi32>
    %rem3A_376 = arith.remsi %add3A_373, %rem3A_375 : vector<16xi32>
    %get3A_377 = arith.constant 0 : i32
    %get3A_378 = arith.index_cast %get3A_377 : i32 to index
    %get3A_379 = arith.constant 224 : index
    %get3A_380 = tpu.vector_load %arg9[%get3A_378, %get3A_379] {strides = array<i32>} : memref<5x256xi32, #tpu.memory_space<vmem>>, vector<1x16xi32>,
    %get3A_381 = vector.shape_cast %get3A_380 : vector<1x16xi32> to vector<16xi32>
    %mul3A_382 = arith.constant 3 : i32
    %mul3A_383 = vector.broadcast %mul3A_382 : i32 to vector<16xi32>
    %mul3A_384 = arith.muli %rem3A_376, %mul3A_383 : vector<16xi32>
    %add3A_385 = arith.addi %mul3A_384, %get3A_381 : vector<16xi32>
    %swap3A_386 = arith.constant 0 : i32
    %swap3A_387 = arith.index_cast %swap3A_386 : i32 to index
    %swap3A_388 = arith.constant 224 : index
    %swap3A_389 = tpu.vector_load %arg10[%swap3A_387, %swap3A_388] {strides = array<i32>} : memref<5x256xi32, #tpu.memory_space<vmem>>, vector<1x16xi32>,
    %swap3A_390 = vector.shape_cast %swap3A_389 : vector<1x16xi32> to vector<16xi32>
    %swap3A_391 = vector.shape_cast %add3A_385 : vector<16xi32> to vector<1x16xi32>
    tpu.vector_store %arg10[%swap3A_387, %swap3A_388], %swap3A_391 {strides = array<i32>} : memref<5x256xi32, #tpu.memory_space<vmem>>, vector<1x16xi32>,
    %add3A_392 = arith.constant 240 : i32
    %add3A_393 = arith.addi %add3A_64, %add3A_392 : i32
    %add3A_394 = vector.broadcast %add3A_393 : i32 to vector<16xi32>
    %add3A_395 = arith.addi %add3A_394, %iota3A : vector<16xi32>
    %rem3A_396 = arith.constant 200 : i32
    %rem3A_397 = vector.broadcast %rem3A_396 : i32 to vector<16xi32>
    %rem3A_398 = arith.remsi %add3A_395, %rem3A_397 : vector<16xi32>
    %get3A_399 = arith.constant 0 : i32
    %get3A_400 = arith.index_cast %get3A_399 : i32 to index
    %get3A_401 = arith.constant 240 : index
    %get3A_402 = tpu.vector_load %arg9[%get3A_400, %get3A_401] {strides = array<i32>} : memref<5x256xi32, #tpu.memory_space<vmem>>, vector<1x16xi32>,
    %get3A_403 = vector.shape_cast %get3A_402 : vector<1x16xi32> to vector<16xi32>
    %mul3A_404 = arith.constant 3 : i32
    %mul3A_405 = vector.broadcast %mul3A_404 : i32 to vector<16xi32>
    %mul3A_406 = arith.muli %rem3A_398, %mul3A_405 : vector<16xi32>
    %add3A_407 = arith.addi %mul3A_406, %get3A_403 : vector<16xi32>
    %swap3A_408 = arith.constant 0 : i32
    %swap3A_409 = arith.index_cast %swap3A_408 : i32 to index
    %swap3A_410 = arith.constant 240 : index
    %swap3A_411 = tpu.vector_load %arg10[%swap3A_409, %swap3A_410] {strides = array<i32>} : memref<5x256xi32, #tpu.memory_space<vmem>>, vector<1x16xi32>,
    %swap3A_412 = vector.shape_cast %swap3A_411 : vector<1x16xi32> to vector<16xi32>
    %swap3A_413 = vector.shape_cast %add3A_407 : vector<16xi32> to vector<1x16xi32>
    tpu.vector_store %arg10[%swap3A_409, %swap3A_410], %swap3A_413 {strides = array<i32>} : memref<5x256xi32, #tpu.memory_space<vmem>>, vector<1x16xi32>,
    %get3A_414 = arith.constant 0 : i32
    %get3A_415 = arith.index_cast %get3A_414 : i32 to index
    %get3A_416 = arith.constant 0 : index
    %get3A_417 = tpu.vector_load %arg8[%get3A_415, %get3A_416] {strides = array<i32>} : memref<5x256xi32, #tpu.memory_space<vmem>>, vector<1x16xi32>,
    %get3A_418 = vector.shape_cast %get3A_417 : vector<1x16xi32> to vector<16xi32>
    %dma_start3A_419 = arith.constant 0 : i32
    %dma_start3A_420 = arith.constant 0 : i32
    %dma_start3A_421 = arith.constant 0 : i32
    %dma_start3A_422 = tpu.memref_slice %arg11[%dma_start3A_419, %dma_start3A_420, %dma_start3A_421] : memref<5x256x64xf32, #tpu.memory_space<vmem>> -> memref<1x16x64xf32, #tpu.memory_space<vmem>>
    %dma_start3A_423 = tpu.memref_squeeze %dma_start3A_422 : memref<1x16x64xf32, #tpu.memory_space<vmem>> -> memref<16x64xf32, #tpu.memory_space<vmem>>
    %dma_start3A_424 = arith.constant 0 : i32
    %dma_start3A_425 = arith.constant 0 : i32
    %dma_start3A_426 = tpu.memref_slice %arg4[%dma_start3A_424, %dma_start3A_425] : memref<1000000x64xf32, #tpu.memory_space<hbm>> -> memref<1000000x64xf32, #tpu.memory_space<hbm>>
    tpu.enqueue_indirect_dma source(%dma_start3A_426 : memref<1000000x64xf32, #tpu.memory_space<hbm>>) target(%dma_start3A_423 : memref<16x64xf32, #tpu.memory_space<vmem>>) offsets(%get3A_418 : vector<16xi32>) semaphore(%arg12 : memref<!tpu.dma_semaphore, #tpu.memory_space<semaphore_mem>>)
    %get3A_427 = arith.constant 0 : i32
    %get3A_428 = arith.index_cast %get3A_427 : i32 to index
    %get3A_429 = arith.constant 16 : index
    %get3A_430 = tpu.vector_load %arg8[%get3A_428, %get3A_429] {strides = array<i32>} : memref<5x256xi32, #tpu.memory_space<vmem>>, vector<1x16xi32>,
    %get3A_431 = vector.shape_cast %get3A_430 : vector<1x16xi32> to vector<16xi32>
    %dma_start3A_432 = arith.constant 0 : i32
    %dma_start3A_433 = arith.constant 16 : i32
    %dma_start3A_434 = arith.constant 0 : i32
    %dma_start3A_435 = tpu.memref_slice %arg11[%dma_start3A_432, %dma_start3A_433, %dma_start3A_434] : memref<5x256x64xf32, #tpu.memory_space<vmem>> -> memref<1x16x64xf32, #tpu.memory_space<vmem>>
    %dma_start3A_436 = tpu.memref_squeeze %dma_start3A_435 : memref<1x16x64xf32, #tpu.memory_space<vmem>> -> memref<16x64xf32, #tpu.memory_space<vmem>>
    %dma_start3A_437 = arith.constant 0 : i32
    %dma_start3A_438 = arith.constant 0 : i32
    %dma_start3A_439 = tpu.memref_slice %arg4[%dma_start3A_437, %dma_start3A_438] : memref<1000000x64xf32, #tpu.memory_space<hbm>> -> memref<1000000x64xf32, #tpu.memory_space<hbm>>
    tpu.enqueue_indirect_dma source(%dma_start3A_439 : memref<1000000x64xf32, #tpu.memory_space<hbm>>) target(%dma_start3A_436 : memref<16x64xf32, #tpu.memory_space<vmem>>) offsets(%get3A_431 : vector<16xi32>) semaphore(%arg12 : memref<!tpu.dma_semaphore, #tpu.memory_space<semaphore_mem>>)
    %get3A_440 = arith.constant 0 : i32
    %get3A_441 = arith.index_cast %get3A_440 : i32 to index
    %get3A_442 = arith.constant 32 : index
    %get3A_443 = tpu.vector_load %arg8[%get3A_441, %get3A_442] {strides = array<i32>} : memref<5x256xi32, #tpu.memory_space<vmem>>, vector<1x16xi32>,
    %get3A_444 = vector.shape_cast %get3A_443 : vector<1x16xi32> to vector<16xi32>
    %dma_start3A_445 = arith.constant 0 : i32
    %dma_start3A_446 = arith.constant 32 : i32
    %dma_start3A_447 = arith.constant 0 : i32
    %dma_start3A_448 = tpu.memref_slice %arg11[%dma_start3A_445, %dma_start3A_446, %dma_start3A_447] : memref<5x256x64xf32, #tpu.memory_space<vmem>> -> memref<1x16x64xf32, #tpu.memory_space<vmem>>
    %dma_start3A_449 = tpu.memref_squeeze %dma_start3A_448 : memref<1x16x64xf32, #tpu.memory_space<vmem>> -> memref<16x64xf32, #tpu.memory_space<vmem>>
    %dma_start3A_450 = arith.constant 0 : i32
    %dma_start3A_451 = arith.constant 0 : i32
    %dma_start3A_452 = tpu.memref_slice %arg4[%dma_start3A_450, %dma_start3A_451] : memref<1000000x64xf32, #tpu.memory_space<hbm>> -> memref<1000000x64xf32, #tpu.memory_space<hbm>>
    tpu.enqueue_indirect_dma source(%dma_start3A_452 : memref<1000000x64xf32, #tpu.memory_space<hbm>>) target(%dma_start3A_449 : memref<16x64xf32, #tpu.memory_space<vmem>>) offsets(%get3A_444 : vector<16xi32>) semaphore(%arg12 : memref<!tpu.dma_semaphore, #tpu.memory_space<semaphore_mem>>)
    %get3A_453 = arith.constant 0 : i32
    %get3A_454 = arith.index_cast %get3A_453 : i32 to index
    %get3A_455 = arith.constant 48 : index
    %get3A_456 = tpu.vector_load %arg8[%get3A_454, %get3A_455] {strides = array<i32>} : memref<5x256xi32, #tpu.memory_space<vmem>>, vector<1x16xi32>,
    %get3A_457 = vector.shape_cast %get3A_456 : vector<1x16xi32> to vector<16xi32>
    %dma_start3A_458 = arith.constant 0 : i32
    %dma_start3A_459 = arith.constant 48 : i32
    %dma_start3A_460 = arith.constant 0 : i32
    %dma_start3A_461 = tpu.memref_slice %arg11[%dma_start3A_458, %dma_start3A_459, %dma_start3A_460] : memref<5x256x64xf32, #tpu.memory_space<vmem>> -> memref<1x16x64xf32, #tpu.memory_space<vmem>>
    %dma_start3A_462 = tpu.memref_squeeze %dma_start3A_461 : memref<1x16x64xf32, #tpu.memory_space<vmem>> -> memref<16x64xf32, #tpu.memory_space<vmem>>
    %dma_start3A_463 = arith.constant 0 : i32
    %dma_start3A_464 = arith.constant 0 : i32
    %dma_start3A_465 = tpu.memref_slice %arg4[%dma_start3A_463, %dma_start3A_464] : memref<1000000x64xf32, #tpu.memory_space<hbm>> -> memref<1000000x64xf32, #tpu.memory_space<hbm>>
    tpu.enqueue_indirect_dma source(%dma_start3A_465 : memref<1000000x64xf32, #tpu.memory_space<hbm>>) target(%dma_start3A_462 : memref<16x64xf32, #tpu.memory_space<vmem>>) offsets(%get3A_457 : vector<16xi32>) semaphore(%arg12 : memref<!tpu.dma_semaphore, #tpu.memory_space<semaphore_mem>>)
    %get3A_466 = arith.constant 0 : i32
    %get3A_467 = arith.index_cast %get3A_466 : i32 to index
    %get3A_468 = arith.constant 64 : index
    %get3A_469 = tpu.vector_load %arg8[%get3A_467, %get3A_468] {strides = array<i32>} : memref<5x256xi32, #tpu.memory_space<vmem>>, vector<1x16xi32>,
    %get3A_470 = vector.shape_cast %get3A_469 : vector<1x16xi32> to vector<16xi32>
    %dma_start3A_471 = arith.constant 0 : i32
    %dma_start3A_472 = arith.constant 64 : i32
    %dma_start3A_473 = arith.constant 0 : i32
    %dma_start3A_474 = tpu.memref_slice %arg11[%dma_start3A_471, %dma_start3A_472, %dma_start3A_473] : memref<5x256x64xf32, #tpu.memory_space<vmem>> -> memref<1x16x64xf32, #tpu.memory_space<vmem>>
    %dma_start3A_475 = tpu.memref_squeeze %dma_start3A_474 : memref<1x16x64xf32, #tpu.memory_space<vmem>> -> memref<16x64xf32, #tpu.memory_space<vmem>>
    %dma_start3A_476 = arith.constant 0 : i32
    %dma_start3A_477 = arith.constant 0 : i32
    %dma_start3A_478 = tpu.memref_slice %arg4[%dma_start3A_476, %dma_start3A_477] : memref<1000000x64xf32, #tpu.memory_space<hbm>> -> memref<1000000x64xf32, #tpu.memory_space<hbm>>
    tpu.enqueue_indirect_dma source(%dma_start3A_478 : memref<1000000x64xf32, #tpu.memory_space<hbm>>) target(%dma_start3A_475 : memref<16x64xf32, #tpu.memory_space<vmem>>) offsets(%get3A_470 : vector<16xi32>) semaphore(%arg12 : memref<!tpu.dma_semaphore, #tpu.memory_space<semaphore_mem>>)
    %get3A_479 = arith.constant 0 : i32
    %get3A_480 = arith.index_cast %get3A_479 : i32 to index
    %get3A_481 = arith.constant 80 : index
    %get3A_482 = tpu.vector_load %arg8[%get3A_480, %get3A_481] {strides = array<i32>} : memref<5x256xi32, #tpu.memory_space<vmem>>, vector<1x16xi32>,
    %get3A_483 = vector.shape_cast %get3A_482 : vector<1x16xi32> to vector<16xi32>
    %dma_start3A_484 = arith.constant 0 : i32
    %dma_start3A_485 = arith.constant 80 : i32
    %dma_start3A_486 = arith.constant 0 : i32
    %dma_start3A_487 = tpu.memref_slice %arg11[%dma_start3A_484, %dma_start3A_485, %dma_start3A_486] : memref<5x256x64xf32, #tpu.memory_space<vmem>> -> memref<1x16x64xf32, #tpu.memory_space<vmem>>
    %dma_start3A_488 = tpu.memref_squeeze %dma_start3A_487 : memref<1x16x64xf32, #tpu.memory_space<vmem>> -> memref<16x64xf32, #tpu.memory_space<vmem>>
    %dma_start3A_489 = arith.constant 0 : i32
    %dma_start3A_490 = arith.constant 0 : i32
    %dma_start3A_491 = tpu.memref_slice %arg4[%dma_start3A_489, %dma_start3A_490] : memref<1000000x64xf32, #tpu.memory_space<hbm>> -> memref<1000000x64xf32, #tpu.memory_space<hbm>>
    tpu.enqueue_indirect_dma source(%dma_start3A_491 : memref<1000000x64xf32, #tpu.memory_space<hbm>>) target(%dma_start3A_488 : memref<16x64xf32, #tpu.memory_space<vmem>>) offsets(%get3A_483 : vector<16xi32>) semaphore(%arg12 : memref<!tpu.dma_semaphore, #tpu.memory_space<semaphore_mem>>)
    %get3A_492 = arith.constant 0 : i32
    %get3A_493 = arith.index_cast %get3A_492 : i32 to index
    %get3A_494 = arith.constant 96 : index
    %get3A_495 = tpu.vector_load %arg8[%get3A_493, %get3A_494] {strides = array<i32>} : memref<5x256xi32, #tpu.memory_space<vmem>>, vector<1x16xi32>,
    %get3A_496 = vector.shape_cast %get3A_495 : vector<1x16xi32> to vector<16xi32>
    %dma_start3A_497 = arith.constant 0 : i32
    %dma_start3A_498 = arith.constant 96 : i32
    %dma_start3A_499 = arith.constant 0 : i32
    %dma_start3A_500 = tpu.memref_slice %arg11[%dma_start3A_497, %dma_start3A_498, %dma_start3A_499] : memref<5x256x64xf32, #tpu.memory_space<vmem>> -> memref<1x16x64xf32, #tpu.memory_space<vmem>>
    %dma_start3A_501 = tpu.memref_squeeze %dma_start3A_500 : memref<1x16x64xf32, #tpu.memory_space<vmem>> -> memref<16x64xf32, #tpu.memory_space<vmem>>
    %dma_start3A_502 = arith.constant 0 : i32
    %dma_start3A_503 = arith.constant 0 : i32
    %dma_start3A_504 = tpu.memref_slice %arg4[%dma_start3A_502, %dma_start3A_503] : memref<1000000x64xf32, #tpu.memory_space<hbm>> -> memref<1000000x64xf32, #tpu.memory_space<hbm>>
    tpu.enqueue_indirect_dma source(%dma_start3A_504 : memref<1000000x64xf32, #tpu.memory_space<hbm>>) target(%dma_start3A_501 : memref<16x64xf32, #tpu.memory_space<vmem>>) offsets(%get3A_496 : vector<16xi32>) semaphore(%arg12 : memref<!tpu.dma_semaphore, #tpu.memory_space<semaphore_mem>>)
    %get3A_505 = arith.constant 0 : i32
    %get3A_506 = arith.index_cast %get3A_505 : i32 to index
    %get3A_507 = arith.constant 112 : index
    %get3A_508 = tpu.vector_load %arg8[%get3A_506, %get3A_507] {strides = array<i32>} : memref<5x256xi32, #tpu.memory_space<vmem>>, vector<1x16xi32>,
    %get3A_509 = vector.shape_cast %get3A_508 : vector<1x16xi32> to vector<16xi32>
    %dma_start3A_510 = arith.constant 0 : i32
    %dma_start3A_511 = arith.constant 112 : i32
    %dma_start3A_512 = arith.constant 0 : i32
    %dma_start3A_513 = tpu.memref_slice %arg11[%dma_start3A_510, %dma_start3A_511, %dma_start3A_512] : memref<5x256x64xf32, #tpu.memory_space<vmem>> -> memref<1x16x64xf32, #tpu.memory_space<vmem>>
    %dma_start3A_514 = tpu.memref_squeeze %dma_start3A_513 : memref<1x16x64xf32, #tpu.memory_space<vmem>> -> memref<16x64xf32, #tpu.memory_space<vmem>>
    %dma_start3A_515 = arith.constant 0 : i32
    %dma_start3A_516 = arith.constant 0 : i32
    %dma_start3A_517 = tpu.memref_slice %arg4[%dma_start3A_515, %dma_start3A_516] : memref<1000000x64xf32, #tpu.memory_space<hbm>> -> memref<1000000x64xf32, #tpu.memory_space<hbm>>
    tpu.enqueue_indirect_dma source(%dma_start3A_517 : memref<1000000x64xf32, #tpu.memory_space<hbm>>) target(%dma_start3A_514 : memref<16x64xf32, #tpu.memory_space<vmem>>) offsets(%get3A_509 : vector<16xi32>) semaphore(%arg12 : memref<!tpu.dma_semaphore, #tpu.memory_space<semaphore_mem>>)
    %get3A_518 = arith.constant 0 : i32
    %get3A_519 = arith.index_cast %get3A_518 : i32 to index
    %get3A_520 = arith.constant 128 : index
    %get3A_521 = tpu.vector_load %arg8[%get3A_519, %get3A_520] {strides = array<i32>} : memref<5x256xi32, #tpu.memory_space<vmem>>, vector<1x16xi32>,
    %get3A_522 = vector.shape_cast %get3A_521 : vector<1x16xi32> to vector<16xi32>
    %dma_start3A_523 = arith.constant 0 : i32
    %dma_start3A_524 = arith.constant 128 : i32
    %dma_start3A_525 = arith.constant 0 : i32
    %dma_start3A_526 = tpu.memref_slice %arg11[%dma_start3A_523, %dma_start3A_524, %dma_start3A_525] : memref<5x256x64xf32, #tpu.memory_space<vmem>> -> memref<1x16x64xf32, #tpu.memory_space<vmem>>
    %dma_start3A_527 = tpu.memref_squeeze %dma_start3A_526 : memref<1x16x64xf32, #tpu.memory_space<vmem>> -> memref<16x64xf32, #tpu.memory_space<vmem>>
    %dma_start3A_528 = arith.constant 0 : i32
    %dma_start3A_529 = arith.constant 0 : i32
    %dma_start3A_530 = tpu.memref_slice %arg4[%dma_start3A_528, %dma_start3A_529] : memref<1000000x64xf32, #tpu.memory_space<hbm>> -> memref<1000000x64xf32, #tpu.memory_space<hbm>>
    tpu.enqueue_indirect_dma source(%dma_start3A_530 : memref<1000000x64xf32, #tpu.memory_space<hbm>>) target(%dma_start3A_527 : memref<16x64xf32, #tpu.memory_space<vmem>>) offsets(%get3A_522 : vector<16xi32>) semaphore(%arg12 : memref<!tpu.dma_semaphore, #tpu.memory_space<semaphore_mem>>)
    %get3A_531 = arith.constant 0 : i32
    %get3A_532 = arith.index_cast %get3A_531 : i32 to index
    %get3A_533 = arith.constant 144 : index
    %get3A_534 = tpu.vector_load %arg8[%get3A_532, %get3A_533] {strides = array<i32>} : memref<5x256xi32, #tpu.memory_space<vmem>>, vector<1x16xi32>,
    %get3A_535 = vector.shape_cast %get3A_534 : vector<1x16xi32> to vector<16xi32>
    %dma_start3A_536 = arith.constant 0 : i32
    %dma_start3A_537 = arith.constant 144 : i32
    %dma_start3A_538 = arith.constant 0 : i32
    %dma_start3A_539 = tpu.memref_slice %arg11[%dma_start3A_536, %dma_start3A_537, %dma_start3A_538] : memref<5x256x64xf32, #tpu.memory_space<vmem>> -> memref<1x16x64xf32, #tpu.memory_space<vmem>>
    %dma_start3A_540 = tpu.memref_squeeze %dma_start3A_539 : memref<1x16x64xf32, #tpu.memory_space<vmem>> -> memref<16x64xf32, #tpu.memory_space<vmem>>
    %dma_start3A_541 = arith.constant 0 : i32
    %dma_start3A_542 = arith.constant 0 : i32
    %dma_start3A_543 = tpu.memref_slice %arg4[%dma_start3A_541, %dma_start3A_542] : memref<1000000x64xf32, #tpu.memory_space<hbm>> -> memref<1000000x64xf32, #tpu.memory_space<hbm>>
    tpu.enqueue_indirect_dma source(%dma_start3A_543 : memref<1000000x64xf32, #tpu.memory_space<hbm>>) target(%dma_start3A_540 : memref<16x64xf32, #tpu.memory_space<vmem>>) offsets(%get3A_535 : vector<16xi32>) semaphore(%arg12 : memref<!tpu.dma_semaphore, #tpu.memory_space<semaphore_mem>>)
    %get3A_544 = arith.constant 0 : i32
    %get3A_545 = arith.index_cast %get3A_544 : i32 to index
    %get3A_546 = arith.constant 160 : index
    %get3A_547 = tpu.vector_load %arg8[%get3A_545, %get3A_546] {strides = array<i32>} : memref<5x256xi32, #tpu.memory_space<vmem>>, vector<1x16xi32>,
    %get3A_548 = vector.shape_cast %get3A_547 : vector<1x16xi32> to vector<16xi32>
    %dma_start3A_549 = arith.constant 0 : i32
    %dma_start3A_550 = arith.constant 160 : i32
    %dma_start3A_551 = arith.constant 0 : i32
    %dma_start3A_552 = tpu.memref_slice %arg11[%dma_start3A_549, %dma_start3A_550, %dma_start3A_551] : memref<5x256x64xf32, #tpu.memory_space<vmem>> -> memref<1x16x64xf32, #tpu.memory_space<vmem>>
    %dma_start3A_553 = tpu.memref_squeeze %dma_start3A_552 : memref<1x16x64xf32, #tpu.memory_space<vmem>> -> memref<16x64xf32, #tpu.memory_space<vmem>>
    %dma_start3A_554 = arith.constant 0 : i32
    %dma_start3A_555 = arith.constant 0 : i32
    %dma_start3A_556 = tpu.memref_slice %arg4[%dma_start3A_554, %dma_start3A_555] : memref<1000000x64xf32, #tpu.memory_space<hbm>> -> memref<1000000x64xf32, #tpu.memory_space<hbm>>
    tpu.enqueue_indirect_dma source(%dma_start3A_556 : memref<1000000x64xf32, #tpu.memory_space<hbm>>) target(%dma_start3A_553 : memref<16x64xf32, #tpu.memory_space<vmem>>) offsets(%get3A_548 : vector<16xi32>) semaphore(%arg12 : memref<!tpu.dma_semaphore, #tpu.memory_space<semaphore_mem>>)
    %get3A_557 = arith.constant 0 : i32
    %get3A_558 = arith.index_cast %get3A_557 : i32 to index
    %get3A_559 = arith.constant 176 : index
    %get3A_560 = tpu.vector_load %arg8[%get3A_558, %get3A_559] {strides = array<i32>} : memref<5x256xi32, #tpu.memory_space<vmem>>, vector<1x16xi32>,
    %get3A_561 = vector.shape_cast %get3A_560 : vector<1x16xi32> to vector<16xi32>
    %dma_start3A_562 = arith.constant 0 : i32
    %dma_start3A_563 = arith.constant 176 : i32
    %dma_start3A_564 = arith.constant 0 : i32
    %dma_start3A_565 = tpu.memref_slice %arg11[%dma_start3A_562, %dma_start3A_563, %dma_start3A_564] : memref<5x256x64xf32, #tpu.memory_space<vmem>> -> memref<1x16x64xf32, #tpu.memory_space<vmem>>
    %dma_start3A_566 = tpu.memref_squeeze %dma_start3A_565 : memref<1x16x64xf32, #tpu.memory_space<vmem>> -> memref<16x64xf32, #tpu.memory_space<vmem>>
    %dma_start3A_567 = arith.constant 0 : i32
    %dma_start3A_568 = arith.constant 0 : i32
    %dma_start3A_569 = tpu.memref_slice %arg4[%dma_start3A_567, %dma_start3A_568] : memref<1000000x64xf32, #tpu.memory_space<hbm>> -> memref<1000000x64xf32, #tpu.memory_space<hbm>>
    tpu.enqueue_indirect_dma source(%dma_start3A_569 : memref<1000000x64xf32, #tpu.memory_space<hbm>>) target(%dma_start3A_566 : memref<16x64xf32, #tpu.memory_space<vmem>>) offsets(%get3A_561 : vector<16xi32>) semaphore(%arg12 : memref<!tpu.dma_semaphore, #tpu.memory_space<semaphore_mem>>)
    %get3A_570 = arith.constant 0 : i32
    %get3A_571 = arith.index_cast %get3A_570 : i32 to index
    %get3A_572 = arith.constant 192 : index
    %get3A_573 = tpu.vector_load %arg8[%get3A_571, %get3A_572] {strides = array<i32>} : memref<5x256xi32, #tpu.memory_space<vmem>>, vector<1x16xi32>,
    %get3A_574 = vector.shape_cast %get3A_573 : vector<1x16xi32> to vector<16xi32>
    %dma_start3A_575 = arith.constant 0 : i32
    %dma_start3A_576 = arith.constant 192 : i32
    %dma_start3A_577 = arith.constant 0 : i32
    %dma_start3A_578 = tpu.memref_slice %arg11[%dma_start3A_575, %dma_start3A_576, %dma_start3A_577] : memref<5x256x64xf32, #tpu.memory_space<vmem>> -> memref<1x16x64xf32, #tpu.memory_space<vmem>>
    %dma_start3A_579 = tpu.memref_squeeze %dma_start3A_578 : memref<1x16x64xf32, #tpu.memory_space<vmem>> -> memref<16x64xf32, #tpu.memory_space<vmem>>
    %dma_start3A_580 = arith.constant 0 : i32
    %dma_start3A_581 = arith.constant 0 : i32
    %dma_start3A_582 = tpu.memref_slice %arg4[%dma_start3A_580, %dma_start3A_581] : memref<1000000x64xf32, #tpu.memory_space<hbm>> -> memref<1000000x64xf32, #tpu.memory_space<hbm>>
    tpu.enqueue_indirect_dma source(%dma_start3A_582 : memref<1000000x64xf32, #tpu.memory_space<hbm>>) target(%dma_start3A_579 : memref<16x64xf32, #tpu.memory_space<vmem>>) offsets(%get3A_574 : vector<16xi32>) semaphore(%arg12 : memref<!tpu.dma_semaphore, #tpu.memory_space<semaphore_mem>>)
    %get3A_583 = arith.constant 0 : i32
    %get3A_584 = arith.index_cast %get3A_583 : i32 to index
    %get3A_585 = arith.constant 208 : index
    %get3A_586 = tpu.vector_load %arg8[%get3A_584, %get3A_585] {strides = array<i32>} : memref<5x256xi32, #tpu.memory_space<vmem>>, vector<1x16xi32>,
    %get3A_587 = vector.shape_cast %get3A_586 : vector<1x16xi32> to vector<16xi32>
    %dma_start3A_588 = arith.constant 0 : i32
    %dma_start3A_589 = arith.constant 208 : i32
    %dma_start3A_590 = arith.constant 0 : i32
    %dma_start3A_591 = tpu.memref_slice %arg11[%dma_start3A_588, %dma_start3A_589, %dma_start3A_590] : memref<5x256x64xf32, #tpu.memory_space<vmem>> -> memref<1x16x64xf32, #tpu.memory_space<vmem>>
    %dma_start3A_592 = tpu.memref_squeeze %dma_start3A_591 : memref<1x16x64xf32, #tpu.memory_space<vmem>> -> memref<16x64xf32, #tpu.memory_space<vmem>>
    %dma_start3A_593 = arith.constant 0 : i32
    %dma_start3A_594 = arith.constant 0 : i32
    %dma_start3A_595 = tpu.memref_slice %arg4[%dma_start3A_593, %dma_start3A_594] : memref<1000000x64xf32, #tpu.memory_space<hbm>> -> memref<1000000x64xf32, #tpu.memory_space<hbm>>
    tpu.enqueue_indirect_dma source(%dma_start3A_595 : memref<1000000x64xf32, #tpu.memory_space<hbm>>) target(%dma_start3A_592 : memref<16x64xf32, #tpu.memory_space<vmem>>) offsets(%get3A_587 : vector<16xi32>) semaphore(%arg12 : memref<!tpu.dma_semaphore, #tpu.memory_space<semaphore_mem>>)
    %get3A_596 = arith.constant 0 : i32
    %get3A_597 = arith.index_cast %get3A_596 : i32 to index
    %get3A_598 = arith.constant 224 : index
    %get3A_599 = tpu.vector_load %arg8[%get3A_597, %get3A_598] {strides = array<i32>} : memref<5x256xi32, #tpu.memory_space<vmem>>, vector<1x16xi32>,
    %get3A_600 = vector.shape_cast %get3A_599 : vector<1x16xi32> to vector<16xi32>
    %dma_start3A_601 = arith.constant 0 : i32
    %dma_start3A_602 = arith.constant 224 : i32
    %dma_start3A_603 = arith.constant 0 : i32
    %dma_start3A_604 = tpu.memref_slice %arg11[%dma_start3A_601, %dma_start3A_602, %dma_start3A_603] : memref<5x256x64xf32, #tpu.memory_space<vmem>> -> memref<1x16x64xf32, #tpu.memory_space<vmem>>
    %dma_start3A_605 = tpu.memref_squeeze %dma_start3A_604 : memref<1x16x64xf32, #tpu.memory_space<vmem>> -> memref<16x64xf32, #tpu.memory_space<vmem>>
    %dma_start3A_606 = arith.constant 0 : i32
    %dma_start3A_607 = arith.constant 0 : i32
    %dma_start3A_608 = tpu.memref_slice %arg4[%dma_start3A_606, %dma_start3A_607] : memref<1000000x64xf32, #tpu.memory_space<hbm>> -> memref<1000000x64xf32, #tpu.memory_space<hbm>>
    tpu.enqueue_indirect_dma source(%dma_start3A_608 : memref<1000000x64xf32, #tpu.memory_space<hbm>>) target(%dma_start3A_605 : memref<16x64xf32, #tpu.memory_space<vmem>>) offsets(%get3A_600 : vector<16xi32>) semaphore(%arg12 : memref<!tpu.dma_semaphore, #tpu.memory_space<semaphore_mem>>)
    %get3A_609 = arith.constant 0 : i32
    %get3A_610 = arith.index_cast %get3A_609 : i32 to index
    %get3A_611 = arith.constant 240 : index
    %get3A_612 = tpu.vector_load %arg8[%get3A_610, %get3A_611] {strides = array<i32>} : memref<5x256xi32, #tpu.memory_space<vmem>>, vector<1x16xi32>,
    %get3A_613 = vector.shape_cast %get3A_612 : vector<1x16xi32> to vector<16xi32>
    %dma_start3A_614 = arith.constant 0 : i32
    %dma_start3A_615 = arith.constant 240 : i32
    %dma_start3A_616 = arith.constant 0 : i32
    %dma_start3A_617 = tpu.memref_slice %arg11[%dma_start3A_614, %dma_start3A_615, %dma_start3A_616] : memref<5x256x64xf32, #tpu.memory_space<vmem>> -> memref<1x16x64xf32, #tpu.memory_space<vmem>>
    %dma_start3A_618 = tpu.memref_squeeze %dma_start3A_617 : memref<1x16x64xf32, #tpu.memory_space<vmem>> -> memref<16x64xf32, #tpu.memory_space<vmem>>
    %dma_start3A_619 = arith.constant 0 : i32
    %dma_start3A_620 = arith.constant 0 : i32
    %dma_start3A_621 = tpu.memref_slice %arg4[%dma_start3A_619, %dma_start3A_620] : memref<1000000x64xf32, #tpu.memory_space<hbm>> -> memref<1000000x64xf32, #tpu.memory_space<hbm>>
    tpu.enqueue_indirect_dma source(%dma_start3A_621 : memref<1000000x64xf32, #tpu.memory_space<hbm>>) target(%dma_start3A_618 : memref<16x64xf32, #tpu.memory_space<vmem>>) offsets(%get3A_613 : vector<16xi32>) semaphore(%arg12 : memref<!tpu.dma_semaphore, #tpu.memory_space<semaphore_mem>>)
    %scan3A = arith.constant 0 : i32
    %scan3A_622 = arith.constant 20 : i32
    %scan3A_623 = arith.addi %scan3A, %scan3A_622 : i32
    %scan3A_624 = arith.constant 1 : i32
    scf.for %scan3A_701 = %scan3A to %scan3A_623 step %scan3A_624  : i32 {
      %mul3A_702 = arith.constant 5 : i32
      %mul3A_703 = arith.muli %scan3A_701, %mul3A_702 : i32
      %add3A_704 = arith.constant 0 : i32
      %add3A_705 = arith.addi %add3A_704, %mul3A_703 : i32
      %add3A_706 = arith.constant 0 : i32
      %add3A_707 = arith.addi %add3A_705, %add3A_706 : i32
      %add3A_708 = arith.constant 2 : i32
      %add3A_709 = arith.addi %add3A_707, %add3A_708 : i32
      %lt3A = arith.constant 100 : i32
      %lt3A_710 = arith.cmpi slt, %add3A_709, %lt3A : i32
      %convert_element_type3A_711 = arith.extui %lt3A_710 : i1 to i32
      %cond3A_712 = arith.constant 0 : i32
      %cond3A_713 = arith.cmpi ne, %convert_element_type3A_711, %cond3A_712 : i32
      scf.if %cond3A_713 {
        %add3A_1045 = arith.constant 2 : i32
        %add3A_1046 = arith.addi %add3A_707, %add3A_1045 : i32
        %mul3A_1047 = arith.constant 256 : i32
        %mul3A_1048 = arith.muli %add3A_1046, %mul3A_1047 : i32
        %add3A_1049 = arith.addi %mul3A_2, %mul3A_1048 : i32
        %dma_start3A_1050 = arith.constant 2 : i32
        %dma_start3A_1051 = arith.constant 0 : i32
        %dma_start3A_1052 = tpu.memref_slice %arg8[%dma_start3A_1050, %dma_start3A_1051] : memref<5x256xi32, #tpu.memory_space<vmem>> -> memref<1x256xi32, #tpu.memory_space<vmem>>
        %dma_start3A_1053 = tpu.memref_squeeze %dma_start3A_1052 : memref<1x256xi32, #tpu.memory_space<vmem>> -> memref<256xi32, #tpu.memory_space<vmem>>
        %dma_start3A_1054 = tpu.memref_slice %arg2[%add3A_1049] : memref<819200xi32, #tpu.memory_space<hbm>> -> memref<256xi32, #tpu.memory_space<hbm>>
        %dma_start3A_1055 = arith.constant 0 : i32
        %dma_start3A_1056 = tpu.memref_slice %arg8[%dma_start3A_1050, %dma_start3A_1055] : memref<5x256xi32, #tpu.memory_space<vmem>> -> memref<1x256xi32, #tpu.memory_space<vmem>>
        %dma_start3A_1057 = tpu.memref_squeeze %dma_start3A_1056 : memref<1x256xi32, #tpu.memory_space<vmem>> -> memref<256xi32, #tpu.memory_space<vmem>>
        %dma_start3A_1058 = tpu.memref_slice %arg2[%add3A_1049] : memref<819200xi32, #tpu.memory_space<hbm>> -> memref<256xi32, #tpu.memory_space<hbm>>
        tpu.enqueue_dma source(%dma_start3A_1058 : memref<256xi32, #tpu.memory_space<hbm>>) target(%dma_start3A_1057 : memref<256xi32, #tpu.memory_space<vmem>>) target_semaphore(%arg24 : memref<!tpu.dma_semaphore, #tpu.memory_space<semaphore_mem>>)
        %dma_start3A_1059 = arith.constant 2 : i32
        %dma_start3A_1060 = arith.constant 0 : i32
        %dma_start3A_1061 = tpu.memref_slice %arg9[%dma_start3A_1059, %dma_start3A_1060] : memref<5x256xi32, #tpu.memory_space<vmem>> -> memref<1x256xi32, #tpu.memory_space<vmem>>
        %dma_start3A_1062 = tpu.memref_squeeze %dma_start3A_1061 : memref<1x256xi32, #tpu.memory_space<vmem>> -> memref<256xi32, #tpu.memory_space<vmem>>
        %dma_start3A_1063 = tpu.memref_slice %arg3[%add3A_1049] : memref<819200xi32, #tpu.memory_space<hbm>> -> memref<256xi32, #tpu.memory_space<hbm>>
        %dma_start3A_1064 = arith.constant 0 : i32
        %dma_start3A_1065 = tpu.memref_slice %arg9[%dma_start3A_1059, %dma_start3A_1064] : memref<5x256xi32, #tpu.memory_space<vmem>> -> memref<1x256xi32, #tpu.memory_space<vmem>>
        %dma_start3A_1066 = tpu.memref_squeeze %dma_start3A_1065 : memref<1x256xi32, #tpu.memory_space<vmem>> -> memref<256xi32, #tpu.memory_space<vmem>>
        %dma_start3A_1067 = tpu.memref_slice %arg3[%add3A_1049] : memref<819200xi32, #tpu.memory_space<hbm>> -> memref<256xi32, #tpu.memory_space<hbm>>
        tpu.enqueue_dma source(%dma_start3A_1067 : memref<256xi32, #tpu.memory_space<hbm>>) target(%dma_start3A_1066 : memref<256xi32, #tpu.memory_space<vmem>>) target_semaphore(%arg24 : memref<!tpu.dma_semaphore, #tpu.memory_space<semaphore_mem>>)
      } else {
      }
      %add3A_714 = arith.constant 1 : i32
      %add3A_715 = arith.addi %add3A_707, %add3A_714 : i32
      %lt3A_716 = arith.constant 100 : i32
      %lt3A_717 = arith.cmpi slt, %add3A_715, %lt3A_716 : i32
      %convert_element_type3A_718 = arith.extui %lt3A_717 : i1 to i32
      %cond3A_719 = arith.constant 0 : i32
      %cond3A_720 = arith.cmpi ne, %convert_element_type3A_718, %cond3A_719 : i32
      scf.if %cond3A_720 {
        %add3A_1045 = arith.constant 1 : i32
        %add3A_1046 = arith.addi %add3A_707, %add3A_1045 : i32
        %mul3A_1047 = arith.constant 256 : i32
        %mul3A_1048 = arith.muli %add3A_1046, %mul3A_1047 : i32
        %add3A_1049 = arith.addi %mul3A_2, %mul3A_1048 : i32
        %dma_wait3A_1050 = arith.constant 1 : i32
        %dma_wait3A_1051 = arith.constant 0 : i32
        %dma_wait3A_1052 = tpu.memref_slice %arg8[%dma_wait3A_1050, %dma_wait3A_1051] : memref<5x256xi32, #tpu.memory_space<vmem>> -> memref<1x256xi32, #tpu.memory_space<vmem>>
        %dma_wait3A_1053 = tpu.memref_squeeze %dma_wait3A_1052 : memref<1x256xi32, #tpu.memory_space<vmem>> -> memref<256xi32, #tpu.memory_space<vmem>>
        %dma_wait3A_1054 = tpu.memref_slice %arg2[%add3A_1049] : memref<819200xi32, #tpu.memory_space<hbm>> -> memref<256xi32, #tpu.memory_space<hbm>>
        %dma_wait3A_1055 = arith.constant 0 : i32
        %dma_wait3A_1056 = tpu.memref_slice %arg8[%dma_wait3A_1050, %dma_wait3A_1055] : memref<5x256xi32, #tpu.memory_space<vmem>> -> memref<1x256xi32, #tpu.memory_space<vmem>>
        %dma_wait3A_1057 = tpu.memref_squeeze %dma_wait3A_1056 : memref<1x256xi32, #tpu.memory_space<vmem>> -> memref<256xi32, #tpu.memory_space<vmem>>
        %dma_wait3A_1058 = tpu.memref_slice %arg2[%add3A_1049] : memref<819200xi32, #tpu.memory_space<hbm>> -> memref<256xi32, #tpu.memory_space<hbm>>
        tpu.wait_dma2 semaphore(%arg23 : memref<!tpu.dma_semaphore, #tpu.memory_space<semaphore_mem>>) src(%dma_wait3A_1058 : memref<256xi32, #tpu.memory_space<hbm>>) dst(%dma_wait3A_1057 : memref<256xi32, #tpu.memory_space<vmem>>)
        %dma_wait3A_1059 = arith.constant 1 : i32
        %dma_wait3A_1060 = arith.constant 0 : i32
        %dma_wait3A_1061 = tpu.memref_slice %arg9[%dma_wait3A_1059, %dma_wait3A_1060] : memref<5x256xi32, #tpu.memory_space<vmem>> -> memref<1x256xi32, #tpu.memory_space<vmem>>
        %dma_wait3A_1062 = tpu.memref_squeeze %dma_wait3A_1061 : memref<1x256xi32, #tpu.memory_space<vmem>> -> memref<256xi32, #tpu.memory_space<vmem>>
        %dma_wait3A_1063 = tpu.memref_slice %arg3[%add3A_1049] : memref<819200xi32, #tpu.memory_space<hbm>> -> memref<256xi32, #tpu.memory_space<hbm>>
        %dma_wait3A_1064 = arith.constant 0 : i32
        %dma_wait3A_1065 = tpu.memref_slice %arg9[%dma_wait3A_1059, %dma_wait3A_1064] : memref<5x256xi32, #tpu.memory_space<vmem>> -> memref<1x256xi32, #tpu.memory_space<vmem>>
        %dma_wait3A_1066 = tpu.memref_squeeze %dma_wait3A_1065 : memref<1x256xi32, #tpu.memory_space<vmem>> -> memref<256xi32, #tpu.memory_space<vmem>>
        %dma_wait3A_1067 = tpu.memref_slice %arg3[%add3A_1049] : memref<819200xi32, #tpu.memory_space<hbm>> -> memref<256xi32, #tpu.memory_space<hbm>>
        tpu.wait_dma2 semaphore(%arg23 : memref<!tpu.dma_semaphore, #tpu.memory_space<semaphore_mem>>) src(%dma_wait3A_1067 : memref<256xi32, #tpu.memory_space<hbm>>) dst(%dma_wait3A_1066 : memref<256xi32, #tpu.memory_space<vmem>>)
        %mul3A_1068 = arith.constant 256 : i32
        %mul3A_1069 = arith.muli %add3A_1046, %mul3A_1068 : i32
        %add3A_1070 = arith.addi %mul3A_2, %mul3A_1069 : i32
        %add3A_1071 = arith.constant 0 : i32
        %add3A_1072 = arith.addi %add3A_1070, %add3A_1071 : i32
        %add3A_1073 = vector.broadcast %add3A_1072 : i32 to vector<16xi32>
        %add3A_1074 = arith.addi %add3A_1073, %iota3A : vector<16xi32>
        %rem3A_1075 = arith.constant 200 : i32
        %rem3A_1076 = vector.broadcast %rem3A_1075 : i32 to vector<16xi32>
        %rem3A_1077 = arith.remsi %add3A_1074, %rem3A_1076 : vector<16xi32>
        %get3A_1078 = arith.constant 1 : i32
        %get3A_1079 = arith.index_cast %get3A_1078 : i32 to index
        %get3A_1080 = arith.constant 0 : index
        %get3A_1081 = tpu.vector_load %arg9[%get3A_1079, %get3A_1080] {strides = array<i32>} : memref<5x256xi32, #tpu.memory_space<vmem>>, vector<1x16xi32>,
        %get3A_1082 = vector.shape_cast %get3A_1081 : vector<1x16xi32> to vector<16xi32>
        %mul3A_1083 = arith.constant 3 : i32
        %mul3A_1084 = vector.broadcast %mul3A_1083 : i32 to vector<16xi32>
        %mul3A_1085 = arith.muli %rem3A_1077, %mul3A_1084 : vector<16xi32>
        %add3A_1086 = arith.addi %mul3A_1085, %get3A_1082 : vector<16xi32>
        %swap3A_1087 = arith.constant 1 : i32
        %swap3A_1088 = arith.index_cast %swap3A_1087 : i32 to index
        %swap3A_1089 = arith.constant 0 : index
        %swap3A_1090 = tpu.vector_load %arg10[%swap3A_1088, %swap3A_1089] {strides = array<i32>} : memref<5x256xi32, #tpu.memory_space<vmem>>, vector<1x16xi32>,
        %swap3A_1091 = vector.shape_cast %swap3A_1090 : vector<1x16xi32> to vector<16xi32>
        %swap3A_1092 = vector.shape_cast %add3A_1086 : vector<16xi32> to vector<1x16xi32>
        tpu.vector_store %arg10[%swap3A_1088, %swap3A_1089], %swap3A_1092 {strides = array<i32>} : memref<5x256xi32, #tpu.memory_space<vmem>>, vector<1x16xi32>,
        %add3A_1093 = arith.constant 16 : i32
        %add3A_1094 = arith.addi %add3A_1070, %add3A_1093 : i32
        %add3A_1095 = vector.broadcast %add3A_1094 : i32 to vector<16xi32>
        %add3A_1096 = arith.addi %add3A_1095, %iota3A : vector<16xi32>
        %rem3A_1097 = arith.constant 200 : i32
        %rem3A_1098 = vector.broadcast %rem3A_1097 : i32 to vector<16xi32>
        %rem3A_1099 = arith.remsi %add3A_1096, %rem3A_1098 : vector<16xi32>
        %get3A_1100 = arith.constant 1 : i32
        %get3A_1101 = arith.index_cast %get3A_1100 : i32 to index
        %get3A_1102 = arith.constant 16 : index
        %get3A_1103 = tpu.vector_load %arg9[%get3A_1101, %get3A_1102] {strides = array<i32>} : memref<5x256xi32, #tpu.memory_space<vmem>>, vector<1x16xi32>,
        %get3A_1104 = vector.shape_cast %get3A_1103 : vector<1x16xi32> to vector<16xi32>
        %mul3A_1105 = arith.constant 3 : i32
        %mul3A_1106 = vector.broadcast %mul3A_1105 : i32 to vector<16xi32>
        %mul3A_1107 = arith.muli %rem3A_1099, %mul3A_1106 : vector<16xi32>
        %add3A_1108 = arith.addi %mul3A_1107, %get3A_1104 : vector<16xi32>
        %swap3A_1109 = arith.constant 1 : i32
        %swap3A_1110 = arith.index_cast %swap3A_1109 : i32 to index
        %swap3A_1111 = arith.constant 16 : index
        %swap3A_1112 = tpu.vector_load %arg10[%swap3A_1110, %swap3A_1111] {strides = array<i32>} : memref<5x256xi32, #tpu.memory_space<vmem>>, vector<1x16xi32>,
        %swap3A_1113 = vector.shape_cast %swap3A_1112 : vector<1x16xi32> to vector<16xi32>
        %swap3A_1114 = vector.shape_cast %add3A_1108 : vector<16xi32> to vector<1x16xi32>
        tpu.vector_store %arg10[%swap3A_1110, %swap3A_1111], %swap3A_1114 {strides = array<i32>} : memref<5x256xi32, #tpu.memory_space<vmem>>, vector<1x16xi32>,
        %add3A_1115 = arith.constant 32 : i32
        %add3A_1116 = arith.addi %add3A_1070, %add3A_1115 : i32
        %add3A_1117 = vector.broadcast %add3A_1116 : i32 to vector<16xi32>
        %add3A_1118 = arith.addi %add3A_1117, %iota3A : vector<16xi32>
        %rem3A_1119 = arith.constant 200 : i32
        %rem3A_1120 = vector.broadcast %rem3A_1119 : i32 to vector<16xi32>
        %rem3A_1121 = arith.remsi %add3A_1118, %rem3A_1120 : vector<16xi32>
        %get3A_1122 = arith.constant 1 : i32
        %get3A_1123 = arith.index_cast %get3A_1122 : i32 to index
        %get3A_1124 = arith.constant 32 : index
        %get3A_1125 = tpu.vector_load %arg9[%get3A_1123, %get3A_1124] {strides = array<i32>} : memref<5x256xi32, #tpu.memory_space<vmem>>, vector<1x16xi32>,
        %get3A_1126 = vector.shape_cast %get3A_1125 : vector<1x16xi32> to vector<16xi32>
        %mul3A_1127 = arith.constant 3 : i32
        %mul3A_1128 = vector.broadcast %mul3A_1127 : i32 to vector<16xi32>
        %mul3A_1129 = arith.muli %rem3A_1121, %mul3A_1128 : vector<16xi32>
        %add3A_1130 = arith.addi %mul3A_1129, %get3A_1126 : vector<16xi32>
        %swap3A_1131 = arith.constant 1 : i32
        %swap3A_1132 = arith.index_cast %swap3A_1131 : i32 to index
        %swap3A_1133 = arith.constant 32 : index
        %swap3A_1134 = tpu.vector_load %arg10[%swap3A_1132, %swap3A_1133] {strides = array<i32>} : memref<5x256xi32, #tpu.memory_space<vmem>>, vector<1x16xi32>,
        %swap3A_1135 = vector.shape_cast %swap3A_1134 : vector<1x16xi32> to vector<16xi32>
        %swap3A_1136 = vector.shape_cast %add3A_1130 : vector<16xi32> to vector<1x16xi32>
        tpu.vector_store %arg10[%swap3A_1132, %swap3A_1133], %swap3A_1136 {strides = array<i32>} : memref<5x256xi32, #tpu.memory_space<vmem>>, vector<1x16xi32>,
        %add3A_1137 = arith.constant 48 : i32
        %add3A_1138 = arith.addi %add3A_1070, %add3A_1137 : i32
        %add3A_1139 = vector.broadcast %add3A_1138 : i32 to vector<16xi32>
        %add3A_1140 = arith.addi %add3A_1139, %iota3A : vector<16xi32>
        %rem3A_1141 = arith.constant 200 : i32
        %rem3A_1142 = vector.broadcast %rem3A_1141 : i32 to vector<16xi32>
        %rem3A_1143 = arith.remsi %add3A_1140, %rem3A_1142 : vector<16xi32>
        %get3A_1144 = arith.constant 1 : i32
        %get3A_1145 = arith.index_cast %get3A_1144 : i32 to index
        %get3A_1146 = arith.constant 48 : index
        %get3A_1147 = tpu.vector_load %arg9[%get3A_1145, %get3A_1146] {strides = array<i32>} : memref<5x256xi32, #tpu.memory_space<vmem>>, vector<1x16xi32>,
        %get3A_1148 = vector.shape_cast %get3A_1147 : vector<1x16xi32> to vector<16xi32>
        %mul3A_1149 = arith.constant 3 : i32
        %mul3A_1150 = vector.broadcast %mul3A_1149 : i32 to vector<16xi32>
        %mul3A_1151 = arith.muli %rem3A_1143, %mul3A_1150 : vector<16xi32>
        %add3A_1152 = arith.addi %mul3A_1151, %get3A_1148 : vector<16xi32>
        %swap3A_1153 = arith.constant 1 : i32
        %swap3A_1154 = arith.index_cast %swap3A_1153 : i32 to index
        %swap3A_1155 = arith.constant 48 : index
        %swap3A_1156 = tpu.vector_load %arg10[%swap3A_1154, %swap3A_1155] {strides = array<i32>} : memref<5x256xi32, #tpu.memory_space<vmem>>, vector<1x16xi32>,
        %swap3A_1157 = vector.shape_cast %swap3A_1156 : vector<1x16xi32> to vector<16xi32>
        %swap3A_1158 = vector.shape_cast %add3A_1152 : vector<16xi32> to vector<1x16xi32>
        tpu.vector_store %arg10[%swap3A_1154, %swap3A_1155], %swap3A_1158 {strides = array<i32>} : memref<5x256xi32, #tpu.memory_space<vmem>>, vector<1x16xi32>,
        %add3A_1159 = arith.constant 64 : i32
        %add3A_1160 = arith.addi %add3A_1070, %add3A_1159 : i32
        %add3A_1161 = vector.broadcast %add3A_1160 : i32 to vector<16xi32>
        %add3A_1162 = arith.addi %add3A_1161, %iota3A : vector<16xi32>
        %rem3A_1163 = arith.constant 200 : i32
        %rem3A_1164 = vector.broadcast %rem3A_1163 : i32 to vector<16xi32>
        %rem3A_1165 = arith.remsi %add3A_1162, %rem3A_1164 : vector<16xi32>
        %get3A_1166 = arith.constant 1 : i32
        %get3A_1167 = arith.index_cast %get3A_1166 : i32 to index
        %get3A_1168 = arith.constant 64 : index
        %get3A_1169 = tpu.vector_load %arg9[%get3A_1167, %get3A_1168] {strides = array<i32>} : memref<5x256xi32, #tpu.memory_space<vmem>>, vector<1x16xi32>,
        %get3A_1170 = vector.shape_cast %get3A_1169 : vector<1x16xi32> to vector<16xi32>
        %mul3A_1171 = arith.constant 3 : i32
        %mul3A_1172 = vector.broadcast %mul3A_1171 : i32 to vector<16xi32>
        %mul3A_1173 = arith.muli %rem3A_1165, %mul3A_1172 : vector<16xi32>
        %add3A_1174 = arith.addi %mul3A_1173, %get3A_1170 : vector<16xi32>
        %swap3A_1175 = arith.constant 1 : i32
        %swap3A_1176 = arith.index_cast %swap3A_1175 : i32 to index
        %swap3A_1177 = arith.constant 64 : index
        %swap3A_1178 = tpu.vector_load %arg10[%swap3A_1176, %swap3A_1177] {strides = array<i32>} : memref<5x256xi32, #tpu.memory_space<vmem>>, vector<1x16xi32>,
        %swap3A_1179 = vector.shape_cast %swap3A_1178 : vector<1x16xi32> to vector<16xi32>
        %swap3A_1180 = vector.shape_cast %add3A_1174 : vector<16xi32> to vector<1x16xi32>
        tpu.vector_store %arg10[%swap3A_1176, %swap3A_1177], %swap3A_1180 {strides = array<i32>} : memref<5x256xi32, #tpu.memory_space<vmem>>, vector<1x16xi32>,
        %add3A_1181 = arith.constant 80 : i32
        %add3A_1182 = arith.addi %add3A_1070, %add3A_1181 : i32
        %add3A_1183 = vector.broadcast %add3A_1182 : i32 to vector<16xi32>
        %add3A_1184 = arith.addi %add3A_1183, %iota3A : vector<16xi32>
        %rem3A_1185 = arith.constant 200 : i32
        %rem3A_1186 = vector.broadcast %rem3A_1185 : i32 to vector<16xi32>
        %rem3A_1187 = arith.remsi %add3A_1184, %rem3A_1186 : vector<16xi32>
        %get3A_1188 = arith.constant 1 : i32
        %get3A_1189 = arith.index_cast %get3A_1188 : i32 to index
        %get3A_1190 = arith.constant 80 : index
        %get3A_1191 = tpu.vector_load %arg9[%get3A_1189, %get3A_1190] {strides = array<i32>} : memref<5x256xi32, #tpu.memory_space<vmem>>, vector<1x16xi32>,
        %get3A_1192 = vector.shape_cast %get3A_1191 : vector<1x16xi32> to vector<16xi32>
        %mul3A_1193 = arith.constant 3 : i32
        %mul3A_1194 = vector.broadcast %mul3A_1193 : i32 to vector<16xi32>
        %mul3A_1195 = arith.muli %rem3A_1187, %mul3A_1194 : vector<16xi32>
        %add3A_1196 = arith.addi %mul3A_1195, %get3A_1192 : vector<16xi32>
        %swap3A_1197 = arith.constant 1 : i32
        %swap3A_1198 = arith.index_cast %swap3A_1197 : i32 to index
        %swap3A_1199 = arith.constant 80 : index
        %swap3A_1200 = tpu.vector_load %arg10[%swap3A_1198, %swap3A_1199] {strides = array<i32>} : memref<5x256xi32, #tpu.memory_space<vmem>>, vector<1x16xi32>,
        %swap3A_1201 = vector.shape_cast %swap3A_1200 : vector<1x16xi32> to vector<16xi32>
        %swap3A_1202 = vector.shape_cast %add3A_1196 : vector<16xi32> to vector<1x16xi32>
        tpu.vector_store %arg10[%swap3A_1198, %swap3A_1199], %swap3A_1202 {strides = array<i32>} : memref<5x256xi32, #tpu.memory_space<vmem>>, vector<1x16xi32>,
        %add3A_1203 = arith.constant 96 : i32
        %add3A_1204 = arith.addi %add3A_1070, %add3A_1203 : i32
        %add3A_1205 = vector.broadcast %add3A_1204 : i32 to vector<16xi32>
        %add3A_1206 = arith.addi %add3A_1205, %iota3A : vector<16xi32>
        %rem3A_1207 = arith.constant 200 : i32
        %rem3A_1208 = vector.broadcast %rem3A_1207 : i32 to vector<16xi32>
        %rem3A_1209 = arith.remsi %add3A_1206, %rem3A_1208 : vector<16xi32>
        %get3A_1210 = arith.constant 1 : i32
        %get3A_1211 = arith.index_cast %get3A_1210 : i32 to index
        %get3A_1212 = arith.constant 96 : index
        %get3A_1213 = tpu.vector_load %arg9[%get3A_1211, %get3A_1212] {strides = array<i32>} : memref<5x256xi32, #tpu.memory_space<vmem>>, vector<1x16xi32>,
        %get3A_1214 = vector.shape_cast %get3A_1213 : vector<1x16xi32> to vector<16xi32>
        %mul3A_1215 = arith.constant 3 : i32
        %mul3A_1216 = vector.broadcast %mul3A_1215 : i32 to vector<16xi32>
        %mul3A_1217 = arith.muli %rem3A_1209, %mul3A_1216 : vector<16xi32>
        %add3A_1218 = arith.addi %mul3A_1217, %get3A_1214 : vector<16xi32>
        %swap3A_1219 = arith.constant 1 : i32
        %swap3A_1220 = arith.index_cast %swap3A_1219 : i32 to index
        %swap3A_1221 = arith.constant 96 : index
        %swap3A_1222 = tpu.vector_load %arg10[%swap3A_1220, %swap3A_1221] {strides = array<i32>} : memref<5x256xi32, #tpu.memory_space<vmem>>, vector<1x16xi32>,
        %swap3A_1223 = vector.shape_cast %swap3A_1222 : vector<1x16xi32> to vector<16xi32>
        %swap3A_1224 = vector.shape_cast %add3A_1218 : vector<16xi32> to vector<1x16xi32>
        tpu.vector_store %arg10[%swap3A_1220, %swap3A_1221], %swap3A_1224 {strides = array<i32>} : memref<5x256xi32, #tpu.memory_space<vmem>>, vector<1x16xi32>,
        %add3A_1225 = arith.constant 112 : i32
        %add3A_1226 = arith.addi %add3A_1070, %add3A_1225 : i32
        %add3A_1227 = vector.broadcast %add3A_1226 : i32 to vector<16xi32>
        %add3A_1228 = arith.addi %add3A_1227, %iota3A : vector<16xi32>
        %rem3A_1229 = arith.constant 200 : i32
        %rem3A_1230 = vector.broadcast %rem3A_1229 : i32 to vector<16xi32>
        %rem3A_1231 = arith.remsi %add3A_1228, %rem3A_1230 : vector<16xi32>
        %get3A_1232 = arith.constant 1 : i32
        %get3A_1233 = arith.index_cast %get3A_1232 : i32 to index
        %get3A_1234 = arith.constant 112 : index
        %get3A_1235 = tpu.vector_load %arg9[%get3A_1233, %get3A_1234] {strides = array<i32>} : memref<5x256xi32, #tpu.memory_space<vmem>>, vector<1x16xi32>,
        %get3A_1236 = vector.shape_cast %get3A_1235 : vector<1x16xi32> to vector<16xi32>
        %mul3A_1237 = arith.constant 3 : i32
        %mul3A_1238 = vector.broadcast %mul3A_1237 : i32 to vector<16xi32>
        %mul3A_1239 = arith.muli %rem3A_1231, %mul3A_1238 : vector<16xi32>
        %add3A_1240 = arith.addi %mul3A_1239, %get3A_1236 : vector<16xi32>
        %swap3A_1241 = arith.constant 1 : i32
        %swap3A_1242 = arith.index_cast %swap3A_1241 : i32 to index
        %swap3A_1243 = arith.constant 112 : index
        %swap3A_1244 = tpu.vector_load %arg10[%swap3A_1242, %swap3A_1243] {strides = array<i32>} : memref<5x256xi32, #tpu.memory_space<vmem>>, vector<1x16xi32>,
        %swap3A_1245 = vector.shape_cast %swap3A_1244 : vector<1x16xi32> to vector<16xi32>
        %swap3A_1246 = vector.shape_cast %add3A_1240 : vector<16xi32> to vector<1x16xi32>
        tpu.vector_store %arg10[%swap3A_1242, %swap3A_1243], %swap3A_1246 {strides = array<i32>} : memref<5x256xi32, #tpu.memory_space<vmem>>, vector<1x16xi32>,
        %add3A_1247 = arith.constant 128 : i32
        %add3A_1248 = arith.addi %add3A_1070, %add3A_1247 : i32
        %add3A_1249 = vector.broadcast %add3A_1248 : i32 to vector<16xi32>
        %add3A_1250 = arith.addi %add3A_1249, %iota3A : vector<16xi32>
        %rem3A_1251 = arith.constant 200 : i32
        %rem3A_1252 = vector.broadcast %rem3A_1251 : i32 to vector<16xi32>
        %rem3A_1253 = arith.remsi %add3A_1250, %rem3A_1252 : vector<16xi32>
        %get3A_1254 = arith.constant 1 : i32
        %get3A_1255 = arith.index_cast %get3A_1254 : i32 to index
        %get3A_1256 = arith.constant 128 : index
        %get3A_1257 = tpu.vector_load %arg9[%get3A_1255, %get3A_1256] {strides = array<i32>} : memref<5x256xi32, #tpu.memory_space<vmem>>, vector<1x16xi32>,
        %get3A_1258 = vector.shape_cast %get3A_1257 : vector<1x16xi32> to vector<16xi32>
        %mul3A_1259 = arith.constant 3 : i32
        %mul3A_1260 = vector.broadcast %mul3A_1259 : i32 to vector<16xi32>
        %mul3A_1261 = arith.muli %rem3A_1253, %mul3A_1260 : vector<16xi32>
        %add3A_1262 = arith.addi %mul3A_1261, %get3A_1258 : vector<16xi32>
        %swap3A_1263 = arith.constant 1 : i32
        %swap3A_1264 = arith.index_cast %swap3A_1263 : i32 to index
        %swap3A_1265 = arith.constant 128 : index
        %swap3A_1266 = tpu.vector_load %arg10[%swap3A_1264, %swap3A_1265] {strides = array<i32>} : memref<5x256xi32, #tpu.memory_space<vmem>>, vector<1x16xi32>,
        %swap3A_1267 = vector.shape_cast %swap3A_1266 : vector<1x16xi32> to vector<16xi32>
        %swap3A_1268 = vector.shape_cast %add3A_1262 : vector<16xi32> to vector<1x16xi32>
        tpu.vector_store %arg10[%swap3A_1264, %swap3A_1265], %swap3A_1268 {strides = array<i32>} : memref<5x256xi32, #tpu.memory_space<vmem>>, vector<1x16xi32>,
        %add3A_1269 = arith.constant 144 : i32
        %add3A_1270 = arith.addi %add3A_1070, %add3A_1269 : i32
        %add3A_1271 = vector.broadcast %add3A_1270 : i32 to vector<16xi32>
        %add3A_1272 = arith.addi %add3A_1271, %iota3A : vector<16xi32>
        %rem3A_1273 = arith.constant 200 : i32
        %rem3A_1274 = vector.broadcast %rem3A_1273 : i32 to vector<16xi32>
        %rem3A_1275 = arith.remsi %add3A_1272, %rem3A_1274 : vector<16xi32>
        %get3A_1276 = arith.constant 1 : i32
        %get3A_1277 = arith.index_cast %get3A_1276 : i32 to index
        %get3A_1278 = arith.constant 144 : index
        %get3A_1279 = tpu.vector_load %arg9[%get3A_1277, %get3A_1278] {strides = array<i32>} : memref<5x256xi32, #tpu.memory_space<vmem>>, vector<1x16xi32>,
        %get3A_1280 = vector.shape_cast %get3A_1279 : vector<1x16xi32> to vector<16xi32>
        %mul3A_1281 = arith.constant 3 : i32
        %mul3A_1282 = vector.broadcast %mul3A_1281 : i32 to vector<16xi32>
        %mul3A_1283 = arith.muli %rem3A_1275, %mul3A_1282 : vector<16xi32>
        %add3A_1284 = arith.addi %mul3A_1283, %get3A_1280 : vector<16xi32>
        %swap3A_1285 = arith.constant 1 : i32
        %swap3A_1286 = arith.index_cast %swap3A_1285 : i32 to index
        %swap3A_1287 = arith.constant 144 : index
        %swap3A_1288 = tpu.vector_load %arg10[%swap3A_1286, %swap3A_1287] {strides = array<i32>} : memref<5x256xi32, #tpu.memory_space<vmem>>, vector<1x16xi32>,
        %swap3A_1289 = vector.shape_cast %swap3A_1288 : vector<1x16xi32> to vector<16xi32>
        %swap3A_1290 = vector.shape_cast %add3A_1284 : vector<16xi32> to vector<1x16xi32>
        tpu.vector_store %arg10[%swap3A_1286, %swap3A_1287], %swap3A_1290 {strides = array<i32>} : memref<5x256xi32, #tpu.memory_space<vmem>>, vector<1x16xi32>,
        %add3A_1291 = arith.constant 160 : i32
        %add3A_1292 = arith.addi %add3A_1070, %add3A_1291 : i32
        %add3A_1293 = vector.broadcast %add3A_1292 : i32 to vector<16xi32>
        %add3A_1294 = arith.addi %add3A_1293, %iota3A : vector<16xi32>
        %rem3A_1295 = arith.constant 200 : i32
        %rem3A_1296 = vector.broadcast %rem3A_1295 : i32 to vector<16xi32>
        %rem3A_1297 = arith.remsi %add3A_1294, %rem3A_1296 : vector<16xi32>
        %get3A_1298 = arith.constant 1 : i32
        %get3A_1299 = arith.index_cast %get3A_1298 : i32 to index
        %get3A_1300 = arith.constant 160 : index
        %get3A_1301 = tpu.vector_load %arg9[%get3A_1299, %get3A_1300] {strides = array<i32>} : memref<5x256xi32, #tpu.memory_space<vmem>>, vector<1x16xi32>,
        %get3A_1302 = vector.shape_cast %get3A_1301 : vector<1x16xi32> to vector<16xi32>
        %mul3A_1303 = arith.constant 3 : i32
        %mul3A_1304 = vector.broadcast %mul3A_1303 : i32 to vector<16xi32>
        %mul3A_1305 = arith.muli %rem3A_1297, %mul3A_1304 : vector<16xi32>
        %add3A_1306 = arith.addi %mul3A_1305, %get3A_1302 : vector<16xi32>
        %swap3A_1307 = arith.constant 1 : i32
        %swap3A_1308 = arith.index_cast %swap3A_1307 : i32 to index
        %swap3A_1309 = arith.constant 160 : index
        %swap3A_1310 = tpu.vector_load %arg10[%swap3A_1308, %swap3A_1309] {strides = array<i32>} : memref<5x256xi32, #tpu.memory_space<vmem>>, vector<1x16xi32>,
        %swap3A_1311 = vector.shape_cast %swap3A_1310 : vector<1x16xi32> to vector<16xi32>
        %swap3A_1312 = vector.shape_cast %add3A_1306 : vector<16xi32> to vector<1x16xi32>
        tpu.vector_store %arg10[%swap3A_1308, %swap3A_1309], %swap3A_1312 {strides = array<i32>} : memref<5x256xi32, #tpu.memory_space<vmem>>, vector<1x16xi32>,
        %add3A_1313 = arith.constant 176 : i32
        %add3A_1314 = arith.addi %add3A_1070, %add3A_1313 : i32
        %add3A_1315 = vector.broadcast %add3A_1314 : i32 to vector<16xi32>
        %add3A_1316 = arith.addi %add3A_1315, %iota3A : vector<16xi32>
        %rem3A_1317 = arith.constant 200 : i32
        %rem3A_1318 = vector.broadcast %rem3A_1317 : i32 to vector<16xi32>
        %rem3A_1319 = arith.remsi %add3A_1316, %rem3A_1318 : vector<16xi32>
        %get3A_1320 = arith.constant 1 : i32
        %get3A_1321 = arith.index_cast %get3A_1320 : i32 to index
        %get3A_1322 = arith.constant 176 : index
        %get3A_1323 = tpu.vector_load %arg9[%get3A_1321, %get3A_1322] {strides = array<i32>} : memref<5x256xi32, #tpu.memory_space<vmem>>, vector<1x16xi32>,
        %get3A_1324 = vector.shape_cast %get3A_1323 : vector<1x16xi32> to vector<16xi32>
        %mul3A_1325 = arith.constant 3 : i32
        %mul3A_1326 = vector.broadcast %mul3A_1325 : i32 to vector<16xi32>
        %mul3A_1327 = arith.muli %rem3A_1319, %mul3A_1326 : vector<16xi32>
        %add3A_1328 = arith.addi %mul3A_1327, %get3A_1324 : vector<16xi32>
        %swap3A_1329 = arith.constant 1 : i32
        %swap3A_1330 = arith.index_cast %swap3A_1329 : i32 to index
        %swap3A_1331 = arith.constant 176 : index
        %swap3A_1332 = tpu.vector_load %arg10[%swap3A_1330, %swap3A_1331] {strides = array<i32>} : memref<5x256xi32, #tpu.memory_space<vmem>>, vector<1x16xi32>,
        %swap3A_1333 = vector.shape_cast %swap3A_1332 : vector<1x16xi32> to vector<16xi32>
        %swap3A_1334 = vector.shape_cast %add3A_1328 : vector<16xi32> to vector<1x16xi32>
        tpu.vector_store %arg10[%swap3A_1330, %swap3A_1331], %swap3A_1334 {strides = array<i32>} : memref<5x256xi32, #tpu.memory_space<vmem>>, vector<1x16xi32>,
        %add3A_1335 = arith.constant 192 : i32
        %add3A_1336 = arith.addi %add3A_1070, %add3A_1335 : i32
        %add3A_1337 = vector.broadcast %add3A_1336 : i32 to vector<16xi32>
        %add3A_1338 = arith.addi %add3A_1337, %iota3A : vector<16xi32>
        %rem3A_1339 = arith.constant 200 : i32
        %rem3A_1340 = vector.broadcast %rem3A_1339 : i32 to vector<16xi32>
        %rem3A_1341 = arith.remsi %add3A_1338, %rem3A_1340 : vector<16xi32>
        %get3A_1342 = arith.constant 1 : i32
        %get3A_1343 = arith.index_cast %get3A_1342 : i32 to index
        %get3A_1344 = arith.constant 192 : index
        %get3A_1345 = tpu.vector_load %arg9[%get3A_1343, %get3A_1344] {strides = array<i32>} : memref<5x256xi32, #tpu.memory_space<vmem>>, vector<1x16xi32>,
        %get3A_1346 = vector.shape_cast %get3A_1345 : vector<1x16xi32> to vector<16xi32>
        %mul3A_1347 = arith.constant 3 : i32
        %mul3A_1348 = vector.broadcast %mul3A_1347 : i32 to vector<16xi32>
        %mul3A_1349 = arith.muli %rem3A_1341, %mul3A_1348 : vector<16xi32>
        %add3A_1350 = arith.addi %mul3A_1349, %get3A_1346 : vector<16xi32>
        %swap3A_1351 = arith.constant 1 : i32
        %swap3A_1352 = arith.index_cast %swap3A_1351 : i32 to index
        %swap3A_1353 = arith.constant 192 : index
        %swap3A_1354 = tpu.vector_load %arg10[%swap3A_1352, %swap3A_1353] {strides = array<i32>} : memref<5x256xi32, #tpu.memory_space<vmem>>, vector<1x16xi32>,
        %swap3A_1355 = vector.shape_cast %swap3A_1354 : vector<1x16xi32> to vector<16xi32>
        %swap3A_1356 = vector.shape_cast %add3A_1350 : vector<16xi32> to vector<1x16xi32>
        tpu.vector_store %arg10[%swap3A_1352, %swap3A_1353], %swap3A_1356 {strides = array<i32>} : memref<5x256xi32, #tpu.memory_space<vmem>>, vector<1x16xi32>,
        %add3A_1357 = arith.constant 208 : i32
        %add3A_1358 = arith.addi %add3A_1070, %add3A_1357 : i32
        %add3A_1359 = vector.broadcast %add3A_1358 : i32 to vector<16xi32>
        %add3A_1360 = arith.addi %add3A_1359, %iota3A : vector<16xi32>
        %rem3A_1361 = arith.constant 200 : i32
        %rem3A_1362 = vector.broadcast %rem3A_1361 : i32 to vector<16xi32>
        %rem3A_1363 = arith.remsi %add3A_1360, %rem3A_1362 : vector<16xi32>
        %get3A_1364 = arith.constant 1 : i32
        %get3A_1365 = arith.index_cast %get3A_1364 : i32 to index
        %get3A_1366 = arith.constant 208 : index
        %get3A_1367 = tpu.vector_load %arg9[%get3A_1365, %get3A_1366] {strides = array<i32>} : memref<5x256xi32, #tpu.memory_space<vmem>>, vector<1x16xi32>,
        %get3A_1368 = vector.shape_cast %get3A_1367 : vector<1x16xi32> to vector<16xi32>
        %mul3A_1369 = arith.constant 3 : i32
        %mul3A_1370 = vector.broadcast %mul3A_1369 : i32 to vector<16xi32>
        %mul3A_1371 = arith.muli %rem3A_1363, %mul3A_1370 : vector<16xi32>
        %add3A_1372 = arith.addi %mul3A_1371, %get3A_1368 : vector<16xi32>
        %swap3A_1373 = arith.constant 1 : i32
        %swap3A_1374 = arith.index_cast %swap3A_1373 : i32 to index
        %swap3A_1375 = arith.constant 208 : index
        %swap3A_1376 = tpu.vector_load %arg10[%swap3A_1374, %swap3A_1375] {strides = array<i32>} : memref<5x256xi32, #tpu.memory_space<vmem>>, vector<1x16xi32>,
        %swap3A_1377 = vector.shape_cast %swap3A_1376 : vector<1x16xi32> to vector<16xi32>
        %swap3A_1378 = vector.shape_cast %add3A_1372 : vector<16xi32> to vector<1x16xi32>
        tpu.vector_store %arg10[%swap3A_1374, %swap3A_1375], %swap3A_1378 {strides = array<i32>} : memref<5x256xi32, #tpu.memory_space<vmem>>, vector<1x16xi32>,
        %add3A_1379 = arith.constant 224 : i32
        %add3A_1380 = arith.addi %add3A_1070, %add3A_1379 : i32
        %add3A_1381 = vector.broadcast %add3A_1380 : i32 to vector<16xi32>
        %add3A_1382 = arith.addi %add3A_1381, %iota3A : vector<16xi32>
        %rem3A_1383 = arith.constant 200 : i32
        %rem3A_1384 = vector.broadcast %rem3A_1383 : i32 to vector<16xi32>
        %rem3A_1385 = arith.remsi %add3A_1382, %rem3A_1384 : vector<16xi32>
        %get3A_1386 = arith.constant 1 : i32
        %get3A_1387 = arith.index_cast %get3A_1386 : i32 to index
        %get3A_1388 = arith.constant 224 : index
        %get3A_1389 = tpu.vector_load %arg9[%get3A_1387, %get3A_1388] {strides = array<i32>} : memref<5x256xi32, #tpu.memory_space<vmem>>, vector<1x16xi32>,
        %get3A_1390 = vector.shape_cast %get3A_1389 : vector<1x16xi32> to vector<16xi32>
        %mul3A_1391 = arith.constant 3 : i32
        %mul3A_1392 = vector.broadcast %mul3A_1391 : i32 to vector<16xi32>
        %mul3A_1393 = arith.muli %rem3A_1385, %mul3A_1392 : vector<16xi32>
        %add3A_1394 = arith.addi %mul3A_1393, %get3A_1390 : vector<16xi32>
        %swap3A_1395 = arith.constant 1 : i32
        %swap3A_1396 = arith.index_cast %swap3A_1395 : i32 to index
        %swap3A_1397 = arith.constant 224 : index
        %swap3A_1398 = tpu.vector_load %arg10[%swap3A_1396, %swap3A_1397] {strides = array<i32>} : memref<5x256xi32, #tpu.memory_space<vmem>>, vector<1x16xi32>,
        %swap3A_1399 = vector.shape_cast %swap3A_1398 : vector<1x16xi32> to vector<16xi32>
        %swap3A_1400 = vector.shape_cast %add3A_1394 : vector<16xi32> to vector<1x16xi32>
        tpu.vector_store %arg10[%swap3A_1396, %swap3A_1397], %swap3A_1400 {strides = array<i32>} : memref<5x256xi32, #tpu.memory_space<vmem>>, vector<1x16xi32>,
        %add3A_1401 = arith.constant 240 : i32
        %add3A_1402 = arith.addi %add3A_1070, %add3A_1401 : i32
        %add3A_1403 = vector.broadcast %add3A_1402 : i32 to vector<16xi32>
        %add3A_1404 = arith.addi %add3A_1403, %iota3A : vector<16xi32>
        %rem3A_1405 = arith.constant 200 : i32
        %rem3A_1406 = vector.broadcast %rem3A_1405 : i32 to vector<16xi32>
        %rem3A_1407 = arith.remsi %add3A_1404, %rem3A_1406 : vector<16xi32>
        %get3A_1408 = arith.constant 1 : i32
        %get3A_1409 = arith.index_cast %get3A_1408 : i32 to index
        %get3A_1410 = arith.constant 240 : index
        %get3A_1411 = tpu.vector_load %arg9[%get3A_1409, %get3A_1410] {strides = array<i32>} : memref<5x256xi32, #tpu.memory_space<vmem>>, vector<1x16xi32>,
        %get3A_1412 = vector.shape_cast %get3A_1411 : vector<1x16xi32> to vector<16xi32>
        %mul3A_1413 = arith.constant 3 : i32
        %mul3A_1414 = vector.broadcast %mul3A_1413 : i32 to vector<16xi32>
        %mul3A_1415 = arith.muli %rem3A_1407, %mul3A_1414 : vector<16xi32>
        %add3A_1416 = arith.addi %mul3A_1415, %get3A_1412 : vector<16xi32>
        %swap3A_1417 = arith.constant 1 : i32
        %swap3A_1418 = arith.index_cast %swap3A_1417 : i32 to index
        %swap3A_1419 = arith.constant 240 : index
        %swap3A_1420 = tpu.vector_load %arg10[%swap3A_1418, %swap3A_1419] {strides = array<i32>} : memref<5x256xi32, #tpu.memory_space<vmem>>, vector<1x16xi32>,
        %swap3A_1421 = vector.shape_cast %swap3A_1420 : vector<1x16xi32> to vector<16xi32>
        %swap3A_1422 = vector.shape_cast %add3A_1416 : vector<16xi32> to vector<1x16xi32>
        tpu.vector_store %arg10[%swap3A_1418, %swap3A_1419], %swap3A_1422 {strides = array<i32>} : memref<5x256xi32, #tpu.memory_space<vmem>>, vector<1x16xi32>,
        %add3A_1423 = arith.constant 1 : i32
        %add3A_1424 = arith.addi %add3A_707, %add3A_1423 : i32
        %ge3A = arith.constant 5 : i32
        %ge3A_1425 = arith.cmpi sge, %add3A_1424, %ge3A : i32
        %convert_element_type3A_1426 = arith.extui %ge3A_1425 : i1 to i32
        %cond3A_1427 = arith.constant 0 : i32
        %cond3A_1428 = arith.cmpi ne, %convert_element_type3A_1426, %cond3A_1427 : i32
        scf.if %cond3A_1428 {
          %add3A_1637 = arith.constant 1 : i32
          %add3A_1638 = arith.addi %add3A_707, %add3A_1637 : i32
          %sub3A = arith.constant 5 : i32
          %sub3A_1639 = arith.subi %add3A_1638, %sub3A : i32
          %mul3A_1640 = arith.constant 256 : i32
          %mul3A_1641 = arith.muli %sub3A_1639, %mul3A_1640 : i32
          %add3A_1642 = arith.addi %mul3A_2, %mul3A_1641 : i32
          %dma_wait3A_1643 = arith.constant 1 : i32
          %dma_wait3A_1644 = arith.constant 0 : i32
          %dma_wait3A_1645 = arith.constant 0 : i32
          %dma_wait3A_1646 = tpu.memref_slice %arg11[%dma_wait3A_1643, %dma_wait3A_1644, %dma_wait3A_1645] : memref<5x256x64xf32, #tpu.memory_space<vmem>> -> memref<1x256x64xf32, #tpu.memory_space<vmem>>
          %dma_wait3A_1647 = tpu.memref_squeeze %dma_wait3A_1646 : memref<1x256x64xf32, #tpu.memory_space<vmem>> -> memref<256x64xf32, #tpu.memory_space<vmem>>
          %dma_wait3A_1648 = arith.constant 0 : i32
          %dma_wait3A_1649 = tpu.memref_slice %arg6[%add3A_1642, %dma_wait3A_1648] : memref<819200x64xf32, #tpu.memory_space<hbm>> -> memref<256x64xf32, #tpu.memory_space<hbm>>
          %dma_wait3A_1650 = arith.constant 0 : i32
          %dma_wait3A_1651 = tpu.memref_slice %arg6[%add3A_1642, %dma_wait3A_1650] : memref<819200x64xf32, #tpu.memory_space<hbm>> -> memref<256x64xf32, #tpu.memory_space<hbm>>
          %dma_wait3A_1652 = arith.constant 0 : i32
          %dma_wait3A_1653 = arith.constant 0 : i32
          %dma_wait3A_1654 = tpu.memref_slice %arg11[%dma_wait3A_1643, %dma_wait3A_1652, %dma_wait3A_1653] : memref<5x256x64xf32, #tpu.memory_space<vmem>> -> memref<1x256x64xf32, #tpu.memory_space<vmem>>
          %dma_wait3A_1655 = tpu.memref_squeeze %dma_wait3A_1654 : memref<1x256x64xf32, #tpu.memory_space<vmem>> -> memref<256x64xf32, #tpu.memory_space<vmem>>
          tpu.wait_dma2 semaphore(%arg18 : memref<!tpu.dma_semaphore, #tpu.memory_space<semaphore_mem>>) src(%dma_wait3A_1655 : memref<256x64xf32, #tpu.memory_space<vmem>>) dst(%dma_wait3A_1651 : memref<256x64xf32, #tpu.memory_space<hbm>>)
        } else {
        }
        %get3A_1429 = arith.constant 1 : i32
        %get3A_1430 = arith.index_cast %get3A_1429 : i32 to index
        %get3A_1431 = arith.constant 0 : index
        %get3A_1432 = tpu.vector_load %arg8[%get3A_1430, %get3A_1431] {strides = array<i32>} : memref<5x256xi32, #tpu.memory_space<vmem>>, vector<1x16xi32>,
        %get3A_1433 = vector.shape_cast %get3A_1432 : vector<1x16xi32> to vector<16xi32>
        %dma_start3A_1434 = arith.constant 1 : i32
        %dma_start3A_1435 = arith.constant 0 : i32
        %dma_start3A_1436 = arith.constant 0 : i32
        %dma_start3A_1437 = tpu.memref_slice %arg11[%dma_start3A_1434, %dma_start3A_1435, %dma_start3A_1436] : memref<5x256x64xf32, #tpu.memory_space<vmem>> -> memref<1x16x64xf32, #tpu.memory_space<vmem>>
        %dma_start3A_1438 = tpu.memref_squeeze %dma_start3A_1437 : memref<1x16x64xf32, #tpu.memory_space<vmem>> -> memref<16x64xf32, #tpu.memory_space<vmem>>
        %dma_start3A_1439 = arith.constant 0 : i32
        %dma_start3A_1440 = arith.constant 0 : i32
        %dma_start3A_1441 = tpu.memref_slice %arg4[%dma_start3A_1439, %dma_start3A_1440] : memref<1000000x64xf32, #tpu.memory_space<hbm>> -> memref<1000000x64xf32, #tpu.memory_space<hbm>>
        tpu.enqueue_indirect_dma source(%dma_start3A_1441 : memref<1000000x64xf32, #tpu.memory_space<hbm>>) target(%dma_start3A_1438 : memref<16x64xf32, #tpu.memory_space<vmem>>) offsets(%get3A_1433 : vector<16xi32>) semaphore(%arg13 : memref<!tpu.dma_semaphore, #tpu.memory_space<semaphore_mem>>)
        %get3A_1442 = arith.constant 1 : i32
        %get3A_1443 = arith.index_cast %get3A_1442 : i32 to index
        %get3A_1444 = arith.constant 16 : index
        %get3A_1445 = tpu.vector_load %arg8[%get3A_1443, %get3A_1444] {strides = array<i32>} : memref<5x256xi32, #tpu.memory_space<vmem>>, vector<1x16xi32>,
        %get3A_1446 = vector.shape_cast %get3A_1445 : vector<1x16xi32> to vector<16xi32>
        %dma_start3A_1447 = arith.constant 1 : i32
        %dma_start3A_1448 = arith.constant 16 : i32
        %dma_start3A_1449 = arith.constant 0 : i32
        %dma_start3A_1450 = tpu.memref_slice %arg11[%dma_start3A_1447, %dma_start3A_1448, %dma_start3A_1449] : memref<5x256x64xf32, #tpu.memory_space<vmem>> -> memref<1x16x64xf32, #tpu.memory_space<vmem>>
        %dma_start3A_1451 = tpu.memref_squeeze %dma_start3A_1450 : memref<1x16x64xf32, #tpu.memory_space<vmem>> -> memref<16x64xf32, #tpu.memory_space<vmem>>
        %dma_start3A_1452 = arith.constant 0 : i32
        %dma_start3A_1453 = arith.constant 0 : i32
        %dma_start3A_1454 = tpu.memref_slice %arg4[%dma_start3A_1452, %dma_start3A_1453] : memref<1000000x64xf32, #tpu.memory_space<hbm>> -> memref<1000000x64xf32, #tpu.memory_space<hbm>>
        tpu.enqueue_indirect_dma source(%dma_start3A_1454 : memref<1000000x64xf32, #tpu.memory_space<hbm>>) target(%dma_start3A_1451 : memref<16x64xf32, #tpu.memory_space<vmem>>) offsets(%get3A_1446 : vector<16xi32>) semaphore(%arg13 : memref<!tpu.dma_semaphore, #tpu.memory_space<semaphore_mem>>)
        %get3A_1455 = arith.constant 1 : i32
        %get3A_1456 = arith.index_cast %get3A_1455 : i32 to index
        %get3A_1457 = arith.constant 32 : index
        %get3A_1458 = tpu.vector_load %arg8[%get3A_1456, %get3A_1457] {strides = array<i32>} : memref<5x256xi32, #tpu.memory_space<vmem>>, vector<1x16xi32>,
        %get3A_1459 = vector.shape_cast %get3A_1458 : vector<1x16xi32> to vector<16xi32>
        %dma_start3A_1460 = arith.constant 1 : i32
        %dma_start3A_1461 = arith.constant 32 : i32
        %dma_start3A_1462 = arith.constant 0 : i32
        %dma_start3A_1463 = tpu.memref_slice %arg11[%dma_start3A_1460, %dma_start3A_1461, %dma_start3A_1462] : memref<5x256x64xf32, #tpu.memory_space<vmem>> -> memref<1x16x64xf32, #tpu.memory_space<vmem>>
        %dma_start3A_1464 = tpu.memref_squeeze %dma_start3A_1463 : memref<1x16x64xf32, #tpu.memory_space<vmem>> -> memref<16x64xf32, #tpu.memory_space<vmem>>
        %dma_start3A_1465 = arith.constant 0 : i32
        %dma_start3A_1466 = arith.constant 0 : i32
        %dma_start3A_1467 = tpu.memref_slice %arg4[%dma_start3A_1465, %dma_start3A_1466] : memref<1000000x64xf32, #tpu.memory_space<hbm>> -> memref<1000000x64xf32, #tpu.memory_space<hbm>>
        tpu.enqueue_indirect_dma source(%dma_start3A_1467 : memref<1000000x64xf32, #tpu.memory_space<hbm>>) target(%dma_start3A_1464 : memref<16x64xf32, #tpu.memory_space<vmem>>) offsets(%get3A_1459 : vector<16xi32>) semaphore(%arg13 : memref<!tpu.dma_semaphore, #tpu.memory_space<semaphore_mem>>)
        %get3A_1468 = arith.constant 1 : i32
        %get3A_1469 = arith.index_cast %get3A_1468 : i32 to index
        %get3A_1470 = arith.constant 48 : index
        %get3A_1471 = tpu.vector_load %arg8[%get3A_1469, %get3A_1470] {strides = array<i32>} : memref<5x256xi32, #tpu.memory_space<vmem>>, vector<1x16xi32>,
        %get3A_1472 = vector.shape_cast %get3A_1471 : vector<1x16xi32> to vector<16xi32>
        %dma_start3A_1473 = arith.constant 1 : i32
        %dma_start3A_1474 = arith.constant 48 : i32
        %dma_start3A_1475 = arith.constant 0 : i32
        %dma_start3A_1476 = tpu.memref_slice %arg11[%dma_start3A_1473, %dma_start3A_1474, %dma_start3A_1475] : memref<5x256x64xf32, #tpu.memory_space<vmem>> -> memref<1x16x64xf32, #tpu.memory_space<vmem>>
        %dma_start3A_1477 = tpu.memref_squeeze %dma_start3A_1476 : memref<1x16x64xf32, #tpu.memory_space<vmem>> -> memref<16x64xf32, #tpu.memory_space<vmem>>
        %dma_start3A_1478 = arith.constant 0 : i32
        %dma_start3A_1479 = arith.constant 0 : i32
        %dma_start3A_1480 = tpu.memref_slice %arg4[%dma_start3A_1478, %dma_start3A_1479] : memref<1000000x64xf32, #tpu.memory_space<hbm>> -> memref<1000000x64xf32, #tpu.memory_space<hbm>>
        tpu.enqueue_indirect_dma source(%dma_start3A_1480 : memref<1000000x64xf32, #tpu.memory_space<hbm>>) target(%dma_start3A_1477 : memref<16x64xf32, #tpu.memory_space<vmem>>) offsets(%get3A_1472 : vector<16xi32>) semaphore(%arg13 : memref<!tpu.dma_semaphore, #tpu.memory_space<semaphore_mem>>)
        %get3A_1481 = arith.constant 1 : i32
        %get3A_1482 = arith.index_cast %get3A_1481 : i32 to index
        %get3A_1483 = arith.constant 64 : index
        %get3A_1484 = tpu.vector_load %arg8[%get3A_1482, %get3A_1483] {strides = array<i32>} : memref<5x256xi32, #tpu.memory_space<vmem>>, vector<1x16xi32>,
        %get3A_1485 = vector.shape_cast %get3A_1484 : vector<1x16xi32> to vector<16xi32>
        %dma_start3A_1486 = arith.constant 1 : i32
        %dma_start3A_1487 = arith.constant 64 : i32
        %dma_start3A_1488 = arith.constant 0 : i32
        %dma_start3A_1489 = tpu.memref_slice %arg11[%dma_start3A_1486, %dma_start3A_1487, %dma_start3A_1488] : memref<5x256x64xf32, #tpu.memory_space<vmem>> -> memref<1x16x64xf32, #tpu.memory_space<vmem>>
        %dma_start3A_1490 = tpu.memref_squeeze %dma_start3A_1489 : memref<1x16x64xf32, #tpu.memory_space<vmem>> -> memref<16x64xf32, #tpu.memory_space<vmem>>
        %dma_start3A_1491 = arith.constant 0 : i32
        %dma_start3A_1492 = arith.constant 0 : i32
        %dma_start3A_1493 = tpu.memref_slice %arg4[%dma_start3A_1491, %dma_start3A_1492] : memref<1000000x64xf32, #tpu.memory_space<hbm>> -> memref<1000000x64xf32, #tpu.memory_space<hbm>>
        tpu.enqueue_indirect_dma source(%dma_start3A_1493 : memref<1000000x64xf32, #tpu.memory_space<hbm>>) target(%dma_start3A_1490 : memref<16x64xf32, #tpu.memory_space<vmem>>) offsets(%get3A_1485 : vector<16xi32>) semaphore(%arg13 : memref<!tpu.dma_semaphore, #tpu.memory_space<semaphore_mem>>)
        %get3A_1494 = arith.constant 1 : i32
        %get3A_1495 = arith.index_cast %get3A_1494 : i32 to index
        %get3A_1496 = arith.constant 80 : index
        %get3A_1497 = tpu.vector_load %arg8[%get3A_1495, %get3A_1496] {strides = array<i32>} : memref<5x256xi32, #tpu.memory_space<vmem>>, vector<1x16xi32>,
        %get3A_1498 = vector.shape_cast %get3A_1497 : vector<1x16xi32> to vector<16xi32>
        %dma_start3A_1499 = arith.constant 1 : i32
        %dma_start3A_1500 = arith.constant 80 : i32
        %dma_start3A_1501 = arith.constant 0 : i32
        %dma_start3A_1502 = tpu.memref_slice %arg11[%dma_start3A_1499, %dma_start3A_1500, %dma_start3A_1501] : memref<5x256x64xf32, #tpu.memory_space<vmem>> -> memref<1x16x64xf32, #tpu.memory_space<vmem>>
        %dma_start3A_1503 = tpu.memref_squeeze %dma_start3A_1502 : memref<1x16x64xf32, #tpu.memory_space<vmem>> -> memref<16x64xf32, #tpu.memory_space<vmem>>
        %dma_start3A_1504 = arith.constant 0 : i32
        %dma_start3A_1505 = arith.constant 0 : i32
        %dma_start3A_1506 = tpu.memref_slice %arg4[%dma_start3A_1504, %dma_start3A_1505] : memref<1000000x64xf32, #tpu.memory_space<hbm>> -> memref<1000000x64xf32, #tpu.memory_space<hbm>>
        tpu.enqueue_indirect_dma source(%dma_start3A_1506 : memref<1000000x64xf32, #tpu.memory_space<hbm>>) target(%dma_start3A_1503 : memref<16x64xf32, #tpu.memory_space<vmem>>) offsets(%get3A_1498 : vector<16xi32>) semaphore(%arg13 : memref<!tpu.dma_semaphore, #tpu.memory_space<semaphore_mem>>)
        %get3A_1507 = arith.constant 1 : i32
        %get3A_1508 = arith.index_cast %get3A_1507 : i32 to index
        %get3A_1509 = arith.constant 96 : index
        %get3A_1510 = tpu.vector_load %arg8[%get3A_1508, %get3A_1509] {strides = array<i32>} : memref<5x256xi32, #tpu.memory_space<vmem>>, vector<1x16xi32>,
        %get3A_1511 = vector.shape_cast %get3A_1510 : vector<1x16xi32> to vector<16xi32>
        %dma_start3A_1512 = arith.constant 1 : i32
        %dma_start3A_1513 = arith.constant 96 : i32
        %dma_start3A_1514 = arith.constant 0 : i32
        %dma_start3A_1515 = tpu.memref_slice %arg11[%dma_start3A_1512, %dma_start3A_1513, %dma_start3A_1514] : memref<5x256x64xf32, #tpu.memory_space<vmem>> -> memref<1x16x64xf32, #tpu.memory_space<vmem>>
        %dma_start3A_1516 = tpu.memref_squeeze %dma_start3A_1515 : memref<1x16x64xf32, #tpu.memory_space<vmem>> -> memref<16x64xf32, #tpu.memory_space<vmem>>
        %dma_start3A_1517 = arith.constant 0 : i32
        %dma_start3A_1518 = arith.constant 0 : i32
        %dma_start3A_1519 = tpu.memref_slice %arg4[%dma_start3A_1517, %dma_start3A_1518] : memref<1000000x64xf32, #tpu.memory_space<hbm>> -> memref<1000000x64xf32, #tpu.memory_space<hbm>>
        tpu.enqueue_indirect_dma source(%dma_start3A_1519 : memref<1000000x64xf32, #tpu.memory_space<hbm>>) target(%dma_start3A_1516 : memref<16x64xf32, #tpu.memory_space<vmem>>) offsets(%get3A_1511 : vector<16xi32>) semaphore(%arg13 : memref<!tpu.dma_semaphore, #tpu.memory_space<semaphore_mem>>)
        %get3A_1520 = arith.constant 1 : i32
        %get3A_1521 = arith.index_cast %get3A_1520 : i32 to index
        %get3A_1522 = arith.constant 112 : index
        %get3A_1523 = tpu.vector_load %arg8[%get3A_1521, %get3A_1522] {strides = array<i32>} : memref<5x256xi32, #tpu.memory_space<vmem>>, vector<1x16xi32>,
        %get3A_1524 = vector.shape_cast %get3A_1523 : vector<1x16xi32> to vector<16xi32>
        %dma_start3A_1525 = arith.constant 1 : i32
        %dma_start3A_1526 = arith.constant 112 : i32
        %dma_start3A_1527 = arith.constant 0 : i32
        %dma_start3A_1528 = tpu.memref_slice %arg11[%dma_start3A_1525, %dma_start3A_1526, %dma_start3A_1527] : memref<5x256x64xf32, #tpu.memory_space<vmem>> -> memref<1x16x64xf32, #tpu.memory_space<vmem>>
        %dma_start3A_1529 = tpu.memref_squeeze %dma_start3A_1528 : memref<1x16x64xf32, #tpu.memory_space<vmem>> -> memref<16x64xf32, #tpu.memory_space<vmem>>
        %dma_start3A_1530 = arith.constant 0 : i32
        %dma_start3A_1531 = arith.constant 0 : i32
        %dma_start3A_1532 = tpu.memref_slice %arg4[%dma_start3A_1530, %dma_start3A_1531] : memref<1000000x64xf32, #tpu.memory_space<hbm>> -> memref<1000000x64xf32, #tpu.memory_space<hbm>>
        tpu.enqueue_indirect_dma source(%dma_start3A_1532 : memref<1000000x64xf32, #tpu.memory_space<hbm>>) target(%dma_start3A_1529 : memref<16x64xf32, #tpu.memory_space<vmem>>) offsets(%get3A_1524 : vector<16xi32>) semaphore(%arg13 : memref<!tpu.dma_semaphore, #tpu.memory_space<semaphore_mem>>)
        %get3A_1533 = arith.constant 1 : i32
        %get3A_1534 = arith.index_cast %get3A_1533 : i32 to index
        %get3A_1535 = arith.constant 128 : index
        %get3A_1536 = tpu.vector_load %arg8[%get3A_1534, %get3A_1535] {strides = array<i32>} : memref<5x256xi32, #tpu.memory_space<vmem>>, vector<1x16xi32>,
        %get3A_1537 = vector.shape_cast %get3A_1536 : vector<1x16xi32> to vector<16xi32>
        %dma_start3A_1538 = arith.constant 1 : i32
        %dma_start3A_1539 = arith.constant 128 : i32
        %dma_start3A_1540 = arith.constant 0 : i32
        %dma_start3A_1541 = tpu.memref_slice %arg11[%dma_start3A_1538, %dma_start3A_1539, %dma_start3A_1540] : memref<5x256x64xf32, #tpu.memory_space<vmem>> -> memref<1x16x64xf32, #tpu.memory_space<vmem>>
        %dma_start3A_1542 = tpu.memref_squeeze %dma_start3A_1541 : memref<1x16x64xf32, #tpu.memory_space<vmem>> -> memref<16x64xf32, #tpu.memory_space<vmem>>
        %dma_start3A_1543 = arith.constant 0 : i32
        %dma_start3A_1544 = arith.constant 0 : i32
        %dma_start3A_1545 = tpu.memref_slice %arg4[%dma_start3A_1543, %dma_start3A_1544] : memref<1000000x64xf32, #tpu.memory_space<hbm>> -> memref<1000000x64xf32, #tpu.memory_space<hbm>>
        tpu.enqueue_indirect_dma source(%dma_start3A_1545 : memref<1000000x64xf32, #tpu.memory_space<hbm>>) target(%dma_start3A_1542 : memref<16x64xf32, #tpu.memory_space<vmem>>) offsets(%get3A_1537 : vector<16xi32>) semaphore(%arg13 : memref<!tpu.dma_semaphore, #tpu.memory_space<semaphore_mem>>)
        %get3A_1546 = arith.constant 1 : i32
        %get3A_1547 = arith.index_cast %get3A_1546 : i32 to index
        %get3A_1548 = arith.constant 144 : index
        %get3A_1549 = tpu.vector_load %arg8[%get3A_1547, %get3A_1548] {strides = array<i32>} : memref<5x256xi32, #tpu.memory_space<vmem>>, vector<1x16xi32>,
        %get3A_1550 = vector.shape_cast %get3A_1549 : vector<1x16xi32> to vector<16xi32>
        %dma_start3A_1551 = arith.constant 1 : i32
        %dma_start3A_1552 = arith.constant 144 : i32
        %dma_start3A_1553 = arith.constant 0 : i32
        %dma_start3A_1554 = tpu.memref_slice %arg11[%dma_start3A_1551, %dma_start3A_1552, %dma_start3A_1553] : memref<5x256x64xf32, #tpu.memory_space<vmem>> -> memref<1x16x64xf32, #tpu.memory_space<vmem>>
        %dma_start3A_1555 = tpu.memref_squeeze %dma_start3A_1554 : memref<1x16x64xf32, #tpu.memory_space<vmem>> -> memref<16x64xf32, #tpu.memory_space<vmem>>
        %dma_start3A_1556 = arith.constant 0 : i32
        %dma_start3A_1557 = arith.constant 0 : i32
        %dma_start3A_1558 = tpu.memref_slice %arg4[%dma_start3A_1556, %dma_start3A_1557] : memref<1000000x64xf32, #tpu.memory_space<hbm>> -> memref<1000000x64xf32, #tpu.memory_space<hbm>>
        tpu.enqueue_indirect_dma source(%dma_start3A_1558 : memref<1000000x64xf32, #tpu.memory_space<hbm>>) target(%dma_start3A_1555 : memref<16x64xf32, #tpu.memory_space<vmem>>) offsets(%get3A_1550 : vector<16xi32>) semaphore(%arg13 : memref<!tpu.dma_semaphore, #tpu.memory_space<semaphore_mem>>)
        %get3A_1559 = arith.constant 1 : i32
        %get3A_1560 = arith.index_cast %get3A_1559 : i32 to index
        %get3A_1561 = arith.constant 160 : index
        %get3A_1562 = tpu.vector_load %arg8[%get3A_1560, %get3A_1561] {strides = array<i32>} : memref<5x256xi32, #tpu.memory_space<vmem>>, vector<1x16xi32>,
        %get3A_1563 = vector.shape_cast %get3A_1562 : vector<1x16xi32> to vector<16xi32>
        %dma_start3A_1564 = arith.constant 1 : i32
        %dma_start3A_1565 = arith.constant 160 : i32
        %dma_start3A_1566 = arith.constant 0 : i32
        %dma_start3A_1567 = tpu.memref_slice %arg11[%dma_start3A_1564, %dma_start3A_1565, %dma_start3A_1566] : memref<5x256x64xf32, #tpu.memory_space<vmem>> -> memref<1x16x64xf32, #tpu.memory_space<vmem>>
        %dma_start3A_1568 = tpu.memref_squeeze %dma_start3A_1567 : memref<1x16x64xf32, #tpu.memory_space<vmem>> -> memref<16x64xf32, #tpu.memory_space<vmem>>
        %dma_start3A_1569 = arith.constant 0 : i32
        %dma_start3A_1570 = arith.constant 0 : i32
        %dma_start3A_1571 = tpu.memref_slice %arg4[%dma_start3A_1569, %dma_start3A_1570] : memref<1000000x64xf32, #tpu.memory_space<hbm>> -> memref<1000000x64xf32, #tpu.memory_space<hbm>>
        tpu.enqueue_indirect_dma source(%dma_start3A_1571 : memref<1000000x64xf32, #tpu.memory_space<hbm>>) target(%dma_start3A_1568 : memref<16x64xf32, #tpu.memory_space<vmem>>) offsets(%get3A_1563 : vector<16xi32>) semaphore(%arg13 : memref<!tpu.dma_semaphore, #tpu.memory_space<semaphore_mem>>)
        %get3A_1572 = arith.constant 1 : i32
        %get3A_1573 = arith.index_cast %get3A_1572 : i32 to index
        %get3A_1574 = arith.constant 176 : index
        %get3A_1575 = tpu.vector_load %arg8[%get3A_1573, %get3A_1574] {strides = array<i32>} : memref<5x256xi32, #tpu.memory_space<vmem>>, vector<1x16xi32>,
        %get3A_1576 = vector.shape_cast %get3A_1575 : vector<1x16xi32> to vector<16xi32>
        %dma_start3A_1577 = arith.constant 1 : i32
        %dma_start3A_1578 = arith.constant 176 : i32
        %dma_start3A_1579 = arith.constant 0 : i32
        %dma_start3A_1580 = tpu.memref_slice %arg11[%dma_start3A_1577, %dma_start3A_1578, %dma_start3A_1579] : memref<5x256x64xf32, #tpu.memory_space<vmem>> -> memref<1x16x64xf32, #tpu.memory_space<vmem>>
        %dma_start3A_1581 = tpu.memref_squeeze %dma_start3A_1580 : memref<1x16x64xf32, #tpu.memory_space<vmem>> -> memref<16x64xf32, #tpu.memory_space<vmem>>
        %dma_start3A_1582 = arith.constant 0 : i32
        %dma_start3A_1583 = arith.constant 0 : i32
        %dma_start3A_1584 = tpu.memref_slice %arg4[%dma_start3A_1582, %dma_start3A_1583] : memref<1000000x64xf32, #tpu.memory_space<hbm>> -> memref<1000000x64xf32, #tpu.memory_space<hbm>>
        tpu.enqueue_indirect_dma source(%dma_start3A_1584 : memref<1000000x64xf32, #tpu.memory_space<hbm>>) target(%dma_start3A_1581 : memref<16x64xf32, #tpu.memory_space<vmem>>) offsets(%get3A_1576 : vector<16xi32>) semaphore(%arg13 : memref<!tpu.dma_semaphore, #tpu.memory_space<semaphore_mem>>)
        %get3A_1585 = arith.constant 1 : i32
        %get3A_1586 = arith.index_cast %get3A_1585 : i32 to index
        %get3A_1587 = arith.constant 192 : index
        %get3A_1588 = tpu.vector_load %arg8[%get3A_1586, %get3A_1587] {strides = array<i32>} : memref<5x256xi32, #tpu.memory_space<vmem>>, vector<1x16xi32>,
        %get3A_1589 = vector.shape_cast %get3A_1588 : vector<1x16xi32> to vector<16xi32>
        %dma_start3A_1590 = arith.constant 1 : i32
        %dma_start3A_1591 = arith.constant 192 : i32
        %dma_start3A_1592 = arith.constant 0 : i32
        %dma_start3A_1593 = tpu.memref_slice %arg11[%dma_start3A_1590, %dma_start3A_1591, %dma_start3A_1592] : memref<5x256x64xf32, #tpu.memory_space<vmem>> -> memref<1x16x64xf32, #tpu.memory_space<vmem>>
        %dma_start3A_1594 = tpu.memref_squeeze %dma_start3A_1593 : memref<1x16x64xf32, #tpu.memory_space<vmem>> -> memref<16x64xf32, #tpu.memory_space<vmem>>
        %dma_start3A_1595 = arith.constant 0 : i32
        %dma_start3A_1596 = arith.constant 0 : i32
        %dma_start3A_1597 = tpu.memref_slice %arg4[%dma_start3A_1595, %dma_start3A_1596] : memref<1000000x64xf32, #tpu.memory_space<hbm>> -> memref<1000000x64xf32, #tpu.memory_space<hbm>>
        tpu.enqueue_indirect_dma source(%dma_start3A_1597 : memref<1000000x64xf32, #tpu.memory_space<hbm>>) target(%dma_start3A_1594 : memref<16x64xf32, #tpu.memory_space<vmem>>) offsets(%get3A_1589 : vector<16xi32>) semaphore(%arg13 : memref<!tpu.dma_semaphore, #tpu.memory_space<semaphore_mem>>)
        %get3A_1598 = arith.constant 1 : i32
        %get3A_1599 = arith.index_cast %get3A_1598 : i32 to index
        %get3A_1600 = arith.constant 208 : index
        %get3A_1601 = tpu.vector_load %arg8[%get3A_1599, %get3A_1600] {strides = array<i32>} : memref<5x256xi32, #tpu.memory_space<vmem>>, vector<1x16xi32>,
        %get3A_1602 = vector.shape_cast %get3A_1601 : vector<1x16xi32> to vector<16xi32>
        %dma_start3A_1603 = arith.constant 1 : i32
        %dma_start3A_1604 = arith.constant 208 : i32
        %dma_start3A_1605 = arith.constant 0 : i32
        %dma_start3A_1606 = tpu.memref_slice %arg11[%dma_start3A_1603, %dma_start3A_1604, %dma_start3A_1605] : memref<5x256x64xf32, #tpu.memory_space<vmem>> -> memref<1x16x64xf32, #tpu.memory_space<vmem>>
        %dma_start3A_1607 = tpu.memref_squeeze %dma_start3A_1606 : memref<1x16x64xf32, #tpu.memory_space<vmem>> -> memref<16x64xf32, #tpu.memory_space<vmem>>
        %dma_start3A_1608 = arith.constant 0 : i32
        %dma_start3A_1609 = arith.constant 0 : i32
        %dma_start3A_1610 = tpu.memref_slice %arg4[%dma_start3A_1608, %dma_start3A_1609] : memref<1000000x64xf32, #tpu.memory_space<hbm>> -> memref<1000000x64xf32, #tpu.memory_space<hbm>>
        tpu.enqueue_indirect_dma source(%dma_start3A_1610 : memref<1000000x64xf32, #tpu.memory_space<hbm>>) target(%dma_start3A_1607 : memref<16x64xf32, #tpu.memory_space<vmem>>) offsets(%get3A_1602 : vector<16xi32>) semaphore(%arg13 : memref<!tpu.dma_semaphore, #tpu.memory_space<semaphore_mem>>)
        %get3A_1611 = arith.constant 1 : i32
        %get3A_1612 = arith.index_cast %get3A_1611 : i32 to index
        %get3A_1613 = arith.constant 224 : index
        %get3A_1614 = tpu.vector_load %arg8[%get3A_1612, %get3A_1613] {strides = array<i32>} : memref<5x256xi32, #tpu.memory_space<vmem>>, vector<1x16xi32>,
        %get3A_1615 = vector.shape_cast %get3A_1614 : vector<1x16xi32> to vector<16xi32>
        %dma_start3A_1616 = arith.constant 1 : i32
        %dma_start3A_1617 = arith.constant 224 : i32
        %dma_start3A_1618 = arith.constant 0 : i32
        %dma_start3A_1619 = tpu.memref_slice %arg11[%dma_start3A_1616, %dma_start3A_1617, %dma_start3A_1618] : memref<5x256x64xf32, #tpu.memory_space<vmem>> -> memref<1x16x64xf32, #tpu.memory_space<vmem>>
        %dma_start3A_1620 = tpu.memref_squeeze %dma_start3A_1619 : memref<1x16x64xf32, #tpu.memory_space<vmem>> -> memref<16x64xf32, #tpu.memory_space<vmem>>
        %dma_start3A_1621 = arith.constant 0 : i32
        %dma_start3A_1622 = arith.constant 0 : i32
        %dma_start3A_1623 = tpu.memref_slice %arg4[%dma_start3A_1621, %dma_start3A_1622] : memref<1000000x64xf32, #tpu.memory_space<hbm>> -> memref<1000000x64xf32, #tpu.memory_space<hbm>>
        tpu.enqueue_indirect_dma source(%dma_start3A_1623 : memref<1000000x64xf32, #tpu.memory_space<hbm>>) target(%dma_start3A_1620 : memref<16x64xf32, #tpu.memory_space<vmem>>) offsets(%get3A_1615 : vector<16xi32>) semaphore(%arg13 : memref<!tpu.dma_semaphore, #tpu.memory_space<semaphore_mem>>)
        %get3A_1624 = arith.constant 1 : i32
        %get3A_1625 = arith.index_cast %get3A_1624 : i32 to index
        %get3A_1626 = arith.constant 240 : index
        %get3A_1627 = tpu.vector_load %arg8[%get3A_1625, %get3A_1626] {strides = array<i32>} : memref<5x256xi32, #tpu.memory_space<vmem>>, vector<1x16xi32>,
        %get3A_1628 = vector.shape_cast %get3A_1627 : vector<1x16xi32> to vector<16xi32>
        %dma_start3A_1629 = arith.constant 1 : i32
        %dma_start3A_1630 = arith.constant 240 : i32
        %dma_start3A_1631 = arith.constant 0 : i32
        %dma_start3A_1632 = tpu.memref_slice %arg11[%dma_start3A_1629, %dma_start3A_1630, %dma_start3A_1631] : memref<5x256x64xf32, #tpu.memory_space<vmem>> -> memref<1x16x64xf32, #tpu.memory_space<vmem>>
        %dma_start3A_1633 = tpu.memref_squeeze %dma_start3A_1632 : memref<1x16x64xf32, #tpu.memory_space<vmem>> -> memref<16x64xf32, #tpu.memory_space<vmem>>
        %dma_start3A_1634 = arith.constant 0 : i32
        %dma_start3A_1635 = arith.constant 0 : i32
        %dma_start3A_1636 = tpu.memref_slice %arg4[%dma_start3A_1634, %dma_start3A_1635] : memref<1000000x64xf32, #tpu.memory_space<hbm>> -> memref<1000000x64xf32, #tpu.memory_space<hbm>>
        tpu.enqueue_indirect_dma source(%dma_start3A_1636 : memref<1000000x64xf32, #tpu.memory_space<hbm>>) target(%dma_start3A_1633 : memref<16x64xf32, #tpu.memory_space<vmem>>) offsets(%get3A_1628 : vector<16xi32>) semaphore(%arg13 : memref<!tpu.dma_semaphore, #tpu.memory_space<semaphore_mem>>)
      } else {
      }
      %dma_wait3A_721 = arith.constant 0 : i32
      %dma_wait3A_722 = arith.constant 0 : i32
      %dma_wait3A_723 = arith.constant 0 : i32
      %dma_wait3A_724 = arith.constant 0 : i32
      %dma_wait3A_725 = tpu.memref_slice %arg11[%dma_wait3A_722, %dma_wait3A_723, %dma_wait3A_724] : memref<5x256x64xf32, #tpu.memory_space<vmem>> -> memref<1x256x64xf32, #tpu.memory_space<vmem>>
      %dma_wait3A_726 = tpu.memref_squeeze %dma_wait3A_725 : memref<1x256x64xf32, #tpu.memory_space<vmem>> -> memref<256x64xf32, #tpu.memory_space<vmem>>
      %dma_wait3A_727 = arith.constant 0 : i32
      %dma_wait3A_728 = tpu.memref_slice %arg8[%dma_wait3A_721, %dma_wait3A_727] : memref<5x256xi32, #tpu.memory_space<vmem>> -> memref<1x256xi32, #tpu.memory_space<vmem>>
      %dma_wait3A_729 = tpu.memref_squeeze %dma_wait3A_728 : memref<1x256xi32, #tpu.memory_space<vmem>> -> memref<256xi32, #tpu.memory_space<vmem>>
      %dma_wait3A_730 = arith.constant 0 : i32
      %dma_wait3A_731 = arith.constant 0 : i32
      %dma_wait3A_732 = tpu.memref_slice %arg4[%dma_wait3A_730, %dma_wait3A_731] : memref<1000000x64xf32, #tpu.memory_space<hbm>> -> memref<1000000x64xf32, #tpu.memory_space<hbm>>
      tpu.wait_indirect_dma semaphore(%arg12 : memref<!tpu.dma_semaphore, #tpu.memory_space<semaphore_mem>>) src(%dma_wait3A_732 : memref<1000000x64xf32, #tpu.memory_space<hbm>>) dst(%dma_wait3A_726 : memref<256x64xf32, #tpu.memory_space<vmem>>)
      %dma_start3A_733 = arith.constant 0 : i32
      %dma_start3A_734 = arith.constant 0 : i32
      %dma_start3A_735 = arith.constant 0 : i32
      %dma_start3A_736 = arith.constant 0 : i32
      %dma_start3A_737 = tpu.memref_slice %arg11[%dma_start3A_734, %dma_start3A_735, %dma_start3A_736] : memref<5x256x64xf32, #tpu.memory_space<vmem>> -> memref<1x256x64xf32, #tpu.memory_space<vmem>>
      %dma_start3A_738 = tpu.memref_squeeze %dma_start3A_737 : memref<1x256x64xf32, #tpu.memory_space<vmem>> -> memref<256x64xf32, #tpu.memory_space<vmem>>
      %dma_start3A_739 = arith.constant 0 : i32
      %dma_start3A_740 = tpu.memref_slice %arg10[%dma_start3A_733, %dma_start3A_739] : memref<5x256xi32, #tpu.memory_space<vmem>> -> memref<1x256xi32, #tpu.memory_space<vmem>>
      %dma_start3A_741 = tpu.memref_squeeze %dma_start3A_740 : memref<1x256xi32, #tpu.memory_space<vmem>> -> memref<256xi32, #tpu.memory_space<vmem>>
      %dma_start3A_742 = arith.constant 0 : i32
      %dma_start3A_743 = arith.constant 0 : i32
      %dma_start3A_744 = tpu.memref_slice %arg7[%dma_start3A_742, %dma_start3A_743] : memref<600x64xf32, #tpu.memory_space<vmem_shared>> -> memref<600x64xf32, #tpu.memory_space<vmem_shared>>
      tpu.enqueue_indirect_dma source(%dma_start3A_744 : memref<600x64xf32, #tpu.memory_space<vmem_shared>>) target(%dma_start3A_738 : memref<256x64xf32, #tpu.memory_space<vmem>>) offsets(%dma_start3A_741 : memref<256xi32, #tpu.memory_space<vmem>>) semaphore(%arg27 : memref<!tpu.dma_semaphore, #tpu.memory_space<semaphore_mem>>) {add = true}
      %dma_wait3A_745 = arith.constant 0 : i32
      %dma_wait3A_746 = arith.constant 0 : i32
      %dma_wait3A_747 = arith.constant 0 : i32
      %dma_wait3A_748 = arith.constant 0 : i32
      %dma_wait3A_749 = tpu.memref_slice %arg11[%dma_wait3A_746, %dma_wait3A_747, %dma_wait3A_748] : memref<5x256x64xf32, #tpu.memory_space<vmem>> -> memref<1x256x64xf32, #tpu.memory_space<vmem>>
      %dma_wait3A_750 = tpu.memref_squeeze %dma_wait3A_749 : memref<1x256x64xf32, #tpu.memory_space<vmem>> -> memref<256x64xf32, #tpu.memory_space<vmem>>
      %dma_wait3A_751 = arith.constant 0 : i32
      %dma_wait3A_752 = tpu.memref_slice %arg10[%dma_wait3A_745, %dma_wait3A_751] : memref<5x256xi32, #tpu.memory_space<vmem>> -> memref<1x256xi32, #tpu.memory_space<vmem>>
      %dma_wait3A_753 = tpu.memref_squeeze %dma_wait3A_752 : memref<1x256xi32, #tpu.memory_space<vmem>> -> memref<256xi32, #tpu.memory_space<vmem>>
      %dma_wait3A_754 = arith.constant 0 : i32
      %dma_wait3A_755 = arith.constant 0 : i32
      %dma_wait3A_756 = tpu.memref_slice %arg7[%dma_wait3A_754, %dma_wait3A_755] : memref<600x64xf32, #tpu.memory_space<vmem_shared>> -> memref<600x64xf32, #tpu.memory_space<vmem_shared>>
      tpu.wait_indirect_dma semaphore(%arg27 : memref<!tpu.dma_semaphore, #tpu.memory_space<semaphore_mem>>) src(%dma_wait3A_756 : memref<600x64xf32, #tpu.memory_space<vmem_shared>>) dst(%dma_wait3A_750 : memref<256x64xf32, #tpu.memory_space<vmem>>)
      %mul3A_757 = arith.constant 256 : i32
      %mul3A_758 = arith.muli %add3A_707, %mul3A_757 : i32
      %add3A_759 = arith.addi %mul3A_2, %mul3A_758 : i32
      %dma_start3A_760 = arith.constant 0 : i32
      %dma_start3A_761 = arith.constant 0 : i32
      %dma_start3A_762 = arith.constant 0 : i32
      %dma_start3A_763 = tpu.memref_slice %arg11[%dma_start3A_760, %dma_start3A_761, %dma_start3A_762] : memref<5x256x64xf32, #tpu.memory_space<vmem>> -> memref<1x256x64xf32, #tpu.memory_space<vmem>>
      %dma_start3A_764 = tpu.memref_squeeze %dma_start3A_763 : memref<1x256x64xf32, #tpu.memory_space<vmem>> -> memref<256x64xf32, #tpu.memory_space<vmem>>
      %dma_start3A_765 = arith.constant 0 : i32
      %dma_start3A_766 = tpu.memref_slice %arg6[%add3A_759, %dma_start3A_765] : memref<819200x64xf32, #tpu.memory_space<hbm>> -> memref<256x64xf32, #tpu.memory_space<hbm>>
      %dma_start3A_767 = arith.constant 0 : i32
      %dma_start3A_768 = tpu.memref_slice %arg6[%add3A_759, %dma_start3A_767] : memref<819200x64xf32, #tpu.memory_space<hbm>> -> memref<256x64xf32, #tpu.memory_space<hbm>>
      %dma_start3A_769 = arith.constant 0 : i32
      %dma_start3A_770 = arith.constant 0 : i32
      %dma_start3A_771 = tpu.memref_slice %arg11[%dma_start3A_760, %dma_start3A_769, %dma_start3A_770] : memref<5x256x64xf32, #tpu.memory_space<vmem>> -> memref<1x256x64xf32, #tpu.memory_space<vmem>>
      %dma_start3A_772 = tpu.memref_squeeze %dma_start3A_771 : memref<1x256x64xf32, #tpu.memory_space<vmem>> -> memref<256x64xf32, #tpu.memory_space<vmem>>
      tpu.enqueue_dma source(%dma_start3A_772 : memref<256x64xf32, #tpu.memory_space<vmem>>) target(%dma_start3A_768 : memref<256x64xf32, #tpu.memory_space<hbm>>) target_semaphore(%arg17 : memref<!tpu.dma_semaphore, #tpu.memory_space<semaphore_mem>>)
      %add3A_773 = arith.constant 1 : i32
      %add3A_774 = arith.addi %add3A_705, %add3A_773 : i32
      %add3A_775 = arith.constant 2 : i32
      %add3A_776 = arith.addi %add3A_774, %add3A_775 : i32
      %lt3A_777 = arith.constant 100 : i32
      %lt3A_778 = arith.cmpi slt, %add3A_776, %lt3A_777 : i32
      %convert_element_type3A_779 = arith.extui %lt3A_778 : i1 to i32
      %cond3A_780 = arith.constant 0 : i32
      %cond3A_781 = arith.cmpi ne, %convert_element_type3A_779, %cond3A_780 : i32
      scf.if %cond3A_781 {
        %add3A_1045 = arith.constant 2 : i32
        %add3A_1046 = arith.addi %add3A_774, %add3A_1045 : i32
        %mul3A_1047 = arith.constant 256 : i32
        %mul3A_1048 = arith.muli %add3A_1046, %mul3A_1047 : i32
        %add3A_1049 = arith.addi %mul3A_2, %mul3A_1048 : i32
        %dma_start3A_1050 = arith.constant 3 : i32
        %dma_start3A_1051 = arith.constant 0 : i32
        %dma_start3A_1052 = tpu.memref_slice %arg8[%dma_start3A_1050, %dma_start3A_1051] : memref<5x256xi32, #tpu.memory_space<vmem>> -> memref<1x256xi32, #tpu.memory_space<vmem>>
        %dma_start3A_1053 = tpu.memref_squeeze %dma_start3A_1052 : memref<1x256xi32, #tpu.memory_space<vmem>> -> memref<256xi32, #tpu.memory_space<vmem>>
        %dma_start3A_1054 = tpu.memref_slice %arg2[%add3A_1049] : memref<819200xi32, #tpu.memory_space<hbm>> -> memref<256xi32, #tpu.memory_space<hbm>>
        %dma_start3A_1055 = arith.constant 0 : i32
        %dma_start3A_1056 = tpu.memref_slice %arg8[%dma_start3A_1050, %dma_start3A_1055] : memref<5x256xi32, #tpu.memory_space<vmem>> -> memref<1x256xi32, #tpu.memory_space<vmem>>
        %dma_start3A_1057 = tpu.memref_squeeze %dma_start3A_1056 : memref<1x256xi32, #tpu.memory_space<vmem>> -> memref<256xi32, #tpu.memory_space<vmem>>
        %dma_start3A_1058 = tpu.memref_slice %arg2[%add3A_1049] : memref<819200xi32, #tpu.memory_space<hbm>> -> memref<256xi32, #tpu.memory_space<hbm>>
        tpu.enqueue_dma source(%dma_start3A_1058 : memref<256xi32, #tpu.memory_space<hbm>>) target(%dma_start3A_1057 : memref<256xi32, #tpu.memory_space<vmem>>) target_semaphore(%arg25 : memref<!tpu.dma_semaphore, #tpu.memory_space<semaphore_mem>>)
        %dma_start3A_1059 = arith.constant 3 : i32
        %dma_start3A_1060 = arith.constant 0 : i32
        %dma_start3A_1061 = tpu.memref_slice %arg9[%dma_start3A_1059, %dma_start3A_1060] : memref<5x256xi32, #tpu.memory_space<vmem>> -> memref<1x256xi32, #tpu.memory_space<vmem>>
        %dma_start3A_1062 = tpu.memref_squeeze %dma_start3A_1061 : memref<1x256xi32, #tpu.memory_space<vmem>> -> memref<256xi32, #tpu.memory_space<vmem>>
        %dma_start3A_1063 = tpu.memref_slice %arg3[%add3A_1049] : memref<819200xi32, #tpu.memory_space<hbm>> -> memref<256xi32, #tpu.memory_space<hbm>>
        %dma_start3A_1064 = arith.constant 0 : i32
        %dma_start3A_1065 = tpu.memref_slice %arg9[%dma_start3A_1059, %dma_start3A_1064] : memref<5x256xi32, #tpu.memory_space<vmem>> -> memref<1x256xi32, #tpu.memory_space<vmem>>
        %dma_start3A_1066 = tpu.memref_squeeze %dma_start3A_1065 : memref<1x256xi32, #tpu.memory_space<vmem>> -> memref<256xi32, #tpu.memory_space<vmem>>
        %dma_start3A_1067 = tpu.memref_slice %arg3[%add3A_1049] : memref<819200xi32, #tpu.memory_space<hbm>> -> memref<256xi32, #tpu.memory_space<hbm>>
        tpu.enqueue_dma source(%dma_start3A_1067 : memref<256xi32, #tpu.memory_space<hbm>>) target(%dma_start3A_1066 : memref<256xi32, #tpu.memory_space<vmem>>) target_semaphore(%arg25 : memref<!tpu.dma_semaphore, #tpu.memory_space<semaphore_mem>>)
      } else {
      }
      %add3A_782 = arith.constant 1 : i32
      %add3A_783 = arith.addi %add3A_774, %add3A_782 : i32
      %lt3A_784 = arith.constant 100 : i32
      %lt3A_785 = arith.cmpi slt, %add3A_783, %lt3A_784 : i32
      %convert_element_type3A_786 = arith.extui %lt3A_785 : i1 to i32
      %cond3A_787 = arith.constant 0 : i32
      %cond3A_788 = arith.cmpi ne, %convert_element_type3A_786, %cond3A_787 : i32
      scf.if %cond3A_788 {
        %add3A_1045 = arith.constant 1 : i32
        %add3A_1046 = arith.addi %add3A_774, %add3A_1045 : i32
        %mul3A_1047 = arith.constant 256 : i32
        %mul3A_1048 = arith.muli %add3A_1046, %mul3A_1047 : i32
        %add3A_1049 = arith.addi %mul3A_2, %mul3A_1048 : i32
        %dma_wait3A_1050 = arith.constant 2 : i32
        %dma_wait3A_1051 = arith.constant 0 : i32
        %dma_wait3A_1052 = tpu.memref_slice %arg8[%dma_wait3A_1050, %dma_wait3A_1051] : memref<5x256xi32, #tpu.memory_space<vmem>> -> memref<1x256xi32, #tpu.memory_space<vmem>>
        %dma_wait3A_1053 = tpu.memref_squeeze %dma_wait3A_1052 : memref<1x256xi32, #tpu.memory_space<vmem>> -> memref<256xi32, #tpu.memory_space<vmem>>
        %dma_wait3A_1054 = tpu.memref_slice %arg2[%add3A_1049] : memref<819200xi32, #tpu.memory_space<hbm>> -> memref<256xi32, #tpu.memory_space<hbm>>
        %dma_wait3A_1055 = arith.constant 0 : i32
        %dma_wait3A_1056 = tpu.memref_slice %arg8[%dma_wait3A_1050, %dma_wait3A_1055] : memref<5x256xi32, #tpu.memory_space<vmem>> -> memref<1x256xi32, #tpu.memory_space<vmem>>
        %dma_wait3A_1057 = tpu.memref_squeeze %dma_wait3A_1056 : memref<1x256xi32, #tpu.memory_space<vmem>> -> memref<256xi32, #tpu.memory_space<vmem>>
        %dma_wait3A_1058 = tpu.memref_slice %arg2[%add3A_1049] : memref<819200xi32, #tpu.memory_space<hbm>> -> memref<256xi32, #tpu.memory_space<hbm>>
        tpu.wait_dma2 semaphore(%arg24 : memref<!tpu.dma_semaphore, #tpu.memory_space<semaphore_mem>>) src(%dma_wait3A_1058 : memref<256xi32, #tpu.memory_space<hbm>>) dst(%dma_wait3A_1057 : memref<256xi32, #tpu.memory_space<vmem>>)
        %dma_wait3A_1059 = arith.constant 2 : i32
        %dma_wait3A_1060 = arith.constant 0 : i32
        %dma_wait3A_1061 = tpu.memref_slice %arg9[%dma_wait3A_1059, %dma_wait3A_1060] : memref<5x256xi32, #tpu.memory_space<vmem>> -> memref<1x256xi32, #tpu.memory_space<vmem>>
        %dma_wait3A_1062 = tpu.memref_squeeze %dma_wait3A_1061 : memref<1x256xi32, #tpu.memory_space<vmem>> -> memref<256xi32, #tpu.memory_space<vmem>>
        %dma_wait3A_1063 = tpu.memref_slice %arg3[%add3A_1049] : memref<819200xi32, #tpu.memory_space<hbm>> -> memref<256xi32, #tpu.memory_space<hbm>>
        %dma_wait3A_1064 = arith.constant 0 : i32
        %dma_wait3A_1065 = tpu.memref_slice %arg9[%dma_wait3A_1059, %dma_wait3A_1064] : memref<5x256xi32, #tpu.memory_space<vmem>> -> memref<1x256xi32, #tpu.memory_space<vmem>>
        %dma_wait3A_1066 = tpu.memref_squeeze %dma_wait3A_1065 : memref<1x256xi32, #tpu.memory_space<vmem>> -> memref<256xi32, #tpu.memory_space<vmem>>
        %dma_wait3A_1067 = tpu.memref_slice %arg3[%add3A_1049] : memref<819200xi32, #tpu.memory_space<hbm>> -> memref<256xi32, #tpu.memory_space<hbm>>
        tpu.wait_dma2 semaphore(%arg24 : memref<!tpu.dma_semaphore, #tpu.memory_space<semaphore_mem>>) src(%dma_wait3A_1067 : memref<256xi32, #tpu.memory_space<hbm>>) dst(%dma_wait3A_1066 : memref<256xi32, #tpu.memory_space<vmem>>)
        %mul3A_1068 = arith.constant 256 : i32
        %mul3A_1069 = arith.muli %add3A_1046, %mul3A_1068 : i32
        %add3A_1070 = arith.addi %mul3A_2, %mul3A_1069 : i32
        %add3A_1071 = arith.constant 0 : i32
        %add3A_1072 = arith.addi %add3A_1070, %add3A_1071 : i32
        %add3A_1073 = vector.broadcast %add3A_1072 : i32 to vector<16xi32>
        %add3A_1074 = arith.addi %add3A_1073, %iota3A : vector<16xi32>
        %rem3A_1075 = arith.constant 200 : i32
        %rem3A_1076 = vector.broadcast %rem3A_1075 : i32 to vector<16xi32>
        %rem3A_1077 = arith.remsi %add3A_1074, %rem3A_1076 : vector<16xi32>
        %get3A_1078 = arith.constant 2 : i32
        %get3A_1079 = arith.index_cast %get3A_1078 : i32 to index
        %get3A_1080 = arith.constant 0 : index
        %get3A_1081 = tpu.vector_load %arg9[%get3A_1079, %get3A_1080] {strides = array<i32>} : memref<5x256xi32, #tpu.memory_space<vmem>>, vector<1x16xi32>,
        %get3A_1082 = vector.shape_cast %get3A_1081 : vector<1x16xi32> to vector<16xi32>
        %mul3A_1083 = arith.constant 3 : i32
        %mul3A_1084 = vector.broadcast %mul3A_1083 : i32 to vector<16xi32>
        %mul3A_1085 = arith.muli %rem3A_1077, %mul3A_1084 : vector<16xi32>
        %add3A_1086 = arith.addi %mul3A_1085, %get3A_1082 : vector<16xi32>
        %swap3A_1087 = arith.constant 2 : i32
        %swap3A_1088 = arith.index_cast %swap3A_1087 : i32 to index
        %swap3A_1089 = arith.constant 0 : index
        %swap3A_1090 = tpu.vector_load %arg10[%swap3A_1088, %swap3A_1089] {strides = array<i32>} : memref<5x256xi32, #tpu.memory_space<vmem>>, vector<1x16xi32>,
        %swap3A_1091 = vector.shape_cast %swap3A_1090 : vector<1x16xi32> to vector<16xi32>
        %swap3A_1092 = vector.shape_cast %add3A_1086 : vector<16xi32> to vector<1x16xi32>
        tpu.vector_store %arg10[%swap3A_1088, %swap3A_1089], %swap3A_1092 {strides = array<i32>} : memref<5x256xi32, #tpu.memory_space<vmem>>, vector<1x16xi32>,
        %add3A_1093 = arith.constant 16 : i32
        %add3A_1094 = arith.addi %add3A_1070, %add3A_1093 : i32
        %add3A_1095 = vector.broadcast %add3A_1094 : i32 to vector<16xi32>
        %add3A_1096 = arith.addi %add3A_1095, %iota3A : vector<16xi32>
        %rem3A_1097 = arith.constant 200 : i32
        %rem3A_1098 = vector.broadcast %rem3A_1097 : i32 to vector<16xi32>
        %rem3A_1099 = arith.remsi %add3A_1096, %rem3A_1098 : vector<16xi32>
        %get3A_1100 = arith.constant 2 : i32
        %get3A_1101 = arith.index_cast %get3A_1100 : i32 to index
        %get3A_1102 = arith.constant 16 : index
        %get3A_1103 = tpu.vector_load %arg9[%get3A_1101, %get3A_1102] {strides = array<i32>} : memref<5x256xi32, #tpu.memory_space<vmem>>, vector<1x16xi32>,
        %get3A_1104 = vector.shape_cast %get3A_1103 : vector<1x16xi32> to vector<16xi32>
        %mul3A_1105 = arith.constant 3 : i32
        %mul3A_1106 = vector.broadcast %mul3A_1105 : i32 to vector<16xi32>
        %mul3A_1107 = arith.muli %rem3A_1099, %mul3A_1106 : vector<16xi32>
        %add3A_1108 = arith.addi %mul3A_1107, %get3A_1104 : vector<16xi32>
        %swap3A_1109 = arith.constant 2 : i32
        %swap3A_1110 = arith.index_cast %swap3A_1109 : i32 to index
        %swap3A_1111 = arith.constant 16 : index
        %swap3A_1112 = tpu.vector_load %arg10[%swap3A_1110, %swap3A_1111] {strides = array<i32>} : memref<5x256xi32, #tpu.memory_space<vmem>>, vector<1x16xi32>,
        %swap3A_1113 = vector.shape_cast %swap3A_1112 : vector<1x16xi32> to vector<16xi32>
        %swap3A_1114 = vector.shape_cast %add3A_1108 : vector<16xi32> to vector<1x16xi32>
        tpu.vector_store %arg10[%swap3A_1110, %swap3A_1111], %swap3A_1114 {strides = array<i32>} : memref<5x256xi32, #tpu.memory_space<vmem>>, vector<1x16xi32>,
        %add3A_1115 = arith.constant 32 : i32
        %add3A_1116 = arith.addi %add3A_1070, %add3A_1115 : i32
        %add3A_1117 = vector.broadcast %add3A_1116 : i32 to vector<16xi32>
        %add3A_1118 = arith.addi %add3A_1117, %iota3A : vector<16xi32>
        %rem3A_1119 = arith.constant 200 : i32
        %rem3A_1120 = vector.broadcast %rem3A_1119 : i32 to vector<16xi32>
        %rem3A_1121 = arith.remsi %add3A_1118, %rem3A_1120 : vector<16xi32>
        %get3A_1122 = arith.constant 2 : i32
        %get3A_1123 = arith.index_cast %get3A_1122 : i32 to index
        %get3A_1124 = arith.constant 32 : index
        %get3A_1125 = tpu.vector_load %arg9[%get3A_1123, %get3A_1124] {strides = array<i32>} : memref<5x256xi32, #tpu.memory_space<vmem>>, vector<1x16xi32>,
        %get3A_1126 = vector.shape_cast %get3A_1125 : vector<1x16xi32> to vector<16xi32>
        %mul3A_1127 = arith.constant 3 : i32
        %mul3A_1128 = vector.broadcast %mul3A_1127 : i32 to vector<16xi32>
        %mul3A_1129 = arith.muli %rem3A_1121, %mul3A_1128 : vector<16xi32>
        %add3A_1130 = arith.addi %mul3A_1129, %get3A_1126 : vector<16xi32>
        %swap3A_1131 = arith.constant 2 : i32
        %swap3A_1132 = arith.index_cast %swap3A_1131 : i32 to index
        %swap3A_1133 = arith.constant 32 : index
        %swap3A_1134 = tpu.vector_load %arg10[%swap3A_1132, %swap3A_1133] {strides = array<i32>} : memref<5x256xi32, #tpu.memory_space<vmem>>, vector<1x16xi32>,
        %swap3A_1135 = vector.shape_cast %swap3A_1134 : vector<1x16xi32> to vector<16xi32>
        %swap3A_1136 = vector.shape_cast %add3A_1130 : vector<16xi32> to vector<1x16xi32>
        tpu.vector_store %arg10[%swap3A_1132, %swap3A_1133], %swap3A_1136 {strides = array<i32>} : memref<5x256xi32, #tpu.memory_space<vmem>>, vector<1x16xi32>,
        %add3A_1137 = arith.constant 48 : i32
        %add3A_1138 = arith.addi %add3A_1070, %add3A_1137 : i32
        %add3A_1139 = vector.broadcast %add3A_1138 : i32 to vector<16xi32>
        %add3A_1140 = arith.addi %add3A_1139, %iota3A : vector<16xi32>
        %rem3A_1141 = arith.constant 200 : i32
        %rem3A_1142 = vector.broadcast %rem3A_1141 : i32 to vector<16xi32>
        %rem3A_1143 = arith.remsi %add3A_1140, %rem3A_1142 : vector<16xi32>
        %get3A_1144 = arith.constant 2 : i32
        %get3A_1145 = arith.index_cast %get3A_1144 : i32 to index
        %get3A_1146 = arith.constant 48 : index
        %get3A_1147 = tpu.vector_load %arg9[%get3A_1145, %get3A_1146] {strides = array<i32>} : memref<5x256xi32, #tpu.memory_space<vmem>>, vector<1x16xi32>,
        %get3A_1148 = vector.shape_cast %get3A_1147 : vector<1x16xi32> to vector<16xi32>
        %mul3A_1149 = arith.constant 3 : i32
        %mul3A_1150 = vector.broadcast %mul3A_1149 : i32 to vector<16xi32>
        %mul3A_1151 = arith.muli %rem3A_1143, %mul3A_1150 : vector<16xi32>
        %add3A_1152 = arith.addi %mul3A_1151, %get3A_1148 : vector<16xi32>
        %swap3A_1153 = arith.constant 2 : i32
        %swap3A_1154 = arith.index_cast %swap3A_1153 : i32 to index
        %swap3A_1155 = arith.constant 48 : index
        %swap3A_1156 = tpu.vector_load %arg10[%swap3A_1154, %swap3A_1155] {strides = array<i32>} : memref<5x256xi32, #tpu.memory_space<vmem>>, vector<1x16xi32>,
        %swap3A_1157 = vector.shape_cast %swap3A_1156 : vector<1x16xi32> to vector<16xi32>
        %swap3A_1158 = vector.shape_cast %add3A_1152 : vector<16xi32> to vector<1x16xi32>
        tpu.vector_store %arg10[%swap3A_1154, %swap3A_1155], %swap3A_1158 {strides = array<i32>} : memref<5x256xi32, #tpu.memory_space<vmem>>, vector<1x16xi32>,
        %add3A_1159 = arith.constant 64 : i32
        %add3A_1160 = arith.addi %add3A_1070, %add3A_1159 : i32
        %add3A_1161 = vector.broadcast %add3A_1160 : i32 to vector<16xi32>
        %add3A_1162 = arith.addi %add3A_1161, %iota3A : vector<16xi32>
        %rem3A_1163 = arith.constant 200 : i32
        %rem3A_1164 = vector.broadcast %rem3A_1163 : i32 to vector<16xi32>
        %rem3A_1165 = arith.remsi %add3A_1162, %rem3A_1164 : vector<16xi32>
        %get3A_1166 = arith.constant 2 : i32
        %get3A_1167 = arith.index_cast %get3A_1166 : i32 to index
        %get3A_1168 = arith.constant 64 : index
        %get3A_1169 = tpu.vector_load %arg9[%get3A_1167, %get3A_1168] {strides = array<i32>} : memref<5x256xi32, #tpu.memory_space<vmem>>, vector<1x16xi32>,
        %get3A_1170 = vector.shape_cast %get3A_1169 : vector<1x16xi32> to vector<16xi32>
        %mul3A_1171 = arith.constant 3 : i32
        %mul3A_1172 = vector.broadcast %mul3A_1171 : i32 to vector<16xi32>
        %mul3A_1173 = arith.muli %rem3A_1165, %mul3A_1172 : vector<16xi32>
        %add3A_1174 = arith.addi %mul3A_1173, %get3A_1170 : vector<16xi32>
        %swap3A_1175 = arith.constant 2 : i32
        %swap3A_1176 = arith.index_cast %swap3A_1175 : i32 to index
        %swap3A_1177 = arith.constant 64 : index
        %swap3A_1178 = tpu.vector_load %arg10[%swap3A_1176, %swap3A_1177] {strides = array<i32>} : memref<5x256xi32, #tpu.memory_space<vmem>>, vector<1x16xi32>,
        %swap3A_1179 = vector.shape_cast %swap3A_1178 : vector<1x16xi32> to vector<16xi32>
        %swap3A_1180 = vector.shape_cast %add3A_1174 : vector<16xi32> to vector<1x16xi32>
        tpu.vector_store %arg10[%swap3A_1176, %swap3A_1177], %swap3A_1180 {strides = array<i32>} : memref<5x256xi32, #tpu.memory_space<vmem>>, vector<1x16xi32>,
        %add3A_1181 = arith.constant 80 : i32
        %add3A_1182 = arith.addi %add3A_1070, %add3A_1181 : i32
        %add3A_1183 = vector.broadcast %add3A_1182 : i32 to vector<16xi32>
        %add3A_1184 = arith.addi %add3A_1183, %iota3A : vector<16xi32>
        %rem3A_1185 = arith.constant 200 : i32
        %rem3A_1186 = vector.broadcast %rem3A_1185 : i32 to vector<16xi32>
        %rem3A_1187 = arith.remsi %add3A_1184, %rem3A_1186 : vector<16xi32>
        %get3A_1188 = arith.constant 2 : i32
        %get3A_1189 = arith.index_cast %get3A_1188 : i32 to index
        %get3A_1190 = arith.constant 80 : index
        %get3A_1191 = tpu.vector_load %arg9[%get3A_1189, %get3A_1190] {strides = array<i32>} : memref<5x256xi32, #tpu.memory_space<vmem>>, vector<1x16xi32>,
        %get3A_1192 = vector.shape_cast %get3A_1191 : vector<1x16xi32> to vector<16xi32>
        %mul3A_1193 = arith.constant 3 : i32
        %mul3A_1194 = vector.broadcast %mul3A_1193 : i32 to vector<16xi32>
        %mul3A_1195 = arith.muli %rem3A_1187, %mul3A_1194 : vector<16xi32>
        %add3A_1196 = arith.addi %mul3A_1195, %get3A_1192 : vector<16xi32>
        %swap3A_1197 = arith.constant 2 : i32
        %swap3A_1198 = arith.index_cast %swap3A_1197 : i32 to index
        %swap3A_1199 = arith.constant 80 : index
        %swap3A_1200 = tpu.vector_load %arg10[%swap3A_1198, %swap3A_1199] {strides = array<i32>} : memref<5x256xi32, #tpu.memory_space<vmem>>, vector<1x16xi32>,
        %swap3A_1201 = vector.shape_cast %swap3A_1200 : vector<1x16xi32> to vector<16xi32>
        %swap3A_1202 = vector.shape_cast %add3A_1196 : vector<16xi32> to vector<1x16xi32>
        tpu.vector_store %arg10[%swap3A_1198, %swap3A_1199], %swap3A_1202 {strides = array<i32>} : memref<5x256xi32, #tpu.memory_space<vmem>>, vector<1x16xi32>,
        %add3A_1203 = arith.constant 96 : i32
        %add3A_1204 = arith.addi %add3A_1070, %add3A_1203 : i32
        %add3A_1205 = vector.broadcast %add3A_1204 : i32 to vector<16xi32>
        %add3A_1206 = arith.addi %add3A_1205, %iota3A : vector<16xi32>
        %rem3A_1207 = arith.constant 200 : i32
        %rem3A_1208 = vector.broadcast %rem3A_1207 : i32 to vector<16xi32>
        %rem3A_1209 = arith.remsi %add3A_1206, %rem3A_1208 : vector<16xi32>
        %get3A_1210 = arith.constant 2 : i32
        %get3A_1211 = arith.index_cast %get3A_1210 : i32 to index
        %get3A_1212 = arith.constant 96 : index
        %get3A_1213 = tpu.vector_load %arg9[%get3A_1211, %get3A_1212] {strides = array<i32>} : memref<5x256xi32, #tpu.memory_space<vmem>>, vector<1x16xi32>,
        %get3A_1214 = vector.shape_cast %get3A_1213 : vector<1x16xi32> to vector<16xi32>
        %mul3A_1215 = arith.constant 3 : i32
        %mul3A_1216 = vector.broadcast %mul3A_1215 : i32 to vector<16xi32>
        %mul3A_1217 = arith.muli %rem3A_1209, %mul3A_1216 : vector<16xi32>
        %add3A_1218 = arith.addi %mul3A_1217, %get3A_1214 : vector<16xi32>
        %swap3A_1219 = arith.constant 2 : i32
        %swap3A_1220 = arith.index_cast %swap3A_1219 : i32 to index
        %swap3A_1221 = arith.constant 96 : index
        %swap3A_1222 = tpu.vector_load %arg10[%swap3A_1220, %swap3A_1221] {strides = array<i32>} : memref<5x256xi32, #tpu.memory_space<vmem>>, vector<1x16xi32>,
        %swap3A_1223 = vector.shape_cast %swap3A_1222 : vector<1x16xi32> to vector<16xi32>
        %swap3A_1224 = vector.shape_cast %add3A_1218 : vector<16xi32> to vector<1x16xi32>
        tpu.vector_store %arg10[%swap3A_1220, %swap3A_1221], %swap3A_1224 {strides = array<i32>} : memref<5x256xi32, #tpu.memory_space<vmem>>, vector<1x16xi32>,
        %add3A_1225 = arith.constant 112 : i32
        %add3A_1226 = arith.addi %add3A_1070, %add3A_1225 : i32
        %add3A_1227 = vector.broadcast %add3A_1226 : i32 to vector<16xi32>
        %add3A_1228 = arith.addi %add3A_1227, %iota3A : vector<16xi32>
        %rem3A_1229 = arith.constant 200 : i32
        %rem3A_1230 = vector.broadcast %rem3A_1229 : i32 to vector<16xi32>
        %rem3A_1231 = arith.remsi %add3A_1228, %rem3A_1230 : vector<16xi32>
        %get3A_1232 = arith.constant 2 : i32
        %get3A_1233 = arith.index_cast %get3A_1232 : i32 to index
        %get3A_1234 = arith.constant 112 : index
        %get3A_1235 = tpu.vector_load %arg9[%get3A_1233, %get3A_1234] {strides = array<i32>} : memref<5x256xi32, #tpu.memory_space<vmem>>, vector<1x16xi32>,
        %get3A_1236 = vector.shape_cast %get3A_1235 : vector<1x16xi32> to vector<16xi32>
        %mul3A_1237 = arith.constant 3 : i32
        %mul3A_1238 = vector.broadcast %mul3A_1237 : i32 to vector<16xi32>
        %mul3A_1239 = arith.muli %rem3A_1231, %mul3A_1238 : vector<16xi32>
        %add3A_1240 = arith.addi %mul3A_1239, %get3A_1236 : vector<16xi32>
        %swap3A_1241 = arith.constant 2 : i32
        %swap3A_1242 = arith.index_cast %swap3A_1241 : i32 to index
        %swap3A_1243 = arith.constant 112 : index
        %swap3A_1244 = tpu.vector_load %arg10[%swap3A_1242, %swap3A_1243] {strides = array<i32>} : memref<5x256xi32, #tpu.memory_space<vmem>>, vector<1x16xi32>,
        %swap3A_1245 = vector.shape_cast %swap3A_1244 : vector<1x16xi32> to vector<16xi32>
        %swap3A_1246 = vector.shape_cast %add3A_1240 : vector<16xi32> to vector<1x16xi32>
        tpu.vector_store %arg10[%swap3A_1242, %swap3A_1243], %swap3A_1246 {strides = array<i32>} : memref<5x256xi32, #tpu.memory_space<vmem>>, vector<1x16xi32>,
        %add3A_1247 = arith.constant 128 : i32
        %add3A_1248 = arith.addi %add3A_1070, %add3A_1247 : i32
        %add3A_1249 = vector.broadcast %add3A_1248 : i32 to vector<16xi32>
        %add3A_1250 = arith.addi %add3A_1249, %iota3A : vector<16xi32>
        %rem3A_1251 = arith.constant 200 : i32
        %rem3A_1252 = vector.broadcast %rem3A_1251 : i32 to vector<16xi32>
        %rem3A_1253 = arith.remsi %add3A_1250, %rem3A_1252 : vector<16xi32>
        %get3A_1254 = arith.constant 2 : i32
        %get3A_1255 = arith.index_cast %get3A_1254 : i32 to index
        %get3A_1256 = arith.constant 128 : index
        %get3A_1257 = tpu.vector_load %arg9[%get3A_1255, %get3A_1256] {strides = array<i32>} : memref<5x256xi32, #tpu.memory_space<vmem>>, vector<1x16xi32>,
        %get3A_1258 = vector.shape_cast %get3A_1257 : vector<1x16xi32> to vector<16xi32>
        %mul3A_1259 = arith.constant 3 : i32
        %mul3A_1260 = vector.broadcast %mul3A_1259 : i32 to vector<16xi32>
        %mul3A_1261 = arith.muli %rem3A_1253, %mul3A_1260 : vector<16xi32>
        %add3A_1262 = arith.addi %mul3A_1261, %get3A_1258 : vector<16xi32>
        %swap3A_1263 = arith.constant 2 : i32
        %swap3A_1264 = arith.index_cast %swap3A_1263 : i32 to index
        %swap3A_1265 = arith.constant 128 : index
        %swap3A_1266 = tpu.vector_load %arg10[%swap3A_1264, %swap3A_1265] {strides = array<i32>} : memref<5x256xi32, #tpu.memory_space<vmem>>, vector<1x16xi32>,
        %swap3A_1267 = vector.shape_cast %swap3A_1266 : vector<1x16xi32> to vector<16xi32>
        %swap3A_1268 = vector.shape_cast %add3A_1262 : vector<16xi32> to vector<1x16xi32>
        tpu.vector_store %arg10[%swap3A_1264, %swap3A_1265], %swap3A_1268 {strides = array<i32>} : memref<5x256xi32, #tpu.memory_space<vmem>>, vector<1x16xi32>,
        %add3A_1269 = arith.constant 144 : i32
        %add3A_1270 = arith.addi %add3A_1070, %add3A_1269 : i32
        %add3A_1271 = vector.broadcast %add3A_1270 : i32 to vector<16xi32>
        %add3A_1272 = arith.addi %add3A_1271, %iota3A : vector<16xi32>
        %rem3A_1273 = arith.constant 200 : i32
        %rem3A_1274 = vector.broadcast %rem3A_1273 : i32 to vector<16xi32>
        %rem3A_1275 = arith.remsi %add3A_1272, %rem3A_1274 : vector<16xi32>
        %get3A_1276 = arith.constant 2 : i32
        %get3A_1277 = arith.index_cast %get3A_1276 : i32 to index
        %get3A_1278 = arith.constant 144 : index
        %get3A_1279 = tpu.vector_load %arg9[%get3A_1277, %get3A_1278] {strides = array<i32>} : memref<5x256xi32, #tpu.memory_space<vmem>>, vector<1x16xi32>,
        %get3A_1280 = vector.shape_cast %get3A_1279 : vector<1x16xi32> to vector<16xi32>
        %mul3A_1281 = arith.constant 3 : i32
        %mul3A_1282 = vector.broadcast %mul3A_1281 : i32 to vector<16xi32>
        %mul3A_1283 = arith.muli %rem3A_1275, %mul3A_1282 : vector<16xi32>
        %add3A_1284 = arith.addi %mul3A_1283, %get3A_1280 : vector<16xi32>
        %swap3A_1285 = arith.constant 2 : i32
        %swap3A_1286 = arith.index_cast %swap3A_1285 : i32 to index
        %swap3A_1287 = arith.constant 144 : index
        %swap3A_1288 = tpu.vector_load %arg10[%swap3A_1286, %swap3A_1287] {strides = array<i32>} : memref<5x256xi32, #tpu.memory_space<vmem>>, vector<1x16xi32>,
        %swap3A_1289 = vector.shape_cast %swap3A_1288 : vector<1x16xi32> to vector<16xi32>
        %swap3A_1290 = vector.shape_cast %add3A_1284 : vector<16xi32> to vector<1x16xi32>
        tpu.vector_store %arg10[%swap3A_1286, %swap3A_1287], %swap3A_1290 {strides = array<i32>} : memref<5x256xi32, #tpu.memory_space<vmem>>, vector<1x16xi32>,
        %add3A_1291 = arith.constant 160 : i32
        %add3A_1292 = arith.addi %add3A_1070, %add3A_1291 : i32
        %add3A_1293 = vector.broadcast %add3A_1292 : i32 to vector<16xi32>
        %add3A_1294 = arith.addi %add3A_1293, %iota3A : vector<16xi32>
        %rem3A_1295 = arith.constant 200 : i32
        %rem3A_1296 = vector.broadcast %rem3A_1295 : i32 to vector<16xi32>
        %rem3A_1297 = arith.remsi %add3A_1294, %rem3A_1296 : vector<16xi32>
        %get3A_1298 = arith.constant 2 : i32
        %get3A_1299 = arith.index_cast %get3A_1298 : i32 to index
        %get3A_1300 = arith.constant 160 : index
        %get3A_1301 = tpu.vector_load %arg9[%get3A_1299, %get3A_1300] {strides = array<i32>} : memref<5x256xi32, #tpu.memory_space<vmem>>, vector<1x16xi32>,
        %get3A_1302 = vector.shape_cast %get3A_1301 : vector<1x16xi32> to vector<16xi32>
        %mul3A_1303 = arith.constant 3 : i32
        %mul3A_1304 = vector.broadcast %mul3A_1303 : i32 to vector<16xi32>
        %mul3A_1305 = arith.muli %rem3A_1297, %mul3A_1304 : vector<16xi32>
        %add3A_1306 = arith.addi %mul3A_1305, %get3A_1302 : vector<16xi32>
        %swap3A_1307 = arith.constant 2 : i32
        %swap3A_1308 = arith.index_cast %swap3A_1307 : i32 to index
        %swap3A_1309 = arith.constant 160 : index
        %swap3A_1310 = tpu.vector_load %arg10[%swap3A_1308, %swap3A_1309] {strides = array<i32>} : memref<5x256xi32, #tpu.memory_space<vmem>>, vector<1x16xi32>,
        %swap3A_1311 = vector.shape_cast %swap3A_1310 : vector<1x16xi32> to vector<16xi32>
        %swap3A_1312 = vector.shape_cast %add3A_1306 : vector<16xi32> to vector<1x16xi32>
        tpu.vector_store %arg10[%swap3A_1308, %swap3A_1309], %swap3A_1312 {strides = array<i32>} : memref<5x256xi32, #tpu.memory_space<vmem>>, vector<1x16xi32>,
        %add3A_1313 = arith.constant 176 : i32
        %add3A_1314 = arith.addi %add3A_1070, %add3A_1313 : i32
        %add3A_1315 = vector.broadcast %add3A_1314 : i32 to vector<16xi32>
        %add3A_1316 = arith.addi %add3A_1315, %iota3A : vector<16xi32>
        %rem3A_1317 = arith.constant 200 : i32
        %rem3A_1318 = vector.broadcast %rem3A_1317 : i32 to vector<16xi32>
        %rem3A_1319 = arith.remsi %add3A_1316, %rem3A_1318 : vector<16xi32>
        %get3A_1320 = arith.constant 2 : i32
        %get3A_1321 = arith.index_cast %get3A_1320 : i32 to index
        %get3A_1322 = arith.constant 176 : index
        %get3A_1323 = tpu.vector_load %arg9[%get3A_1321, %get3A_1322] {strides = array<i32>} : memref<5x256xi32, #tpu.memory_space<vmem>>, vector<1x16xi32>,
        %get3A_1324 = vector.shape_cast %get3A_1323 : vector<1x16xi32> to vector<16xi32>
        %mul3A_1325 = arith.constant 3 : i32
        %mul3A_1326 = vector.broadcast %mul3A_1325 : i32 to vector<16xi32>
        %mul3A_1327 = arith.muli %rem3A_1319, %mul3A_1326 : vector<16xi32>
        %add3A_1328 = arith.addi %mul3A_1327, %get3A_1324 : vector<16xi32>
        %swap3A_1329 = arith.constant 2 : i32
        %swap3A_1330 = arith.index_cast %swap3A_1329 : i32 to index
        %swap3A_1331 = arith.constant 176 : index
        %swap3A_1332 = tpu.vector_load %arg10[%swap3A_1330, %swap3A_1331] {strides = array<i32>} : memref<5x256xi32, #tpu.memory_space<vmem>>, vector<1x16xi32>,
        %swap3A_1333 = vector.shape_cast %swap3A_1332 : vector<1x16xi32> to vector<16xi32>
        %swap3A_1334 = vector.shape_cast %add3A_1328 : vector<16xi32> to vector<1x16xi32>
        tpu.vector_store %arg10[%swap3A_1330, %swap3A_1331], %swap3A_1334 {strides = array<i32>} : memref<5x256xi32, #tpu.memory_space<vmem>>, vector<1x16xi32>,
        %add3A_1335 = arith.constant 192 : i32
        %add3A_1336 = arith.addi %add3A_1070, %add3A_1335 : i32
        %add3A_1337 = vector.broadcast %add3A_1336 : i32 to vector<16xi32>
        %add3A_1338 = arith.addi %add3A_1337, %iota3A : vector<16xi32>
        %rem3A_1339 = arith.constant 200 : i32
        %rem3A_1340 = vector.broadcast %rem3A_1339 : i32 to vector<16xi32>
        %rem3A_1341 = arith.remsi %add3A_1338, %rem3A_1340 : vector<16xi32>
        %get3A_1342 = arith.constant 2 : i32
        %get3A_1343 = arith.index_cast %get3A_1342 : i32 to index
        %get3A_1344 = arith.constant 192 : index
        %get3A_1345 = tpu.vector_load %arg9[%get3A_1343, %get3A_1344] {strides = array<i32>} : memref<5x256xi32, #tpu.memory_space<vmem>>, vector<1x16xi32>,
        %get3A_1346 = vector.shape_cast %get3A_1345 : vector<1x16xi32> to vector<16xi32>
        %mul3A_1347 = arith.constant 3 : i32
        %mul3A_1348 = vector.broadcast %mul3A_1347 : i32 to vector<16xi32>
        %mul3A_1349 = arith.muli %rem3A_1341, %mul3A_1348 : vector<16xi32>
        %add3A_1350 = arith.addi %mul3A_1349, %get3A_1346 : vector<16xi32>
        %swap3A_1351 = arith.constant 2 : i32
        %swap3A_1352 = arith.index_cast %swap3A_1351 : i32 to index
        %swap3A_1353 = arith.constant 192 : index
        %swap3A_1354 = tpu.vector_load %arg10[%swap3A_1352, %swap3A_1353] {strides = array<i32>} : memref<5x256xi32, #tpu.memory_space<vmem>>, vector<1x16xi32>,
        %swap3A_1355 = vector.shape_cast %swap3A_1354 : vector<1x16xi32> to vector<16xi32>
        %swap3A_1356 = vector.shape_cast %add3A_1350 : vector<16xi32> to vector<1x16xi32>
        tpu.vector_store %arg10[%swap3A_1352, %swap3A_1353], %swap3A_1356 {strides = array<i32>} : memref<5x256xi32, #tpu.memory_space<vmem>>, vector<1x16xi32>,
        %add3A_1357 = arith.constant 208 : i32
        %add3A_1358 = arith.addi %add3A_1070, %add3A_1357 : i32
        %add3A_1359 = vector.broadcast %add3A_1358 : i32 to vector<16xi32>
        %add3A_1360 = arith.addi %add3A_1359, %iota3A : vector<16xi32>
        %rem3A_1361 = arith.constant 200 : i32
        %rem3A_1362 = vector.broadcast %rem3A_1361 : i32 to vector<16xi32>
        %rem3A_1363 = arith.remsi %add3A_1360, %rem3A_1362 : vector<16xi32>
        %get3A_1364 = arith.constant 2 : i32
        %get3A_1365 = arith.index_cast %get3A_1364 : i32 to index
        %get3A_1366 = arith.constant 208 : index
        %get3A_1367 = tpu.vector_load %arg9[%get3A_1365, %get3A_1366] {strides = array<i32>} : memref<5x256xi32, #tpu.memory_space<vmem>>, vector<1x16xi32>,
        %get3A_1368 = vector.shape_cast %get3A_1367 : vector<1x16xi32> to vector<16xi32>
        %mul3A_1369 = arith.constant 3 : i32
        %mul3A_1370 = vector.broadcast %mul3A_1369 : i32 to vector<16xi32>
        %mul3A_1371 = arith.muli %rem3A_1363, %mul3A_1370 : vector<16xi32>
        %add3A_1372 = arith.addi %mul3A_1371, %get3A_1368 : vector<16xi32>
        %swap3A_1373 = arith.constant 2 : i32
        %swap3A_1374 = arith.index_cast %swap3A_1373 : i32 to index
        %swap3A_1375 = arith.constant 208 : index
        %swap3A_1376 = tpu.vector_load %arg10[%swap3A_1374, %swap3A_1375] {strides = array<i32>} : memref<5x256xi32, #tpu.memory_space<vmem>>, vector<1x16xi32>,
        %swap3A_1377 = vector.shape_cast %swap3A_1376 : vector<1x16xi32> to vector<16xi32>
        %swap3A_1378 = vector.shape_cast %add3A_1372 : vector<16xi32> to vector<1x16xi32>
        tpu.vector_store %arg10[%swap3A_1374, %swap3A_1375], %swap3A_1378 {strides = array<i32>} : memref<5x256xi32, #tpu.memory_space<vmem>>, vector<1x16xi32>,
        %add3A_1379 = arith.constant 224 : i32
        %add3A_1380 = arith.addi %add3A_1070, %add3A_1379 : i32
        %add3A_1381 = vector.broadcast %add3A_1380 : i32 to vector<16xi32>
        %add3A_1382 = arith.addi %add3A_1381, %iota3A : vector<16xi32>
        %rem3A_1383 = arith.constant 200 : i32
        %rem3A_1384 = vector.broadcast %rem3A_1383 : i32 to vector<16xi32>
        %rem3A_1385 = arith.remsi %add3A_1382, %rem3A_1384 : vector<16xi32>
        %get3A_1386 = arith.constant 2 : i32
        %get3A_1387 = arith.index_cast %get3A_1386 : i32 to index
        %get3A_1388 = arith.constant 224 : index
        %get3A_1389 = tpu.vector_load %arg9[%get3A_1387, %get3A_1388] {strides = array<i32>} : memref<5x256xi32, #tpu.memory_space<vmem>>, vector<1x16xi32>,
        %get3A_1390 = vector.shape_cast %get3A_1389 : vector<1x16xi32> to vector<16xi32>
        %mul3A_1391 = arith.constant 3 : i32
        %mul3A_1392 = vector.broadcast %mul3A_1391 : i32 to vector<16xi32>
        %mul3A_1393 = arith.muli %rem3A_1385, %mul3A_1392 : vector<16xi32>
        %add3A_1394 = arith.addi %mul3A_1393, %get3A_1390 : vector<16xi32>
        %swap3A_1395 = arith.constant 2 : i32
        %swap3A_1396 = arith.index_cast %swap3A_1395 : i32 to index
        %swap3A_1397 = arith.constant 224 : index
        %swap3A_1398 = tpu.vector_load %arg10[%swap3A_1396, %swap3A_1397] {strides = array<i32>} : memref<5x256xi32, #tpu.memory_space<vmem>>, vector<1x16xi32>,
        %swap3A_1399 = vector.shape_cast %swap3A_1398 : vector<1x16xi32> to vector<16xi32>
        %swap3A_1400 = vector.shape_cast %add3A_1394 : vector<16xi32> to vector<1x16xi32>
        tpu.vector_store %arg10[%swap3A_1396, %swap3A_1397], %swap3A_1400 {strides = array<i32>} : memref<5x256xi32, #tpu.memory_space<vmem>>, vector<1x16xi32>,
        %add3A_1401 = arith.constant 240 : i32
        %add3A_1402 = arith.addi %add3A_1070, %add3A_1401 : i32
        %add3A_1403 = vector.broadcast %add3A_1402 : i32 to vector<16xi32>
        %add3A_1404 = arith.addi %add3A_1403, %iota3A : vector<16xi32>
        %rem3A_1405 = arith.constant 200 : i32
        %rem3A_1406 = vector.broadcast %rem3A_1405 : i32 to vector<16xi32>
        %rem3A_1407 = arith.remsi %add3A_1404, %rem3A_1406 : vector<16xi32>
        %get3A_1408 = arith.constant 2 : i32
        %get3A_1409 = arith.index_cast %get3A_1408 : i32 to index
        %get3A_1410 = arith.constant 240 : index
        %get3A_1411 = tpu.vector_load %arg9[%get3A_1409, %get3A_1410] {strides = array<i32>} : memref<5x256xi32, #tpu.memory_space<vmem>>, vector<1x16xi32>,
        %get3A_1412 = vector.shape_cast %get3A_1411 : vector<1x16xi32> to vector<16xi32>
        %mul3A_1413 = arith.constant 3 : i32
        %mul3A_1414 = vector.broadcast %mul3A_1413 : i32 to vector<16xi32>
        %mul3A_1415 = arith.muli %rem3A_1407, %mul3A_1414 : vector<16xi32>
        %add3A_1416 = arith.addi %mul3A_1415, %get3A_1412 : vector<16xi32>
        %swap3A_1417 = arith.constant 2 : i32
        %swap3A_1418 = arith.index_cast %swap3A_1417 : i32 to index
        %swap3A_1419 = arith.constant 240 : index
        %swap3A_1420 = tpu.vector_load %arg10[%swap3A_1418, %swap3A_1419] {strides = array<i32>} : memref<5x256xi32, #tpu.memory_space<vmem>>, vector<1x16xi32>,
        %swap3A_1421 = vector.shape_cast %swap3A_1420 : vector<1x16xi32> to vector<16xi32>
        %swap3A_1422 = vector.shape_cast %add3A_1416 : vector<16xi32> to vector<1x16xi32>
        tpu.vector_store %arg10[%swap3A_1418, %swap3A_1419], %swap3A_1422 {strides = array<i32>} : memref<5x256xi32, #tpu.memory_space<vmem>>, vector<1x16xi32>,
        %add3A_1423 = arith.constant 1 : i32
        %add3A_1424 = arith.addi %add3A_774, %add3A_1423 : i32
        %ge3A = arith.constant 5 : i32
        %ge3A_1425 = arith.cmpi sge, %add3A_1424, %ge3A : i32
        %convert_element_type3A_1426 = arith.extui %ge3A_1425 : i1 to i32
        %cond3A_1427 = arith.constant 0 : i32
        %cond3A_1428 = arith.cmpi ne, %convert_element_type3A_1426, %cond3A_1427 : i32
        scf.if %cond3A_1428 {
          %add3A_1637 = arith.constant 1 : i32
          %add3A_1638 = arith.addi %add3A_774, %add3A_1637 : i32
          %sub3A = arith.constant 5 : i32
          %sub3A_1639 = arith.subi %add3A_1638, %sub3A : i32
          %mul3A_1640 = arith.constant 256 : i32
          %mul3A_1641 = arith.muli %sub3A_1639, %mul3A_1640 : i32
          %add3A_1642 = arith.addi %mul3A_2, %mul3A_1641 : i32
          %dma_wait3A_1643 = arith.constant 2 : i32
          %dma_wait3A_1644 = arith.constant 0 : i32
          %dma_wait3A_1645 = arith.constant 0 : i32
          %dma_wait3A_1646 = tpu.memref_slice %arg11[%dma_wait3A_1643, %dma_wait3A_1644, %dma_wait3A_1645] : memref<5x256x64xf32, #tpu.memory_space<vmem>> -> memref<1x256x64xf32, #tpu.memory_space<vmem>>
          %dma_wait3A_1647 = tpu.memref_squeeze %dma_wait3A_1646 : memref<1x256x64xf32, #tpu.memory_space<vmem>> -> memref<256x64xf32, #tpu.memory_space<vmem>>
          %dma_wait3A_1648 = arith.constant 0 : i32
          %dma_wait3A_1649 = tpu.memref_slice %arg6[%add3A_1642, %dma_wait3A_1648] : memref<819200x64xf32, #tpu.memory_space<hbm>> -> memref<256x64xf32, #tpu.memory_space<hbm>>
          %dma_wait3A_1650 = arith.constant 0 : i32
          %dma_wait3A_1651 = tpu.memref_slice %arg6[%add3A_1642, %dma_wait3A_1650] : memref<819200x64xf32, #tpu.memory_space<hbm>> -> memref<256x64xf32, #tpu.memory_space<hbm>>
          %dma_wait3A_1652 = arith.constant 0 : i32
          %dma_wait3A_1653 = arith.constant 0 : i32
          %dma_wait3A_1654 = tpu.memref_slice %arg11[%dma_wait3A_1643, %dma_wait3A_1652, %dma_wait3A_1653] : memref<5x256x64xf32, #tpu.memory_space<vmem>> -> memref<1x256x64xf32, #tpu.memory_space<vmem>>
          %dma_wait3A_1655 = tpu.memref_squeeze %dma_wait3A_1654 : memref<1x256x64xf32, #tpu.memory_space<vmem>> -> memref<256x64xf32, #tpu.memory_space<vmem>>
          tpu.wait_dma2 semaphore(%arg19 : memref<!tpu.dma_semaphore, #tpu.memory_space<semaphore_mem>>) src(%dma_wait3A_1655 : memref<256x64xf32, #tpu.memory_space<vmem>>) dst(%dma_wait3A_1651 : memref<256x64xf32, #tpu.memory_space<hbm>>)
        } else {
        }
        %get3A_1429 = arith.constant 2 : i32
        %get3A_1430 = arith.index_cast %get3A_1429 : i32 to index
        %get3A_1431 = arith.constant 0 : index
        %get3A_1432 = tpu.vector_load %arg8[%get3A_1430, %get3A_1431] {strides = array<i32>} : memref<5x256xi32, #tpu.memory_space<vmem>>, vector<1x16xi32>,
        %get3A_1433 = vector.shape_cast %get3A_1432 : vector<1x16xi32> to vector<16xi32>
        %dma_start3A_1434 = arith.constant 2 : i32
        %dma_start3A_1435 = arith.constant 0 : i32
        %dma_start3A_1436 = arith.constant 0 : i32
        %dma_start3A_1437 = tpu.memref_slice %arg11[%dma_start3A_1434, %dma_start3A_1435, %dma_start3A_1436] : memref<5x256x64xf32, #tpu.memory_space<vmem>> -> memref<1x16x64xf32, #tpu.memory_space<vmem>>
        %dma_start3A_1438 = tpu.memref_squeeze %dma_start3A_1437 : memref<1x16x64xf32, #tpu.memory_space<vmem>> -> memref<16x64xf32, #tpu.memory_space<vmem>>
        %dma_start3A_1439 = arith.constant 0 : i32
        %dma_start3A_1440 = arith.constant 0 : i32
        %dma_start3A_1441 = tpu.memref_slice %arg4[%dma_start3A_1439, %dma_start3A_1440] : memref<1000000x64xf32, #tpu.memory_space<hbm>> -> memref<1000000x64xf32, #tpu.memory_space<hbm>>
        tpu.enqueue_indirect_dma source(%dma_start3A_1441 : memref<1000000x64xf32, #tpu.memory_space<hbm>>) target(%dma_start3A_1438 : memref<16x64xf32, #tpu.memory_space<vmem>>) offsets(%get3A_1433 : vector<16xi32>) semaphore(%arg14 : memref<!tpu.dma_semaphore, #tpu.memory_space<semaphore_mem>>)
        %get3A_1442 = arith.constant 2 : i32
        %get3A_1443 = arith.index_cast %get3A_1442 : i32 to index
        %get3A_1444 = arith.constant 16 : index
        %get3A_1445 = tpu.vector_load %arg8[%get3A_1443, %get3A_1444] {strides = array<i32>} : memref<5x256xi32, #tpu.memory_space<vmem>>, vector<1x16xi32>,
        %get3A_1446 = vector.shape_cast %get3A_1445 : vector<1x16xi32> to vector<16xi32>
        %dma_start3A_1447 = arith.constant 2 : i32
        %dma_start3A_1448 = arith.constant 16 : i32
        %dma_start3A_1449 = arith.constant 0 : i32
        %dma_start3A_1450 = tpu.memref_slice %arg11[%dma_start3A_1447, %dma_start3A_1448, %dma_start3A_1449] : memref<5x256x64xf32, #tpu.memory_space<vmem>> -> memref<1x16x64xf32, #tpu.memory_space<vmem>>
        %dma_start3A_1451 = tpu.memref_squeeze %dma_start3A_1450 : memref<1x16x64xf32, #tpu.memory_space<vmem>> -> memref<16x64xf32, #tpu.memory_space<vmem>>
        %dma_start3A_1452 = arith.constant 0 : i32
        %dma_start3A_1453 = arith.constant 0 : i32
        %dma_start3A_1454 = tpu.memref_slice %arg4[%dma_start3A_1452, %dma_start3A_1453] : memref<1000000x64xf32, #tpu.memory_space<hbm>> -> memref<1000000x64xf32, #tpu.memory_space<hbm>>
        tpu.enqueue_indirect_dma source(%dma_start3A_1454 : memref<1000000x64xf32, #tpu.memory_space<hbm>>) target(%dma_start3A_1451 : memref<16x64xf32, #tpu.memory_space<vmem>>) offsets(%get3A_1446 : vector<16xi32>) semaphore(%arg14 : memref<!tpu.dma_semaphore, #tpu.memory_space<semaphore_mem>>)
        %get3A_1455 = arith.constant 2 : i32
        %get3A_1456 = arith.index_cast %get3A_1455 : i32 to index
        %get3A_1457 = arith.constant 32 : index
        %get3A_1458 = tpu.vector_load %arg8[%get3A_1456, %get3A_1457] {strides = array<i32>} : memref<5x256xi32, #tpu.memory_space<vmem>>, vector<1x16xi32>,
        %get3A_1459 = vector.shape_cast %get3A_1458 : vector<1x16xi32> to vector<16xi32>
        %dma_start3A_1460 = arith.constant 2 : i32
        %dma_start3A_1461 = arith.constant 32 : i32
        %dma_start3A_1462 = arith.constant 0 : i32
        %dma_start3A_1463 = tpu.memref_slice %arg11[%dma_start3A_1460, %dma_start3A_1461, %dma_start3A_1462] : memref<5x256x64xf32, #tpu.memory_space<vmem>> -> memref<1x16x64xf32, #tpu.memory_space<vmem>>
        %dma_start3A_1464 = tpu.memref_squeeze %dma_start3A_1463 : memref<1x16x64xf32, #tpu.memory_space<vmem>> -> memref<16x64xf32, #tpu.memory_space<vmem>>
        %dma_start3A_1465 = arith.constant 0 : i32
        %dma_start3A_1466 = arith.constant 0 : i32
        %dma_start3A_1467 = tpu.memref_slice %arg4[%dma_start3A_1465, %dma_start3A_1466] : memref<1000000x64xf32, #tpu.memory_space<hbm>> -> memref<1000000x64xf32, #tpu.memory_space<hbm>>
        tpu.enqueue_indirect_dma source(%dma_start3A_1467 : memref<1000000x64xf32, #tpu.memory_space<hbm>>) target(%dma_start3A_1464 : memref<16x64xf32, #tpu.memory_space<vmem>>) offsets(%get3A_1459 : vector<16xi32>) semaphore(%arg14 : memref<!tpu.dma_semaphore, #tpu.memory_space<semaphore_mem>>)
        %get3A_1468 = arith.constant 2 : i32
        %get3A_1469 = arith.index_cast %get3A_1468 : i32 to index
        %get3A_1470 = arith.constant 48 : index
        %get3A_1471 = tpu.vector_load %arg8[%get3A_1469, %get3A_1470] {strides = array<i32>} : memref<5x256xi32, #tpu.memory_space<vmem>>, vector<1x16xi32>,
        %get3A_1472 = vector.shape_cast %get3A_1471 : vector<1x16xi32> to vector<16xi32>
        %dma_start3A_1473 = arith.constant 2 : i32
        %dma_start3A_1474 = arith.constant 48 : i32
        %dma_start3A_1475 = arith.constant 0 : i32
        %dma_start3A_1476 = tpu.memref_slice %arg11[%dma_start3A_1473, %dma_start3A_1474, %dma_start3A_1475] : memref<5x256x64xf32, #tpu.memory_space<vmem>> -> memref<1x16x64xf32, #tpu.memory_space<vmem>>
        %dma_start3A_1477 = tpu.memref_squeeze %dma_start3A_1476 : memref<1x16x64xf32, #tpu.memory_space<vmem>> -> memref<16x64xf32, #tpu.memory_space<vmem>>
        %dma_start3A_1478 = arith.constant 0 : i32
        %dma_start3A_1479 = arith.constant 0 : i32
        %dma_start3A_1480 = tpu.memref_slice %arg4[%dma_start3A_1478, %dma_start3A_1479] : memref<1000000x64xf32, #tpu.memory_space<hbm>> -> memref<1000000x64xf32, #tpu.memory_space<hbm>>
        tpu.enqueue_indirect_dma source(%dma_start3A_1480 : memref<1000000x64xf32, #tpu.memory_space<hbm>>) target(%dma_start3A_1477 : memref<16x64xf32, #tpu.memory_space<vmem>>) offsets(%get3A_1472 : vector<16xi32>) semaphore(%arg14 : memref<!tpu.dma_semaphore, #tpu.memory_space<semaphore_mem>>)
        %get3A_1481 = arith.constant 2 : i32
        %get3A_1482 = arith.index_cast %get3A_1481 : i32 to index
        %get3A_1483 = arith.constant 64 : index
        %get3A_1484 = tpu.vector_load %arg8[%get3A_1482, %get3A_1483] {strides = array<i32>} : memref<5x256xi32, #tpu.memory_space<vmem>>, vector<1x16xi32>,
        %get3A_1485 = vector.shape_cast %get3A_1484 : vector<1x16xi32> to vector<16xi32>
        %dma_start3A_1486 = arith.constant 2 : i32
        %dma_start3A_1487 = arith.constant 64 : i32
        %dma_start3A_1488 = arith.constant 0 : i32
        %dma_start3A_1489 = tpu.memref_slice %arg11[%dma_start3A_1486, %dma_start3A_1487, %dma_start3A_1488] : memref<5x256x64xf32, #tpu.memory_space<vmem>> -> memref<1x16x64xf32, #tpu.memory_space<vmem>>
        %dma_start3A_1490 = tpu.memref_squeeze %dma_start3A_1489 : memref<1x16x64xf32, #tpu.memory_space<vmem>> -> memref<16x64xf32, #tpu.memory_space<vmem>>
        %dma_start3A_1491 = arith.constant 0 : i32
        %dma_start3A_1492 = arith.constant 0 : i32
        %dma_start3A_1493 = tpu.memref_slice %arg4[%dma_start3A_1491, %dma_start3A_1492] : memref<1000000x64xf32, #tpu.memory_space<hbm>> -> memref<1000000x64xf32, #tpu.memory_space<hbm>>
        tpu.enqueue_indirect_dma source(%dma_start3A_1493 : memref<1000000x64xf32, #tpu.memory_space<hbm>>) target(%dma_start3A_1490 : memref<16x64xf32, #tpu.memory_space<vmem>>) offsets(%get3A_1485 : vector<16xi32>) semaphore(%arg14 : memref<!tpu.dma_semaphore, #tpu.memory_space<semaphore_mem>>)
        %get3A_1494 = arith.constant 2 : i32
        %get3A_1495 = arith.index_cast %get3A_1494 : i32 to index
        %get3A_1496 = arith.constant 80 : index
        %get3A_1497 = tpu.vector_load %arg8[%get3A_1495, %get3A_1496] {strides = array<i32>} : memref<5x256xi32, #tpu.memory_space<vmem>>, vector<1x16xi32>,
        %get3A_1498 = vector.shape_cast %get3A_1497 : vector<1x16xi32> to vector<16xi32>
        %dma_start3A_1499 = arith.constant 2 : i32
        %dma_start3A_1500 = arith.constant 80 : i32
        %dma_start3A_1501 = arith.constant 0 : i32
        %dma_start3A_1502 = tpu.memref_slice %arg11[%dma_start3A_1499, %dma_start3A_1500, %dma_start3A_1501] : memref<5x256x64xf32, #tpu.memory_space<vmem>> -> memref<1x16x64xf32, #tpu.memory_space<vmem>>
        %dma_start3A_1503 = tpu.memref_squeeze %dma_start3A_1502 : memref<1x16x64xf32, #tpu.memory_space<vmem>> -> memref<16x64xf32, #tpu.memory_space<vmem>>
        %dma_start3A_1504 = arith.constant 0 : i32
        %dma_start3A_1505 = arith.constant 0 : i32
        %dma_start3A_1506 = tpu.memref_slice %arg4[%dma_start3A_1504, %dma_start3A_1505] : memref<1000000x64xf32, #tpu.memory_space<hbm>> -> memref<1000000x64xf32, #tpu.memory_space<hbm>>
        tpu.enqueue_indirect_dma source(%dma_start3A_1506 : memref<1000000x64xf32, #tpu.memory_space<hbm>>) target(%dma_start3A_1503 : memref<16x64xf32, #tpu.memory_space<vmem>>) offsets(%get3A_1498 : vector<16xi32>) semaphore(%arg14 : memref<!tpu.dma_semaphore, #tpu.memory_space<semaphore_mem>>)
        %get3A_1507 = arith.constant 2 : i32
        %get3A_1508 = arith.index_cast %get3A_1507 : i32 to index
        %get3A_1509 = arith.constant 96 : index
        %get3A_1510 = tpu.vector_load %arg8[%get3A_1508, %get3A_1509] {strides = array<i32>} : memref<5x256xi32, #tpu.memory_space<vmem>>, vector<1x16xi32>,
        %get3A_1511 = vector.shape_cast %get3A_1510 : vector<1x16xi32> to vector<16xi32>
        %dma_start3A_1512 = arith.constant 2 : i32
        %dma_start3A_1513 = arith.constant 96 : i32
        %dma_start3A_1514 = arith.constant 0 : i32
        %dma_start3A_1515 = tpu.memref_slice %arg11[%dma_start3A_1512, %dma_start3A_1513, %dma_start3A_1514] : memref<5x256x64xf32, #tpu.memory_space<vmem>> -> memref<1x16x64xf32, #tpu.memory_space<vmem>>
        %dma_start3A_1516 = tpu.memref_squeeze %dma_start3A_1515 : memref<1x16x64xf32, #tpu.memory_space<vmem>> -> memref<16x64xf32, #tpu.memory_space<vmem>>
        %dma_start3A_1517 = arith.constant 0 : i32
        %dma_start3A_1518 = arith.constant 0 : i32
        %dma_start3A_1519 = tpu.memref_slice %arg4[%dma_start3A_1517, %dma_start3A_1518] : memref<1000000x64xf32, #tpu.memory_space<hbm>> -> memref<1000000x64xf32, #tpu.memory_space<hbm>>
        tpu.enqueue_indirect_dma source(%dma_start3A_1519 : memref<1000000x64xf32, #tpu.memory_space<hbm>>) target(%dma_start3A_1516 : memref<16x64xf32, #tpu.memory_space<vmem>>) offsets(%get3A_1511 : vector<16xi32>) semaphore(%arg14 : memref<!tpu.dma_semaphore, #tpu.memory_space<semaphore_mem>>)
        %get3A_1520 = arith.constant 2 : i32
        %get3A_1521 = arith.index_cast %get3A_1520 : i32 to index
        %get3A_1522 = arith.constant 112 : index
        %get3A_1523 = tpu.vector_load %arg8[%get3A_1521, %get3A_1522] {strides = array<i32>} : memref<5x256xi32, #tpu.memory_space<vmem>>, vector<1x16xi32>,
        %get3A_1524 = vector.shape_cast %get3A_1523 : vector<1x16xi32> to vector<16xi32>
        %dma_start3A_1525 = arith.constant 2 : i32
        %dma_start3A_1526 = arith.constant 112 : i32
        %dma_start3A_1527 = arith.constant 0 : i32
        %dma_start3A_1528 = tpu.memref_slice %arg11[%dma_start3A_1525, %dma_start3A_1526, %dma_start3A_1527] : memref<5x256x64xf32, #tpu.memory_space<vmem>> -> memref<1x16x64xf32, #tpu.memory_space<vmem>>
        %dma_start3A_1529 = tpu.memref_squeeze %dma_start3A_1528 : memref<1x16x64xf32, #tpu.memory_space<vmem>> -> memref<16x64xf32, #tpu.memory_space<vmem>>
        %dma_start3A_1530 = arith.constant 0 : i32
        %dma_start3A_1531 = arith.constant 0 : i32
        %dma_start3A_1532 = tpu.memref_slice %arg4[%dma_start3A_1530, %dma_start3A_1531] : memref<1000000x64xf32, #tpu.memory_space<hbm>> -> memref<1000000x64xf32, #tpu.memory_space<hbm>>
        tpu.enqueue_indirect_dma source(%dma_start3A_1532 : memref<1000000x64xf32, #tpu.memory_space<hbm>>) target(%dma_start3A_1529 : memref<16x64xf32, #tpu.memory_space<vmem>>) offsets(%get3A_1524 : vector<16xi32>) semaphore(%arg14 : memref<!tpu.dma_semaphore, #tpu.memory_space<semaphore_mem>>)
        %get3A_1533 = arith.constant 2 : i32
        %get3A_1534 = arith.index_cast %get3A_1533 : i32 to index
        %get3A_1535 = arith.constant 128 : index
        %get3A_1536 = tpu.vector_load %arg8[%get3A_1534, %get3A_1535] {strides = array<i32>} : memref<5x256xi32, #tpu.memory_space<vmem>>, vector<1x16xi32>,
        %get3A_1537 = vector.shape_cast %get3A_1536 : vector<1x16xi32> to vector<16xi32>
        %dma_start3A_1538 = arith.constant 2 : i32
        %dma_start3A_1539 = arith.constant 128 : i32
        %dma_start3A_1540 = arith.constant 0 : i32
        %dma_start3A_1541 = tpu.memref_slice %arg11[%dma_start3A_1538, %dma_start3A_1539, %dma_start3A_1540] : memref<5x256x64xf32, #tpu.memory_space<vmem>> -> memref<1x16x64xf32, #tpu.memory_space<vmem>>
        %dma_start3A_1542 = tpu.memref_squeeze %dma_start3A_1541 : memref<1x16x64xf32, #tpu.memory_space<vmem>> -> memref<16x64xf32, #tpu.memory_space<vmem>>
        %dma_start3A_1543 = arith.constant 0 : i32
        %dma_start3A_1544 = arith.constant 0 : i32
        %dma_start3A_1545 = tpu.memref_slice %arg4[%dma_start3A_1543, %dma_start3A_1544] : memref<1000000x64xf32, #tpu.memory_space<hbm>> -> memref<1000000x64xf32, #tpu.memory_space<hbm>>
        tpu.enqueue_indirect_dma source(%dma_start3A_1545 : memref<1000000x64xf32, #tpu.memory_space<hbm>>) target(%dma_start3A_1542 : memref<16x64xf32, #tpu.memory_space<vmem>>) offsets(%get3A_1537 : vector<16xi32>) semaphore(%arg14 : memref<!tpu.dma_semaphore, #tpu.memory_space<semaphore_mem>>)
        %get3A_1546 = arith.constant 2 : i32
        %get3A_1547 = arith.index_cast %get3A_1546 : i32 to index
        %get3A_1548 = arith.constant 144 : index
        %get3A_1549 = tpu.vector_load %arg8[%get3A_1547, %get3A_1548] {strides = array<i32>} : memref<5x256xi32, #tpu.memory_space<vmem>>, vector<1x16xi32>,
        %get3A_1550 = vector.shape_cast %get3A_1549 : vector<1x16xi32> to vector<16xi32>
        %dma_start3A_1551 = arith.constant 2 : i32
        %dma_start3A_1552 = arith.constant 144 : i32
        %dma_start3A_1553 = arith.constant 0 : i32
        %dma_start3A_1554 = tpu.memref_slice %arg11[%dma_start3A_1551, %dma_start3A_1552, %dma_start3A_1553] : memref<5x256x64xf32, #tpu.memory_space<vmem>> -> memref<1x16x64xf32, #tpu.memory_space<vmem>>
        %dma_start3A_1555 = tpu.memref_squeeze %dma_start3A_1554 : memref<1x16x64xf32, #tpu.memory_space<vmem>> -> memref<16x64xf32, #tpu.memory_space<vmem>>
        %dma_start3A_1556 = arith.constant 0 : i32
        %dma_start3A_1557 = arith.constant 0 : i32
        %dma_start3A_1558 = tpu.memref_slice %arg4[%dma_start3A_1556, %dma_start3A_1557] : memref<1000000x64xf32, #tpu.memory_space<hbm>> -> memref<1000000x64xf32, #tpu.memory_space<hbm>>
        tpu.enqueue_indirect_dma source(%dma_start3A_1558 : memref<1000000x64xf32, #tpu.memory_space<hbm>>) target(%dma_start3A_1555 : memref<16x64xf32, #tpu.memory_space<vmem>>) offsets(%get3A_1550 : vector<16xi32>) semaphore(%arg14 : memref<!tpu.dma_semaphore, #tpu.memory_space<semaphore_mem>>)
        %get3A_1559 = arith.constant 2 : i32
        %get3A_1560 = arith.index_cast %get3A_1559 : i32 to index
        %get3A_1561 = arith.constant 160 : index
        %get3A_1562 = tpu.vector_load %arg8[%get3A_1560, %get3A_1561] {strides = array<i32>} : memref<5x256xi32, #tpu.memory_space<vmem>>, vector<1x16xi32>,
        %get3A_1563 = vector.shape_cast %get3A_1562 : vector<1x16xi32> to vector<16xi32>
        %dma_start3A_1564 = arith.constant 2 : i32
        %dma_start3A_1565 = arith.constant 160 : i32
        %dma_start3A_1566 = arith.constant 0 : i32
        %dma_start3A_1567 = tpu.memref_slice %arg11[%dma_start3A_1564, %dma_start3A_1565, %dma_start3A_1566] : memref<5x256x64xf32, #tpu.memory_space<vmem>> -> memref<1x16x64xf32, #tpu.memory_space<vmem>>
        %dma_start3A_1568 = tpu.memref_squeeze %dma_start3A_1567 : memref<1x16x64xf32, #tpu.memory_space<vmem>> -> memref<16x64xf32, #tpu.memory_space<vmem>>
        %dma_start3A_1569 = arith.constant 0 : i32
        %dma_start3A_1570 = arith.constant 0 : i32
        %dma_start3A_1571 = tpu.memref_slice %arg4[%dma_start3A_1569, %dma_start3A_1570] : memref<1000000x64xf32, #tpu.memory_space<hbm>> -> memref<1000000x64xf32, #tpu.memory_space<hbm>>
        tpu.enqueue_indirect_dma source(%dma_start3A_1571 : memref<1000000x64xf32, #tpu.memory_space<hbm>>) target(%dma_start3A_1568 : memref<16x64xf32, #tpu.memory_space<vmem>>) offsets(%get3A_1563 : vector<16xi32>) semaphore(%arg14 : memref<!tpu.dma_semaphore, #tpu.memory_space<semaphore_mem>>)
        %get3A_1572 = arith.constant 2 : i32
        %get3A_1573 = arith.index_cast %get3A_1572 : i32 to index
        %get3A_1574 = arith.constant 176 : index
        %get3A_1575 = tpu.vector_load %arg8[%get3A_1573, %get3A_1574] {strides = array<i32>} : memref<5x256xi32, #tpu.memory_space<vmem>>, vector<1x16xi32>,
        %get3A_1576 = vector.shape_cast %get3A_1575 : vector<1x16xi32> to vector<16xi32>
        %dma_start3A_1577 = arith.constant 2 : i32
        %dma_start3A_1578 = arith.constant 176 : i32
        %dma_start3A_1579 = arith.constant 0 : i32
        %dma_start3A_1580 = tpu.memref_slice %arg11[%dma_start3A_1577, %dma_start3A_1578, %dma_start3A_1579] : memref<5x256x64xf32, #tpu.memory_space<vmem>> -> memref<1x16x64xf32, #tpu.memory_space<vmem>>
        %dma_start3A_1581 = tpu.memref_squeeze %dma_start3A_1580 : memref<1x16x64xf32, #tpu.memory_space<vmem>> -> memref<16x64xf32, #tpu.memory_space<vmem>>
        %dma_start3A_1582 = arith.constant 0 : i32
        %dma_start3A_1583 = arith.constant 0 : i32
        %dma_start3A_1584 = tpu.memref_slice %arg4[%dma_start3A_1582, %dma_start3A_1583] : memref<1000000x64xf32, #tpu.memory_space<hbm>> -> memref<1000000x64xf32, #tpu.memory_space<hbm>>
        tpu.enqueue_indirect_dma source(%dma_start3A_1584 : memref<1000000x64xf32, #tpu.memory_space<hbm>>) target(%dma_start3A_1581 : memref<16x64xf32, #tpu.memory_space<vmem>>) offsets(%get3A_1576 : vector<16xi32>) semaphore(%arg14 : memref<!tpu.dma_semaphore, #tpu.memory_space<semaphore_mem>>)
        %get3A_1585 = arith.constant 2 : i32
        %get3A_1586 = arith.index_cast %get3A_1585 : i32 to index
        %get3A_1587 = arith.constant 192 : index
        %get3A_1588 = tpu.vector_load %arg8[%get3A_1586, %get3A_1587] {strides = array<i32>} : memref<5x256xi32, #tpu.memory_space<vmem>>, vector<1x16xi32>,
        %get3A_1589 = vector.shape_cast %get3A_1588 : vector<1x16xi32> to vector<16xi32>
        %dma_start3A_1590 = arith.constant 2 : i32
        %dma_start3A_1591 = arith.constant 192 : i32
        %dma_start3A_1592 = arith.constant 0 : i32
        %dma_start3A_1593 = tpu.memref_slice %arg11[%dma_start3A_1590, %dma_start3A_1591, %dma_start3A_1592] : memref<5x256x64xf32, #tpu.memory_space<vmem>> -> memref<1x16x64xf32, #tpu.memory_space<vmem>>
        %dma_start3A_1594 = tpu.memref_squeeze %dma_start3A_1593 : memref<1x16x64xf32, #tpu.memory_space<vmem>> -> memref<16x64xf32, #tpu.memory_space<vmem>>
        %dma_start3A_1595 = arith.constant 0 : i32
        %dma_start3A_1596 = arith.constant 0 : i32
        %dma_start3A_1597 = tpu.memref_slice %arg4[%dma_start3A_1595, %dma_start3A_1596] : memref<1000000x64xf32, #tpu.memory_space<hbm>> -> memref<1000000x64xf32, #tpu.memory_space<hbm>>
        tpu.enqueue_indirect_dma source(%dma_start3A_1597 : memref<1000000x64xf32, #tpu.memory_space<hbm>>) target(%dma_start3A_1594 : memref<16x64xf32, #tpu.memory_space<vmem>>) offsets(%get3A_1589 : vector<16xi32>) semaphore(%arg14 : memref<!tpu.dma_semaphore, #tpu.memory_space<semaphore_mem>>)
        %get3A_1598 = arith.constant 2 : i32
        %get3A_1599 = arith.index_cast %get3A_1598 : i32 to index
        %get3A_1600 = arith.constant 208 : index
        %get3A_1601 = tpu.vector_load %arg8[%get3A_1599, %get3A_1600] {strides = array<i32>} : memref<5x256xi32, #tpu.memory_space<vmem>>, vector<1x16xi32>,
        %get3A_1602 = vector.shape_cast %get3A_1601 : vector<1x16xi32> to vector<16xi32>
        %dma_start3A_1603 = arith.constant 2 : i32
        %dma_start3A_1604 = arith.constant 208 : i32
        %dma_start3A_1605 = arith.constant 0 : i32
        %dma_start3A_1606 = tpu.memref_slice %arg11[%dma_start3A_1603, %dma_start3A_1604, %dma_start3A_1605] : memref<5x256x64xf32, #tpu.memory_space<vmem>> -> memref<1x16x64xf32, #tpu.memory_space<vmem>>
        %dma_start3A_1607 = tpu.memref_squeeze %dma_start3A_1606 : memref<1x16x64xf32, #tpu.memory_space<vmem>> -> memref<16x64xf32, #tpu.memory_space<vmem>>
        %dma_start3A_1608 = arith.constant 0 : i32
        %dma_start3A_1609 = arith.constant 0 : i32
        %dma_start3A_1610 = tpu.memref_slice %arg4[%dma_start3A_1608, %dma_start3A_1609] : memref<1000000x64xf32, #tpu.memory_space<hbm>> -> memref<1000000x64xf32, #tpu.memory_space<hbm>>
        tpu.enqueue_indirect_dma source(%dma_start3A_1610 : memref<1000000x64xf32, #tpu.memory_space<hbm>>) target(%dma_start3A_1607 : memref<16x64xf32, #tpu.memory_space<vmem>>) offsets(%get3A_1602 : vector<16xi32>) semaphore(%arg14 : memref<!tpu.dma_semaphore, #tpu.memory_space<semaphore_mem>>)
        %get3A_1611 = arith.constant 2 : i32
        %get3A_1612 = arith.index_cast %get3A_1611 : i32 to index
        %get3A_1613 = arith.constant 224 : index
        %get3A_1614 = tpu.vector_load %arg8[%get3A_1612, %get3A_1613] {strides = array<i32>} : memref<5x256xi32, #tpu.memory_space<vmem>>, vector<1x16xi32>,
        %get3A_1615 = vector.shape_cast %get3A_1614 : vector<1x16xi32> to vector<16xi32>
        %dma_start3A_1616 = arith.constant 2 : i32
        %dma_start3A_1617 = arith.constant 224 : i32
        %dma_start3A_1618 = arith.constant 0 : i32
        %dma_start3A_1619 = tpu.memref_slice %arg11[%dma_start3A_1616, %dma_start3A_1617, %dma_start3A_1618] : memref<5x256x64xf32, #tpu.memory_space<vmem>> -> memref<1x16x64xf32, #tpu.memory_space<vmem>>
        %dma_start3A_1620 = tpu.memref_squeeze %dma_start3A_1619 : memref<1x16x64xf32, #tpu.memory_space<vmem>> -> memref<16x64xf32, #tpu.memory_space<vmem>>
        %dma_start3A_1621 = arith.constant 0 : i32
        %dma_start3A_1622 = arith.constant 0 : i32
        %dma_start3A_1623 = tpu.memref_slice %arg4[%dma_start3A_1621, %dma_start3A_1622] : memref<1000000x64xf32, #tpu.memory_space<hbm>> -> memref<1000000x64xf32, #tpu.memory_space<hbm>>
        tpu.enqueue_indirect_dma source(%dma_start3A_1623 : memref<1000000x64xf32, #tpu.memory_space<hbm>>) target(%dma_start3A_1620 : memref<16x64xf32, #tpu.memory_space<vmem>>) offsets(%get3A_1615 : vector<16xi32>) semaphore(%arg14 : memref<!tpu.dma_semaphore, #tpu.memory_space<semaphore_mem>>)
        %get3A_1624 = arith.constant 2 : i32
        %get3A_1625 = arith.index_cast %get3A_1624 : i32 to index
        %get3A_1626 = arith.constant 240 : index
        %get3A_1627 = tpu.vector_load %arg8[%get3A_1625, %get3A_1626] {strides = array<i32>} : memref<5x256xi32, #tpu.memory_space<vmem>>, vector<1x16xi32>,
        %get3A_1628 = vector.shape_cast %get3A_1627 : vector<1x16xi32> to vector<16xi32>
        %dma_start3A_1629 = arith.constant 2 : i32
        %dma_start3A_1630 = arith.constant 240 : i32
        %dma_start3A_1631 = arith.constant 0 : i32
        %dma_start3A_1632 = tpu.memref_slice %arg11[%dma_start3A_1629, %dma_start3A_1630, %dma_start3A_1631] : memref<5x256x64xf32, #tpu.memory_space<vmem>> -> memref<1x16x64xf32, #tpu.memory_space<vmem>>
        %dma_start3A_1633 = tpu.memref_squeeze %dma_start3A_1632 : memref<1x16x64xf32, #tpu.memory_space<vmem>> -> memref<16x64xf32, #tpu.memory_space<vmem>>
        %dma_start3A_1634 = arith.constant 0 : i32
        %dma_start3A_1635 = arith.constant 0 : i32
        %dma_start3A_1636 = tpu.memref_slice %arg4[%dma_start3A_1634, %dma_start3A_1635] : memref<1000000x64xf32, #tpu.memory_space<hbm>> -> memref<1000000x64xf32, #tpu.memory_space<hbm>>
        tpu.enqueue_indirect_dma source(%dma_start3A_1636 : memref<1000000x64xf32, #tpu.memory_space<hbm>>) target(%dma_start3A_1633 : memref<16x64xf32, #tpu.memory_space<vmem>>) offsets(%get3A_1628 : vector<16xi32>) semaphore(%arg14 : memref<!tpu.dma_semaphore, #tpu.memory_space<semaphore_mem>>)
      } else {
      }
      %dma_wait3A_789 = arith.constant 1 : i32
      %dma_wait3A_790 = arith.constant 1 : i32
      %dma_wait3A_791 = arith.constant 0 : i32
      %dma_wait3A_792 = arith.constant 0 : i32
      %dma_wait3A_793 = tpu.memref_slice %arg11[%dma_wait3A_790, %dma_wait3A_791, %dma_wait3A_792] : memref<5x256x64xf32, #tpu.memory_space<vmem>> -> memref<1x256x64xf32, #tpu.memory_space<vmem>>
      %dma_wait3A_794 = tpu.memref_squeeze %dma_wait3A_793 : memref<1x256x64xf32, #tpu.memory_space<vmem>> -> memref<256x64xf32, #tpu.memory_space<vmem>>
      %dma_wait3A_795 = arith.constant 0 : i32
      %dma_wait3A_796 = tpu.memref_slice %arg8[%dma_wait3A_789, %dma_wait3A_795] : memref<5x256xi32, #tpu.memory_space<vmem>> -> memref<1x256xi32, #tpu.memory_space<vmem>>
      %dma_wait3A_797 = tpu.memref_squeeze %dma_wait3A_796 : memref<1x256xi32, #tpu.memory_space<vmem>> -> memref<256xi32, #tpu.memory_space<vmem>>
      %dma_wait3A_798 = arith.constant 0 : i32
      %dma_wait3A_799 = arith.constant 0 : i32
      %dma_wait3A_800 = tpu.memref_slice %arg4[%dma_wait3A_798, %dma_wait3A_799] : memref<1000000x64xf32, #tpu.memory_space<hbm>> -> memref<1000000x64xf32, #tpu.memory_space<hbm>>
      tpu.wait_indirect_dma semaphore(%arg13 : memref<!tpu.dma_semaphore, #tpu.memory_space<semaphore_mem>>) src(%dma_wait3A_800 : memref<1000000x64xf32, #tpu.memory_space<hbm>>) dst(%dma_wait3A_794 : memref<256x64xf32, #tpu.memory_space<vmem>>)
      %dma_start3A_801 = arith.constant 1 : i32
      %dma_start3A_802 = arith.constant 1 : i32
      %dma_start3A_803 = arith.constant 0 : i32
      %dma_start3A_804 = arith.constant 0 : i32
      %dma_start3A_805 = tpu.memref_slice %arg11[%dma_start3A_802, %dma_start3A_803, %dma_start3A_804] : memref<5x256x64xf32, #tpu.memory_space<vmem>> -> memref<1x256x64xf32, #tpu.memory_space<vmem>>
      %dma_start3A_806 = tpu.memref_squeeze %dma_start3A_805 : memref<1x256x64xf32, #tpu.memory_space<vmem>> -> memref<256x64xf32, #tpu.memory_space<vmem>>
      %dma_start3A_807 = arith.constant 0 : i32
      %dma_start3A_808 = tpu.memref_slice %arg10[%dma_start3A_801, %dma_start3A_807] : memref<5x256xi32, #tpu.memory_space<vmem>> -> memref<1x256xi32, #tpu.memory_space<vmem>>
      %dma_start3A_809 = tpu.memref_squeeze %dma_start3A_808 : memref<1x256xi32, #tpu.memory_space<vmem>> -> memref<256xi32, #tpu.memory_space<vmem>>
      %dma_start3A_810 = arith.constant 0 : i32
      %dma_start3A_811 = arith.constant 0 : i32
      %dma_start3A_812 = tpu.memref_slice %arg7[%dma_start3A_810, %dma_start3A_811] : memref<600x64xf32, #tpu.memory_space<vmem_shared>> -> memref<600x64xf32, #tpu.memory_space<vmem_shared>>
      tpu.enqueue_indirect_dma source(%dma_start3A_812 : memref<600x64xf32, #tpu.memory_space<vmem_shared>>) target(%dma_start3A_806 : memref<256x64xf32, #tpu.memory_space<vmem>>) offsets(%dma_start3A_809 : memref<256xi32, #tpu.memory_space<vmem>>) semaphore(%arg27 : memref<!tpu.dma_semaphore, #tpu.memory_space<semaphore_mem>>) {add = true}
      %dma_wait3A_813 = arith.constant 1 : i32
      %dma_wait3A_814 = arith.constant 1 : i32
      %dma_wait3A_815 = arith.constant 0 : i32
      %dma_wait3A_816 = arith.constant 0 : i32
      %dma_wait3A_817 = tpu.memref_slice %arg11[%dma_wait3A_814, %dma_wait3A_815, %dma_wait3A_816] : memref<5x256x64xf32, #tpu.memory_space<vmem>> -> memref<1x256x64xf32, #tpu.memory_space<vmem>>
      %dma_wait3A_818 = tpu.memref_squeeze %dma_wait3A_817 : memref<1x256x64xf32, #tpu.memory_space<vmem>> -> memref<256x64xf32, #tpu.memory_space<vmem>>
      %dma_wait3A_819 = arith.constant 0 : i32
      %dma_wait3A_820 = tpu.memref_slice %arg10[%dma_wait3A_813, %dma_wait3A_819] : memref<5x256xi32, #tpu.memory_space<vmem>> -> memref<1x256xi32, #tpu.memory_space<vmem>>
      %dma_wait3A_821 = tpu.memref_squeeze %dma_wait3A_820 : memref<1x256xi32, #tpu.memory_space<vmem>> -> memref<256xi32, #tpu.memory_space<vmem>>
      %dma_wait3A_822 = arith.constant 0 : i32
      %dma_wait3A_823 = arith.constant 0 : i32
      %dma_wait3A_824 = tpu.memref_slice %arg7[%dma_wait3A_822, %dma_wait3A_823] : memref<600x64xf32, #tpu.memory_space<vmem_shared>> -> memref<600x64xf32, #tpu.memory_space<vmem_shared>>
      tpu.wait_indirect_dma semaphore(%arg27 : memref<!tpu.dma_semaphore, #tpu.memory_space<semaphore_mem>>) src(%dma_wait3A_824 : memref<600x64xf32, #tpu.memory_space<vmem_shared>>) dst(%dma_wait3A_818 : memref<256x64xf32, #tpu.memory_space<vmem>>)
      %mul3A_825 = arith.constant 256 : i32
      %mul3A_826 = arith.muli %add3A_774, %mul3A_825 : i32
      %add3A_827 = arith.addi %mul3A_2, %mul3A_826 : i32
      %dma_start3A_828 = arith.constant 1 : i32
      %dma_start3A_829 = arith.constant 0 : i32
      %dma_start3A_830 = arith.constant 0 : i32
      %dma_start3A_831 = tpu.memref_slice %arg11[%dma_start3A_828, %dma_start3A_829, %dma_start3A_830] : memref<5x256x64xf32, #tpu.memory_space<vmem>> -> memref<1x256x64xf32, #tpu.memory_space<vmem>>
      %dma_start3A_832 = tpu.memref_squeeze %dma_start3A_831 : memref<1x256x64xf32, #tpu.memory_space<vmem>> -> memref<256x64xf32, #tpu.memory_space<vmem>>
      %dma_start3A_833 = arith.constant 0 : i32
      %dma_start3A_834 = tpu.memref_slice %arg6[%add3A_827, %dma_start3A_833] : memref<819200x64xf32, #tpu.memory_space<hbm>> -> memref<256x64xf32, #tpu.memory_space<hbm>>
      %dma_start3A_835 = arith.constant 0 : i32
      %dma_start3A_836 = tpu.memref_slice %arg6[%add3A_827, %dma_start3A_835] : memref<819200x64xf32, #tpu.memory_space<hbm>> -> memref<256x64xf32, #tpu.memory_space<hbm>>
      %dma_start3A_837 = arith.constant 0 : i32
      %dma_start3A_838 = arith.constant 0 : i32
      %dma_start3A_839 = tpu.memref_slice %arg11[%dma_start3A_828, %dma_start3A_837, %dma_start3A_838] : memref<5x256x64xf32, #tpu.memory_space<vmem>> -> memref<1x256x64xf32, #tpu.memory_space<vmem>>
      %dma_start3A_840 = tpu.memref_squeeze %dma_start3A_839 : memref<1x256x64xf32, #tpu.memory_space<vmem>> -> memref<256x64xf32, #tpu.memory_space<vmem>>
      tpu.enqueue_dma source(%dma_start3A_840 : memref<256x64xf32, #tpu.memory_space<vmem>>) target(%dma_start3A_836 : memref<256x64xf32, #tpu.memory_space<hbm>>) target_semaphore(%arg18 : memref<!tpu.dma_semaphore, #tpu.memory_space<semaphore_mem>>)
      %add3A_841 = arith.constant 2 : i32
      %add3A_842 = arith.addi %add3A_705, %add3A_841 : i32
      %add3A_843 = arith.constant 2 : i32
      %add3A_844 = arith.addi %add3A_842, %add3A_843 : i32
      %lt3A_845 = arith.constant 100 : i32
      %lt3A_846 = arith.cmpi slt, %add3A_844, %lt3A_845 : i32
      %convert_element_type3A_847 = arith.extui %lt3A_846 : i1 to i32
      %cond3A_848 = arith.constant 0 : i32
      %cond3A_849 = arith.cmpi ne, %convert_element_type3A_847, %cond3A_848 : i32
      scf.if %cond3A_849 {
        %add3A_1045 = arith.constant 2 : i32
        %add3A_1046 = arith.addi %add3A_842, %add3A_1045 : i32
        %mul3A_1047 = arith.constant 256 : i32
        %mul3A_1048 = arith.muli %add3A_1046, %mul3A_1047 : i32
        %add3A_1049 = arith.addi %mul3A_2, %mul3A_1048 : i32
        %dma_start3A_1050 = arith.constant 4 : i32
        %dma_start3A_1051 = arith.constant 0 : i32
        %dma_start3A_1052 = tpu.memref_slice %arg8[%dma_start3A_1050, %dma_start3A_1051] : memref<5x256xi32, #tpu.memory_space<vmem>> -> memref<1x256xi32, #tpu.memory_space<vmem>>
        %dma_start3A_1053 = tpu.memref_squeeze %dma_start3A_1052 : memref<1x256xi32, #tpu.memory_space<vmem>> -> memref<256xi32, #tpu.memory_space<vmem>>
        %dma_start3A_1054 = tpu.memref_slice %arg2[%add3A_1049] : memref<819200xi32, #tpu.memory_space<hbm>> -> memref<256xi32, #tpu.memory_space<hbm>>
        %dma_start3A_1055 = arith.constant 0 : i32
        %dma_start3A_1056 = tpu.memref_slice %arg8[%dma_start3A_1050, %dma_start3A_1055] : memref<5x256xi32, #tpu.memory_space<vmem>> -> memref<1x256xi32, #tpu.memory_space<vmem>>
        %dma_start3A_1057 = tpu.memref_squeeze %dma_start3A_1056 : memref<1x256xi32, #tpu.memory_space<vmem>> -> memref<256xi32, #tpu.memory_space<vmem>>
        %dma_start3A_1058 = tpu.memref_slice %arg2[%add3A_1049] : memref<819200xi32, #tpu.memory_space<hbm>> -> memref<256xi32, #tpu.memory_space<hbm>>
        tpu.enqueue_dma source(%dma_start3A_1058 : memref<256xi32, #tpu.memory_space<hbm>>) target(%dma_start3A_1057 : memref<256xi32, #tpu.memory_space<vmem>>) target_semaphore(%arg26 : memref<!tpu.dma_semaphore, #tpu.memory_space<semaphore_mem>>)
        %dma_start3A_1059 = arith.constant 4 : i32
        %dma_start3A_1060 = arith.constant 0 : i32
        %dma_start3A_1061 = tpu.memref_slice %arg9[%dma_start3A_1059, %dma_start3A_1060] : memref<5x256xi32, #tpu.memory_space<vmem>> -> memref<1x256xi32, #tpu.memory_space<vmem>>
        %dma_start3A_1062 = tpu.memref_squeeze %dma_start3A_1061 : memref<1x256xi32, #tpu.memory_space<vmem>> -> memref<256xi32, #tpu.memory_space<vmem>>
        %dma_start3A_1063 = tpu.memref_slice %arg3[%add3A_1049] : memref<819200xi32, #tpu.memory_space<hbm>> -> memref<256xi32, #tpu.memory_space<hbm>>
        %dma_start3A_1064 = arith.constant 0 : i32
        %dma_start3A_1065 = tpu.memref_slice %arg9[%dma_start3A_1059, %dma_start3A_1064] : memref<5x256xi32, #tpu.memory_space<vmem>> -> memref<1x256xi32, #tpu.memory_space<vmem>>
        %dma_start3A_1066 = tpu.memref_squeeze %dma_start3A_1065 : memref<1x256xi32, #tpu.memory_space<vmem>> -> memref<256xi32, #tpu.memory_space<vmem>>
        %dma_start3A_1067 = tpu.memref_slice %arg3[%add3A_1049] : memref<819200xi32, #tpu.memory_space<hbm>> -> memref<256xi32, #tpu.memory_space<hbm>>
        tpu.enqueue_dma source(%dma_start3A_1067 : memref<256xi32, #tpu.memory_space<hbm>>) target(%dma_start3A_1066 : memref<256xi32, #tpu.memory_space<vmem>>) target_semaphore(%arg26 : memref<!tpu.dma_semaphore, #tpu.memory_space<semaphore_mem>>)
      } else {
      }
      %add3A_850 = arith.constant 1 : i32
      %add3A_851 = arith.addi %add3A_842, %add3A_850 : i32
      %lt3A_852 = arith.constant 100 : i32
      %lt3A_853 = arith.cmpi slt, %add3A_851, %lt3A_852 : i32
      %convert_element_type3A_854 = arith.extui %lt3A_853 : i1 to i32
      %cond3A_855 = arith.constant 0 : i32
      %cond3A_856 = arith.cmpi ne, %convert_element_type3A_854, %cond3A_855 : i32
      scf.if %cond3A_856 {
        %add3A_1045 = arith.constant 1 : i32
        %add3A_1046 = arith.addi %add3A_842, %add3A_1045 : i32
        %mul3A_1047 = arith.constant 256 : i32
        %mul3A_1048 = arith.muli %add3A_1046, %mul3A_1047 : i32
        %add3A_1049 = arith.addi %mul3A_2, %mul3A_1048 : i32
        %dma_wait3A_1050 = arith.constant 3 : i32
        %dma_wait3A_1051 = arith.constant 0 : i32
        %dma_wait3A_1052 = tpu.memref_slice %arg8[%dma_wait3A_1050, %dma_wait3A_1051] : memref<5x256xi32, #tpu.memory_space<vmem>> -> memref<1x256xi32, #tpu.memory_space<vmem>>
        %dma_wait3A_1053 = tpu.memref_squeeze %dma_wait3A_1052 : memref<1x256xi32, #tpu.memory_space<vmem>> -> memref<256xi32, #tpu.memory_space<vmem>>
        %dma_wait3A_1054 = tpu.memref_slice %arg2[%add3A_1049] : memref<819200xi32, #tpu.memory_space<hbm>> -> memref<256xi32, #tpu.memory_space<hbm>>
        %dma_wait3A_1055 = arith.constant 0 : i32
        %dma_wait3A_1056 = tpu.memref_slice %arg8[%dma_wait3A_1050, %dma_wait3A_1055] : memref<5x256xi32, #tpu.memory_space<vmem>> -> memref<1x256xi32, #tpu.memory_space<vmem>>
        %dma_wait3A_1057 = tpu.memref_squeeze %dma_wait3A_1056 : memref<1x256xi32, #tpu.memory_space<vmem>> -> memref<256xi32, #tpu.memory_space<vmem>>
        %dma_wait3A_1058 = tpu.memref_slice %arg2[%add3A_1049] : memref<819200xi32, #tpu.memory_space<hbm>> -> memref<256xi32, #tpu.memory_space<hbm>>
        tpu.wait_dma2 semaphore(%arg25 : memref<!tpu.dma_semaphore, #tpu.memory_space<semaphore_mem>>) src(%dma_wait3A_1058 : memref<256xi32, #tpu.memory_space<hbm>>) dst(%dma_wait3A_1057 : memref<256xi32, #tpu.memory_space<vmem>>)
        %dma_wait3A_1059 = arith.constant 3 : i32
        %dma_wait3A_1060 = arith.constant 0 : i32
        %dma_wait3A_1061 = tpu.memref_slice %arg9[%dma_wait3A_1059, %dma_wait3A_1060] : memref<5x256xi32, #tpu.memory_space<vmem>> -> memref<1x256xi32, #tpu.memory_space<vmem>>
        %dma_wait3A_1062 = tpu.memref_squeeze %dma_wait3A_1061 : memref<1x256xi32, #tpu.memory_space<vmem>> -> memref<256xi32, #tpu.memory_space<vmem>>
        %dma_wait3A_1063 = tpu.memref_slice %arg3[%add3A_1049] : memref<819200xi32, #tpu.memory_space<hbm>> -> memref<256xi32, #tpu.memory_space<hbm>>
        %dma_wait3A_1064 = arith.constant 0 : i32
        %dma_wait3A_1065 = tpu.memref_slice %arg9[%dma_wait3A_1059, %dma_wait3A_1064] : memref<5x256xi32, #tpu.memory_space<vmem>> -> memref<1x256xi32, #tpu.memory_space<vmem>>
        %dma_wait3A_1066 = tpu.memref_squeeze %dma_wait3A_1065 : memref<1x256xi32, #tpu.memory_space<vmem>> -> memref<256xi32, #tpu.memory_space<vmem>>
        %dma_wait3A_1067 = tpu.memref_slice %arg3[%add3A_1049] : memref<819200xi32, #tpu.memory_space<hbm>> -> memref<256xi32, #tpu.memory_space<hbm>>
        tpu.wait_dma2 semaphore(%arg25 : memref<!tpu.dma_semaphore, #tpu.memory_space<semaphore_mem>>) src(%dma_wait3A_1067 : memref<256xi32, #tpu.memory_space<hbm>>) dst(%dma_wait3A_1066 : memref<256xi32, #tpu.memory_space<vmem>>)
        %mul3A_1068 = arith.constant 256 : i32
        %mul3A_1069 = arith.muli %add3A_1046, %mul3A_1068 : i32
        %add3A_1070 = arith.addi %mul3A_2, %mul3A_1069 : i32
        %add3A_1071 = arith.constant 0 : i32
        %add3A_1072 = arith.addi %add3A_1070, %add3A_1071 : i32
        %add3A_1073 = vector.broadcast %add3A_1072 : i32 to vector<16xi32>
        %add3A_1074 = arith.addi %add3A_1073, %iota3A : vector<16xi32>
        %rem3A_1075 = arith.constant 200 : i32
        %rem3A_1076 = vector.broadcast %rem3A_1075 : i32 to vector<16xi32>
        %rem3A_1077 = arith.remsi %add3A_1074, %rem3A_1076 : vector<16xi32>
        %get3A_1078 = arith.constant 3 : i32
        %get3A_1079 = arith.index_cast %get3A_1078 : i32 to index
        %get3A_1080 = arith.constant 0 : index
        %get3A_1081 = tpu.vector_load %arg9[%get3A_1079, %get3A_1080] {strides = array<i32>} : memref<5x256xi32, #tpu.memory_space<vmem>>, vector<1x16xi32>,
        %get3A_1082 = vector.shape_cast %get3A_1081 : vector<1x16xi32> to vector<16xi32>
        %mul3A_1083 = arith.constant 3 : i32
        %mul3A_1084 = vector.broadcast %mul3A_1083 : i32 to vector<16xi32>
        %mul3A_1085 = arith.muli %rem3A_1077, %mul3A_1084 : vector<16xi32>
        %add3A_1086 = arith.addi %mul3A_1085, %get3A_1082 : vector<16xi32>
        %swap3A_1087 = arith.constant 3 : i32
        %swap3A_1088 = arith.index_cast %swap3A_1087 : i32 to index
        %swap3A_1089 = arith.constant 0 : index
        %swap3A_1090 = tpu.vector_load %arg10[%swap3A_1088, %swap3A_1089] {strides = array<i32>} : memref<5x256xi32, #tpu.memory_space<vmem>>, vector<1x16xi32>,
        %swap3A_1091 = vector.shape_cast %swap3A_1090 : vector<1x16xi32> to vector<16xi32>
        %swap3A_1092 = vector.shape_cast %add3A_1086 : vector<16xi32> to vector<1x16xi32>
        tpu.vector_store %arg10[%swap3A_1088, %swap3A_1089], %swap3A_1092 {strides = array<i32>} : memref<5x256xi32, #tpu.memory_space<vmem>>, vector<1x16xi32>,
        %add3A_1093 = arith.constant 16 : i32
        %add3A_1094 = arith.addi %add3A_1070, %add3A_1093 : i32
        %add3A_1095 = vector.broadcast %add3A_1094 : i32 to vector<16xi32>
        %add3A_1096 = arith.addi %add3A_1095, %iota3A : vector<16xi32>
        %rem3A_1097 = arith.constant 200 : i32
        %rem3A_1098 = vector.broadcast %rem3A_1097 : i32 to vector<16xi32>
        %rem3A_1099 = arith.remsi %add3A_1096, %rem3A_1098 : vector<16xi32>
        %get3A_1100 = arith.constant 3 : i32
        %get3A_1101 = arith.index_cast %get3A_1100 : i32 to index
        %get3A_1102 = arith.constant 16 : index
        %get3A_1103 = tpu.vector_load %arg9[%get3A_1101, %get3A_1102] {strides = array<i32>} : memref<5x256xi32, #tpu.memory_space<vmem>>, vector<1x16xi32>,
        %get3A_1104 = vector.shape_cast %get3A_1103 : vector<1x16xi32> to vector<16xi32>
        %mul3A_1105 = arith.constant 3 : i32
        %mul3A_1106 = vector.broadcast %mul3A_1105 : i32 to vector<16xi32>
        %mul3A_1107 = arith.muli %rem3A_1099, %mul3A_1106 : vector<16xi32>
        %add3A_1108 = arith.addi %mul3A_1107, %get3A_1104 : vector<16xi32>
        %swap3A_1109 = arith.constant 3 : i32
        %swap3A_1110 = arith.index_cast %swap3A_1109 : i32 to index
        %swap3A_1111 = arith.constant 16 : index
        %swap3A_1112 = tpu.vector_load %arg10[%swap3A_1110, %swap3A_1111] {strides = array<i32>} : memref<5x256xi32, #tpu.memory_space<vmem>>, vector<1x16xi32>,
        %swap3A_1113 = vector.shape_cast %swap3A_1112 : vector<1x16xi32> to vector<16xi32>
        %swap3A_1114 = vector.shape_cast %add3A_1108 : vector<16xi32> to vector<1x16xi32>
        tpu.vector_store %arg10[%swap3A_1110, %swap3A_1111], %swap3A_1114 {strides = array<i32>} : memref<5x256xi32, #tpu.memory_space<vmem>>, vector<1x16xi32>,
        %add3A_1115 = arith.constant 32 : i32
        %add3A_1116 = arith.addi %add3A_1070, %add3A_1115 : i32
        %add3A_1117 = vector.broadcast %add3A_1116 : i32 to vector<16xi32>
        %add3A_1118 = arith.addi %add3A_1117, %iota3A : vector<16xi32>
        %rem3A_1119 = arith.constant 200 : i32
        %rem3A_1120 = vector.broadcast %rem3A_1119 : i32 to vector<16xi32>
        %rem3A_1121 = arith.remsi %add3A_1118, %rem3A_1120 : vector<16xi32>
        %get3A_1122 = arith.constant 3 : i32
        %get3A_1123 = arith.index_cast %get3A_1122 : i32 to index
        %get3A_1124 = arith.constant 32 : index
        %get3A_1125 = tpu.vector_load %arg9[%get3A_1123, %get3A_1124] {strides = array<i32>} : memref<5x256xi32, #tpu.memory_space<vmem>>, vector<1x16xi32>,
        %get3A_1126 = vector.shape_cast %get3A_1125 : vector<1x16xi32> to vector<16xi32>
        %mul3A_1127 = arith.constant 3 : i32
        %mul3A_1128 = vector.broadcast %mul3A_1127 : i32 to vector<16xi32>
        %mul3A_1129 = arith.muli %rem3A_1121, %mul3A_1128 : vector<16xi32>
        %add3A_1130 = arith.addi %mul3A_1129, %get3A_1126 : vector<16xi32>
        %swap3A_1131 = arith.constant 3 : i32
        %swap3A_1132 = arith.index_cast %swap3A_1131 : i32 to index
        %swap3A_1133 = arith.constant 32 : index
        %swap3A_1134 = tpu.vector_load %arg10[%swap3A_1132, %swap3A_1133] {strides = array<i32>} : memref<5x256xi32, #tpu.memory_space<vmem>>, vector<1x16xi32>,
        %swap3A_1135 = vector.shape_cast %swap3A_1134 : vector<1x16xi32> to vector<16xi32>
        %swap3A_1136 = vector.shape_cast %add3A_1130 : vector<16xi32> to vector<1x16xi32>
        tpu.vector_store %arg10[%swap3A_1132, %swap3A_1133], %swap3A_1136 {strides = array<i32>} : memref<5x256xi32, #tpu.memory_space<vmem>>, vector<1x16xi32>,
        %add3A_1137 = arith.constant 48 : i32
        %add3A_1138 = arith.addi %add3A_1070, %add3A_1137 : i32
        %add3A_1139 = vector.broadcast %add3A_1138 : i32 to vector<16xi32>
        %add3A_1140 = arith.addi %add3A_1139, %iota3A : vector<16xi32>
        %rem3A_1141 = arith.constant 200 : i32
        %rem3A_1142 = vector.broadcast %rem3A_1141 : i32 to vector<16xi32>
        %rem3A_1143 = arith.remsi %add3A_1140, %rem3A_1142 : vector<16xi32>
        %get3A_1144 = arith.constant 3 : i32
        %get3A_1145 = arith.index_cast %get3A_1144 : i32 to index
        %get3A_1146 = arith.constant 48 : index
        %get3A_1147 = tpu.vector_load %arg9[%get3A_1145, %get3A_1146] {strides = array<i32>} : memref<5x256xi32, #tpu.memory_space<vmem>>, vector<1x16xi32>,
        %get3A_1148 = vector.shape_cast %get3A_1147 : vector<1x16xi32> to vector<16xi32>
        %mul3A_1149 = arith.constant 3 : i32
        %mul3A_1150 = vector.broadcast %mul3A_1149 : i32 to vector<16xi32>
        %mul3A_1151 = arith.muli %rem3A_1143, %mul3A_1150 : vector<16xi32>
        %add3A_1152 = arith.addi %mul3A_1151, %get3A_1148 : vector<16xi32>
        %swap3A_1153 = arith.constant 3 : i32
        %swap3A_1154 = arith.index_cast %swap3A_1153 : i32 to index
        %swap3A_1155 = arith.constant 48 : index
        %swap3A_1156 = tpu.vector_load %arg10[%swap3A_1154, %swap3A_1155] {strides = array<i32>} : memref<5x256xi32, #tpu.memory_space<vmem>>, vector<1x16xi32>,
        %swap3A_1157 = vector.shape_cast %swap3A_1156 : vector<1x16xi32> to vector<16xi32>
        %swap3A_1158 = vector.shape_cast %add3A_1152 : vector<16xi32> to vector<1x16xi32>
        tpu.vector_store %arg10[%swap3A_1154, %swap3A_1155], %swap3A_1158 {strides = array<i32>} : memref<5x256xi32, #tpu.memory_space<vmem>>, vector<1x16xi32>,
        %add3A_1159 = arith.constant 64 : i32
        %add3A_1160 = arith.addi %add3A_1070, %add3A_1159 : i32
        %add3A_1161 = vector.broadcast %add3A_1160 : i32 to vector<16xi32>
        %add3A_1162 = arith.addi %add3A_1161, %iota3A : vector<16xi32>
        %rem3A_1163 = arith.constant 200 : i32
        %rem3A_1164 = vector.broadcast %rem3A_1163 : i32 to vector<16xi32>
        %rem3A_1165 = arith.remsi %add3A_1162, %rem3A_1164 : vector<16xi32>
        %get3A_1166 = arith.constant 3 : i32
        %get3A_1167 = arith.index_cast %get3A_1166 : i32 to index
        %get3A_1168 = arith.constant 64 : index
        %get3A_1169 = tpu.vector_load %arg9[%get3A_1167, %get3A_1168] {strides = array<i32>} : memref<5x256xi32, #tpu.memory_space<vmem>>, vector<1x16xi32>,
        %get3A_1170 = vector.shape_cast %get3A_1169 : vector<1x16xi32> to vector<16xi32>
        %mul3A_1171 = arith.constant 3 : i32
        %mul3A_1172 = vector.broadcast %mul3A_1171 : i32 to vector<16xi32>
        %mul3A_1173 = arith.muli %rem3A_1165, %mul3A_1172 : vector<16xi32>
        %add3A_1174 = arith.addi %mul3A_1173, %get3A_1170 : vector<16xi32>
        %swap3A_1175 = arith.constant 3 : i32
        %swap3A_1176 = arith.index_cast %swap3A_1175 : i32 to index
        %swap3A_1177 = arith.constant 64 : index
        %swap3A_1178 = tpu.vector_load %arg10[%swap3A_1176, %swap3A_1177] {strides = array<i32>} : memref<5x256xi32, #tpu.memory_space<vmem>>, vector<1x16xi32>,
        %swap3A_1179 = vector.shape_cast %swap3A_1178 : vector<1x16xi32> to vector<16xi32>
        %swap3A_1180 = vector.shape_cast %add3A_1174 : vector<16xi32> to vector<1x16xi32>
        tpu.vector_store %arg10[%swap3A_1176, %swap3A_1177], %swap3A_1180 {strides = array<i32>} : memref<5x256xi32, #tpu.memory_space<vmem>>, vector<1x16xi32>,
        %add3A_1181 = arith.constant 80 : i32
        %add3A_1182 = arith.addi %add3A_1070, %add3A_1181 : i32
        %add3A_1183 = vector.broadcast %add3A_1182 : i32 to vector<16xi32>
        %add3A_1184 = arith.addi %add3A_1183, %iota3A : vector<16xi32>
        %rem3A_1185 = arith.constant 200 : i32
        %rem3A_1186 = vector.broadcast %rem3A_1185 : i32 to vector<16xi32>
        %rem3A_1187 = arith.remsi %add3A_1184, %rem3A_1186 : vector<16xi32>
        %get3A_1188 = arith.constant 3 : i32
        %get3A_1189 = arith.index_cast %get3A_1188 : i32 to index
        %get3A_1190 = arith.constant 80 : index
        %get3A_1191 = tpu.vector_load %arg9[%get3A_1189, %get3A_1190] {strides = array<i32>} : memref<5x256xi32, #tpu.memory_space<vmem>>, vector<1x16xi32>,
        %get3A_1192 = vector.shape_cast %get3A_1191 : vector<1x16xi32> to vector<16xi32>
        %mul3A_1193 = arith.constant 3 : i32
        %mul3A_1194 = vector.broadcast %mul3A_1193 : i32 to vector<16xi32>
        %mul3A_1195 = arith.muli %rem3A_1187, %mul3A_1194 : vector<16xi32>
        %add3A_1196 = arith.addi %mul3A_1195, %get3A_1192 : vector<16xi32>
        %swap3A_1197 = arith.constant 3 : i32
        %swap3A_1198 = arith.index_cast %swap3A_1197 : i32 to index
        %swap3A_1199 = arith.constant 80 : index
        %swap3A_1200 = tpu.vector_load %arg10[%swap3A_1198, %swap3A_1199] {strides = array<i32>} : memref<5x256xi32, #tpu.memory_space<vmem>>, vector<1x16xi32>,
        %swap3A_1201 = vector.shape_cast %swap3A_1200 : vector<1x16xi32> to vector<16xi32>
        %swap3A_1202 = vector.shape_cast %add3A_1196 : vector<16xi32> to vector<1x16xi32>
        tpu.vector_store %arg10[%swap3A_1198, %swap3A_1199], %swap3A_1202 {strides = array<i32>} : memref<5x256xi32, #tpu.memory_space<vmem>>, vector<1x16xi32>,
        %add3A_1203 = arith.constant 96 : i32
        %add3A_1204 = arith.addi %add3A_1070, %add3A_1203 : i32
        %add3A_1205 = vector.broadcast %add3A_1204 : i32 to vector<16xi32>
        %add3A_1206 = arith.addi %add3A_1205, %iota3A : vector<16xi32>
        %rem3A_1207 = arith.constant 200 : i32
        %rem3A_1208 = vector.broadcast %rem3A_1207 : i32 to vector<16xi32>
        %rem3A_1209 = arith.remsi %add3A_1206, %rem3A_1208 : vector<16xi32>
        %get3A_1210 = arith.constant 3 : i32
        %get3A_1211 = arith.index_cast %get3A_1210 : i32 to index
        %get3A_1212 = arith.constant 96 : index
        %get3A_1213 = tpu.vector_load %arg9[%get3A_1211, %get3A_1212] {strides = array<i32>} : memref<5x256xi32, #tpu.memory_space<vmem>>, vector<1x16xi32>,
        %get3A_1214 = vector.shape_cast %get3A_1213 : vector<1x16xi32> to vector<16xi32>
        %mul3A_1215 = arith.constant 3 : i32
        %mul3A_1216 = vector.broadcast %mul3A_1215 : i32 to vector<16xi32>
        %mul3A_1217 = arith.muli %rem3A_1209, %mul3A_1216 : vector<16xi32>
        %add3A_1218 = arith.addi %mul3A_1217, %get3A_1214 : vector<16xi32>
        %swap3A_1219 = arith.constant 3 : i32
        %swap3A_1220 = arith.index_cast %swap3A_1219 : i32 to index
        %swap3A_1221 = arith.constant 96 : index
        %swap3A_1222 = tpu.vector_load %arg10[%swap3A_1220, %swap3A_1221] {strides = array<i32>} : memref<5x256xi32, #tpu.memory_space<vmem>>, vector<1x16xi32>,
        %swap3A_1223 = vector.shape_cast %swap3A_1222 : vector<1x16xi32> to vector<16xi32>
        %swap3A_1224 = vector.shape_cast %add3A_1218 : vector<16xi32> to vector<1x16xi32>
        tpu.vector_store %arg10[%swap3A_1220, %swap3A_1221], %swap3A_1224 {strides = array<i32>} : memref<5x256xi32, #tpu.memory_space<vmem>>, vector<1x16xi32>,
        %add3A_1225 = arith.constant 112 : i32
        %add3A_1226 = arith.addi %add3A_1070, %add3A_1225 : i32
        %add3A_1227 = vector.broadcast %add3A_1226 : i32 to vector<16xi32>
        %add3A_1228 = arith.addi %add3A_1227, %iota3A : vector<16xi32>
        %rem3A_1229 = arith.constant 200 : i32
        %rem3A_1230 = vector.broadcast %rem3A_1229 : i32 to vector<16xi32>
        %rem3A_1231 = arith.remsi %add3A_1228, %rem3A_1230 : vector<16xi32>
        %get3A_1232 = arith.constant 3 : i32
        %get3A_1233 = arith.index_cast %get3A_1232 : i32 to index
        %get3A_1234 = arith.constant 112 : index
        %get3A_1235 = tpu.vector_load %arg9[%get3A_1233, %get3A_1234] {strides = array<i32>} : memref<5x256xi32, #tpu.memory_space<vmem>>, vector<1x16xi32>,
        %get3A_1236 = vector.shape_cast %get3A_1235 : vector<1x16xi32> to vector<16xi32>
        %mul3A_1237 = arith.constant 3 : i32
        %mul3A_1238 = vector.broadcast %mul3A_1237 : i32 to vector<16xi32>
        %mul3A_1239 = arith.muli %rem3A_1231, %mul3A_1238 : vector<16xi32>
        %add3A_1240 = arith.addi %mul3A_1239, %get3A_1236 : vector<16xi32>
        %swap3A_1241 = arith.constant 3 : i32
        %swap3A_1242 = arith.index_cast %swap3A_1241 : i32 to index
        %swap3A_1243 = arith.constant 112 : index
        %swap3A_1244 = tpu.vector_load %arg10[%swap3A_1242, %swap3A_1243] {strides = array<i32>} : memref<5x256xi32, #tpu.memory_space<vmem>>, vector<1x16xi32>,
        %swap3A_1245 = vector.shape_cast %swap3A_1244 : vector<1x16xi32> to vector<16xi32>
        %swap3A_1246 = vector.shape_cast %add3A_1240 : vector<16xi32> to vector<1x16xi32>
        tpu.vector_store %arg10[%swap3A_1242, %swap3A_1243], %swap3A_1246 {strides = array<i32>} : memref<5x256xi32, #tpu.memory_space<vmem>>, vector<1x16xi32>,
        %add3A_1247 = arith.constant 128 : i32
        %add3A_1248 = arith.addi %add3A_1070, %add3A_1247 : i32
        %add3A_1249 = vector.broadcast %add3A_1248 : i32 to vector<16xi32>
        %add3A_1250 = arith.addi %add3A_1249, %iota3A : vector<16xi32>
        %rem3A_1251 = arith.constant 200 : i32
        %rem3A_1252 = vector.broadcast %rem3A_1251 : i32 to vector<16xi32>
        %rem3A_1253 = arith.remsi %add3A_1250, %rem3A_1252 : vector<16xi32>
        %get3A_1254 = arith.constant 3 : i32
        %get3A_1255 = arith.index_cast %get3A_1254 : i32 to index
        %get3A_1256 = arith.constant 128 : index
        %get3A_1257 = tpu.vector_load %arg9[%get3A_1255, %get3A_1256] {strides = array<i32>} : memref<5x256xi32, #tpu.memory_space<vmem>>, vector<1x16xi32>,
        %get3A_1258 = vector.shape_cast %get3A_1257 : vector<1x16xi32> to vector<16xi32>
        %mul3A_1259 = arith.constant 3 : i32
        %mul3A_1260 = vector.broadcast %mul3A_1259 : i32 to vector<16xi32>
        %mul3A_1261 = arith.muli %rem3A_1253, %mul3A_1260 : vector<16xi32>
        %add3A_1262 = arith.addi %mul3A_1261, %get3A_1258 : vector<16xi32>
        %swap3A_1263 = arith.constant 3 : i32
        %swap3A_1264 = arith.index_cast %swap3A_1263 : i32 to index
        %swap3A_1265 = arith.constant 128 : index
        %swap3A_1266 = tpu.vector_load %arg10[%swap3A_1264, %swap3A_1265] {strides = array<i32>} : memref<5x256xi32, #tpu.memory_space<vmem>>, vector<1x16xi32>,
        %swap3A_1267 = vector.shape_cast %swap3A_1266 : vector<1x16xi32> to vector<16xi32>
        %swap3A_1268 = vector.shape_cast %add3A_1262 : vector<16xi32> to vector<1x16xi32>
        tpu.vector_store %arg10[%swap3A_1264, %swap3A_1265], %swap3A_1268 {strides = array<i32>} : memref<5x256xi32, #tpu.memory_space<vmem>>, vector<1x16xi32>,
        %add3A_1269 = arith.constant 144 : i32
        %add3A_1270 = arith.addi %add3A_1070, %add3A_1269 : i32
        %add3A_1271 = vector.broadcast %add3A_1270 : i32 to vector<16xi32>
        %add3A_1272 = arith.addi %add3A_1271, %iota3A : vector<16xi32>
        %rem3A_1273 = arith.constant 200 : i32
        %rem3A_1274 = vector.broadcast %rem3A_1273 : i32 to vector<16xi32>
        %rem3A_1275 = arith.remsi %add3A_1272, %rem3A_1274 : vector<16xi32>
        %get3A_1276 = arith.constant 3 : i32
        %get3A_1277 = arith.index_cast %get3A_1276 : i32 to index
        %get3A_1278 = arith.constant 144 : index
        %get3A_1279 = tpu.vector_load %arg9[%get3A_1277, %get3A_1278] {strides = array<i32>} : memref<5x256xi32, #tpu.memory_space<vmem>>, vector<1x16xi32>,
        %get3A_1280 = vector.shape_cast %get3A_1279 : vector<1x16xi32> to vector<16xi32>
        %mul3A_1281 = arith.constant 3 : i32
        %mul3A_1282 = vector.broadcast %mul3A_1281 : i32 to vector<16xi32>
        %mul3A_1283 = arith.muli %rem3A_1275, %mul3A_1282 : vector<16xi32>
        %add3A_1284 = arith.addi %mul3A_1283, %get3A_1280 : vector<16xi32>
        %swap3A_1285 = arith.constant 3 : i32
        %swap3A_1286 = arith.index_cast %swap3A_1285 : i32 to index
        %swap3A_1287 = arith.constant 144 : index
        %swap3A_1288 = tpu.vector_load %arg10[%swap3A_1286, %swap3A_1287] {strides = array<i32>} : memref<5x256xi32, #tpu.memory_space<vmem>>, vector<1x16xi32>,
        %swap3A_1289 = vector.shape_cast %swap3A_1288 : vector<1x16xi32> to vector<16xi32>
        %swap3A_1290 = vector.shape_cast %add3A_1284 : vector<16xi32> to vector<1x16xi32>
        tpu.vector_store %arg10[%swap3A_1286, %swap3A_1287], %swap3A_1290 {strides = array<i32>} : memref<5x256xi32, #tpu.memory_space<vmem>>, vector<1x16xi32>,
        %add3A_1291 = arith.constant 160 : i32
        %add3A_1292 = arith.addi %add3A_1070, %add3A_1291 : i32
        %add3A_1293 = vector.broadcast %add3A_1292 : i32 to vector<16xi32>
        %add3A_1294 = arith.addi %add3A_1293, %iota3A : vector<16xi32>
        %rem3A_1295 = arith.constant 200 : i32
        %rem3A_1296 = vector.broadcast %rem3A_1295 : i32 to vector<16xi32>
        %rem3A_1297 = arith.remsi %add3A_1294, %rem3A_1296 : vector<16xi32>
        %get3A_1298 = arith.constant 3 : i32
        %get3A_1299 = arith.index_cast %get3A_1298 : i32 to index
        %get3A_1300 = arith.constant 160 : index
        %get3A_1301 = tpu.vector_load %arg9[%get3A_1299, %get3A_1300] {strides = array<i32>} : memref<5x256xi32, #tpu.memory_space<vmem>>, vector<1x16xi32>,
        %get3A_1302 = vector.shape_cast %get3A_1301 : vector<1x16xi32> to vector<16xi32>
        %mul3A_1303 = arith.constant 3 : i32
        %mul3A_1304 = vector.broadcast %mul3A_1303 : i32 to vector<16xi32>
        %mul3A_1305 = arith.muli %rem3A_1297, %mul3A_1304 : vector<16xi32>
        %add3A_1306 = arith.addi %mul3A_1305, %get3A_1302 : vector<16xi32>
        %swap3A_1307 = arith.constant 3 : i32
        %swap3A_1308 = arith.index_cast %swap3A_1307 : i32 to index
        %swap3A_1309 = arith.constant 160 : index
        %swap3A_1310 = tpu.vector_load %arg10[%swap3A_1308, %swap3A_1309] {strides = array<i32>} : memref<5x256xi32, #tpu.memory_space<vmem>>, vector<1x16xi32>,
        %swap3A_1311 = vector.shape_cast %swap3A_1310 : vector<1x16xi32> to vector<16xi32>
        %swap3A_1312 = vector.shape_cast %add3A_1306 : vector<16xi32> to vector<1x16xi32>
        tpu.vector_store %arg10[%swap3A_1308, %swap3A_1309], %swap3A_1312 {strides = array<i32>} : memref<5x256xi32, #tpu.memory_space<vmem>>, vector<1x16xi32>,
        %add3A_1313 = arith.constant 176 : i32
        %add3A_1314 = arith.addi %add3A_1070, %add3A_1313 : i32
        %add3A_1315 = vector.broadcast %add3A_1314 : i32 to vector<16xi32>
        %add3A_1316 = arith.addi %add3A_1315, %iota3A : vector<16xi32>
        %rem3A_1317 = arith.constant 200 : i32
        %rem3A_1318 = vector.broadcast %rem3A_1317 : i32 to vector<16xi32>
        %rem3A_1319 = arith.remsi %add3A_1316, %rem3A_1318 : vector<16xi32>
        %get3A_1320 = arith.constant 3 : i32
        %get3A_1321 = arith.index_cast %get3A_1320 : i32 to index
        %get3A_1322 = arith.constant 176 : index
        %get3A_1323 = tpu.vector_load %arg9[%get3A_1321, %get3A_1322] {strides = array<i32>} : memref<5x256xi32, #tpu.memory_space<vmem>>, vector<1x16xi32>,
        %get3A_1324 = vector.shape_cast %get3A_1323 : vector<1x16xi32> to vector<16xi32>
        %mul3A_1325 = arith.constant 3 : i32
        %mul3A_1326 = vector.broadcast %mul3A_1325 : i32 to vector<16xi32>
        %mul3A_1327 = arith.muli %rem3A_1319, %mul3A_1326 : vector<16xi32>
        %add3A_1328 = arith.addi %mul3A_1327, %get3A_1324 : vector<16xi32>
        %swap3A_1329 = arith.constant 3 : i32
        %swap3A_1330 = arith.index_cast %swap3A_1329 : i32 to index
        %swap3A_1331 = arith.constant 176 : index
        %swap3A_1332 = tpu.vector_load %arg10[%swap3A_1330, %swap3A_1331] {strides = array<i32>} : memref<5x256xi32, #tpu.memory_space<vmem>>, vector<1x16xi32>,
        %swap3A_1333 = vector.shape_cast %swap3A_1332 : vector<1x16xi32> to vector<16xi32>
        %swap3A_1334 = vector.shape_cast %add3A_1328 : vector<16xi32> to vector<1x16xi32>
        tpu.vector_store %arg10[%swap3A_1330, %swap3A_1331], %swap3A_1334 {strides = array<i32>} : memref<5x256xi32, #tpu.memory_space<vmem>>, vector<1x16xi32>,
        %add3A_1335 = arith.constant 192 : i32
        %add3A_1336 = arith.addi %add3A_1070, %add3A_1335 : i32
        %add3A_1337 = vector.broadcast %add3A_1336 : i32 to vector<16xi32>
        %add3A_1338 = arith.addi %add3A_1337, %iota3A : vector<16xi32>
        %rem3A_1339 = arith.constant 200 : i32
        %rem3A_1340 = vector.broadcast %rem3A_1339 : i32 to vector<16xi32>
        %rem3A_1341 = arith.remsi %add3A_1338, %rem3A_1340 : vector<16xi32>
        %get3A_1342 = arith.constant 3 : i32
        %get3A_1343 = arith.index_cast %get3A_1342 : i32 to index
        %get3A_1344 = arith.constant 192 : index
        %get3A_1345 = tpu.vector_load %arg9[%get3A_1343, %get3A_1344] {strides = array<i32>} : memref<5x256xi32, #tpu.memory_space<vmem>>, vector<1x16xi32>,
        %get3A_1346 = vector.shape_cast %get3A_1345 : vector<1x16xi32> to vector<16xi32>
        %mul3A_1347 = arith.constant 3 : i32
        %mul3A_1348 = vector.broadcast %mul3A_1347 : i32 to vector<16xi32>
        %mul3A_1349 = arith.muli %rem3A_1341, %mul3A_1348 : vector<16xi32>
        %add3A_1350 = arith.addi %mul3A_1349, %get3A_1346 : vector<16xi32>
        %swap3A_1351 = arith.constant 3 : i32
        %swap3A_1352 = arith.index_cast %swap3A_1351 : i32 to index
        %swap3A_1353 = arith.constant 192 : index
        %swap3A_1354 = tpu.vector_load %arg10[%swap3A_1352, %swap3A_1353] {strides = array<i32>} : memref<5x256xi32, #tpu.memory_space<vmem>>, vector<1x16xi32>,
        %swap3A_1355 = vector.shape_cast %swap3A_1354 : vector<1x16xi32> to vector<16xi32>
        %swap3A_1356 = vector.shape_cast %add3A_1350 : vector<16xi32> to vector<1x16xi32>
        tpu.vector_store %arg10[%swap3A_1352, %swap3A_1353], %swap3A_1356 {strides = array<i32>} : memref<5x256xi32, #tpu.memory_space<vmem>>, vector<1x16xi32>,
        %add3A_1357 = arith.constant 208 : i32
        %add3A_1358 = arith.addi %add3A_1070, %add3A_1357 : i32
        %add3A_1359 = vector.broadcast %add3A_1358 : i32 to vector<16xi32>
        %add3A_1360 = arith.addi %add3A_1359, %iota3A : vector<16xi32>
        %rem3A_1361 = arith.constant 200 : i32
        %rem3A_1362 = vector.broadcast %rem3A_1361 : i32 to vector<16xi32>
        %rem3A_1363 = arith.remsi %add3A_1360, %rem3A_1362 : vector<16xi32>
        %get3A_1364 = arith.constant 3 : i32
        %get3A_1365 = arith.index_cast %get3A_1364 : i32 to index
        %get3A_1366 = arith.constant 208 : index
        %get3A_1367 = tpu.vector_load %arg9[%get3A_1365, %get3A_1366] {strides = array<i32>} : memref<5x256xi32, #tpu.memory_space<vmem>>, vector<1x16xi32>,
        %get3A_1368 = vector.shape_cast %get3A_1367 : vector<1x16xi32> to vector<16xi32>
        %mul3A_1369 = arith.constant 3 : i32
        %mul3A_1370 = vector.broadcast %mul3A_1369 : i32 to vector<16xi32>
        %mul3A_1371 = arith.muli %rem3A_1363, %mul3A_1370 : vector<16xi32>
        %add3A_1372 = arith.addi %mul3A_1371, %get3A_1368 : vector<16xi32>
        %swap3A_1373 = arith.constant 3 : i32
        %swap3A_1374 = arith.index_cast %swap3A_1373 : i32 to index
        %swap3A_1375 = arith.constant 208 : index
        %swap3A_1376 = tpu.vector_load %arg10[%swap3A_1374, %swap3A_1375] {strides = array<i32>} : memref<5x256xi32, #tpu.memory_space<vmem>>, vector<1x16xi32>,
        %swap3A_1377 = vector.shape_cast %swap3A_1376 : vector<1x16xi32> to vector<16xi32>
        %swap3A_1378 = vector.shape_cast %add3A_1372 : vector<16xi32> to vector<1x16xi32>
        tpu.vector_store %arg10[%swap3A_1374, %swap3A_1375], %swap3A_1378 {strides = array<i32>} : memref<5x256xi32, #tpu.memory_space<vmem>>, vector<1x16xi32>,
        %add3A_1379 = arith.constant 224 : i32
        %add3A_1380 = arith.addi %add3A_1070, %add3A_1379 : i32
        %add3A_1381 = vector.broadcast %add3A_1380 : i32 to vector<16xi32>
        %add3A_1382 = arith.addi %add3A_1381, %iota3A : vector<16xi32>
        %rem3A_1383 = arith.constant 200 : i32
        %rem3A_1384 = vector.broadcast %rem3A_1383 : i32 to vector<16xi32>
        %rem3A_1385 = arith.remsi %add3A_1382, %rem3A_1384 : vector<16xi32>
        %get3A_1386 = arith.constant 3 : i32
        %get3A_1387 = arith.index_cast %get3A_1386 : i32 to index
        %get3A_1388 = arith.constant 224 : index
        %get3A_1389 = tpu.vector_load %arg9[%get3A_1387, %get3A_1388] {strides = array<i32>} : memref<5x256xi32, #tpu.memory_space<vmem>>, vector<1x16xi32>,
        %get3A_1390 = vector.shape_cast %get3A_1389 : vector<1x16xi32> to vector<16xi32>
        %mul3A_1391 = arith.constant 3 : i32
        %mul3A_1392 = vector.broadcast %mul3A_1391 : i32 to vector<16xi32>
        %mul3A_1393 = arith.muli %rem3A_1385, %mul3A_1392 : vector<16xi32>
        %add3A_1394 = arith.addi %mul3A_1393, %get3A_1390 : vector<16xi32>
        %swap3A_1395 = arith.constant 3 : i32
        %swap3A_1396 = arith.index_cast %swap3A_1395 : i32 to index
        %swap3A_1397 = arith.constant 224 : index
        %swap3A_1398 = tpu.vector_load %arg10[%swap3A_1396, %swap3A_1397] {strides = array<i32>} : memref<5x256xi32, #tpu.memory_space<vmem>>, vector<1x16xi32>,
        %swap3A_1399 = vector.shape_cast %swap3A_1398 : vector<1x16xi32> to vector<16xi32>
        %swap3A_1400 = vector.shape_cast %add3A_1394 : vector<16xi32> to vector<1x16xi32>
        tpu.vector_store %arg10[%swap3A_1396, %swap3A_1397], %swap3A_1400 {strides = array<i32>} : memref<5x256xi32, #tpu.memory_space<vmem>>, vector<1x16xi32>,
        %add3A_1401 = arith.constant 240 : i32
        %add3A_1402 = arith.addi %add3A_1070, %add3A_1401 : i32
        %add3A_1403 = vector.broadcast %add3A_1402 : i32 to vector<16xi32>
        %add3A_1404 = arith.addi %add3A_1403, %iota3A : vector<16xi32>
        %rem3A_1405 = arith.constant 200 : i32
        %rem3A_1406 = vector.broadcast %rem3A_1405 : i32 to vector<16xi32>
        %rem3A_1407 = arith.remsi %add3A_1404, %rem3A_1406 : vector<16xi32>
        %get3A_1408 = arith.constant 3 : i32
        %get3A_1409 = arith.index_cast %get3A_1408 : i32 to index
        %get3A_1410 = arith.constant 240 : index
        %get3A_1411 = tpu.vector_load %arg9[%get3A_1409, %get3A_1410] {strides = array<i32>} : memref<5x256xi32, #tpu.memory_space<vmem>>, vector<1x16xi32>,
        %get3A_1412 = vector.shape_cast %get3A_1411 : vector<1x16xi32> to vector<16xi32>
        %mul3A_1413 = arith.constant 3 : i32
        %mul3A_1414 = vector.broadcast %mul3A_1413 : i32 to vector<16xi32>
        %mul3A_1415 = arith.muli %rem3A_1407, %mul3A_1414 : vector<16xi32>
        %add3A_1416 = arith.addi %mul3A_1415, %get3A_1412 : vector<16xi32>
        %swap3A_1417 = arith.constant 3 : i32
        %swap3A_1418 = arith.index_cast %swap3A_1417 : i32 to index
        %swap3A_1419 = arith.constant 240 : index
        %swap3A_1420 = tpu.vector_load %arg10[%swap3A_1418, %swap3A_1419] {strides = array<i32>} : memref<5x256xi32, #tpu.memory_space<vmem>>, vector<1x16xi32>,
        %swap3A_1421 = vector.shape_cast %swap3A_1420 : vector<1x16xi32> to vector<16xi32>
        %swap3A_1422 = vector.shape_cast %add3A_1416 : vector<16xi32> to vector<1x16xi32>
        tpu.vector_store %arg10[%swap3A_1418, %swap3A_1419], %swap3A_1422 {strides = array<i32>} : memref<5x256xi32, #tpu.memory_space<vmem>>, vector<1x16xi32>,
        %add3A_1423 = arith.constant 1 : i32
        %add3A_1424 = arith.addi %add3A_842, %add3A_1423 : i32
        %ge3A = arith.constant 5 : i32
        %ge3A_1425 = arith.cmpi sge, %add3A_1424, %ge3A : i32
        %convert_element_type3A_1426 = arith.extui %ge3A_1425 : i1 to i32
        %cond3A_1427 = arith.constant 0 : i32
        %cond3A_1428 = arith.cmpi ne, %convert_element_type3A_1426, %cond3A_1427 : i32
        scf.if %cond3A_1428 {
          %add3A_1637 = arith.constant 1 : i32
          %add3A_1638 = arith.addi %add3A_842, %add3A_1637 : i32
          %sub3A = arith.constant 5 : i32
          %sub3A_1639 = arith.subi %add3A_1638, %sub3A : i32
          %mul3A_1640 = arith.constant 256 : i32
          %mul3A_1641 = arith.muli %sub3A_1639, %mul3A_1640 : i32
          %add3A_1642 = arith.addi %mul3A_2, %mul3A_1641 : i32
          %dma_wait3A_1643 = arith.constant 3 : i32
          %dma_wait3A_1644 = arith.constant 0 : i32
          %dma_wait3A_1645 = arith.constant 0 : i32
          %dma_wait3A_1646 = tpu.memref_slice %arg11[%dma_wait3A_1643, %dma_wait3A_1644, %dma_wait3A_1645] : memref<5x256x64xf32, #tpu.memory_space<vmem>> -> memref<1x256x64xf32, #tpu.memory_space<vmem>>
          %dma_wait3A_1647 = tpu.memref_squeeze %dma_wait3A_1646 : memref<1x256x64xf32, #tpu.memory_space<vmem>> -> memref<256x64xf32, #tpu.memory_space<vmem>>
          %dma_wait3A_1648 = arith.constant 0 : i32
          %dma_wait3A_1649 = tpu.memref_slice %arg6[%add3A_1642, %dma_wait3A_1648] : memref<819200x64xf32, #tpu.memory_space<hbm>> -> memref<256x64xf32, #tpu.memory_space<hbm>>
          %dma_wait3A_1650 = arith.constant 0 : i32
          %dma_wait3A_1651 = tpu.memref_slice %arg6[%add3A_1642, %dma_wait3A_1650] : memref<819200x64xf32, #tpu.memory_space<hbm>> -> memref<256x64xf32, #tpu.memory_space<hbm>>
          %dma_wait3A_1652 = arith.constant 0 : i32
          %dma_wait3A_1653 = arith.constant 0 : i32
          %dma_wait3A_1654 = tpu.memref_slice %arg11[%dma_wait3A_1643, %dma_wait3A_1652, %dma_wait3A_1653] : memref<5x256x64xf32, #tpu.memory_space<vmem>> -> memref<1x256x64xf32, #tpu.memory_space<vmem>>
          %dma_wait3A_1655 = tpu.memref_squeeze %dma_wait3A_1654 : memref<1x256x64xf32, #tpu.memory_space<vmem>> -> memref<256x64xf32, #tpu.memory_space<vmem>>
          tpu.wait_dma2 semaphore(%arg20 : memref<!tpu.dma_semaphore, #tpu.memory_space<semaphore_mem>>) src(%dma_wait3A_1655 : memref<256x64xf32, #tpu.memory_space<vmem>>) dst(%dma_wait3A_1651 : memref<256x64xf32, #tpu.memory_space<hbm>>)
        } else {
        }
        %get3A_1429 = arith.constant 3 : i32
        %get3A_1430 = arith.index_cast %get3A_1429 : i32 to index
        %get3A_1431 = arith.constant 0 : index
        %get3A_1432 = tpu.vector_load %arg8[%get3A_1430, %get3A_1431] {strides = array<i32>} : memref<5x256xi32, #tpu.memory_space<vmem>>, vector<1x16xi32>,
        %get3A_1433 = vector.shape_cast %get3A_1432 : vector<1x16xi32> to vector<16xi32>
        %dma_start3A_1434 = arith.constant 3 : i32
        %dma_start3A_1435 = arith.constant 0 : i32
        %dma_start3A_1436 = arith.constant 0 : i32
        %dma_start3A_1437 = tpu.memref_slice %arg11[%dma_start3A_1434, %dma_start3A_1435, %dma_start3A_1436] : memref<5x256x64xf32, #tpu.memory_space<vmem>> -> memref<1x16x64xf32, #tpu.memory_space<vmem>>
        %dma_start3A_1438 = tpu.memref_squeeze %dma_start3A_1437 : memref<1x16x64xf32, #tpu.memory_space<vmem>> -> memref<16x64xf32, #tpu.memory_space<vmem>>
        %dma_start3A_1439 = arith.constant 0 : i32
        %dma_start3A_1440 = arith.constant 0 : i32
        %dma_start3A_1441 = tpu.memref_slice %arg4[%dma_start3A_1439, %dma_start3A_1440] : memref<1000000x64xf32, #tpu.memory_space<hbm>> -> memref<1000000x64xf32, #tpu.memory_space<hbm>>
        tpu.enqueue_indirect_dma source(%dma_start3A_1441 : memref<1000000x64xf32, #tpu.memory_space<hbm>>) target(%dma_start3A_1438 : memref<16x64xf32, #tpu.memory_space<vmem>>) offsets(%get3A_1433 : vector<16xi32>) semaphore(%arg15 : memref<!tpu.dma_semaphore, #tpu.memory_space<semaphore_mem>>)
        %get3A_1442 = arith.constant 3 : i32
        %get3A_1443 = arith.index_cast %get3A_1442 : i32 to index
        %get3A_1444 = arith.constant 16 : index
        %get3A_1445 = tpu.vector_load %arg8[%get3A_1443, %get3A_1444] {strides = array<i32>} : memref<5x256xi32, #tpu.memory_space<vmem>>, vector<1x16xi32>,
        %get3A_1446 = vector.shape_cast %get3A_1445 : vector<1x16xi32> to vector<16xi32>
        %dma_start3A_1447 = arith.constant 3 : i32
        %dma_start3A_1448 = arith.constant 16 : i32
        %dma_start3A_1449 = arith.constant 0 : i32
        %dma_start3A_1450 = tpu.memref_slice %arg11[%dma_start3A_1447, %dma_start3A_1448, %dma_start3A_1449] : memref<5x256x64xf32, #tpu.memory_space<vmem>> -> memref<1x16x64xf32, #tpu.memory_space<vmem>>
        %dma_start3A_1451 = tpu.memref_squeeze %dma_start3A_1450 : memref<1x16x64xf32, #tpu.memory_space<vmem>> -> memref<16x64xf32, #tpu.memory_space<vmem>>
        %dma_start3A_1452 = arith.constant 0 : i32
        %dma_start3A_1453 = arith.constant 0 : i32
        %dma_start3A_1454 = tpu.memref_slice %arg4[%dma_start3A_1452, %dma_start3A_1453] : memref<1000000x64xf32, #tpu.memory_space<hbm>> -> memref<1000000x64xf32, #tpu.memory_space<hbm>>
        tpu.enqueue_indirect_dma source(%dma_start3A_1454 : memref<1000000x64xf32, #tpu.memory_space<hbm>>) target(%dma_start3A_1451 : memref<16x64xf32, #tpu.memory_space<vmem>>) offsets(%get3A_1446 : vector<16xi32>) semaphore(%arg15 : memref<!tpu.dma_semaphore, #tpu.memory_space<semaphore_mem>>)
        %get3A_1455 = arith.constant 3 : i32
        %get3A_1456 = arith.index_cast %get3A_1455 : i32 to index
        %get3A_1457 = arith.constant 32 : index
        %get3A_1458 = tpu.vector_load %arg8[%get3A_1456, %get3A_1457] {strides = array<i32>} : memref<5x256xi32, #tpu.memory_space<vmem>>, vector<1x16xi32>,
        %get3A_1459 = vector.shape_cast %get3A_1458 : vector<1x16xi32> to vector<16xi32>
        %dma_start3A_1460 = arith.constant 3 : i32
        %dma_start3A_1461 = arith.constant 32 : i32
        %dma_start3A_1462 = arith.constant 0 : i32
        %dma_start3A_1463 = tpu.memref_slice %arg11[%dma_start3A_1460, %dma_start3A_1461, %dma_start3A_1462] : memref<5x256x64xf32, #tpu.memory_space<vmem>> -> memref<1x16x64xf32, #tpu.memory_space<vmem>>
        %dma_start3A_1464 = tpu.memref_squeeze %dma_start3A_1463 : memref<1x16x64xf32, #tpu.memory_space<vmem>> -> memref<16x64xf32, #tpu.memory_space<vmem>>
        %dma_start3A_1465 = arith.constant 0 : i32
        %dma_start3A_1466 = arith.constant 0 : i32
        %dma_start3A_1467 = tpu.memref_slice %arg4[%dma_start3A_1465, %dma_start3A_1466] : memref<1000000x64xf32, #tpu.memory_space<hbm>> -> memref<1000000x64xf32, #tpu.memory_space<hbm>>
        tpu.enqueue_indirect_dma source(%dma_start3A_1467 : memref<1000000x64xf32, #tpu.memory_space<hbm>>) target(%dma_start3A_1464 : memref<16x64xf32, #tpu.memory_space<vmem>>) offsets(%get3A_1459 : vector<16xi32>) semaphore(%arg15 : memref<!tpu.dma_semaphore, #tpu.memory_space<semaphore_mem>>)
        %get3A_1468 = arith.constant 3 : i32
        %get3A_1469 = arith.index_cast %get3A_1468 : i32 to index
        %get3A_1470 = arith.constant 48 : index
        %get3A_1471 = tpu.vector_load %arg8[%get3A_1469, %get3A_1470] {strides = array<i32>} : memref<5x256xi32, #tpu.memory_space<vmem>>, vector<1x16xi32>,
        %get3A_1472 = vector.shape_cast %get3A_1471 : vector<1x16xi32> to vector<16xi32>
        %dma_start3A_1473 = arith.constant 3 : i32
        %dma_start3A_1474 = arith.constant 48 : i32
        %dma_start3A_1475 = arith.constant 0 : i32
        %dma_start3A_1476 = tpu.memref_slice %arg11[%dma_start3A_1473, %dma_start3A_1474, %dma_start3A_1475] : memref<5x256x64xf32, #tpu.memory_space<vmem>> -> memref<1x16x64xf32, #tpu.memory_space<vmem>>
        %dma_start3A_1477 = tpu.memref_squeeze %dma_start3A_1476 : memref<1x16x64xf32, #tpu.memory_space<vmem>> -> memref<16x64xf32, #tpu.memory_space<vmem>>
        %dma_start3A_1478 = arith.constant 0 : i32
        %dma_start3A_1479 = arith.constant 0 : i32
        %dma_start3A_1480 = tpu.memref_slice %arg4[%dma_start3A_1478, %dma_start3A_1479] : memref<1000000x64xf32, #tpu.memory_space<hbm>> -> memref<1000000x64xf32, #tpu.memory_space<hbm>>
        tpu.enqueue_indirect_dma source(%dma_start3A_1480 : memref<1000000x64xf32, #tpu.memory_space<hbm>>) target(%dma_start3A_1477 : memref<16x64xf32, #tpu.memory_space<vmem>>) offsets(%get3A_1472 : vector<16xi32>) semaphore(%arg15 : memref<!tpu.dma_semaphore, #tpu.memory_space<semaphore_mem>>)
        %get3A_1481 = arith.constant 3 : i32
        %get3A_1482 = arith.index_cast %get3A_1481 : i32 to index
        %get3A_1483 = arith.constant 64 : index
        %get3A_1484 = tpu.vector_load %arg8[%get3A_1482, %get3A_1483] {strides = array<i32>} : memref<5x256xi32, #tpu.memory_space<vmem>>, vector<1x16xi32>,
        %get3A_1485 = vector.shape_cast %get3A_1484 : vector<1x16xi32> to vector<16xi32>
        %dma_start3A_1486 = arith.constant 3 : i32
        %dma_start3A_1487 = arith.constant 64 : i32
        %dma_start3A_1488 = arith.constant 0 : i32
        %dma_start3A_1489 = tpu.memref_slice %arg11[%dma_start3A_1486, %dma_start3A_1487, %dma_start3A_1488] : memref<5x256x64xf32, #tpu.memory_space<vmem>> -> memref<1x16x64xf32, #tpu.memory_space<vmem>>
        %dma_start3A_1490 = tpu.memref_squeeze %dma_start3A_1489 : memref<1x16x64xf32, #tpu.memory_space<vmem>> -> memref<16x64xf32, #tpu.memory_space<vmem>>
        %dma_start3A_1491 = arith.constant 0 : i32
        %dma_start3A_1492 = arith.constant 0 : i32
        %dma_start3A_1493 = tpu.memref_slice %arg4[%dma_start3A_1491, %dma_start3A_1492] : memref<1000000x64xf32, #tpu.memory_space<hbm>> -> memref<1000000x64xf32, #tpu.memory_space<hbm>>
        tpu.enqueue_indirect_dma source(%dma_start3A_1493 : memref<1000000x64xf32, #tpu.memory_space<hbm>>) target(%dma_start3A_1490 : memref<16x64xf32, #tpu.memory_space<vmem>>) offsets(%get3A_1485 : vector<16xi32>) semaphore(%arg15 : memref<!tpu.dma_semaphore, #tpu.memory_space<semaphore_mem>>)
        %get3A_1494 = arith.constant 3 : i32
        %get3A_1495 = arith.index_cast %get3A_1494 : i32 to index
        %get3A_1496 = arith.constant 80 : index
        %get3A_1497 = tpu.vector_load %arg8[%get3A_1495, %get3A_1496] {strides = array<i32>} : memref<5x256xi32, #tpu.memory_space<vmem>>, vector<1x16xi32>,
        %get3A_1498 = vector.shape_cast %get3A_1497 : vector<1x16xi32> to vector<16xi32>
        %dma_start3A_1499 = arith.constant 3 : i32
        %dma_start3A_1500 = arith.constant 80 : i32
        %dma_start3A_1501 = arith.constant 0 : i32
        %dma_start3A_1502 = tpu.memref_slice %arg11[%dma_start3A_1499, %dma_start3A_1500, %dma_start3A_1501] : memref<5x256x64xf32, #tpu.memory_space<vmem>> -> memref<1x16x64xf32, #tpu.memory_space<vmem>>
        %dma_start3A_1503 = tpu.memref_squeeze %dma_start3A_1502 : memref<1x16x64xf32, #tpu.memory_space<vmem>> -> memref<16x64xf32, #tpu.memory_space<vmem>>
        %dma_start3A_1504 = arith.constant 0 : i32
        %dma_start3A_1505 = arith.constant 0 : i32
        %dma_start3A_1506 = tpu.memref_slice %arg4[%dma_start3A_1504, %dma_start3A_1505] : memref<1000000x64xf32, #tpu.memory_space<hbm>> -> memref<1000000x64xf32, #tpu.memory_space<hbm>>
        tpu.enqueue_indirect_dma source(%dma_start3A_1506 : memref<1000000x64xf32, #tpu.memory_space<hbm>>) target(%dma_start3A_1503 : memref<16x64xf32, #tpu.memory_space<vmem>>) offsets(%get3A_1498 : vector<16xi32>) semaphore(%arg15 : memref<!tpu.dma_semaphore, #tpu.memory_space<semaphore_mem>>)
        %get3A_1507 = arith.constant 3 : i32
        %get3A_1508 = arith.index_cast %get3A_1507 : i32 to index
        %get3A_1509 = arith.constant 96 : index
        %get3A_1510 = tpu.vector_load %arg8[%get3A_1508, %get3A_1509] {strides = array<i32>} : memref<5x256xi32, #tpu.memory_space<vmem>>, vector<1x16xi32>,
        %get3A_1511 = vector.shape_cast %get3A_1510 : vector<1x16xi32> to vector<16xi32>
        %dma_start3A_1512 = arith.constant 3 : i32
        %dma_start3A_1513 = arith.constant 96 : i32
        %dma_start3A_1514 = arith.constant 0 : i32
        %dma_start3A_1515 = tpu.memref_slice %arg11[%dma_start3A_1512, %dma_start3A_1513, %dma_start3A_1514] : memref<5x256x64xf32, #tpu.memory_space<vmem>> -> memref<1x16x64xf32, #tpu.memory_space<vmem>>
        %dma_start3A_1516 = tpu.memref_squeeze %dma_start3A_1515 : memref<1x16x64xf32, #tpu.memory_space<vmem>> -> memref<16x64xf32, #tpu.memory_space<vmem>>
        %dma_start3A_1517 = arith.constant 0 : i32
        %dma_start3A_1518 = arith.constant 0 : i32
        %dma_start3A_1519 = tpu.memref_slice %arg4[%dma_start3A_1517, %dma_start3A_1518] : memref<1000000x64xf32, #tpu.memory_space<hbm>> -> memref<1000000x64xf32, #tpu.memory_space<hbm>>
        tpu.enqueue_indirect_dma source(%dma_start3A_1519 : memref<1000000x64xf32, #tpu.memory_space<hbm>>) target(%dma_start3A_1516 : memref<16x64xf32, #tpu.memory_space<vmem>>) offsets(%get3A_1511 : vector<16xi32>) semaphore(%arg15 : memref<!tpu.dma_semaphore, #tpu.memory_space<semaphore_mem>>)
        %get3A_1520 = arith.constant 3 : i32
        %get3A_1521 = arith.index_cast %get3A_1520 : i32 to index
        %get3A_1522 = arith.constant 112 : index
        %get3A_1523 = tpu.vector_load %arg8[%get3A_1521, %get3A_1522] {strides = array<i32>} : memref<5x256xi32, #tpu.memory_space<vmem>>, vector<1x16xi32>,
        %get3A_1524 = vector.shape_cast %get3A_1523 : vector<1x16xi32> to vector<16xi32>
        %dma_start3A_1525 = arith.constant 3 : i32
        %dma_start3A_1526 = arith.constant 112 : i32
        %dma_start3A_1527 = arith.constant 0 : i32
        %dma_start3A_1528 = tpu.memref_slice %arg11[%dma_start3A_1525, %dma_start3A_1526, %dma_start3A_1527] : memref<5x256x64xf32, #tpu.memory_space<vmem>> -> memref<1x16x64xf32, #tpu.memory_space<vmem>>
        %dma_start3A_1529 = tpu.memref_squeeze %dma_start3A_1528 : memref<1x16x64xf32, #tpu.memory_space<vmem>> -> memref<16x64xf32, #tpu.memory_space<vmem>>
        %dma_start3A_1530 = arith.constant 0 : i32
        %dma_start3A_1531 = arith.constant 0 : i32
        %dma_start3A_1532 = tpu.memref_slice %arg4[%dma_start3A_1530, %dma_start3A_1531] : memref<1000000x64xf32, #tpu.memory_space<hbm>> -> memref<1000000x64xf32, #tpu.memory_space<hbm>>
        tpu.enqueue_indirect_dma source(%dma_start3A_1532 : memref<1000000x64xf32, #tpu.memory_space<hbm>>) target(%dma_start3A_1529 : memref<16x64xf32, #tpu.memory_space<vmem>>) offsets(%get3A_1524 : vector<16xi32>) semaphore(%arg15 : memref<!tpu.dma_semaphore, #tpu.memory_space<semaphore_mem>>)
        %get3A_1533 = arith.constant 3 : i32
        %get3A_1534 = arith.index_cast %get3A_1533 : i32 to index
        %get3A_1535 = arith.constant 128 : index
        %get3A_1536 = tpu.vector_load %arg8[%get3A_1534, %get3A_1535] {strides = array<i32>} : memref<5x256xi32, #tpu.memory_space<vmem>>, vector<1x16xi32>,
        %get3A_1537 = vector.shape_cast %get3A_1536 : vector<1x16xi32> to vector<16xi32>
        %dma_start3A_1538 = arith.constant 3 : i32
        %dma_start3A_1539 = arith.constant 128 : i32
        %dma_start3A_1540 = arith.constant 0 : i32
        %dma_start3A_1541 = tpu.memref_slice %arg11[%dma_start3A_1538, %dma_start3A_1539, %dma_start3A_1540] : memref<5x256x64xf32, #tpu.memory_space<vmem>> -> memref<1x16x64xf32, #tpu.memory_space<vmem>>
        %dma_start3A_1542 = tpu.memref_squeeze %dma_start3A_1541 : memref<1x16x64xf32, #tpu.memory_space<vmem>> -> memref<16x64xf32, #tpu.memory_space<vmem>>
        %dma_start3A_1543 = arith.constant 0 : i32
        %dma_start3A_1544 = arith.constant 0 : i32
        %dma_start3A_1545 = tpu.memref_slice %arg4[%dma_start3A_1543, %dma_start3A_1544] : memref<1000000x64xf32, #tpu.memory_space<hbm>> -> memref<1000000x64xf32, #tpu.memory_space<hbm>>
        tpu.enqueue_indirect_dma source(%dma_start3A_1545 : memref<1000000x64xf32, #tpu.memory_space<hbm>>) target(%dma_start3A_1542 : memref<16x64xf32, #tpu.memory_space<vmem>>) offsets(%get3A_1537 : vector<16xi32>) semaphore(%arg15 : memref<!tpu.dma_semaphore, #tpu.memory_space<semaphore_mem>>)
        %get3A_1546 = arith.constant 3 : i32
        %get3A_1547 = arith.index_cast %get3A_1546 : i32 to index
        %get3A_1548 = arith.constant 144 : index
        %get3A_1549 = tpu.vector_load %arg8[%get3A_1547, %get3A_1548] {strides = array<i32>} : memref<5x256xi32, #tpu.memory_space<vmem>>, vector<1x16xi32>,
        %get3A_1550 = vector.shape_cast %get3A_1549 : vector<1x16xi32> to vector<16xi32>
        %dma_start3A_1551 = arith.constant 3 : i32
        %dma_start3A_1552 = arith.constant 144 : i32
        %dma_start3A_1553 = arith.constant 0 : i32
        %dma_start3A_1554 = tpu.memref_slice %arg11[%dma_start3A_1551, %dma_start3A_1552, %dma_start3A_1553] : memref<5x256x64xf32, #tpu.memory_space<vmem>> -> memref<1x16x64xf32, #tpu.memory_space<vmem>>
        %dma_start3A_1555 = tpu.memref_squeeze %dma_start3A_1554 : memref<1x16x64xf32, #tpu.memory_space<vmem>> -> memref<16x64xf32, #tpu.memory_space<vmem>>
        %dma_start3A_1556 = arith.constant 0 : i32
        %dma_start3A_1557 = arith.constant 0 : i32
        %dma_start3A_1558 = tpu.memref_slice %arg4[%dma_start3A_1556, %dma_start3A_1557] : memref<1000000x64xf32, #tpu.memory_space<hbm>> -> memref<1000000x64xf32, #tpu.memory_space<hbm>>
        tpu.enqueue_indirect_dma source(%dma_start3A_1558 : memref<1000000x64xf32, #tpu.memory_space<hbm>>) target(%dma_start3A_1555 : memref<16x64xf32, #tpu.memory_space<vmem>>) offsets(%get3A_1550 : vector<16xi32>) semaphore(%arg15 : memref<!tpu.dma_semaphore, #tpu.memory_space<semaphore_mem>>)
        %get3A_1559 = arith.constant 3 : i32
        %get3A_1560 = arith.index_cast %get3A_1559 : i32 to index
        %get3A_1561 = arith.constant 160 : index
        %get3A_1562 = tpu.vector_load %arg8[%get3A_1560, %get3A_1561] {strides = array<i32>} : memref<5x256xi32, #tpu.memory_space<vmem>>, vector<1x16xi32>,
        %get3A_1563 = vector.shape_cast %get3A_1562 : vector<1x16xi32> to vector<16xi32>
        %dma_start3A_1564 = arith.constant 3 : i32
        %dma_start3A_1565 = arith.constant 160 : i32
        %dma_start3A_1566 = arith.constant 0 : i32
        %dma_start3A_1567 = tpu.memref_slice %arg11[%dma_start3A_1564, %dma_start3A_1565, %dma_start3A_1566] : memref<5x256x64xf32, #tpu.memory_space<vmem>> -> memref<1x16x64xf32, #tpu.memory_space<vmem>>
        %dma_start3A_1568 = tpu.memref_squeeze %dma_start3A_1567 : memref<1x16x64xf32, #tpu.memory_space<vmem>> -> memref<16x64xf32, #tpu.memory_space<vmem>>
        %dma_start3A_1569 = arith.constant 0 : i32
        %dma_start3A_1570 = arith.constant 0 : i32
        %dma_start3A_1571 = tpu.memref_slice %arg4[%dma_start3A_1569, %dma_start3A_1570] : memref<1000000x64xf32, #tpu.memory_space<hbm>> -> memref<1000000x64xf32, #tpu.memory_space<hbm>>
        tpu.enqueue_indirect_dma source(%dma_start3A_1571 : memref<1000000x64xf32, #tpu.memory_space<hbm>>) target(%dma_start3A_1568 : memref<16x64xf32, #tpu.memory_space<vmem>>) offsets(%get3A_1563 : vector<16xi32>) semaphore(%arg15 : memref<!tpu.dma_semaphore, #tpu.memory_space<semaphore_mem>>)
        %get3A_1572 = arith.constant 3 : i32
        %get3A_1573 = arith.index_cast %get3A_1572 : i32 to index
        %get3A_1574 = arith.constant 176 : index
        %get3A_1575 = tpu.vector_load %arg8[%get3A_1573, %get3A_1574] {strides = array<i32>} : memref<5x256xi32, #tpu.memory_space<vmem>>, vector<1x16xi32>,
        %get3A_1576 = vector.shape_cast %get3A_1575 : vector<1x16xi32> to vector<16xi32>
        %dma_start3A_1577 = arith.constant 3 : i32
        %dma_start3A_1578 = arith.constant 176 : i32
        %dma_start3A_1579 = arith.constant 0 : i32
        %dma_start3A_1580 = tpu.memref_slice %arg11[%dma_start3A_1577, %dma_start3A_1578, %dma_start3A_1579] : memref<5x256x64xf32, #tpu.memory_space<vmem>> -> memref<1x16x64xf32, #tpu.memory_space<vmem>>
        %dma_start3A_1581 = tpu.memref_squeeze %dma_start3A_1580 : memref<1x16x64xf32, #tpu.memory_space<vmem>> -> memref<16x64xf32, #tpu.memory_space<vmem>>
        %dma_start3A_1582 = arith.constant 0 : i32
        %dma_start3A_1583 = arith.constant 0 : i32
        %dma_start3A_1584 = tpu.memref_slice %arg4[%dma_start3A_1582, %dma_start3A_1583] : memref<1000000x64xf32, #tpu.memory_space<hbm>> -> memref<1000000x64xf32, #tpu.memory_space<hbm>>
        tpu.enqueue_indirect_dma source(%dma_start3A_1584 : memref<1000000x64xf32, #tpu.memory_space<hbm>>) target(%dma_start3A_1581 : memref<16x64xf32, #tpu.memory_space<vmem>>) offsets(%get3A_1576 : vector<16xi32>) semaphore(%arg15 : memref<!tpu.dma_semaphore, #tpu.memory_space<semaphore_mem>>)
        %get3A_1585 = arith.constant 3 : i32
        %get3A_1586 = arith.index_cast %get3A_1585 : i32 to index
        %get3A_1587 = arith.constant 192 : index
        %get3A_1588 = tpu.vector_load %arg8[%get3A_1586, %get3A_1587] {strides = array<i32>} : memref<5x256xi32, #tpu.memory_space<vmem>>, vector<1x16xi32>,
        %get3A_1589 = vector.shape_cast %get3A_1588 : vector<1x16xi32> to vector<16xi32>
        %dma_start3A_1590 = arith.constant 3 : i32
        %dma_start3A_1591 = arith.constant 192 : i32
        %dma_start3A_1592 = arith.constant 0 : i32
        %dma_start3A_1593 = tpu.memref_slice %arg11[%dma_start3A_1590, %dma_start3A_1591, %dma_start3A_1592] : memref<5x256x64xf32, #tpu.memory_space<vmem>> -> memref<1x16x64xf32, #tpu.memory_space<vmem>>
        %dma_start3A_1594 = tpu.memref_squeeze %dma_start3A_1593 : memref<1x16x64xf32, #tpu.memory_space<vmem>> -> memref<16x64xf32, #tpu.memory_space<vmem>>
        %dma_start3A_1595 = arith.constant 0 : i32
        %dma_start3A_1596 = arith.constant 0 : i32
        %dma_start3A_1597 = tpu.memref_slice %arg4[%dma_start3A_1595, %dma_start3A_1596] : memref<1000000x64xf32, #tpu.memory_space<hbm>> -> memref<1000000x64xf32, #tpu.memory_space<hbm>>
        tpu.enqueue_indirect_dma source(%dma_start3A_1597 : memref<1000000x64xf32, #tpu.memory_space<hbm>>) target(%dma_start3A_1594 : memref<16x64xf32, #tpu.memory_space<vmem>>) offsets(%get3A_1589 : vector<16xi32>) semaphore(%arg15 : memref<!tpu.dma_semaphore, #tpu.memory_space<semaphore_mem>>)
        %get3A_1598 = arith.constant 3 : i32
        %get3A_1599 = arith.index_cast %get3A_1598 : i32 to index
        %get3A_1600 = arith.constant 208 : index
        %get3A_1601 = tpu.vector_load %arg8[%get3A_1599, %get3A_1600] {strides = array<i32>} : memref<5x256xi32, #tpu.memory_space<vmem>>, vector<1x16xi32>,
        %get3A_1602 = vector.shape_cast %get3A_1601 : vector<1x16xi32> to vector<16xi32>
        %dma_start3A_1603 = arith.constant 3 : i32
        %dma_start3A_1604 = arith.constant 208 : i32
        %dma_start3A_1605 = arith.constant 0 : i32
        %dma_start3A_1606 = tpu.memref_slice %arg11[%dma_start3A_1603, %dma_start3A_1604, %dma_start3A_1605] : memref<5x256x64xf32, #tpu.memory_space<vmem>> -> memref<1x16x64xf32, #tpu.memory_space<vmem>>
        %dma_start3A_1607 = tpu.memref_squeeze %dma_start3A_1606 : memref<1x16x64xf32, #tpu.memory_space<vmem>> -> memref<16x64xf32, #tpu.memory_space<vmem>>
        %dma_start3A_1608 = arith.constant 0 : i32
        %dma_start3A_1609 = arith.constant 0 : i32
        %dma_start3A_1610 = tpu.memref_slice %arg4[%dma_start3A_1608, %dma_start3A_1609] : memref<1000000x64xf32, #tpu.memory_space<hbm>> -> memref<1000000x64xf32, #tpu.memory_space<hbm>>
        tpu.enqueue_indirect_dma source(%dma_start3A_1610 : memref<1000000x64xf32, #tpu.memory_space<hbm>>) target(%dma_start3A_1607 : memref<16x64xf32, #tpu.memory_space<vmem>>) offsets(%get3A_1602 : vector<16xi32>) semaphore(%arg15 : memref<!tpu.dma_semaphore, #tpu.memory_space<semaphore_mem>>)
        %get3A_1611 = arith.constant 3 : i32
        %get3A_1612 = arith.index_cast %get3A_1611 : i32 to index
        %get3A_1613 = arith.constant 224 : index
        %get3A_1614 = tpu.vector_load %arg8[%get3A_1612, %get3A_1613] {strides = array<i32>} : memref<5x256xi32, #tpu.memory_space<vmem>>, vector<1x16xi32>,
        %get3A_1615 = vector.shape_cast %get3A_1614 : vector<1x16xi32> to vector<16xi32>
        %dma_start3A_1616 = arith.constant 3 : i32
        %dma_start3A_1617 = arith.constant 224 : i32
        %dma_start3A_1618 = arith.constant 0 : i32
        %dma_start3A_1619 = tpu.memref_slice %arg11[%dma_start3A_1616, %dma_start3A_1617, %dma_start3A_1618] : memref<5x256x64xf32, #tpu.memory_space<vmem>> -> memref<1x16x64xf32, #tpu.memory_space<vmem>>
        %dma_start3A_1620 = tpu.memref_squeeze %dma_start3A_1619 : memref<1x16x64xf32, #tpu.memory_space<vmem>> -> memref<16x64xf32, #tpu.memory_space<vmem>>
        %dma_start3A_1621 = arith.constant 0 : i32
        %dma_start3A_1622 = arith.constant 0 : i32
        %dma_start3A_1623 = tpu.memref_slice %arg4[%dma_start3A_1621, %dma_start3A_1622] : memref<1000000x64xf32, #tpu.memory_space<hbm>> -> memref<1000000x64xf32, #tpu.memory_space<hbm>>
        tpu.enqueue_indirect_dma source(%dma_start3A_1623 : memref<1000000x64xf32, #tpu.memory_space<hbm>>) target(%dma_start3A_1620 : memref<16x64xf32, #tpu.memory_space<vmem>>) offsets(%get3A_1615 : vector<16xi32>) semaphore(%arg15 : memref<!tpu.dma_semaphore, #tpu.memory_space<semaphore_mem>>)
        %get3A_1624 = arith.constant 3 : i32
        %get3A_1625 = arith.index_cast %get3A_1624 : i32 to index
        %get3A_1626 = arith.constant 240 : index
        %get3A_1627 = tpu.vector_load %arg8[%get3A_1625, %get3A_1626] {strides = array<i32>} : memref<5x256xi32, #tpu.memory_space<vmem>>, vector<1x16xi32>,
        %get3A_1628 = vector.shape_cast %get3A_1627 : vector<1x16xi32> to vector<16xi32>
        %dma_start3A_1629 = arith.constant 3 : i32
        %dma_start3A_1630 = arith.constant 240 : i32
        %dma_start3A_1631 = arith.constant 0 : i32
        %dma_start3A_1632 = tpu.memref_slice %arg11[%dma_start3A_1629, %dma_start3A_1630, %dma_start3A_1631] : memref<5x256x64xf32, #tpu.memory_space<vmem>> -> memref<1x16x64xf32, #tpu.memory_space<vmem>>
        %dma_start3A_1633 = tpu.memref_squeeze %dma_start3A_1632 : memref<1x16x64xf32, #tpu.memory_space<vmem>> -> memref<16x64xf32, #tpu.memory_space<vmem>>
        %dma_start3A_1634 = arith.constant 0 : i32
        %dma_start3A_1635 = arith.constant 0 : i32
        %dma_start3A_1636 = tpu.memref_slice %arg4[%dma_start3A_1634, %dma_start3A_1635] : memref<1000000x64xf32, #tpu.memory_space<hbm>> -> memref<1000000x64xf32, #tpu.memory_space<hbm>>
        tpu.enqueue_indirect_dma source(%dma_start3A_1636 : memref<1000000x64xf32, #tpu.memory_space<hbm>>) target(%dma_start3A_1633 : memref<16x64xf32, #tpu.memory_space<vmem>>) offsets(%get3A_1628 : vector<16xi32>) semaphore(%arg15 : memref<!tpu.dma_semaphore, #tpu.memory_space<semaphore_mem>>)
      } else {
      }
      %dma_wait3A_857 = arith.constant 2 : i32
      %dma_wait3A_858 = arith.constant 2 : i32
      %dma_wait3A_859 = arith.constant 0 : i32
      %dma_wait3A_860 = arith.constant 0 : i32
      %dma_wait3A_861 = tpu.memref_slice %arg11[%dma_wait3A_858, %dma_wait3A_859, %dma_wait3A_860] : memref<5x256x64xf32, #tpu.memory_space<vmem>> -> memref<1x256x64xf32, #tpu.memory_space<vmem>>
      %dma_wait3A_862 = tpu.memref_squeeze %dma_wait3A_861 : memref<1x256x64xf32, #tpu.memory_space<vmem>> -> memref<256x64xf32, #tpu.memory_space<vmem>>
      %dma_wait3A_863 = arith.constant 0 : i32
      %dma_wait3A_864 = tpu.memref_slice %arg8[%dma_wait3A_857, %dma_wait3A_863] : memref<5x256xi32, #tpu.memory_space<vmem>> -> memref<1x256xi32, #tpu.memory_space<vmem>>
      %dma_wait3A_865 = tpu.memref_squeeze %dma_wait3A_864 : memref<1x256xi32, #tpu.memory_space<vmem>> -> memref<256xi32, #tpu.memory_space<vmem>>
      %dma_wait3A_866 = arith.constant 0 : i32
      %dma_wait3A_867 = arith.constant 0 : i32
      %dma_wait3A_868 = tpu.memref_slice %arg4[%dma_wait3A_866, %dma_wait3A_867] : memref<1000000x64xf32, #tpu.memory_space<hbm>> -> memref<1000000x64xf32, #tpu.memory_space<hbm>>
      tpu.wait_indirect_dma semaphore(%arg14 : memref<!tpu.dma_semaphore, #tpu.memory_space<semaphore_mem>>) src(%dma_wait3A_868 : memref<1000000x64xf32, #tpu.memory_space<hbm>>) dst(%dma_wait3A_862 : memref<256x64xf32, #tpu.memory_space<vmem>>)
      %dma_start3A_869 = arith.constant 2 : i32
      %dma_start3A_870 = arith.constant 2 : i32
      %dma_start3A_871 = arith.constant 0 : i32
      %dma_start3A_872 = arith.constant 0 : i32
      %dma_start3A_873 = tpu.memref_slice %arg11[%dma_start3A_870, %dma_start3A_871, %dma_start3A_872] : memref<5x256x64xf32, #tpu.memory_space<vmem>> -> memref<1x256x64xf32, #tpu.memory_space<vmem>>
      %dma_start3A_874 = tpu.memref_squeeze %dma_start3A_873 : memref<1x256x64xf32, #tpu.memory_space<vmem>> -> memref<256x64xf32, #tpu.memory_space<vmem>>
      %dma_start3A_875 = arith.constant 0 : i32
      %dma_start3A_876 = tpu.memref_slice %arg10[%dma_start3A_869, %dma_start3A_875] : memref<5x256xi32, #tpu.memory_space<vmem>> -> memref<1x256xi32, #tpu.memory_space<vmem>>
      %dma_start3A_877 = tpu.memref_squeeze %dma_start3A_876 : memref<1x256xi32, #tpu.memory_space<vmem>> -> memref<256xi32, #tpu.memory_space<vmem>>
      %dma_start3A_878 = arith.constant 0 : i32
      %dma_start3A_879 = arith.constant 0 : i32
      %dma_start3A_880 = tpu.memref_slice %arg7[%dma_start3A_878, %dma_start3A_879] : memref<600x64xf32, #tpu.memory_space<vmem_shared>> -> memref<600x64xf32, #tpu.memory_space<vmem_shared>>
      tpu.enqueue_indirect_dma source(%dma_start3A_880 : memref<600x64xf32, #tpu.memory_space<vmem_shared>>) target(%dma_start3A_874 : memref<256x64xf32, #tpu.memory_space<vmem>>) offsets(%dma_start3A_877 : memref<256xi32, #tpu.memory_space<vmem>>) semaphore(%arg27 : memref<!tpu.dma_semaphore, #tpu.memory_space<semaphore_mem>>) {add = true}
      %dma_wait3A_881 = arith.constant 2 : i32
      %dma_wait3A_882 = arith.constant 2 : i32
      %dma_wait3A_883 = arith.constant 0 : i32
      %dma_wait3A_884 = arith.constant 0 : i32
      %dma_wait3A_885 = tpu.memref_slice %arg11[%dma_wait3A_882, %dma_wait3A_883, %dma_wait3A_884] : memref<5x256x64xf32, #tpu.memory_space<vmem>> -> memref<1x256x64xf32, #tpu.memory_space<vmem>>
      %dma_wait3A_886 = tpu.memref_squeeze %dma_wait3A_885 : memref<1x256x64xf32, #tpu.memory_space<vmem>> -> memref<256x64xf32, #tpu.memory_space<vmem>>
      %dma_wait3A_887 = arith.constant 0 : i32
      %dma_wait3A_888 = tpu.memref_slice %arg10[%dma_wait3A_881, %dma_wait3A_887] : memref<5x256xi32, #tpu.memory_space<vmem>> -> memref<1x256xi32, #tpu.memory_space<vmem>>
      %dma_wait3A_889 = tpu.memref_squeeze %dma_wait3A_888 : memref<1x256xi32, #tpu.memory_space<vmem>> -> memref<256xi32, #tpu.memory_space<vmem>>
      %dma_wait3A_890 = arith.constant 0 : i32
      %dma_wait3A_891 = arith.constant 0 : i32
      %dma_wait3A_892 = tpu.memref_slice %arg7[%dma_wait3A_890, %dma_wait3A_891] : memref<600x64xf32, #tpu.memory_space<vmem_shared>> -> memref<600x64xf32, #tpu.memory_space<vmem_shared>>
      tpu.wait_indirect_dma semaphore(%arg27 : memref<!tpu.dma_semaphore, #tpu.memory_space<semaphore_mem>>) src(%dma_wait3A_892 : memref<600x64xf32, #tpu.memory_space<vmem_shared>>) dst(%dma_wait3A_886 : memref<256x64xf32, #tpu.memory_space<vmem>>)
      %mul3A_893 = arith.constant 256 : i32
      %mul3A_894 = arith.muli %add3A_842, %mul3A_893 : i32
      %add3A_895 = arith.addi %mul3A_2, %mul3A_894 : i32
      %dma_start3A_896 = arith.constant 2 : i32
      %dma_start3A_897 = arith.constant 0 : i32
      %dma_start3A_898 = arith.constant 0 : i32
      %dma_start3A_899 = tpu.memref_slice %arg11[%dma_start3A_896, %dma_start3A_897, %dma_start3A_898] : memref<5x256x64xf32, #tpu.memory_space<vmem>> -> memref<1x256x64xf32, #tpu.memory_space<vmem>>
      %dma_start3A_900 = tpu.memref_squeeze %dma_start3A_899 : memref<1x256x64xf32, #tpu.memory_space<vmem>> -> memref<256x64xf32, #tpu.memory_space<vmem>>
      %dma_start3A_901 = arith.constant 0 : i32
      %dma_start3A_902 = tpu.memref_slice %arg6[%add3A_895, %dma_start3A_901] : memref<819200x64xf32, #tpu.memory_space<hbm>> -> memref<256x64xf32, #tpu.memory_space<hbm>>
      %dma_start3A_903 = arith.constant 0 : i32
      %dma_start3A_904 = tpu.memref_slice %arg6[%add3A_895, %dma_start3A_903] : memref<819200x64xf32, #tpu.memory_space<hbm>> -> memref<256x64xf32, #tpu.memory_space<hbm>>
      %dma_start3A_905 = arith.constant 0 : i32
      %dma_start3A_906 = arith.constant 0 : i32
      %dma_start3A_907 = tpu.memref_slice %arg11[%dma_start3A_896, %dma_start3A_905, %dma_start3A_906] : memref<5x256x64xf32, #tpu.memory_space<vmem>> -> memref<1x256x64xf32, #tpu.memory_space<vmem>>
      %dma_start3A_908 = tpu.memref_squeeze %dma_start3A_907 : memref<1x256x64xf32, #tpu.memory_space<vmem>> -> memref<256x64xf32, #tpu.memory_space<vmem>>
      tpu.enqueue_dma source(%dma_start3A_908 : memref<256x64xf32, #tpu.memory_space<vmem>>) target(%dma_start3A_904 : memref<256x64xf32, #tpu.memory_space<hbm>>) target_semaphore(%arg19 : memref<!tpu.dma_semaphore, #tpu.memory_space<semaphore_mem>>)
      %add3A_909 = arith.constant 3 : i32
      %add3A_910 = arith.addi %add3A_705, %add3A_909 : i32
      %add3A_911 = arith.constant 2 : i32
      %add3A_912 = arith.addi %add3A_910, %add3A_911 : i32
      %lt3A_913 = arith.constant 100 : i32
      %lt3A_914 = arith.cmpi slt, %add3A_912, %lt3A_913 : i32
      %convert_element_type3A_915 = arith.extui %lt3A_914 : i1 to i32
      %cond3A_916 = arith.constant 0 : i32
      %cond3A_917 = arith.cmpi ne, %convert_element_type3A_915, %cond3A_916 : i32
      scf.if %cond3A_917 {
        %add3A_1045 = arith.constant 2 : i32
        %add3A_1046 = arith.addi %add3A_910, %add3A_1045 : i32
        %mul3A_1047 = arith.constant 256 : i32
        %mul3A_1048 = arith.muli %add3A_1046, %mul3A_1047 : i32
        %add3A_1049 = arith.addi %mul3A_2, %mul3A_1048 : i32
        %dma_start3A_1050 = arith.constant 0 : i32
        %dma_start3A_1051 = arith.constant 0 : i32
        %dma_start3A_1052 = tpu.memref_slice %arg8[%dma_start3A_1050, %dma_start3A_1051] : memref<5x256xi32, #tpu.memory_space<vmem>> -> memref<1x256xi32, #tpu.memory_space<vmem>>
        %dma_start3A_1053 = tpu.memref_squeeze %dma_start3A_1052 : memref<1x256xi32, #tpu.memory_space<vmem>> -> memref<256xi32, #tpu.memory_space<vmem>>
        %dma_start3A_1054 = tpu.memref_slice %arg2[%add3A_1049] : memref<819200xi32, #tpu.memory_space<hbm>> -> memref<256xi32, #tpu.memory_space<hbm>>
        %dma_start3A_1055 = arith.constant 0 : i32
        %dma_start3A_1056 = tpu.memref_slice %arg8[%dma_start3A_1050, %dma_start3A_1055] : memref<5x256xi32, #tpu.memory_space<vmem>> -> memref<1x256xi32, #tpu.memory_space<vmem>>
        %dma_start3A_1057 = tpu.memref_squeeze %dma_start3A_1056 : memref<1x256xi32, #tpu.memory_space<vmem>> -> memref<256xi32, #tpu.memory_space<vmem>>
        %dma_start3A_1058 = tpu.memref_slice %arg2[%add3A_1049] : memref<819200xi32, #tpu.memory_space<hbm>> -> memref<256xi32, #tpu.memory_space<hbm>>
        tpu.enqueue_dma source(%dma_start3A_1058 : memref<256xi32, #tpu.memory_space<hbm>>) target(%dma_start3A_1057 : memref<256xi32, #tpu.memory_space<vmem>>) target_semaphore(%arg22 : memref<!tpu.dma_semaphore, #tpu.memory_space<semaphore_mem>>)
        %dma_start3A_1059 = arith.constant 0 : i32
        %dma_start3A_1060 = arith.constant 0 : i32
        %dma_start3A_1061 = tpu.memref_slice %arg9[%dma_start3A_1059, %dma_start3A_1060] : memref<5x256xi32, #tpu.memory_space<vmem>> -> memref<1x256xi32, #tpu.memory_space<vmem>>
        %dma_start3A_1062 = tpu.memref_squeeze %dma_start3A_1061 : memref<1x256xi32, #tpu.memory_space<vmem>> -> memref<256xi32, #tpu.memory_space<vmem>>
        %dma_start3A_1063 = tpu.memref_slice %arg3[%add3A_1049] : memref<819200xi32, #tpu.memory_space<hbm>> -> memref<256xi32, #tpu.memory_space<hbm>>
        %dma_start3A_1064 = arith.constant 0 : i32
        %dma_start3A_1065 = tpu.memref_slice %arg9[%dma_start3A_1059, %dma_start3A_1064] : memref<5x256xi32, #tpu.memory_space<vmem>> -> memref<1x256xi32, #tpu.memory_space<vmem>>
        %dma_start3A_1066 = tpu.memref_squeeze %dma_start3A_1065 : memref<1x256xi32, #tpu.memory_space<vmem>> -> memref<256xi32, #tpu.memory_space<vmem>>
        %dma_start3A_1067 = tpu.memref_slice %arg3[%add3A_1049] : memref<819200xi32, #tpu.memory_space<hbm>> -> memref<256xi32, #tpu.memory_space<hbm>>
        tpu.enqueue_dma source(%dma_start3A_1067 : memref<256xi32, #tpu.memory_space<hbm>>) target(%dma_start3A_1066 : memref<256xi32, #tpu.memory_space<vmem>>) target_semaphore(%arg22 : memref<!tpu.dma_semaphore, #tpu.memory_space<semaphore_mem>>)
      } else {
      }
      %add3A_918 = arith.constant 1 : i32
      %add3A_919 = arith.addi %add3A_910, %add3A_918 : i32
      %lt3A_920 = arith.constant 100 : i32
      %lt3A_921 = arith.cmpi slt, %add3A_919, %lt3A_920 : i32
      %convert_element_type3A_922 = arith.extui %lt3A_921 : i1 to i32
      %cond3A_923 = arith.constant 0 : i32
      %cond3A_924 = arith.cmpi ne, %convert_element_type3A_922, %cond3A_923 : i32
      scf.if %cond3A_924 {
        %add3A_1045 = arith.constant 1 : i32
        %add3A_1046 = arith.addi %add3A_910, %add3A_1045 : i32
        %mul3A_1047 = arith.constant 256 : i32
        %mul3A_1048 = arith.muli %add3A_1046, %mul3A_1047 : i32
        %add3A_1049 = arith.addi %mul3A_2, %mul3A_1048 : i32
        %dma_wait3A_1050 = arith.constant 4 : i32
        %dma_wait3A_1051 = arith.constant 0 : i32
        %dma_wait3A_1052 = tpu.memref_slice %arg8[%dma_wait3A_1050, %dma_wait3A_1051] : memref<5x256xi32, #tpu.memory_space<vmem>> -> memref<1x256xi32, #tpu.memory_space<vmem>>
        %dma_wait3A_1053 = tpu.memref_squeeze %dma_wait3A_1052 : memref<1x256xi32, #tpu.memory_space<vmem>> -> memref<256xi32, #tpu.memory_space<vmem>>
        %dma_wait3A_1054 = tpu.memref_slice %arg2[%add3A_1049] : memref<819200xi32, #tpu.memory_space<hbm>> -> memref<256xi32, #tpu.memory_space<hbm>>
        %dma_wait3A_1055 = arith.constant 0 : i32
        %dma_wait3A_1056 = tpu.memref_slice %arg8[%dma_wait3A_1050, %dma_wait3A_1055] : memref<5x256xi32, #tpu.memory_space<vmem>> -> memref<1x256xi32, #tpu.memory_space<vmem>>
        %dma_wait3A_1057 = tpu.memref_squeeze %dma_wait3A_1056 : memref<1x256xi32, #tpu.memory_space<vmem>> -> memref<256xi32, #tpu.memory_space<vmem>>
        %dma_wait3A_1058 = tpu.memref_slice %arg2[%add3A_1049] : memref<819200xi32, #tpu.memory_space<hbm>> -> memref<256xi32, #tpu.memory_space<hbm>>
        tpu.wait_dma2 semaphore(%arg26 : memref<!tpu.dma_semaphore, #tpu.memory_space<semaphore_mem>>) src(%dma_wait3A_1058 : memref<256xi32, #tpu.memory_space<hbm>>) dst(%dma_wait3A_1057 : memref<256xi32, #tpu.memory_space<vmem>>)
        %dma_wait3A_1059 = arith.constant 4 : i32
        %dma_wait3A_1060 = arith.constant 0 : i32
        %dma_wait3A_1061 = tpu.memref_slice %arg9[%dma_wait3A_1059, %dma_wait3A_1060] : memref<5x256xi32, #tpu.memory_space<vmem>> -> memref<1x256xi32, #tpu.memory_space<vmem>>
        %dma_wait3A_1062 = tpu.memref_squeeze %dma_wait3A_1061 : memref<1x256xi32, #tpu.memory_space<vmem>> -> memref<256xi32, #tpu.memory_space<vmem>>
        %dma_wait3A_1063 = tpu.memref_slice %arg3[%add3A_1049] : memref<819200xi32, #tpu.memory_space<hbm>> -> memref<256xi32, #tpu.memory_space<hbm>>
        %dma_wait3A_1064 = arith.constant 0 : i32
        %dma_wait3A_1065 = tpu.memref_slice %arg9[%dma_wait3A_1059, %dma_wait3A_1064] : memref<5x256xi32, #tpu.memory_space<vmem>> -> memref<1x256xi32, #tpu.memory_space<vmem>>
        %dma_wait3A_1066 = tpu.memref_squeeze %dma_wait3A_1065 : memref<1x256xi32, #tpu.memory_space<vmem>> -> memref<256xi32, #tpu.memory_space<vmem>>
        %dma_wait3A_1067 = tpu.memref_slice %arg3[%add3A_1049] : memref<819200xi32, #tpu.memory_space<hbm>> -> memref<256xi32, #tpu.memory_space<hbm>>
        tpu.wait_dma2 semaphore(%arg26 : memref<!tpu.dma_semaphore, #tpu.memory_space<semaphore_mem>>) src(%dma_wait3A_1067 : memref<256xi32, #tpu.memory_space<hbm>>) dst(%dma_wait3A_1066 : memref<256xi32, #tpu.memory_space<vmem>>)
        %mul3A_1068 = arith.constant 256 : i32
        %mul3A_1069 = arith.muli %add3A_1046, %mul3A_1068 : i32
        %add3A_1070 = arith.addi %mul3A_2, %mul3A_1069 : i32
        %add3A_1071 = arith.constant 0 : i32
        %add3A_1072 = arith.addi %add3A_1070, %add3A_1071 : i32
        %add3A_1073 = vector.broadcast %add3A_1072 : i32 to vector<16xi32>
        %add3A_1074 = arith.addi %add3A_1073, %iota3A : vector<16xi32>
        %rem3A_1075 = arith.constant 200 : i32
        %rem3A_1076 = vector.broadcast %rem3A_1075 : i32 to vector<16xi32>
        %rem3A_1077 = arith.remsi %add3A_1074, %rem3A_1076 : vector<16xi32>
        %get3A_1078 = arith.constant 4 : i32
        %get3A_1079 = arith.index_cast %get3A_1078 : i32 to index
        %get3A_1080 = arith.constant 0 : index
        %get3A_1081 = tpu.vector_load %arg9[%get3A_1079, %get3A_1080] {strides = array<i32>} : memref<5x256xi32, #tpu.memory_space<vmem>>, vector<1x16xi32>,
        %get3A_1082 = vector.shape_cast %get3A_1081 : vector<1x16xi32> to vector<16xi32>
        %mul3A_1083 = arith.constant 3 : i32
        %mul3A_1084 = vector.broadcast %mul3A_1083 : i32 to vector<16xi32>
        %mul3A_1085 = arith.muli %rem3A_1077, %mul3A_1084 : vector<16xi32>
        %add3A_1086 = arith.addi %mul3A_1085, %get3A_1082 : vector<16xi32>
        %swap3A_1087 = arith.constant 4 : i32
        %swap3A_1088 = arith.index_cast %swap3A_1087 : i32 to index
        %swap3A_1089 = arith.constant 0 : index
        %swap3A_1090 = tpu.vector_load %arg10[%swap3A_1088, %swap3A_1089] {strides = array<i32>} : memref<5x256xi32, #tpu.memory_space<vmem>>, vector<1x16xi32>,
        %swap3A_1091 = vector.shape_cast %swap3A_1090 : vector<1x16xi32> to vector<16xi32>
        %swap3A_1092 = vector.shape_cast %add3A_1086 : vector<16xi32> to vector<1x16xi32>
        tpu.vector_store %arg10[%swap3A_1088, %swap3A_1089], %swap3A_1092 {strides = array<i32>} : memref<5x256xi32, #tpu.memory_space<vmem>>, vector<1x16xi32>,
        %add3A_1093 = arith.constant 16 : i32
        %add3A_1094 = arith.addi %add3A_1070, %add3A_1093 : i32
        %add3A_1095 = vector.broadcast %add3A_1094 : i32 to vector<16xi32>
        %add3A_1096 = arith.addi %add3A_1095, %iota3A : vector<16xi32>
        %rem3A_1097 = arith.constant 200 : i32
        %rem3A_1098 = vector.broadcast %rem3A_1097 : i32 to vector<16xi32>
        %rem3A_1099 = arith.remsi %add3A_1096, %rem3A_1098 : vector<16xi32>
        %get3A_1100 = arith.constant 4 : i32
        %get3A_1101 = arith.index_cast %get3A_1100 : i32 to index
        %get3A_1102 = arith.constant 16 : index
        %get3A_1103 = tpu.vector_load %arg9[%get3A_1101, %get3A_1102] {strides = array<i32>} : memref<5x256xi32, #tpu.memory_space<vmem>>, vector<1x16xi32>,
        %get3A_1104 = vector.shape_cast %get3A_1103 : vector<1x16xi32> to vector<16xi32>
        %mul3A_1105 = arith.constant 3 : i32
        %mul3A_1106 = vector.broadcast %mul3A_1105 : i32 to vector<16xi32>
        %mul3A_1107 = arith.muli %rem3A_1099, %mul3A_1106 : vector<16xi32>
        %add3A_1108 = arith.addi %mul3A_1107, %get3A_1104 : vector<16xi32>
        %swap3A_1109 = arith.constant 4 : i32
        %swap3A_1110 = arith.index_cast %swap3A_1109 : i32 to index
        %swap3A_1111 = arith.constant 16 : index
        %swap3A_1112 = tpu.vector_load %arg10[%swap3A_1110, %swap3A_1111] {strides = array<i32>} : memref<5x256xi32, #tpu.memory_space<vmem>>, vector<1x16xi32>,
        %swap3A_1113 = vector.shape_cast %swap3A_1112 : vector<1x16xi32> to vector<16xi32>
        %swap3A_1114 = vector.shape_cast %add3A_1108 : vector<16xi32> to vector<1x16xi32>
        tpu.vector_store %arg10[%swap3A_1110, %swap3A_1111], %swap3A_1114 {strides = array<i32>} : memref<5x256xi32, #tpu.memory_space<vmem>>, vector<1x16xi32>,
        %add3A_1115 = arith.constant 32 : i32
        %add3A_1116 = arith.addi %add3A_1070, %add3A_1115 : i32
        %add3A_1117 = vector.broadcast %add3A_1116 : i32 to vector<16xi32>
        %add3A_1118 = arith.addi %add3A_1117, %iota3A : vector<16xi32>
        %rem3A_1119 = arith.constant 200 : i32
        %rem3A_1120 = vector.broadcast %rem3A_1119 : i32 to vector<16xi32>
        %rem3A_1121 = arith.remsi %add3A_1118, %rem3A_1120 : vector<16xi32>
        %get3A_1122 = arith.constant 4 : i32
        %get3A_1123 = arith.index_cast %get3A_1122 : i32 to index
        %get3A_1124 = arith.constant 32 : index
        %get3A_1125 = tpu.vector_load %arg9[%get3A_1123, %get3A_1124] {strides = array<i32>} : memref<5x256xi32, #tpu.memory_space<vmem>>, vector<1x16xi32>,
        %get3A_1126 = vector.shape_cast %get3A_1125 : vector<1x16xi32> to vector<16xi32>
        %mul3A_1127 = arith.constant 3 : i32
        %mul3A_1128 = vector.broadcast %mul3A_1127 : i32 to vector<16xi32>
        %mul3A_1129 = arith.muli %rem3A_1121, %mul3A_1128 : vector<16xi32>
        %add3A_1130 = arith.addi %mul3A_1129, %get3A_1126 : vector<16xi32>
        %swap3A_1131 = arith.constant 4 : i32
        %swap3A_1132 = arith.index_cast %swap3A_1131 : i32 to index
        %swap3A_1133 = arith.constant 32 : index
        %swap3A_1134 = tpu.vector_load %arg10[%swap3A_1132, %swap3A_1133] {strides = array<i32>} : memref<5x256xi32, #tpu.memory_space<vmem>>, vector<1x16xi32>,
        %swap3A_1135 = vector.shape_cast %swap3A_1134 : vector<1x16xi32> to vector<16xi32>
        %swap3A_1136 = vector.shape_cast %add3A_1130 : vector<16xi32> to vector<1x16xi32>
        tpu.vector_store %arg10[%swap3A_1132, %swap3A_1133], %swap3A_1136 {strides = array<i32>} : memref<5x256xi32, #tpu.memory_space<vmem>>, vector<1x16xi32>,
        %add3A_1137 = arith.constant 48 : i32
        %add3A_1138 = arith.addi %add3A_1070, %add3A_1137 : i32
        %add3A_1139 = vector.broadcast %add3A_1138 : i32 to vector<16xi32>
        %add3A_1140 = arith.addi %add3A_1139, %iota3A : vector<16xi32>
        %rem3A_1141 = arith.constant 200 : i32
        %rem3A_1142 = vector.broadcast %rem3A_1141 : i32 to vector<16xi32>
        %rem3A_1143 = arith.remsi %add3A_1140, %rem3A_1142 : vector<16xi32>
        %get3A_1144 = arith.constant 4 : i32
        %get3A_1145 = arith.index_cast %get3A_1144 : i32 to index
        %get3A_1146 = arith.constant 48 : index
        %get3A_1147 = tpu.vector_load %arg9[%get3A_1145, %get3A_1146] {strides = array<i32>} : memref<5x256xi32, #tpu.memory_space<vmem>>, vector<1x16xi32>,
        %get3A_1148 = vector.shape_cast %get3A_1147 : vector<1x16xi32> to vector<16xi32>
        %mul3A_1149 = arith.constant 3 : i32
        %mul3A_1150 = vector.broadcast %mul3A_1149 : i32 to vector<16xi32>
        %mul3A_1151 = arith.muli %rem3A_1143, %mul3A_1150 : vector<16xi32>
        %add3A_1152 = arith.addi %mul3A_1151, %get3A_1148 : vector<16xi32>
        %swap3A_1153 = arith.constant 4 : i32
        %swap3A_1154 = arith.index_cast %swap3A_1153 : i32 to index
        %swap3A_1155 = arith.constant 48 : index
        %swap3A_1156 = tpu.vector_load %arg10[%swap3A_1154, %swap3A_1155] {strides = array<i32>} : memref<5x256xi32, #tpu.memory_space<vmem>>, vector<1x16xi32>,
        %swap3A_1157 = vector.shape_cast %swap3A_1156 : vector<1x16xi32> to vector<16xi32>
        %swap3A_1158 = vector.shape_cast %add3A_1152 : vector<16xi32> to vector<1x16xi32>
        tpu.vector_store %arg10[%swap3A_1154, %swap3A_1155], %swap3A_1158 {strides = array<i32>} : memref<5x256xi32, #tpu.memory_space<vmem>>, vector<1x16xi32>,
        %add3A_1159 = arith.constant 64 : i32
        %add3A_1160 = arith.addi %add3A_1070, %add3A_1159 : i32
        %add3A_1161 = vector.broadcast %add3A_1160 : i32 to vector<16xi32>
        %add3A_1162 = arith.addi %add3A_1161, %iota3A : vector<16xi32>
        %rem3A_1163 = arith.constant 200 : i32
        %rem3A_1164 = vector.broadcast %rem3A_1163 : i32 to vector<16xi32>
        %rem3A_1165 = arith.remsi %add3A_1162, %rem3A_1164 : vector<16xi32>
        %get3A_1166 = arith.constant 4 : i32
        %get3A_1167 = arith.index_cast %get3A_1166 : i32 to index
        %get3A_1168 = arith.constant 64 : index
        %get3A_1169 = tpu.vector_load %arg9[%get3A_1167, %get3A_1168] {strides = array<i32>} : memref<5x256xi32, #tpu.memory_space<vmem>>, vector<1x16xi32>,
        %get3A_1170 = vector.shape_cast %get3A_1169 : vector<1x16xi32> to vector<16xi32>
        %mul3A_1171 = arith.constant 3 : i32
        %mul3A_1172 = vector.broadcast %mul3A_1171 : i32 to vector<16xi32>
        %mul3A_1173 = arith.muli %rem3A_1165, %mul3A_1172 : vector<16xi32>
        %add3A_1174 = arith.addi %mul3A_1173, %get3A_1170 : vector<16xi32>
        %swap3A_1175 = arith.constant 4 : i32
        %swap3A_1176 = arith.index_cast %swap3A_1175 : i32 to index
        %swap3A_1177 = arith.constant 64 : index
        %swap3A_1178 = tpu.vector_load %arg10[%swap3A_1176, %swap3A_1177] {strides = array<i32>} : memref<5x256xi32, #tpu.memory_space<vmem>>, vector<1x16xi32>,
        %swap3A_1179 = vector.shape_cast %swap3A_1178 : vector<1x16xi32> to vector<16xi32>
        %swap3A_1180 = vector.shape_cast %add3A_1174 : vector<16xi32> to vector<1x16xi32>
        tpu.vector_store %arg10[%swap3A_1176, %swap3A_1177], %swap3A_1180 {strides = array<i32>} : memref<5x256xi32, #tpu.memory_space<vmem>>, vector<1x16xi32>,
        %add3A_1181 = arith.constant 80 : i32
        %add3A_1182 = arith.addi %add3A_1070, %add3A_1181 : i32
        %add3A_1183 = vector.broadcast %add3A_1182 : i32 to vector<16xi32>
        %add3A_1184 = arith.addi %add3A_1183, %iota3A : vector<16xi32>
        %rem3A_1185 = arith.constant 200 : i32
        %rem3A_1186 = vector.broadcast %rem3A_1185 : i32 to vector<16xi32>
        %rem3A_1187 = arith.remsi %add3A_1184, %rem3A_1186 : vector<16xi32>
        %get3A_1188 = arith.constant 4 : i32
        %get3A_1189 = arith.index_cast %get3A_1188 : i32 to index
        %get3A_1190 = arith.constant 80 : index
        %get3A_1191 = tpu.vector_load %arg9[%get3A_1189, %get3A_1190] {strides = array<i32>} : memref<5x256xi32, #tpu.memory_space<vmem>>, vector<1x16xi32>,
        %get3A_1192 = vector.shape_cast %get3A_1191 : vector<1x16xi32> to vector<16xi32>
        %mul3A_1193 = arith.constant 3 : i32
        %mul3A_1194 = vector.broadcast %mul3A_1193 : i32 to vector<16xi32>
        %mul3A_1195 = arith.muli %rem3A_1187, %mul3A_1194 : vector<16xi32>
        %add3A_1196 = arith.addi %mul3A_1195, %get3A_1192 : vector<16xi32>
        %swap3A_1197 = arith.constant 4 : i32
        %swap3A_1198 = arith.index_cast %swap3A_1197 : i32 to index
        %swap3A_1199 = arith.constant 80 : index
        %swap3A_1200 = tpu.vector_load %arg10[%swap3A_1198, %swap3A_1199] {strides = array<i32>} : memref<5x256xi32, #tpu.memory_space<vmem>>, vector<1x16xi32>,
        %swap3A_1201 = vector.shape_cast %swap3A_1200 : vector<1x16xi32> to vector<16xi32>
        %swap3A_1202 = vector.shape_cast %add3A_1196 : vector<16xi32> to vector<1x16xi32>
        tpu.vector_store %arg10[%swap3A_1198, %swap3A_1199], %swap3A_1202 {strides = array<i32>} : memref<5x256xi32, #tpu.memory_space<vmem>>, vector<1x16xi32>,
        %add3A_1203 = arith.constant 96 : i32
        %add3A_1204 = arith.addi %add3A_1070, %add3A_1203 : i32
        %add3A_1205 = vector.broadcast %add3A_1204 : i32 to vector<16xi32>
        %add3A_1206 = arith.addi %add3A_1205, %iota3A : vector<16xi32>
        %rem3A_1207 = arith.constant 200 : i32
        %rem3A_1208 = vector.broadcast %rem3A_1207 : i32 to vector<16xi32>
        %rem3A_1209 = arith.remsi %add3A_1206, %rem3A_1208 : vector<16xi32>
        %get3A_1210 = arith.constant 4 : i32
        %get3A_1211 = arith.index_cast %get3A_1210 : i32 to index
        %get3A_1212 = arith.constant 96 : index
        %get3A_1213 = tpu.vector_load %arg9[%get3A_1211, %get3A_1212] {strides = array<i32>} : memref<5x256xi32, #tpu.memory_space<vmem>>, vector<1x16xi32>,
        %get3A_1214 = vector.shape_cast %get3A_1213 : vector<1x16xi32> to vector<16xi32>
        %mul3A_1215 = arith.constant 3 : i32
        %mul3A_1216 = vector.broadcast %mul3A_1215 : i32 to vector<16xi32>
        %mul3A_1217 = arith.muli %rem3A_1209, %mul3A_1216 : vector<16xi32>
        %add3A_1218 = arith.addi %mul3A_1217, %get3A_1214 : vector<16xi32>
        %swap3A_1219 = arith.constant 4 : i32
        %swap3A_1220 = arith.index_cast %swap3A_1219 : i32 to index
        %swap3A_1221 = arith.constant 96 : index
        %swap3A_1222 = tpu.vector_load %arg10[%swap3A_1220, %swap3A_1221] {strides = array<i32>} : memref<5x256xi32, #tpu.memory_space<vmem>>, vector<1x16xi32>,
        %swap3A_1223 = vector.shape_cast %swap3A_1222 : vector<1x16xi32> to vector<16xi32>
        %swap3A_1224 = vector.shape_cast %add3A_1218 : vector<16xi32> to vector<1x16xi32>
        tpu.vector_store %arg10[%swap3A_1220, %swap3A_1221], %swap3A_1224 {strides = array<i32>} : memref<5x256xi32, #tpu.memory_space<vmem>>, vector<1x16xi32>,
        %add3A_1225 = arith.constant 112 : i32
        %add3A_1226 = arith.addi %add3A_1070, %add3A_1225 : i32
        %add3A_1227 = vector.broadcast %add3A_1226 : i32 to vector<16xi32>
        %add3A_1228 = arith.addi %add3A_1227, %iota3A : vector<16xi32>
        %rem3A_1229 = arith.constant 200 : i32
        %rem3A_1230 = vector.broadcast %rem3A_1229 : i32 to vector<16xi32>
        %rem3A_1231 = arith.remsi %add3A_1228, %rem3A_1230 : vector<16xi32>
        %get3A_1232 = arith.constant 4 : i32
        %get3A_1233 = arith.index_cast %get3A_1232 : i32 to index
        %get3A_1234 = arith.constant 112 : index
        %get3A_1235 = tpu.vector_load %arg9[%get3A_1233, %get3A_1234] {strides = array<i32>} : memref<5x256xi32, #tpu.memory_space<vmem>>, vector<1x16xi32>,
        %get3A_1236 = vector.shape_cast %get3A_1235 : vector<1x16xi32> to vector<16xi32>
        %mul3A_1237 = arith.constant 3 : i32
        %mul3A_1238 = vector.broadcast %mul3A_1237 : i32 to vector<16xi32>
        %mul3A_1239 = arith.muli %rem3A_1231, %mul3A_1238 : vector<16xi32>
        %add3A_1240 = arith.addi %mul3A_1239, %get3A_1236 : vector<16xi32>
        %swap3A_1241 = arith.constant 4 : i32
        %swap3A_1242 = arith.index_cast %swap3A_1241 : i32 to index
        %swap3A_1243 = arith.constant 112 : index
        %swap3A_1244 = tpu.vector_load %arg10[%swap3A_1242, %swap3A_1243] {strides = array<i32>} : memref<5x256xi32, #tpu.memory_space<vmem>>, vector<1x16xi32>,
        %swap3A_1245 = vector.shape_cast %swap3A_1244 : vector<1x16xi32> to vector<16xi32>
        %swap3A_1246 = vector.shape_cast %add3A_1240 : vector<16xi32> to vector<1x16xi32>
        tpu.vector_store %arg10[%swap3A_1242, %swap3A_1243], %swap3A_1246 {strides = array<i32>} : memref<5x256xi32, #tpu.memory_space<vmem>>, vector<1x16xi32>,
        %add3A_1247 = arith.constant 128 : i32
        %add3A_1248 = arith.addi %add3A_1070, %add3A_1247 : i32
        %add3A_1249 = vector.broadcast %add3A_1248 : i32 to vector<16xi32>
        %add3A_1250 = arith.addi %add3A_1249, %iota3A : vector<16xi32>
        %rem3A_1251 = arith.constant 200 : i32
        %rem3A_1252 = vector.broadcast %rem3A_1251 : i32 to vector<16xi32>
        %rem3A_1253 = arith.remsi %add3A_1250, %rem3A_1252 : vector<16xi32>
        %get3A_1254 = arith.constant 4 : i32
        %get3A_1255 = arith.index_cast %get3A_1254 : i32 to index
        %get3A_1256 = arith.constant 128 : index
        %get3A_1257 = tpu.vector_load %arg9[%get3A_1255, %get3A_1256] {strides = array<i32>} : memref<5x256xi32, #tpu.memory_space<vmem>>, vector<1x16xi32>,
        %get3A_1258 = vector.shape_cast %get3A_1257 : vector<1x16xi32> to vector<16xi32>
        %mul3A_1259 = arith.constant 3 : i32
        %mul3A_1260 = vector.broadcast %mul3A_1259 : i32 to vector<16xi32>
        %mul3A_1261 = arith.muli %rem3A_1253, %mul3A_1260 : vector<16xi32>
        %add3A_1262 = arith.addi %mul3A_1261, %get3A_1258 : vector<16xi32>
        %swap3A_1263 = arith.constant 4 : i32
        %swap3A_1264 = arith.index_cast %swap3A_1263 : i32 to index
        %swap3A_1265 = arith.constant 128 : index
        %swap3A_1266 = tpu.vector_load %arg10[%swap3A_1264, %swap3A_1265] {strides = array<i32>} : memref<5x256xi32, #tpu.memory_space<vmem>>, vector<1x16xi32>,
        %swap3A_1267 = vector.shape_cast %swap3A_1266 : vector<1x16xi32> to vector<16xi32>
        %swap3A_1268 = vector.shape_cast %add3A_1262 : vector<16xi32> to vector<1x16xi32>
        tpu.vector_store %arg10[%swap3A_1264, %swap3A_1265], %swap3A_1268 {strides = array<i32>} : memref<5x256xi32, #tpu.memory_space<vmem>>, vector<1x16xi32>,
        %add3A_1269 = arith.constant 144 : i32
        %add3A_1270 = arith.addi %add3A_1070, %add3A_1269 : i32
        %add3A_1271 = vector.broadcast %add3A_1270 : i32 to vector<16xi32>
        %add3A_1272 = arith.addi %add3A_1271, %iota3A : vector<16xi32>
        %rem3A_1273 = arith.constant 200 : i32
        %rem3A_1274 = vector.broadcast %rem3A_1273 : i32 to vector<16xi32>
        %rem3A_1275 = arith.remsi %add3A_1272, %rem3A_1274 : vector<16xi32>
        %get3A_1276 = arith.constant 4 : i32
        %get3A_1277 = arith.index_cast %get3A_1276 : i32 to index
        %get3A_1278 = arith.constant 144 : index
        %get3A_1279 = tpu.vector_load %arg9[%get3A_1277, %get3A_1278] {strides = array<i32>} : memref<5x256xi32, #tpu.memory_space<vmem>>, vector<1x16xi32>,
        %get3A_1280 = vector.shape_cast %get3A_1279 : vector<1x16xi32> to vector<16xi32>
        %mul3A_1281 = arith.constant 3 : i32
        %mul3A_1282 = vector.broadcast %mul3A_1281 : i32 to vector<16xi32>
        %mul3A_1283 = arith.muli %rem3A_1275, %mul3A_1282 : vector<16xi32>
        %add3A_1284 = arith.addi %mul3A_1283, %get3A_1280 : vector<16xi32>
        %swap3A_1285 = arith.constant 4 : i32
        %swap3A_1286 = arith.index_cast %swap3A_1285 : i32 to index
        %swap3A_1287 = arith.constant 144 : index
        %swap3A_1288 = tpu.vector_load %arg10[%swap3A_1286, %swap3A_1287] {strides = array<i32>} : memref<5x256xi32, #tpu.memory_space<vmem>>, vector<1x16xi32>,
        %swap3A_1289 = vector.shape_cast %swap3A_1288 : vector<1x16xi32> to vector<16xi32>
        %swap3A_1290 = vector.shape_cast %add3A_1284 : vector<16xi32> to vector<1x16xi32>
        tpu.vector_store %arg10[%swap3A_1286, %swap3A_1287], %swap3A_1290 {strides = array<i32>} : memref<5x256xi32, #tpu.memory_space<vmem>>, vector<1x16xi32>,
        %add3A_1291 = arith.constant 160 : i32
        %add3A_1292 = arith.addi %add3A_1070, %add3A_1291 : i32
        %add3A_1293 = vector.broadcast %add3A_1292 : i32 to vector<16xi32>
        %add3A_1294 = arith.addi %add3A_1293, %iota3A : vector<16xi32>
        %rem3A_1295 = arith.constant 200 : i32
        %rem3A_1296 = vector.broadcast %rem3A_1295 : i32 to vector<16xi32>
        %rem3A_1297 = arith.remsi %add3A_1294, %rem3A_1296 : vector<16xi32>
        %get3A_1298 = arith.constant 4 : i32
        %get3A_1299 = arith.index_cast %get3A_1298 : i32 to index
        %get3A_1300 = arith.constant 160 : index
        %get3A_1301 = tpu.vector_load %arg9[%get3A_1299, %get3A_1300] {strides = array<i32>} : memref<5x256xi32, #tpu.memory_space<vmem>>, vector<1x16xi32>,
        %get3A_1302 = vector.shape_cast %get3A_1301 : vector<1x16xi32> to vector<16xi32>
        %mul3A_1303 = arith.constant 3 : i32
        %mul3A_1304 = vector.broadcast %mul3A_1303 : i32 to vector<16xi32>
        %mul3A_1305 = arith.muli %rem3A_1297, %mul3A_1304 : vector<16xi32>
        %add3A_1306 = arith.addi %mul3A_1305, %get3A_1302 : vector<16xi32>
        %swap3A_1307 = arith.constant 4 : i32
        %swap3A_1308 = arith.index_cast %swap3A_1307 : i32 to index
        %swap3A_1309 = arith.constant 160 : index
        %swap3A_1310 = tpu.vector_load %arg10[%swap3A_1308, %swap3A_1309] {strides = array<i32>} : memref<5x256xi32, #tpu.memory_space<vmem>>, vector<1x16xi32>,
        %swap3A_1311 = vector.shape_cast %swap3A_1310 : vector<1x16xi32> to vector<16xi32>
        %swap3A_1312 = vector.shape_cast %add3A_1306 : vector<16xi32> to vector<1x16xi32>
        tpu.vector_store %arg10[%swap3A_1308, %swap3A_1309], %swap3A_1312 {strides = array<i32>} : memref<5x256xi32, #tpu.memory_space<vmem>>, vector<1x16xi32>,
        %add3A_1313 = arith.constant 176 : i32
        %add3A_1314 = arith.addi %add3A_1070, %add3A_1313 : i32
        %add3A_1315 = vector.broadcast %add3A_1314 : i32 to vector<16xi32>
        %add3A_1316 = arith.addi %add3A_1315, %iota3A : vector<16xi32>
        %rem3A_1317 = arith.constant 200 : i32
        %rem3A_1318 = vector.broadcast %rem3A_1317 : i32 to vector<16xi32>
        %rem3A_1319 = arith.remsi %add3A_1316, %rem3A_1318 : vector<16xi32>
        %get3A_1320 = arith.constant 4 : i32
        %get3A_1321 = arith.index_cast %get3A_1320 : i32 to index
        %get3A_1322 = arith.constant 176 : index
        %get3A_1323 = tpu.vector_load %arg9[%get3A_1321, %get3A_1322] {strides = array<i32>} : memref<5x256xi32, #tpu.memory_space<vmem>>, vector<1x16xi32>,
        %get3A_1324 = vector.shape_cast %get3A_1323 : vector<1x16xi32> to vector<16xi32>
        %mul3A_1325 = arith.constant 3 : i32
        %mul3A_1326 = vector.broadcast %mul3A_1325 : i32 to vector<16xi32>
        %mul3A_1327 = arith.muli %rem3A_1319, %mul3A_1326 : vector<16xi32>
        %add3A_1328 = arith.addi %mul3A_1327, %get3A_1324 : vector<16xi32>
        %swap3A_1329 = arith.constant 4 : i32
        %swap3A_1330 = arith.index_cast %swap3A_1329 : i32 to index
        %swap3A_1331 = arith.constant 176 : index
        %swap3A_1332 = tpu.vector_load %arg10[%swap3A_1330, %swap3A_1331] {strides = array<i32>} : memref<5x256xi32, #tpu.memory_space<vmem>>, vector<1x16xi32>,
        %swap3A_1333 = vector.shape_cast %swap3A_1332 : vector<1x16xi32> to vector<16xi32>
        %swap3A_1334 = vector.shape_cast %add3A_1328 : vector<16xi32> to vector<1x16xi32>
        tpu.vector_store %arg10[%swap3A_1330, %swap3A_1331], %swap3A_1334 {strides = array<i32>} : memref<5x256xi32, #tpu.memory_space<vmem>>, vector<1x16xi32>,
        %add3A_1335 = arith.constant 192 : i32
        %add3A_1336 = arith.addi %add3A_1070, %add3A_1335 : i32
        %add3A_1337 = vector.broadcast %add3A_1336 : i32 to vector<16xi32>
        %add3A_1338 = arith.addi %add3A_1337, %iota3A : vector<16xi32>
        %rem3A_1339 = arith.constant 200 : i32
        %rem3A_1340 = vector.broadcast %rem3A_1339 : i32 to vector<16xi32>
        %rem3A_1341 = arith.remsi %add3A_1338, %rem3A_1340 : vector<16xi32>
        %get3A_1342 = arith.constant 4 : i32
        %get3A_1343 = arith.index_cast %get3A_1342 : i32 to index
        %get3A_1344 = arith.constant 192 : index
        %get3A_1345 = tpu.vector_load %arg9[%get3A_1343, %get3A_1344] {strides = array<i32>} : memref<5x256xi32, #tpu.memory_space<vmem>>, vector<1x16xi32>,
        %get3A_1346 = vector.shape_cast %get3A_1345 : vector<1x16xi32> to vector<16xi32>
        %mul3A_1347 = arith.constant 3 : i32
        %mul3A_1348 = vector.broadcast %mul3A_1347 : i32 to vector<16xi32>
        %mul3A_1349 = arith.muli %rem3A_1341, %mul3A_1348 : vector<16xi32>
        %add3A_1350 = arith.addi %mul3A_1349, %get3A_1346 : vector<16xi32>
        %swap3A_1351 = arith.constant 4 : i32
        %swap3A_1352 = arith.index_cast %swap3A_1351 : i32 to index
        %swap3A_1353 = arith.constant 192 : index
        %swap3A_1354 = tpu.vector_load %arg10[%swap3A_1352, %swap3A_1353] {strides = array<i32>} : memref<5x256xi32, #tpu.memory_space<vmem>>, vector<1x16xi32>,
        %swap3A_1355 = vector.shape_cast %swap3A_1354 : vector<1x16xi32> to vector<16xi32>
        %swap3A_1356 = vector.shape_cast %add3A_1350 : vector<16xi32> to vector<1x16xi32>
        tpu.vector_store %arg10[%swap3A_1352, %swap3A_1353], %swap3A_1356 {strides = array<i32>} : memref<5x256xi32, #tpu.memory_space<vmem>>, vector<1x16xi32>,
        %add3A_1357 = arith.constant 208 : i32
        %add3A_1358 = arith.addi %add3A_1070, %add3A_1357 : i32
        %add3A_1359 = vector.broadcast %add3A_1358 : i32 to vector<16xi32>
        %add3A_1360 = arith.addi %add3A_1359, %iota3A : vector<16xi32>
        %rem3A_1361 = arith.constant 200 : i32
        %rem3A_1362 = vector.broadcast %rem3A_1361 : i32 to vector<16xi32>
        %rem3A_1363 = arith.remsi %add3A_1360, %rem3A_1362 : vector<16xi32>
        %get3A_1364 = arith.constant 4 : i32
        %get3A_1365 = arith.index_cast %get3A_1364 : i32 to index
        %get3A_1366 = arith.constant 208 : index
        %get3A_1367 = tpu.vector_load %arg9[%get3A_1365, %get3A_1366] {strides = array<i32>} : memref<5x256xi32, #tpu.memory_space<vmem>>, vector<1x16xi32>,
        %get3A_1368 = vector.shape_cast %get3A_1367 : vector<1x16xi32> to vector<16xi32>
        %mul3A_1369 = arith.constant 3 : i32
        %mul3A_1370 = vector.broadcast %mul3A_1369 : i32 to vector<16xi32>
        %mul3A_1371 = arith.muli %rem3A_1363, %mul3A_1370 : vector<16xi32>
        %add3A_1372 = arith.addi %mul3A_1371, %get3A_1368 : vector<16xi32>
        %swap3A_1373 = arith.constant 4 : i32
        %swap3A_1374 = arith.index_cast %swap3A_1373 : i32 to index
        %swap3A_1375 = arith.constant 208 : index
        %swap3A_1376 = tpu.vector_load %arg10[%swap3A_1374, %swap3A_1375] {strides = array<i32>} : memref<5x256xi32, #tpu.memory_space<vmem>>, vector<1x16xi32>,
        %swap3A_1377 = vector.shape_cast %swap3A_1376 : vector<1x16xi32> to vector<16xi32>
        %swap3A_1378 = vector.shape_cast %add3A_1372 : vector<16xi32> to vector<1x16xi32>
        tpu.vector_store %arg10[%swap3A_1374, %swap3A_1375], %swap3A_1378 {strides = array<i32>} : memref<5x256xi32, #tpu.memory_space<vmem>>, vector<1x16xi32>,
        %add3A_1379 = arith.constant 224 : i32
        %add3A_1380 = arith.addi %add3A_1070, %add3A_1379 : i32
        %add3A_1381 = vector.broadcast %add3A_1380 : i32 to vector<16xi32>
        %add3A_1382 = arith.addi %add3A_1381, %iota3A : vector<16xi32>
        %rem3A_1383 = arith.constant 200 : i32
        %rem3A_1384 = vector.broadcast %rem3A_1383 : i32 to vector<16xi32>
        %rem3A_1385 = arith.remsi %add3A_1382, %rem3A_1384 : vector<16xi32>
        %get3A_1386 = arith.constant 4 : i32
        %get3A_1387 = arith.index_cast %get3A_1386 : i32 to index
        %get3A_1388 = arith.constant 224 : index
        %get3A_1389 = tpu.vector_load %arg9[%get3A_1387, %get3A_1388] {strides = array<i32>} : memref<5x256xi32, #tpu.memory_space<vmem>>, vector<1x16xi32>,
        %get3A_1390 = vector.shape_cast %get3A_1389 : vector<1x16xi32> to vector<16xi32>
        %mul3A_1391 = arith.constant 3 : i32
        %mul3A_1392 = vector.broadcast %mul3A_1391 : i32 to vector<16xi32>
        %mul3A_1393 = arith.muli %rem3A_1385, %mul3A_1392 : vector<16xi32>
        %add3A_1394 = arith.addi %mul3A_1393, %get3A_1390 : vector<16xi32>
        %swap3A_1395 = arith.constant 4 : i32
        %swap3A_1396 = arith.index_cast %swap3A_1395 : i32 to index
        %swap3A_1397 = arith.constant 224 : index
        %swap3A_1398 = tpu.vector_load %arg10[%swap3A_1396, %swap3A_1397] {strides = array<i32>} : memref<5x256xi32, #tpu.memory_space<vmem>>, vector<1x16xi32>,
        %swap3A_1399 = vector.shape_cast %swap3A_1398 : vector<1x16xi32> to vector<16xi32>
        %swap3A_1400 = vector.shape_cast %add3A_1394 : vector<16xi32> to vector<1x16xi32>
        tpu.vector_store %arg10[%swap3A_1396, %swap3A_1397], %swap3A_1400 {strides = array<i32>} : memref<5x256xi32, #tpu.memory_space<vmem>>, vector<1x16xi32>,
        %add3A_1401 = arith.constant 240 : i32
        %add3A_1402 = arith.addi %add3A_1070, %add3A_1401 : i32
        %add3A_1403 = vector.broadcast %add3A_1402 : i32 to vector<16xi32>
        %add3A_1404 = arith.addi %add3A_1403, %iota3A : vector<16xi32>
        %rem3A_1405 = arith.constant 200 : i32
        %rem3A_1406 = vector.broadcast %rem3A_1405 : i32 to vector<16xi32>
        %rem3A_1407 = arith.remsi %add3A_1404, %rem3A_1406 : vector<16xi32>
        %get3A_1408 = arith.constant 4 : i32
        %get3A_1409 = arith.index_cast %get3A_1408 : i32 to index
        %get3A_1410 = arith.constant 240 : index
        %get3A_1411 = tpu.vector_load %arg9[%get3A_1409, %get3A_1410] {strides = array<i32>} : memref<5x256xi32, #tpu.memory_space<vmem>>, vector<1x16xi32>,
        %get3A_1412 = vector.shape_cast %get3A_1411 : vector<1x16xi32> to vector<16xi32>
        %mul3A_1413 = arith.constant 3 : i32
        %mul3A_1414 = vector.broadcast %mul3A_1413 : i32 to vector<16xi32>
        %mul3A_1415 = arith.muli %rem3A_1407, %mul3A_1414 : vector<16xi32>
        %add3A_1416 = arith.addi %mul3A_1415, %get3A_1412 : vector<16xi32>
        %swap3A_1417 = arith.constant 4 : i32
        %swap3A_1418 = arith.index_cast %swap3A_1417 : i32 to index
        %swap3A_1419 = arith.constant 240 : index
        %swap3A_1420 = tpu.vector_load %arg10[%swap3A_1418, %swap3A_1419] {strides = array<i32>} : memref<5x256xi32, #tpu.memory_space<vmem>>, vector<1x16xi32>,
        %swap3A_1421 = vector.shape_cast %swap3A_1420 : vector<1x16xi32> to vector<16xi32>
        %swap3A_1422 = vector.shape_cast %add3A_1416 : vector<16xi32> to vector<1x16xi32>
        tpu.vector_store %arg10[%swap3A_1418, %swap3A_1419], %swap3A_1422 {strides = array<i32>} : memref<5x256xi32, #tpu.memory_space<vmem>>, vector<1x16xi32>,
        %add3A_1423 = arith.constant 1 : i32
        %add3A_1424 = arith.addi %add3A_910, %add3A_1423 : i32
        %ge3A = arith.constant 5 : i32
        %ge3A_1425 = arith.cmpi sge, %add3A_1424, %ge3A : i32
        %convert_element_type3A_1426 = arith.extui %ge3A_1425 : i1 to i32
        %cond3A_1427 = arith.constant 0 : i32
        %cond3A_1428 = arith.cmpi ne, %convert_element_type3A_1426, %cond3A_1427 : i32
        scf.if %cond3A_1428 {
          %add3A_1637 = arith.constant 1 : i32
          %add3A_1638 = arith.addi %add3A_910, %add3A_1637 : i32
          %sub3A = arith.constant 5 : i32
          %sub3A_1639 = arith.subi %add3A_1638, %sub3A : i32
          %mul3A_1640 = arith.constant 256 : i32
          %mul3A_1641 = arith.muli %sub3A_1639, %mul3A_1640 : i32
          %add3A_1642 = arith.addi %mul3A_2, %mul3A_1641 : i32
          %dma_wait3A_1643 = arith.constant 4 : i32
          %dma_wait3A_1644 = arith.constant 0 : i32
          %dma_wait3A_1645 = arith.constant 0 : i32
          %dma_wait3A_1646 = tpu.memref_slice %arg11[%dma_wait3A_1643, %dma_wait3A_1644, %dma_wait3A_1645] : memref<5x256x64xf32, #tpu.memory_space<vmem>> -> memref<1x256x64xf32, #tpu.memory_space<vmem>>
          %dma_wait3A_1647 = tpu.memref_squeeze %dma_wait3A_1646 : memref<1x256x64xf32, #tpu.memory_space<vmem>> -> memref<256x64xf32, #tpu.memory_space<vmem>>
          %dma_wait3A_1648 = arith.constant 0 : i32
          %dma_wait3A_1649 = tpu.memref_slice %arg6[%add3A_1642, %dma_wait3A_1648] : memref<819200x64xf32, #tpu.memory_space<hbm>> -> memref<256x64xf32, #tpu.memory_space<hbm>>
          %dma_wait3A_1650 = arith.constant 0 : i32
          %dma_wait3A_1651 = tpu.memref_slice %arg6[%add3A_1642, %dma_wait3A_1650] : memref<819200x64xf32, #tpu.memory_space<hbm>> -> memref<256x64xf32, #tpu.memory_space<hbm>>
          %dma_wait3A_1652 = arith.constant 0 : i32
          %dma_wait3A_1653 = arith.constant 0 : i32
          %dma_wait3A_1654 = tpu.memref_slice %arg11[%dma_wait3A_1643, %dma_wait3A_1652, %dma_wait3A_1653] : memref<5x256x64xf32, #tpu.memory_space<vmem>> -> memref<1x256x64xf32, #tpu.memory_space<vmem>>
          %dma_wait3A_1655 = tpu.memref_squeeze %dma_wait3A_1654 : memref<1x256x64xf32, #tpu.memory_space<vmem>> -> memref<256x64xf32, #tpu.memory_space<vmem>>
          tpu.wait_dma2 semaphore(%arg21 : memref<!tpu.dma_semaphore, #tpu.memory_space<semaphore_mem>>) src(%dma_wait3A_1655 : memref<256x64xf32, #tpu.memory_space<vmem>>) dst(%dma_wait3A_1651 : memref<256x64xf32, #tpu.memory_space<hbm>>)
        } else {
        }
        %get3A_1429 = arith.constant 4 : i32
        %get3A_1430 = arith.index_cast %get3A_1429 : i32 to index
        %get3A_1431 = arith.constant 0 : index
        %get3A_1432 = tpu.vector_load %arg8[%get3A_1430, %get3A_1431] {strides = array<i32>} : memref<5x256xi32, #tpu.memory_space<vmem>>, vector<1x16xi32>,
        %get3A_1433 = vector.shape_cast %get3A_1432 : vector<1x16xi32> to vector<16xi32>
        %dma_start3A_1434 = arith.constant 4 : i32
        %dma_start3A_1435 = arith.constant 0 : i32
        %dma_start3A_1436 = arith.constant 0 : i32
        %dma_start3A_1437 = tpu.memref_slice %arg11[%dma_start3A_1434, %dma_start3A_1435, %dma_start3A_1436] : memref<5x256x64xf32, #tpu.memory_space<vmem>> -> memref<1x16x64xf32, #tpu.memory_space<vmem>>
        %dma_start3A_1438 = tpu.memref_squeeze %dma_start3A_1437 : memref<1x16x64xf32, #tpu.memory_space<vmem>> -> memref<16x64xf32, #tpu.memory_space<vmem>>
        %dma_start3A_1439 = arith.constant 0 : i32
        %dma_start3A_1440 = arith.constant 0 : i32
        %dma_start3A_1441 = tpu.memref_slice %arg4[%dma_start3A_1439, %dma_start3A_1440] : memref<1000000x64xf32, #tpu.memory_space<hbm>> -> memref<1000000x64xf32, #tpu.memory_space<hbm>>
        tpu.enqueue_indirect_dma source(%dma_start3A_1441 : memref<1000000x64xf32, #tpu.memory_space<hbm>>) target(%dma_start3A_1438 : memref<16x64xf32, #tpu.memory_space<vmem>>) offsets(%get3A_1433 : vector<16xi32>) semaphore(%arg16 : memref<!tpu.dma_semaphore, #tpu.memory_space<semaphore_mem>>)
        %get3A_1442 = arith.constant 4 : i32
        %get3A_1443 = arith.index_cast %get3A_1442 : i32 to index
        %get3A_1444 = arith.constant 16 : index
        %get3A_1445 = tpu.vector_load %arg8[%get3A_1443, %get3A_1444] {strides = array<i32>} : memref<5x256xi32, #tpu.memory_space<vmem>>, vector<1x16xi32>,
        %get3A_1446 = vector.shape_cast %get3A_1445 : vector<1x16xi32> to vector<16xi32>
        %dma_start3A_1447 = arith.constant 4 : i32
        %dma_start3A_1448 = arith.constant 16 : i32
        %dma_start3A_1449 = arith.constant 0 : i32
        %dma_start3A_1450 = tpu.memref_slice %arg11[%dma_start3A_1447, %dma_start3A_1448, %dma_start3A_1449] : memref<5x256x64xf32, #tpu.memory_space<vmem>> -> memref<1x16x64xf32, #tpu.memory_space<vmem>>
        %dma_start3A_1451 = tpu.memref_squeeze %dma_start3A_1450 : memref<1x16x64xf32, #tpu.memory_space<vmem>> -> memref<16x64xf32, #tpu.memory_space<vmem>>
        %dma_start3A_1452 = arith.constant 0 : i32
        %dma_start3A_1453 = arith.constant 0 : i32
        %dma_start3A_1454 = tpu.memref_slice %arg4[%dma_start3A_1452, %dma_start3A_1453] : memref<1000000x64xf32, #tpu.memory_space<hbm>> -> memref<1000000x64xf32, #tpu.memory_space<hbm>>
        tpu.enqueue_indirect_dma source(%dma_start3A_1454 : memref<1000000x64xf32, #tpu.memory_space<hbm>>) target(%dma_start3A_1451 : memref<16x64xf32, #tpu.memory_space<vmem>>) offsets(%get3A_1446 : vector<16xi32>) semaphore(%arg16 : memref<!tpu.dma_semaphore, #tpu.memory_space<semaphore_mem>>)
        %get3A_1455 = arith.constant 4 : i32
        %get3A_1456 = arith.index_cast %get3A_1455 : i32 to index
        %get3A_1457 = arith.constant 32 : index
        %get3A_1458 = tpu.vector_load %arg8[%get3A_1456, %get3A_1457] {strides = array<i32>} : memref<5x256xi32, #tpu.memory_space<vmem>>, vector<1x16xi32>,
        %get3A_1459 = vector.shape_cast %get3A_1458 : vector<1x16xi32> to vector<16xi32>
        %dma_start3A_1460 = arith.constant 4 : i32
        %dma_start3A_1461 = arith.constant 32 : i32
        %dma_start3A_1462 = arith.constant 0 : i32
        %dma_start3A_1463 = tpu.memref_slice %arg11[%dma_start3A_1460, %dma_start3A_1461, %dma_start3A_1462] : memref<5x256x64xf32, #tpu.memory_space<vmem>> -> memref<1x16x64xf32, #tpu.memory_space<vmem>>
        %dma_start3A_1464 = tpu.memref_squeeze %dma_start3A_1463 : memref<1x16x64xf32, #tpu.memory_space<vmem>> -> memref<16x64xf32, #tpu.memory_space<vmem>>
        %dma_start3A_1465 = arith.constant 0 : i32
        %dma_start3A_1466 = arith.constant 0 : i32
        %dma_start3A_1467 = tpu.memref_slice %arg4[%dma_start3A_1465, %dma_start3A_1466] : memref<1000000x64xf32, #tpu.memory_space<hbm>> -> memref<1000000x64xf32, #tpu.memory_space<hbm>>
        tpu.enqueue_indirect_dma source(%dma_start3A_1467 : memref<1000000x64xf32, #tpu.memory_space<hbm>>) target(%dma_start3A_1464 : memref<16x64xf32, #tpu.memory_space<vmem>>) offsets(%get3A_1459 : vector<16xi32>) semaphore(%arg16 : memref<!tpu.dma_semaphore, #tpu.memory_space<semaphore_mem>>)
        %get3A_1468 = arith.constant 4 : i32
        %get3A_1469 = arith.index_cast %get3A_1468 : i32 to index
        %get3A_1470 = arith.constant 48 : index
        %get3A_1471 = tpu.vector_load %arg8[%get3A_1469, %get3A_1470] {strides = array<i32>} : memref<5x256xi32, #tpu.memory_space<vmem>>, vector<1x16xi32>,
        %get3A_1472 = vector.shape_cast %get3A_1471 : vector<1x16xi32> to vector<16xi32>
        %dma_start3A_1473 = arith.constant 4 : i32
        %dma_start3A_1474 = arith.constant 48 : i32
        %dma_start3A_1475 = arith.constant 0 : i32
        %dma_start3A_1476 = tpu.memref_slice %arg11[%dma_start3A_1473, %dma_start3A_1474, %dma_start3A_1475] : memref<5x256x64xf32, #tpu.memory_space<vmem>> -> memref<1x16x64xf32, #tpu.memory_space<vmem>>
        %dma_start3A_1477 = tpu.memref_squeeze %dma_start3A_1476 : memref<1x16x64xf32, #tpu.memory_space<vmem>> -> memref<16x64xf32, #tpu.memory_space<vmem>>
        %dma_start3A_1478 = arith.constant 0 : i32
        %dma_start3A_1479 = arith.constant 0 : i32
        %dma_start3A_1480 = tpu.memref_slice %arg4[%dma_start3A_1478, %dma_start3A_1479] : memref<1000000x64xf32, #tpu.memory_space<hbm>> -> memref<1000000x64xf32, #tpu.memory_space<hbm>>
        tpu.enqueue_indirect_dma source(%dma_start3A_1480 : memref<1000000x64xf32, #tpu.memory_space<hbm>>) target(%dma_start3A_1477 : memref<16x64xf32, #tpu.memory_space<vmem>>) offsets(%get3A_1472 : vector<16xi32>) semaphore(%arg16 : memref<!tpu.dma_semaphore, #tpu.memory_space<semaphore_mem>>)
        %get3A_1481 = arith.constant 4 : i32
        %get3A_1482 = arith.index_cast %get3A_1481 : i32 to index
        %get3A_1483 = arith.constant 64 : index
        %get3A_1484 = tpu.vector_load %arg8[%get3A_1482, %get3A_1483] {strides = array<i32>} : memref<5x256xi32, #tpu.memory_space<vmem>>, vector<1x16xi32>,
        %get3A_1485 = vector.shape_cast %get3A_1484 : vector<1x16xi32> to vector<16xi32>
        %dma_start3A_1486 = arith.constant 4 : i32
        %dma_start3A_1487 = arith.constant 64 : i32
        %dma_start3A_1488 = arith.constant 0 : i32
        %dma_start3A_1489 = tpu.memref_slice %arg11[%dma_start3A_1486, %dma_start3A_1487, %dma_start3A_1488] : memref<5x256x64xf32, #tpu.memory_space<vmem>> -> memref<1x16x64xf32, #tpu.memory_space<vmem>>
        %dma_start3A_1490 = tpu.memref_squeeze %dma_start3A_1489 : memref<1x16x64xf32, #tpu.memory_space<vmem>> -> memref<16x64xf32, #tpu.memory_space<vmem>>
        %dma_start3A_1491 = arith.constant 0 : i32
        %dma_start3A_1492 = arith.constant 0 : i32
        %dma_start3A_1493 = tpu.memref_slice %arg4[%dma_start3A_1491, %dma_start3A_1492] : memref<1000000x64xf32, #tpu.memory_space<hbm>> -> memref<1000000x64xf32, #tpu.memory_space<hbm>>
        tpu.enqueue_indirect_dma source(%dma_start3A_1493 : memref<1000000x64xf32, #tpu.memory_space<hbm>>) target(%dma_start3A_1490 : memref<16x64xf32, #tpu.memory_space<vmem>>) offsets(%get3A_1485 : vector<16xi32>) semaphore(%arg16 : memref<!tpu.dma_semaphore, #tpu.memory_space<semaphore_mem>>)
        %get3A_1494 = arith.constant 4 : i32
        %get3A_1495 = arith.index_cast %get3A_1494 : i32 to index
        %get3A_1496 = arith.constant 80 : index
        %get3A_1497 = tpu.vector_load %arg8[%get3A_1495, %get3A_1496] {strides = array<i32>} : memref<5x256xi32, #tpu.memory_space<vmem>>, vector<1x16xi32>,
        %get3A_1498 = vector.shape_cast %get3A_1497 : vector<1x16xi32> to vector<16xi32>
        %dma_start3A_1499 = arith.constant 4 : i32
        %dma_start3A_1500 = arith.constant 80 : i32
        %dma_start3A_1501 = arith.constant 0 : i32
        %dma_start3A_1502 = tpu.memref_slice %arg11[%dma_start3A_1499, %dma_start3A_1500, %dma_start3A_1501] : memref<5x256x64xf32, #tpu.memory_space<vmem>> -> memref<1x16x64xf32, #tpu.memory_space<vmem>>
        %dma_start3A_1503 = tpu.memref_squeeze %dma_start3A_1502 : memref<1x16x64xf32, #tpu.memory_space<vmem>> -> memref<16x64xf32, #tpu.memory_space<vmem>>
        %dma_start3A_1504 = arith.constant 0 : i32
        %dma_start3A_1505 = arith.constant 0 : i32
        %dma_start3A_1506 = tpu.memref_slice %arg4[%dma_start3A_1504, %dma_start3A_1505] : memref<1000000x64xf32, #tpu.memory_space<hbm>> -> memref<1000000x64xf32, #tpu.memory_space<hbm>>
        tpu.enqueue_indirect_dma source(%dma_start3A_1506 : memref<1000000x64xf32, #tpu.memory_space<hbm>>) target(%dma_start3A_1503 : memref<16x64xf32, #tpu.memory_space<vmem>>) offsets(%get3A_1498 : vector<16xi32>) semaphore(%arg16 : memref<!tpu.dma_semaphore, #tpu.memory_space<semaphore_mem>>)
        %get3A_1507 = arith.constant 4 : i32
        %get3A_1508 = arith.index_cast %get3A_1507 : i32 to index
        %get3A_1509 = arith.constant 96 : index
        %get3A_1510 = tpu.vector_load %arg8[%get3A_1508, %get3A_1509] {strides = array<i32>} : memref<5x256xi32, #tpu.memory_space<vmem>>, vector<1x16xi32>,
        %get3A_1511 = vector.shape_cast %get3A_1510 : vector<1x16xi32> to vector<16xi32>
        %dma_start3A_1512 = arith.constant 4 : i32
        %dma_start3A_1513 = arith.constant 96 : i32
        %dma_start3A_1514 = arith.constant 0 : i32
        %dma_start3A_1515 = tpu.memref_slice %arg11[%dma_start3A_1512, %dma_start3A_1513, %dma_start3A_1514] : memref<5x256x64xf32, #tpu.memory_space<vmem>> -> memref<1x16x64xf32, #tpu.memory_space<vmem>>
        %dma_start3A_1516 = tpu.memref_squeeze %dma_start3A_1515 : memref<1x16x64xf32, #tpu.memory_space<vmem>> -> memref<16x64xf32, #tpu.memory_space<vmem>>
        %dma_start3A_1517 = arith.constant 0 : i32
        %dma_start3A_1518 = arith.constant 0 : i32
        %dma_start3A_1519 = tpu.memref_slice %arg4[%dma_start3A_1517, %dma_start3A_1518] : memref<1000000x64xf32, #tpu.memory_space<hbm>> -> memref<1000000x64xf32, #tpu.memory_space<hbm>>
        tpu.enqueue_indirect_dma source(%dma_start3A_1519 : memref<1000000x64xf32, #tpu.memory_space<hbm>>) target(%dma_start3A_1516 : memref<16x64xf32, #tpu.memory_space<vmem>>) offsets(%get3A_1511 : vector<16xi32>) semaphore(%arg16 : memref<!tpu.dma_semaphore, #tpu.memory_space<semaphore_mem>>)
        %get3A_1520 = arith.constant 4 : i32
        %get3A_1521 = arith.index_cast %get3A_1520 : i32 to index
        %get3A_1522 = arith.constant 112 : index
        %get3A_1523 = tpu.vector_load %arg8[%get3A_1521, %get3A_1522] {strides = array<i32>} : memref<5x256xi32, #tpu.memory_space<vmem>>, vector<1x16xi32>,
        %get3A_1524 = vector.shape_cast %get3A_1523 : vector<1x16xi32> to vector<16xi32>
        %dma_start3A_1525 = arith.constant 4 : i32
        %dma_start3A_1526 = arith.constant 112 : i32
        %dma_start3A_1527 = arith.constant 0 : i32
        %dma_start3A_1528 = tpu.memref_slice %arg11[%dma_start3A_1525, %dma_start3A_1526, %dma_start3A_1527] : memref<5x256x64xf32, #tpu.memory_space<vmem>> -> memref<1x16x64xf32, #tpu.memory_space<vmem>>
        %dma_start3A_1529 = tpu.memref_squeeze %dma_start3A_1528 : memref<1x16x64xf32, #tpu.memory_space<vmem>> -> memref<16x64xf32, #tpu.memory_space<vmem>>
        %dma_start3A_1530 = arith.constant 0 : i32
        %dma_start3A_1531 = arith.constant 0 : i32
        %dma_start3A_1532 = tpu.memref_slice %arg4[%dma_start3A_1530, %dma_start3A_1531] : memref<1000000x64xf32, #tpu.memory_space<hbm>> -> memref<1000000x64xf32, #tpu.memory_space<hbm>>
        tpu.enqueue_indirect_dma source(%dma_start3A_1532 : memref<1000000x64xf32, #tpu.memory_space<hbm>>) target(%dma_start3A_1529 : memref<16x64xf32, #tpu.memory_space<vmem>>) offsets(%get3A_1524 : vector<16xi32>) semaphore(%arg16 : memref<!tpu.dma_semaphore, #tpu.memory_space<semaphore_mem>>)
        %get3A_1533 = arith.constant 4 : i32
        %get3A_1534 = arith.index_cast %get3A_1533 : i32 to index
        %get3A_1535 = arith.constant 128 : index
        %get3A_1536 = tpu.vector_load %arg8[%get3A_1534, %get3A_1535] {strides = array<i32>} : memref<5x256xi32, #tpu.memory_space<vmem>>, vector<1x16xi32>,
        %get3A_1537 = vector.shape_cast %get3A_1536 : vector<1x16xi32> to vector<16xi32>
        %dma_start3A_1538 = arith.constant 4 : i32
        %dma_start3A_1539 = arith.constant 128 : i32
        %dma_start3A_1540 = arith.constant 0 : i32
        %dma_start3A_1541 = tpu.memref_slice %arg11[%dma_start3A_1538, %dma_start3A_1539, %dma_start3A_1540] : memref<5x256x64xf32, #tpu.memory_space<vmem>> -> memref<1x16x64xf32, #tpu.memory_space<vmem>>
        %dma_start3A_1542 = tpu.memref_squeeze %dma_start3A_1541 : memref<1x16x64xf32, #tpu.memory_space<vmem>> -> memref<16x64xf32, #tpu.memory_space<vmem>>
        %dma_start3A_1543 = arith.constant 0 : i32
        %dma_start3A_1544 = arith.constant 0 : i32
        %dma_start3A_1545 = tpu.memref_slice %arg4[%dma_start3A_1543, %dma_start3A_1544] : memref<1000000x64xf32, #tpu.memory_space<hbm>> -> memref<1000000x64xf32, #tpu.memory_space<hbm>>
        tpu.enqueue_indirect_dma source(%dma_start3A_1545 : memref<1000000x64xf32, #tpu.memory_space<hbm>>) target(%dma_start3A_1542 : memref<16x64xf32, #tpu.memory_space<vmem>>) offsets(%get3A_1537 : vector<16xi32>) semaphore(%arg16 : memref<!tpu.dma_semaphore, #tpu.memory_space<semaphore_mem>>)
        %get3A_1546 = arith.constant 4 : i32
        %get3A_1547 = arith.index_cast %get3A_1546 : i32 to index
        %get3A_1548 = arith.constant 144 : index
        %get3A_1549 = tpu.vector_load %arg8[%get3A_1547, %get3A_1548] {strides = array<i32>} : memref<5x256xi32, #tpu.memory_space<vmem>>, vector<1x16xi32>,
        %get3A_1550 = vector.shape_cast %get3A_1549 : vector<1x16xi32> to vector<16xi32>
        %dma_start3A_1551 = arith.constant 4 : i32
        %dma_start3A_1552 = arith.constant 144 : i32
        %dma_start3A_1553 = arith.constant 0 : i32
        %dma_start3A_1554 = tpu.memref_slice %arg11[%dma_start3A_1551, %dma_start3A_1552, %dma_start3A_1553] : memref<5x256x64xf32, #tpu.memory_space<vmem>> -> memref<1x16x64xf32, #tpu.memory_space<vmem>>
        %dma_start3A_1555 = tpu.memref_squeeze %dma_start3A_1554 : memref<1x16x64xf32, #tpu.memory_space<vmem>> -> memref<16x64xf32, #tpu.memory_space<vmem>>
        %dma_start3A_1556 = arith.constant 0 : i32
        %dma_start3A_1557 = arith.constant 0 : i32
        %dma_start3A_1558 = tpu.memref_slice %arg4[%dma_start3A_1556, %dma_start3A_1557] : memref<1000000x64xf32, #tpu.memory_space<hbm>> -> memref<1000000x64xf32, #tpu.memory_space<hbm>>
        tpu.enqueue_indirect_dma source(%dma_start3A_1558 : memref<1000000x64xf32, #tpu.memory_space<hbm>>) target(%dma_start3A_1555 : memref<16x64xf32, #tpu.memory_space<vmem>>) offsets(%get3A_1550 : vector<16xi32>) semaphore(%arg16 : memref<!tpu.dma_semaphore, #tpu.memory_space<semaphore_mem>>)
        %get3A_1559 = arith.constant 4 : i32
        %get3A_1560 = arith.index_cast %get3A_1559 : i32 to index
        %get3A_1561 = arith.constant 160 : index
        %get3A_1562 = tpu.vector_load %arg8[%get3A_1560, %get3A_1561] {strides = array<i32>} : memref<5x256xi32, #tpu.memory_space<vmem>>, vector<1x16xi32>,
        %get3A_1563 = vector.shape_cast %get3A_1562 : vector<1x16xi32> to vector<16xi32>
        %dma_start3A_1564 = arith.constant 4 : i32
        %dma_start3A_1565 = arith.constant 160 : i32
        %dma_start3A_1566 = arith.constant 0 : i32
        %dma_start3A_1567 = tpu.memref_slice %arg11[%dma_start3A_1564, %dma_start3A_1565, %dma_start3A_1566] : memref<5x256x64xf32, #tpu.memory_space<vmem>> -> memref<1x16x64xf32, #tpu.memory_space<vmem>>
        %dma_start3A_1568 = tpu.memref_squeeze %dma_start3A_1567 : memref<1x16x64xf32, #tpu.memory_space<vmem>> -> memref<16x64xf32, #tpu.memory_space<vmem>>
        %dma_start3A_1569 = arith.constant 0 : i32
        %dma_start3A_1570 = arith.constant 0 : i32
        %dma_start3A_1571 = tpu.memref_slice %arg4[%dma_start3A_1569, %dma_start3A_1570] : memref<1000000x64xf32, #tpu.memory_space<hbm>> -> memref<1000000x64xf32, #tpu.memory_space<hbm>>
        tpu.enqueue_indirect_dma source(%dma_start3A_1571 : memref<1000000x64xf32, #tpu.memory_space<hbm>>) target(%dma_start3A_1568 : memref<16x64xf32, #tpu.memory_space<vmem>>) offsets(%get3A_1563 : vector<16xi32>) semaphore(%arg16 : memref<!tpu.dma_semaphore, #tpu.memory_space<semaphore_mem>>)
        %get3A_1572 = arith.constant 4 : i32
        %get3A_1573 = arith.index_cast %get3A_1572 : i32 to index
        %get3A_1574 = arith.constant 176 : index
        %get3A_1575 = tpu.vector_load %arg8[%get3A_1573, %get3A_1574] {strides = array<i32>} : memref<5x256xi32, #tpu.memory_space<vmem>>, vector<1x16xi32>,
        %get3A_1576 = vector.shape_cast %get3A_1575 : vector<1x16xi32> to vector<16xi32>
        %dma_start3A_1577 = arith.constant 4 : i32
        %dma_start3A_1578 = arith.constant 176 : i32
        %dma_start3A_1579 = arith.constant 0 : i32
        %dma_start3A_1580 = tpu.memref_slice %arg11[%dma_start3A_1577, %dma_start3A_1578, %dma_start3A_1579] : memref<5x256x64xf32, #tpu.memory_space<vmem>> -> memref<1x16x64xf32, #tpu.memory_space<vmem>>
        %dma_start3A_1581 = tpu.memref_squeeze %dma_start3A_1580 : memref<1x16x64xf32, #tpu.memory_space<vmem>> -> memref<16x64xf32, #tpu.memory_space<vmem>>
        %dma_start3A_1582 = arith.constant 0 : i32
        %dma_start3A_1583 = arith.constant 0 : i32
        %dma_start3A_1584 = tpu.memref_slice %arg4[%dma_start3A_1582, %dma_start3A_1583] : memref<1000000x64xf32, #tpu.memory_space<hbm>> -> memref<1000000x64xf32, #tpu.memory_space<hbm>>
        tpu.enqueue_indirect_dma source(%dma_start3A_1584 : memref<1000000x64xf32, #tpu.memory_space<hbm>>) target(%dma_start3A_1581 : memref<16x64xf32, #tpu.memory_space<vmem>>) offsets(%get3A_1576 : vector<16xi32>) semaphore(%arg16 : memref<!tpu.dma_semaphore, #tpu.memory_space<semaphore_mem>>)
        %get3A_1585 = arith.constant 4 : i32
        %get3A_1586 = arith.index_cast %get3A_1585 : i32 to index
        %get3A_1587 = arith.constant 192 : index
        %get3A_1588 = tpu.vector_load %arg8[%get3A_1586, %get3A_1587] {strides = array<i32>} : memref<5x256xi32, #tpu.memory_space<vmem>>, vector<1x16xi32>,
        %get3A_1589 = vector.shape_cast %get3A_1588 : vector<1x16xi32> to vector<16xi32>
        %dma_start3A_1590 = arith.constant 4 : i32
        %dma_start3A_1591 = arith.constant 192 : i32
        %dma_start3A_1592 = arith.constant 0 : i32
        %dma_start3A_1593 = tpu.memref_slice %arg11[%dma_start3A_1590, %dma_start3A_1591, %dma_start3A_1592] : memref<5x256x64xf32, #tpu.memory_space<vmem>> -> memref<1x16x64xf32, #tpu.memory_space<vmem>>
        %dma_start3A_1594 = tpu.memref_squeeze %dma_start3A_1593 : memref<1x16x64xf32, #tpu.memory_space<vmem>> -> memref<16x64xf32, #tpu.memory_space<vmem>>
        %dma_start3A_1595 = arith.constant 0 : i32
        %dma_start3A_1596 = arith.constant 0 : i32
        %dma_start3A_1597 = tpu.memref_slice %arg4[%dma_start3A_1595, %dma_start3A_1596] : memref<1000000x64xf32, #tpu.memory_space<hbm>> -> memref<1000000x64xf32, #tpu.memory_space<hbm>>
        tpu.enqueue_indirect_dma source(%dma_start3A_1597 : memref<1000000x64xf32, #tpu.memory_space<hbm>>) target(%dma_start3A_1594 : memref<16x64xf32, #tpu.memory_space<vmem>>) offsets(%get3A_1589 : vector<16xi32>) semaphore(%arg16 : memref<!tpu.dma_semaphore, #tpu.memory_space<semaphore_mem>>)
        %get3A_1598 = arith.constant 4 : i32
        %get3A_1599 = arith.index_cast %get3A_1598 : i32 to index
        %get3A_1600 = arith.constant 208 : index
        %get3A_1601 = tpu.vector_load %arg8[%get3A_1599, %get3A_1600] {strides = array<i32>} : memref<5x256xi32, #tpu.memory_space<vmem>>, vector<1x16xi32>,
        %get3A_1602 = vector.shape_cast %get3A_1601 : vector<1x16xi32> to vector<16xi32>
        %dma_start3A_1603 = arith.constant 4 : i32
        %dma_start3A_1604 = arith.constant 208 : i32
        %dma_start3A_1605 = arith.constant 0 : i32
        %dma_start3A_1606 = tpu.memref_slice %arg11[%dma_start3A_1603, %dma_start3A_1604, %dma_start3A_1605] : memref<5x256x64xf32, #tpu.memory_space<vmem>> -> memref<1x16x64xf32, #tpu.memory_space<vmem>>
        %dma_start3A_1607 = tpu.memref_squeeze %dma_start3A_1606 : memref<1x16x64xf32, #tpu.memory_space<vmem>> -> memref<16x64xf32, #tpu.memory_space<vmem>>
        %dma_start3A_1608 = arith.constant 0 : i32
        %dma_start3A_1609 = arith.constant 0 : i32
        %dma_start3A_1610 = tpu.memref_slice %arg4[%dma_start3A_1608, %dma_start3A_1609] : memref<1000000x64xf32, #tpu.memory_space<hbm>> -> memref<1000000x64xf32, #tpu.memory_space<hbm>>
        tpu.enqueue_indirect_dma source(%dma_start3A_1610 : memref<1000000x64xf32, #tpu.memory_space<hbm>>) target(%dma_start3A_1607 : memref<16x64xf32, #tpu.memory_space<vmem>>) offsets(%get3A_1602 : vector<16xi32>) semaphore(%arg16 : memref<!tpu.dma_semaphore, #tpu.memory_space<semaphore_mem>>)
        %get3A_1611 = arith.constant 4 : i32
        %get3A_1612 = arith.index_cast %get3A_1611 : i32 to index
        %get3A_1613 = arith.constant 224 : index
        %get3A_1614 = tpu.vector_load %arg8[%get3A_1612, %get3A_1613] {strides = array<i32>} : memref<5x256xi32, #tpu.memory_space<vmem>>, vector<1x16xi32>,
        %get3A_1615 = vector.shape_cast %get3A_1614 : vector<1x16xi32> to vector<16xi32>
        %dma_start3A_1616 = arith.constant 4 : i32
        %dma_start3A_1617 = arith.constant 224 : i32
        %dma_start3A_1618 = arith.constant 0 : i32
        %dma_start3A_1619 = tpu.memref_slice %arg11[%dma_start3A_1616, %dma_start3A_1617, %dma_start3A_1618] : memref<5x256x64xf32, #tpu.memory_space<vmem>> -> memref<1x16x64xf32, #tpu.memory_space<vmem>>
        %dma_start3A_1620 = tpu.memref_squeeze %dma_start3A_1619 : memref<1x16x64xf32, #tpu.memory_space<vmem>> -> memref<16x64xf32, #tpu.memory_space<vmem>>
        %dma_start3A_1621 = arith.constant 0 : i32
        %dma_start3A_1622 = arith.constant 0 : i32
        %dma_start3A_1623 = tpu.memref_slice %arg4[%dma_start3A_1621, %dma_start3A_1622] : memref<1000000x64xf32, #tpu.memory_space<hbm>> -> memref<1000000x64xf32, #tpu.memory_space<hbm>>
        tpu.enqueue_indirect_dma source(%dma_start3A_1623 : memref<1000000x64xf32, #tpu.memory_space<hbm>>) target(%dma_start3A_1620 : memref<16x64xf32, #tpu.memory_space<vmem>>) offsets(%get3A_1615 : vector<16xi32>) semaphore(%arg16 : memref<!tpu.dma_semaphore, #tpu.memory_space<semaphore_mem>>)
        %get3A_1624 = arith.constant 4 : i32
        %get3A_1625 = arith.index_cast %get3A_1624 : i32 to index
        %get3A_1626 = arith.constant 240 : index
        %get3A_1627 = tpu.vector_load %arg8[%get3A_1625, %get3A_1626] {strides = array<i32>} : memref<5x256xi32, #tpu.memory_space<vmem>>, vector<1x16xi32>,
        %get3A_1628 = vector.shape_cast %get3A_1627 : vector<1x16xi32> to vector<16xi32>
        %dma_start3A_1629 = arith.constant 4 : i32
        %dma_start3A_1630 = arith.constant 240 : i32
        %dma_start3A_1631 = arith.constant 0 : i32
        %dma_start3A_1632 = tpu.memref_slice %arg11[%dma_start3A_1629, %dma_start3A_1630, %dma_start3A_1631] : memref<5x256x64xf32, #tpu.memory_space<vmem>> -> memref<1x16x64xf32, #tpu.memory_space<vmem>>
        %dma_start3A_1633 = tpu.memref_squeeze %dma_start3A_1632 : memref<1x16x64xf32, #tpu.memory_space<vmem>> -> memref<16x64xf32, #tpu.memory_space<vmem>>
        %dma_start3A_1634 = arith.constant 0 : i32
        %dma_start3A_1635 = arith.constant 0 : i32
        %dma_start3A_1636 = tpu.memref_slice %arg4[%dma_start3A_1634, %dma_start3A_1635] : memref<1000000x64xf32, #tpu.memory_space<hbm>> -> memref<1000000x64xf32, #tpu.memory_space<hbm>>
        tpu.enqueue_indirect_dma source(%dma_start3A_1636 : memref<1000000x64xf32, #tpu.memory_space<hbm>>) target(%dma_start3A_1633 : memref<16x64xf32, #tpu.memory_space<vmem>>) offsets(%get3A_1628 : vector<16xi32>) semaphore(%arg16 : memref<!tpu.dma_semaphore, #tpu.memory_space<semaphore_mem>>)
      } else {
      }
      %dma_wait3A_925 = arith.constant 3 : i32
      %dma_wait3A_926 = arith.constant 3 : i32
      %dma_wait3A_927 = arith.constant 0 : i32
      %dma_wait3A_928 = arith.constant 0 : i32
      %dma_wait3A_929 = tpu.memref_slice %arg11[%dma_wait3A_926, %dma_wait3A_927, %dma_wait3A_928] : memref<5x256x64xf32, #tpu.memory_space<vmem>> -> memref<1x256x64xf32, #tpu.memory_space<vmem>>
      %dma_wait3A_930 = tpu.memref_squeeze %dma_wait3A_929 : memref<1x256x64xf32, #tpu.memory_space<vmem>> -> memref<256x64xf32, #tpu.memory_space<vmem>>
      %dma_wait3A_931 = arith.constant 0 : i32
      %dma_wait3A_932 = tpu.memref_slice %arg8[%dma_wait3A_925, %dma_wait3A_931] : memref<5x256xi32, #tpu.memory_space<vmem>> -> memref<1x256xi32, #tpu.memory_space<vmem>>
      %dma_wait3A_933 = tpu.memref_squeeze %dma_wait3A_932 : memref<1x256xi32, #tpu.memory_space<vmem>> -> memref<256xi32, #tpu.memory_space<vmem>>
      %dma_wait3A_934 = arith.constant 0 : i32
      %dma_wait3A_935 = arith.constant 0 : i32
      %dma_wait3A_936 = tpu.memref_slice %arg4[%dma_wait3A_934, %dma_wait3A_935] : memref<1000000x64xf32, #tpu.memory_space<hbm>> -> memref<1000000x64xf32, #tpu.memory_space<hbm>>
      tpu.wait_indirect_dma semaphore(%arg15 : memref<!tpu.dma_semaphore, #tpu.memory_space<semaphore_mem>>) src(%dma_wait3A_936 : memref<1000000x64xf32, #tpu.memory_space<hbm>>) dst(%dma_wait3A_930 : memref<256x64xf32, #tpu.memory_space<vmem>>)
      %dma_start3A_937 = arith.constant 3 : i32
      %dma_start3A_938 = arith.constant 3 : i32
      %dma_start3A_939 = arith.constant 0 : i32
      %dma_start3A_940 = arith.constant 0 : i32
      %dma_start3A_941 = tpu.memref_slice %arg11[%dma_start3A_938, %dma_start3A_939, %dma_start3A_940] : memref<5x256x64xf32, #tpu.memory_space<vmem>> -> memref<1x256x64xf32, #tpu.memory_space<vmem>>
      %dma_start3A_942 = tpu.memref_squeeze %dma_start3A_941 : memref<1x256x64xf32, #tpu.memory_space<vmem>> -> memref<256x64xf32, #tpu.memory_space<vmem>>
      %dma_start3A_943 = arith.constant 0 : i32
      %dma_start3A_944 = tpu.memref_slice %arg10[%dma_start3A_937, %dma_start3A_943] : memref<5x256xi32, #tpu.memory_space<vmem>> -> memref<1x256xi32, #tpu.memory_space<vmem>>
      %dma_start3A_945 = tpu.memref_squeeze %dma_start3A_944 : memref<1x256xi32, #tpu.memory_space<vmem>> -> memref<256xi32, #tpu.memory_space<vmem>>
      %dma_start3A_946 = arith.constant 0 : i32
      %dma_start3A_947 = arith.constant 0 : i32
      %dma_start3A_948 = tpu.memref_slice %arg7[%dma_start3A_946, %dma_start3A_947] : memref<600x64xf32, #tpu.memory_space<vmem_shared>> -> memref<600x64xf32, #tpu.memory_space<vmem_shared>>
      tpu.enqueue_indirect_dma source(%dma_start3A_948 : memref<600x64xf32, #tpu.memory_space<vmem_shared>>) target(%dma_start3A_942 : memref<256x64xf32, #tpu.memory_space<vmem>>) offsets(%dma_start3A_945 : memref<256xi32, #tpu.memory_space<vmem>>) semaphore(%arg27 : memref<!tpu.dma_semaphore, #tpu.memory_space<semaphore_mem>>) {add = true}
      %dma_wait3A_949 = arith.constant 3 : i32
      %dma_wait3A_950 = arith.constant 3 : i32
      %dma_wait3A_951 = arith.constant 0 : i32
      %dma_wait3A_952 = arith.constant 0 : i32
      %dma_wait3A_953 = tpu.memref_slice %arg11[%dma_wait3A_950, %dma_wait3A_951, %dma_wait3A_952] : memref<5x256x64xf32, #tpu.memory_space<vmem>> -> memref<1x256x64xf32, #tpu.memory_space<vmem>>
      %dma_wait3A_954 = tpu.memref_squeeze %dma_wait3A_953 : memref<1x256x64xf32, #tpu.memory_space<vmem>> -> memref<256x64xf32, #tpu.memory_space<vmem>>
      %dma_wait3A_955 = arith.constant 0 : i32
      %dma_wait3A_956 = tpu.memref_slice %arg10[%dma_wait3A_949, %dma_wait3A_955] : memref<5x256xi32, #tpu.memory_space<vmem>> -> memref<1x256xi32, #tpu.memory_space<vmem>>
      %dma_wait3A_957 = tpu.memref_squeeze %dma_wait3A_956 : memref<1x256xi32, #tpu.memory_space<vmem>> -> memref<256xi32, #tpu.memory_space<vmem>>
      %dma_wait3A_958 = arith.constant 0 : i32
      %dma_wait3A_959 = arith.constant 0 : i32
      %dma_wait3A_960 = tpu.memref_slice %arg7[%dma_wait3A_958, %dma_wait3A_959] : memref<600x64xf32, #tpu.memory_space<vmem_shared>> -> memref<600x64xf32, #tpu.memory_space<vmem_shared>>
      tpu.wait_indirect_dma semaphore(%arg27 : memref<!tpu.dma_semaphore, #tpu.memory_space<semaphore_mem>>) src(%dma_wait3A_960 : memref<600x64xf32, #tpu.memory_space<vmem_shared>>) dst(%dma_wait3A_954 : memref<256x64xf32, #tpu.memory_space<vmem>>)
      %mul3A_961 = arith.constant 256 : i32
      %mul3A_962 = arith.muli %add3A_910, %mul3A_961 : i32
      %add3A_963 = arith.addi %mul3A_2, %mul3A_962 : i32
      %dma_start3A_964 = arith.constant 3 : i32
      %dma_start3A_965 = arith.constant 0 : i32
      %dma_start3A_966 = arith.constant 0 : i32
      %dma_start3A_967 = tpu.memref_slice %arg11[%dma_start3A_964, %dma_start3A_965, %dma_start3A_966] : memref<5x256x64xf32, #tpu.memory_space<vmem>> -> memref<1x256x64xf32, #tpu.memory_space<vmem>>
      %dma_start3A_968 = tpu.memref_squeeze %dma_start3A_967 : memref<1x256x64xf32, #tpu.memory_space<vmem>> -> memref<256x64xf32, #tpu.memory_space<vmem>>
      %dma_start3A_969 = arith.constant 0 : i32
      %dma_start3A_970 = tpu.memref_slice %arg6[%add3A_963, %dma_start3A_969] : memref<819200x64xf32, #tpu.memory_space<hbm>> -> memref<256x64xf32, #tpu.memory_space<hbm>>
      %dma_start3A_971 = arith.constant 0 : i32
      %dma_start3A_972 = tpu.memref_slice %arg6[%add3A_963, %dma_start3A_971] : memref<819200x64xf32, #tpu.memory_space<hbm>> -> memref<256x64xf32, #tpu.memory_space<hbm>>
      %dma_start3A_973 = arith.constant 0 : i32
      %dma_start3A_974 = arith.constant 0 : i32
      %dma_start3A_975 = tpu.memref_slice %arg11[%dma_start3A_964, %dma_start3A_973, %dma_start3A_974] : memref<5x256x64xf32, #tpu.memory_space<vmem>> -> memref<1x256x64xf32, #tpu.memory_space<vmem>>
      %dma_start3A_976 = tpu.memref_squeeze %dma_start3A_975 : memref<1x256x64xf32, #tpu.memory_space<vmem>> -> memref<256x64xf32, #tpu.memory_space<vmem>>
      tpu.enqueue_dma source(%dma_start3A_976 : memref<256x64xf32, #tpu.memory_space<vmem>>) target(%dma_start3A_972 : memref<256x64xf32, #tpu.memory_space<hbm>>) target_semaphore(%arg20 : memref<!tpu.dma_semaphore, #tpu.memory_space<semaphore_mem>>)
      %add3A_977 = arith.constant 4 : i32
      %add3A_978 = arith.addi %add3A_705, %add3A_977 : i32
      %add3A_979 = arith.constant 2 : i32
      %add3A_980 = arith.addi %add3A_978, %add3A_979 : i32
      %lt3A_981 = arith.constant 100 : i32
      %lt3A_982 = arith.cmpi slt, %add3A_980, %lt3A_981 : i32
      %convert_element_type3A_983 = arith.extui %lt3A_982 : i1 to i32
      %cond3A_984 = arith.constant 0 : i32
      %cond3A_985 = arith.cmpi ne, %convert_element_type3A_983, %cond3A_984 : i32
      scf.if %cond3A_985 {
        %add3A_1045 = arith.constant 2 : i32
        %add3A_1046 = arith.addi %add3A_978, %add3A_1045 : i32
        %mul3A_1047 = arith.constant 256 : i32
        %mul3A_1048 = arith.muli %add3A_1046, %mul3A_1047 : i32
        %add3A_1049 = arith.addi %mul3A_2, %mul3A_1048 : i32
        %dma_start3A_1050 = arith.constant 1 : i32
        %dma_start3A_1051 = arith.constant 0 : i32
        %dma_start3A_1052 = tpu.memref_slice %arg8[%dma_start3A_1050, %dma_start3A_1051] : memref<5x256xi32, #tpu.memory_space<vmem>> -> memref<1x256xi32, #tpu.memory_space<vmem>>
        %dma_start3A_1053 = tpu.memref_squeeze %dma_start3A_1052 : memref<1x256xi32, #tpu.memory_space<vmem>> -> memref<256xi32, #tpu.memory_space<vmem>>
        %dma_start3A_1054 = tpu.memref_slice %arg2[%add3A_1049] : memref<819200xi32, #tpu.memory_space<hbm>> -> memref<256xi32, #tpu.memory_space<hbm>>
        %dma_start3A_1055 = arith.constant 0 : i32
        %dma_start3A_1056 = tpu.memref_slice %arg8[%dma_start3A_1050, %dma_start3A_1055] : memref<5x256xi32, #tpu.memory_space<vmem>> -> memref<1x256xi32, #tpu.memory_space<vmem>>
        %dma_start3A_1057 = tpu.memref_squeeze %dma_start3A_1056 : memref<1x256xi32, #tpu.memory_space<vmem>> -> memref<256xi32, #tpu.memory_space<vmem>>
        %dma_start3A_1058 = tpu.memref_slice %arg2[%add3A_1049] : memref<819200xi32, #tpu.memory_space<hbm>> -> memref<256xi32, #tpu.memory_space<hbm>>
        tpu.enqueue_dma source(%dma_start3A_1058 : memref<256xi32, #tpu.memory_space<hbm>>) target(%dma_start3A_1057 : memref<256xi32, #tpu.memory_space<vmem>>) target_semaphore(%arg23 : memref<!tpu.dma_semaphore, #tpu.memory_space<semaphore_mem>>)
        %dma_start3A_1059 = arith.constant 1 : i32
        %dma_start3A_1060 = arith.constant 0 : i32
        %dma_start3A_1061 = tpu.memref_slice %arg9[%dma_start3A_1059, %dma_start3A_1060] : memref<5x256xi32, #tpu.memory_space<vmem>> -> memref<1x256xi32, #tpu.memory_space<vmem>>
        %dma_start3A_1062 = tpu.memref_squeeze %dma_start3A_1061 : memref<1x256xi32, #tpu.memory_space<vmem>> -> memref<256xi32, #tpu.memory_space<vmem>>
        %dma_start3A_1063 = tpu.memref_slice %arg3[%add3A_1049] : memref<819200xi32, #tpu.memory_space<hbm>> -> memref<256xi32, #tpu.memory_space<hbm>>
        %dma_start3A_1064 = arith.constant 0 : i32
        %dma_start3A_1065 = tpu.memref_slice %arg9[%dma_start3A_1059, %dma_start3A_1064] : memref<5x256xi32, #tpu.memory_space<vmem>> -> memref<1x256xi32, #tpu.memory_space<vmem>>
        %dma_start3A_1066 = tpu.memref_squeeze %dma_start3A_1065 : memref<1x256xi32, #tpu.memory_space<vmem>> -> memref<256xi32, #tpu.memory_space<vmem>>
        %dma_start3A_1067 = tpu.memref_slice %arg3[%add3A_1049] : memref<819200xi32, #tpu.memory_space<hbm>> -> memref<256xi32, #tpu.memory_space<hbm>>
        tpu.enqueue_dma source(%dma_start3A_1067 : memref<256xi32, #tpu.memory_space<hbm>>) target(%dma_start3A_1066 : memref<256xi32, #tpu.memory_space<vmem>>) target_semaphore(%arg23 : memref<!tpu.dma_semaphore, #tpu.memory_space<semaphore_mem>>)
      } else {
      }
      %add3A_986 = arith.constant 1 : i32
      %add3A_987 = arith.addi %add3A_978, %add3A_986 : i32
      %lt3A_988 = arith.constant 100 : i32
      %lt3A_989 = arith.cmpi slt, %add3A_987, %lt3A_988 : i32
      %convert_element_type3A_990 = arith.extui %lt3A_989 : i1 to i32
      %cond3A_991 = arith.constant 0 : i32
      %cond3A_992 = arith.cmpi ne, %convert_element_type3A_990, %cond3A_991 : i32
      scf.if %cond3A_992 {
        %add3A_1045 = arith.constant 1 : i32
        %add3A_1046 = arith.addi %add3A_978, %add3A_1045 : i32
        %mul3A_1047 = arith.constant 256 : i32
        %mul3A_1048 = arith.muli %add3A_1046, %mul3A_1047 : i32
        %add3A_1049 = arith.addi %mul3A_2, %mul3A_1048 : i32
        %dma_wait3A_1050 = arith.constant 0 : i32
        %dma_wait3A_1051 = arith.constant 0 : i32
        %dma_wait3A_1052 = tpu.memref_slice %arg8[%dma_wait3A_1050, %dma_wait3A_1051] : memref<5x256xi32, #tpu.memory_space<vmem>> -> memref<1x256xi32, #tpu.memory_space<vmem>>
        %dma_wait3A_1053 = tpu.memref_squeeze %dma_wait3A_1052 : memref<1x256xi32, #tpu.memory_space<vmem>> -> memref<256xi32, #tpu.memory_space<vmem>>
        %dma_wait3A_1054 = tpu.memref_slice %arg2[%add3A_1049] : memref<819200xi32, #tpu.memory_space<hbm>> -> memref<256xi32, #tpu.memory_space<hbm>>
        %dma_wait3A_1055 = arith.constant 0 : i32
        %dma_wait3A_1056 = tpu.memref_slice %arg8[%dma_wait3A_1050, %dma_wait3A_1055] : memref<5x256xi32, #tpu.memory_space<vmem>> -> memref<1x256xi32, #tpu.memory_space<vmem>>
        %dma_wait3A_1057 = tpu.memref_squeeze %dma_wait3A_1056 : memref<1x256xi32, #tpu.memory_space<vmem>> -> memref<256xi32, #tpu.memory_space<vmem>>
        %dma_wait3A_1058 = tpu.memref_slice %arg2[%add3A_1049] : memref<819200xi32, #tpu.memory_space<hbm>> -> memref<256xi32, #tpu.memory_space<hbm>>
        tpu.wait_dma2 semaphore(%arg22 : memref<!tpu.dma_semaphore, #tpu.memory_space<semaphore_mem>>) src(%dma_wait3A_1058 : memref<256xi32, #tpu.memory_space<hbm>>) dst(%dma_wait3A_1057 : memref<256xi32, #tpu.memory_space<vmem>>)
        %dma_wait3A_1059 = arith.constant 0 : i32
        %dma_wait3A_1060 = arith.constant 0 : i32
        %dma_wait3A_1061 = tpu.memref_slice %arg9[%dma_wait3A_1059, %dma_wait3A_1060] : memref<5x256xi32, #tpu.memory_space<vmem>> -> memref<1x256xi32, #tpu.memory_space<vmem>>
        %dma_wait3A_1062 = tpu.memref_squeeze %dma_wait3A_1061 : memref<1x256xi32, #tpu.memory_space<vmem>> -> memref<256xi32, #tpu.memory_space<vmem>>
        %dma_wait3A_1063 = tpu.memref_slice %arg3[%add3A_1049] : memref<819200xi32, #tpu.memory_space<hbm>> -> memref<256xi32, #tpu.memory_space<hbm>>
        %dma_wait3A_1064 = arith.constant 0 : i32
        %dma_wait3A_1065 = tpu.memref_slice %arg9[%dma_wait3A_1059, %dma_wait3A_1064] : memref<5x256xi32, #tpu.memory_space<vmem>> -> memref<1x256xi32, #tpu.memory_space<vmem>>
        %dma_wait3A_1066 = tpu.memref_squeeze %dma_wait3A_1065 : memref<1x256xi32, #tpu.memory_space<vmem>> -> memref<256xi32, #tpu.memory_space<vmem>>
        %dma_wait3A_1067 = tpu.memref_slice %arg3[%add3A_1049] : memref<819200xi32, #tpu.memory_space<hbm>> -> memref<256xi32, #tpu.memory_space<hbm>>
        tpu.wait_dma2 semaphore(%arg22 : memref<!tpu.dma_semaphore, #tpu.memory_space<semaphore_mem>>) src(%dma_wait3A_1067 : memref<256xi32, #tpu.memory_space<hbm>>) dst(%dma_wait3A_1066 : memref<256xi32, #tpu.memory_space<vmem>>)
        %mul3A_1068 = arith.constant 256 : i32
        %mul3A_1069 = arith.muli %add3A_1046, %mul3A_1068 : i32
        %add3A_1070 = arith.addi %mul3A_2, %mul3A_1069 : i32
        %add3A_1071 = arith.constant 0 : i32
        %add3A_1072 = arith.addi %add3A_1070, %add3A_1071 : i32
        %add3A_1073 = vector.broadcast %add3A_1072 : i32 to vector<16xi32>
        %add3A_1074 = arith.addi %add3A_1073, %iota3A : vector<16xi32>
        %rem3A_1075 = arith.constant 200 : i32
        %rem3A_1076 = vector.broadcast %rem3A_1075 : i32 to vector<16xi32>
        %rem3A_1077 = arith.remsi %add3A_1074, %rem3A_1076 : vector<16xi32>
        %get3A_1078 = arith.constant 0 : i32
        %get3A_1079 = arith.index_cast %get3A_1078 : i32 to index
        %get3A_1080 = arith.constant 0 : index
        %get3A_1081 = tpu.vector_load %arg9[%get3A_1079, %get3A_1080] {strides = array<i32>} : memref<5x256xi32, #tpu.memory_space<vmem>>, vector<1x16xi32>,
        %get3A_1082 = vector.shape_cast %get3A_1081 : vector<1x16xi32> to vector<16xi32>
        %mul3A_1083 = arith.constant 3 : i32
        %mul3A_1084 = vector.broadcast %mul3A_1083 : i32 to vector<16xi32>
        %mul3A_1085 = arith.muli %rem3A_1077, %mul3A_1084 : vector<16xi32>
        %add3A_1086 = arith.addi %mul3A_1085, %get3A_1082 : vector<16xi32>
        %swap3A_1087 = arith.constant 0 : i32
        %swap3A_1088 = arith.index_cast %swap3A_1087 : i32 to index
        %swap3A_1089 = arith.constant 0 : index
        %swap3A_1090 = tpu.vector_load %arg10[%swap3A_1088, %swap3A_1089] {strides = array<i32>} : memref<5x256xi32, #tpu.memory_space<vmem>>, vector<1x16xi32>,
        %swap3A_1091 = vector.shape_cast %swap3A_1090 : vector<1x16xi32> to vector<16xi32>
        %swap3A_1092 = vector.shape_cast %add3A_1086 : vector<16xi32> to vector<1x16xi32>
        tpu.vector_store %arg10[%swap3A_1088, %swap3A_1089], %swap3A_1092 {strides = array<i32>} : memref<5x256xi32, #tpu.memory_space<vmem>>, vector<1x16xi32>,
        %add3A_1093 = arith.constant 16 : i32
        %add3A_1094 = arith.addi %add3A_1070, %add3A_1093 : i32
        %add3A_1095 = vector.broadcast %add3A_1094 : i32 to vector<16xi32>
        %add3A_1096 = arith.addi %add3A_1095, %iota3A : vector<16xi32>
        %rem3A_1097 = arith.constant 200 : i32
        %rem3A_1098 = vector.broadcast %rem3A_1097 : i32 to vector<16xi32>
        %rem3A_1099 = arith.remsi %add3A_1096, %rem3A_1098 : vector<16xi32>
        %get3A_1100 = arith.constant 0 : i32
        %get3A_1101 = arith.index_cast %get3A_1100 : i32 to index
        %get3A_1102 = arith.constant 16 : index
        %get3A_1103 = tpu.vector_load %arg9[%get3A_1101, %get3A_1102] {strides = array<i32>} : memref<5x256xi32, #tpu.memory_space<vmem>>, vector<1x16xi32>,
        %get3A_1104 = vector.shape_cast %get3A_1103 : vector<1x16xi32> to vector<16xi32>
        %mul3A_1105 = arith.constant 3 : i32
        %mul3A_1106 = vector.broadcast %mul3A_1105 : i32 to vector<16xi32>
        %mul3A_1107 = arith.muli %rem3A_1099, %mul3A_1106 : vector<16xi32>
        %add3A_1108 = arith.addi %mul3A_1107, %get3A_1104 : vector<16xi32>
        %swap3A_1109 = arith.constant 0 : i32
        %swap3A_1110 = arith.index_cast %swap3A_1109 : i32 to index
        %swap3A_1111 = arith.constant 16 : index
        %swap3A_1112 = tpu.vector_load %arg10[%swap3A_1110, %swap3A_1111] {strides = array<i32>} : memref<5x256xi32, #tpu.memory_space<vmem>>, vector<1x16xi32>,
        %swap3A_1113 = vector.shape_cast %swap3A_1112 : vector<1x16xi32> to vector<16xi32>
        %swap3A_1114 = vector.shape_cast %add3A_1108 : vector<16xi32> to vector<1x16xi32>
        tpu.vector_store %arg10[%swap3A_1110, %swap3A_1111], %swap3A_1114 {strides = array<i32>} : memref<5x256xi32, #tpu.memory_space<vmem>>, vector<1x16xi32>,
        %add3A_1115 = arith.constant 32 : i32
        %add3A_1116 = arith.addi %add3A_1070, %add3A_1115 : i32
        %add3A_1117 = vector.broadcast %add3A_1116 : i32 to vector<16xi32>
        %add3A_1118 = arith.addi %add3A_1117, %iota3A : vector<16xi32>
        %rem3A_1119 = arith.constant 200 : i32
        %rem3A_1120 = vector.broadcast %rem3A_1119 : i32 to vector<16xi32>
        %rem3A_1121 = arith.remsi %add3A_1118, %rem3A_1120 : vector<16xi32>
        %get3A_1122 = arith.constant 0 : i32
        %get3A_1123 = arith.index_cast %get3A_1122 : i32 to index
        %get3A_1124 = arith.constant 32 : index
        %get3A_1125 = tpu.vector_load %arg9[%get3A_1123, %get3A_1124] {strides = array<i32>} : memref<5x256xi32, #tpu.memory_space<vmem>>, vector<1x16xi32>,
        %get3A_1126 = vector.shape_cast %get3A_1125 : vector<1x16xi32> to vector<16xi32>
        %mul3A_1127 = arith.constant 3 : i32
        %mul3A_1128 = vector.broadcast %mul3A_1127 : i32 to vector<16xi32>
        %mul3A_1129 = arith.muli %rem3A_1121, %mul3A_1128 : vector<16xi32>
        %add3A_1130 = arith.addi %mul3A_1129, %get3A_1126 : vector<16xi32>
        %swap3A_1131 = arith.constant 0 : i32
        %swap3A_1132 = arith.index_cast %swap3A_1131 : i32 to index
        %swap3A_1133 = arith.constant 32 : index
        %swap3A_1134 = tpu.vector_load %arg10[%swap3A_1132, %swap3A_1133] {strides = array<i32>} : memref<5x256xi32, #tpu.memory_space<vmem>>, vector<1x16xi32>,
        %swap3A_1135 = vector.shape_cast %swap3A_1134 : vector<1x16xi32> to vector<16xi32>
        %swap3A_1136 = vector.shape_cast %add3A_1130 : vector<16xi32> to vector<1x16xi32>
        tpu.vector_store %arg10[%swap3A_1132, %swap3A_1133], %swap3A_1136 {strides = array<i32>} : memref<5x256xi32, #tpu.memory_space<vmem>>, vector<1x16xi32>,
        %add3A_1137 = arith.constant 48 : i32
        %add3A_1138 = arith.addi %add3A_1070, %add3A_1137 : i32
        %add3A_1139 = vector.broadcast %add3A_1138 : i32 to vector<16xi32>
        %add3A_1140 = arith.addi %add3A_1139, %iota3A : vector<16xi32>
        %rem3A_1141 = arith.constant 200 : i32
        %rem3A_1142 = vector.broadcast %rem3A_1141 : i32 to vector<16xi32>
        %rem3A_1143 = arith.remsi %add3A_1140, %rem3A_1142 : vector<16xi32>
        %get3A_1144 = arith.constant 0 : i32
        %get3A_1145 = arith.index_cast %get3A_1144 : i32 to index
        %get3A_1146 = arith.constant 48 : index
        %get3A_1147 = tpu.vector_load %arg9[%get3A_1145, %get3A_1146] {strides = array<i32>} : memref<5x256xi32, #tpu.memory_space<vmem>>, vector<1x16xi32>,
        %get3A_1148 = vector.shape_cast %get3A_1147 : vector<1x16xi32> to vector<16xi32>
        %mul3A_1149 = arith.constant 3 : i32
        %mul3A_1150 = vector.broadcast %mul3A_1149 : i32 to vector<16xi32>
        %mul3A_1151 = arith.muli %rem3A_1143, %mul3A_1150 : vector<16xi32>
        %add3A_1152 = arith.addi %mul3A_1151, %get3A_1148 : vector<16xi32>
        %swap3A_1153 = arith.constant 0 : i32
        %swap3A_1154 = arith.index_cast %swap3A_1153 : i32 to index
        %swap3A_1155 = arith.constant 48 : index
        %swap3A_1156 = tpu.vector_load %arg10[%swap3A_1154, %swap3A_1155] {strides = array<i32>} : memref<5x256xi32, #tpu.memory_space<vmem>>, vector<1x16xi32>,
        %swap3A_1157 = vector.shape_cast %swap3A_1156 : vector<1x16xi32> to vector<16xi32>
        %swap3A_1158 = vector.shape_cast %add3A_1152 : vector<16xi32> to vector<1x16xi32>
        tpu.vector_store %arg10[%swap3A_1154, %swap3A_1155], %swap3A_1158 {strides = array<i32>} : memref<5x256xi32, #tpu.memory_space<vmem>>, vector<1x16xi32>,
        %add3A_1159 = arith.constant 64 : i32
        %add3A_1160 = arith.addi %add3A_1070, %add3A_1159 : i32
        %add3A_1161 = vector.broadcast %add3A_1160 : i32 to vector<16xi32>
        %add3A_1162 = arith.addi %add3A_1161, %iota3A : vector<16xi32>
        %rem3A_1163 = arith.constant 200 : i32
        %rem3A_1164 = vector.broadcast %rem3A_1163 : i32 to vector<16xi32>
        %rem3A_1165 = arith.remsi %add3A_1162, %rem3A_1164 : vector<16xi32>
        %get3A_1166 = arith.constant 0 : i32
        %get3A_1167 = arith.index_cast %get3A_1166 : i32 to index
        %get3A_1168 = arith.constant 64 : index
        %get3A_1169 = tpu.vector_load %arg9[%get3A_1167, %get3A_1168] {strides = array<i32>} : memref<5x256xi32, #tpu.memory_space<vmem>>, vector<1x16xi32>,
        %get3A_1170 = vector.shape_cast %get3A_1169 : vector<1x16xi32> to vector<16xi32>
        %mul3A_1171 = arith.constant 3 : i32
        %mul3A_1172 = vector.broadcast %mul3A_1171 : i32 to vector<16xi32>
        %mul3A_1173 = arith.muli %rem3A_1165, %mul3A_1172 : vector<16xi32>
        %add3A_1174 = arith.addi %mul3A_1173, %get3A_1170 : vector<16xi32>
        %swap3A_1175 = arith.constant 0 : i32
        %swap3A_1176 = arith.index_cast %swap3A_1175 : i32 to index
        %swap3A_1177 = arith.constant 64 : index
        %swap3A_1178 = tpu.vector_load %arg10[%swap3A_1176, %swap3A_1177] {strides = array<i32>} : memref<5x256xi32, #tpu.memory_space<vmem>>, vector<1x16xi32>,
        %swap3A_1179 = vector.shape_cast %swap3A_1178 : vector<1x16xi32> to vector<16xi32>
        %swap3A_1180 = vector.shape_cast %add3A_1174 : vector<16xi32> to vector<1x16xi32>
        tpu.vector_store %arg10[%swap3A_1176, %swap3A_1177], %swap3A_1180 {strides = array<i32>} : memref<5x256xi32, #tpu.memory_space<vmem>>, vector<1x16xi32>,
        %add3A_1181 = arith.constant 80 : i32
        %add3A_1182 = arith.addi %add3A_1070, %add3A_1181 : i32
        %add3A_1183 = vector.broadcast %add3A_1182 : i32 to vector<16xi32>
        %add3A_1184 = arith.addi %add3A_1183, %iota3A : vector<16xi32>
        %rem3A_1185 = arith.constant 200 : i32
        %rem3A_1186 = vector.broadcast %rem3A_1185 : i32 to vector<16xi32>
        %rem3A_1187 = arith.remsi %add3A_1184, %rem3A_1186 : vector<16xi32>
        %get3A_1188 = arith.constant 0 : i32
        %get3A_1189 = arith.index_cast %get3A_1188 : i32 to index
        %get3A_1190 = arith.constant 80 : index
        %get3A_1191 = tpu.vector_load %arg9[%get3A_1189, %get3A_1190] {strides = array<i32>} : memref<5x256xi32, #tpu.memory_space<vmem>>, vector<1x16xi32>,
        %get3A_1192 = vector.shape_cast %get3A_1191 : vector<1x16xi32> to vector<16xi32>
        %mul3A_1193 = arith.constant 3 : i32
        %mul3A_1194 = vector.broadcast %mul3A_1193 : i32 to vector<16xi32>
        %mul3A_1195 = arith.muli %rem3A_1187, %mul3A_1194 : vector<16xi32>
        %add3A_1196 = arith.addi %mul3A_1195, %get3A_1192 : vector<16xi32>
        %swap3A_1197 = arith.constant 0 : i32
        %swap3A_1198 = arith.index_cast %swap3A_1197 : i32 to index
        %swap3A_1199 = arith.constant 80 : index
        %swap3A_1200 = tpu.vector_load %arg10[%swap3A_1198, %swap3A_1199] {strides = array<i32>} : memref<5x256xi32, #tpu.memory_space<vmem>>, vector<1x16xi32>,
        %swap3A_1201 = vector.shape_cast %swap3A_1200 : vector<1x16xi32> to vector<16xi32>
        %swap3A_1202 = vector.shape_cast %add3A_1196 : vector<16xi32> to vector<1x16xi32>
        tpu.vector_store %arg10[%swap3A_1198, %swap3A_1199], %swap3A_1202 {strides = array<i32>} : memref<5x256xi32, #tpu.memory_space<vmem>>, vector<1x16xi32>,
        %add3A_1203 = arith.constant 96 : i32
        %add3A_1204 = arith.addi %add3A_1070, %add3A_1203 : i32
        %add3A_1205 = vector.broadcast %add3A_1204 : i32 to vector<16xi32>
        %add3A_1206 = arith.addi %add3A_1205, %iota3A : vector<16xi32>
        %rem3A_1207 = arith.constant 200 : i32
        %rem3A_1208 = vector.broadcast %rem3A_1207 : i32 to vector<16xi32>
        %rem3A_1209 = arith.remsi %add3A_1206, %rem3A_1208 : vector<16xi32>
        %get3A_1210 = arith.constant 0 : i32
        %get3A_1211 = arith.index_cast %get3A_1210 : i32 to index
        %get3A_1212 = arith.constant 96 : index
        %get3A_1213 = tpu.vector_load %arg9[%get3A_1211, %get3A_1212] {strides = array<i32>} : memref<5x256xi32, #tpu.memory_space<vmem>>, vector<1x16xi32>,
        %get3A_1214 = vector.shape_cast %get3A_1213 : vector<1x16xi32> to vector<16xi32>
        %mul3A_1215 = arith.constant 3 : i32
        %mul3A_1216 = vector.broadcast %mul3A_1215 : i32 to vector<16xi32>
        %mul3A_1217 = arith.muli %rem3A_1209, %mul3A_1216 : vector<16xi32>
        %add3A_1218 = arith.addi %mul3A_1217, %get3A_1214 : vector<16xi32>
        %swap3A_1219 = arith.constant 0 : i32
        %swap3A_1220 = arith.index_cast %swap3A_1219 : i32 to index
        %swap3A_1221 = arith.constant 96 : index
        %swap3A_1222 = tpu.vector_load %arg10[%swap3A_1220, %swap3A_1221] {strides = array<i32>} : memref<5x256xi32, #tpu.memory_space<vmem>>, vector<1x16xi32>,
        %swap3A_1223 = vector.shape_cast %swap3A_1222 : vector<1x16xi32> to vector<16xi32>
        %swap3A_1224 = vector.shape_cast %add3A_1218 : vector<16xi32> to vector<1x16xi32>
        tpu.vector_store %arg10[%swap3A_1220, %swap3A_1221], %swap3A_1224 {strides = array<i32>} : memref<5x256xi32, #tpu.memory_space<vmem>>, vector<1x16xi32>,
        %add3A_1225 = arith.constant 112 : i32
        %add3A_1226 = arith.addi %add3A_1070, %add3A_1225 : i32
        %add3A_1227 = vector.broadcast %add3A_1226 : i32 to vector<16xi32>
        %add3A_1228 = arith.addi %add3A_1227, %iota3A : vector<16xi32>
        %rem3A_1229 = arith.constant 200 : i32
        %rem3A_1230 = vector.broadcast %rem3A_1229 : i32 to vector<16xi32>
        %rem3A_1231 = arith.remsi %add3A_1228, %rem3A_1230 : vector<16xi32>
        %get3A_1232 = arith.constant 0 : i32
        %get3A_1233 = arith.index_cast %get3A_1232 : i32 to index
        %get3A_1234 = arith.constant 112 : index
        %get3A_1235 = tpu.vector_load %arg9[%get3A_1233, %get3A_1234] {strides = array<i32>} : memref<5x256xi32, #tpu.memory_space<vmem>>, vector<1x16xi32>,
        %get3A_1236 = vector.shape_cast %get3A_1235 : vector<1x16xi32> to vector<16xi32>
        %mul3A_1237 = arith.constant 3 : i32
        %mul3A_1238 = vector.broadcast %mul3A_1237 : i32 to vector<16xi32>
        %mul3A_1239 = arith.muli %rem3A_1231, %mul3A_1238 : vector<16xi32>
        %add3A_1240 = arith.addi %mul3A_1239, %get3A_1236 : vector<16xi32>
        %swap3A_1241 = arith.constant 0 : i32
        %swap3A_1242 = arith.index_cast %swap3A_1241 : i32 to index
        %swap3A_1243 = arith.constant 112 : index
        %swap3A_1244 = tpu.vector_load %arg10[%swap3A_1242, %swap3A_1243] {strides = array<i32>} : memref<5x256xi32, #tpu.memory_space<vmem>>, vector<1x16xi32>,
        %swap3A_1245 = vector.shape_cast %swap3A_1244 : vector<1x16xi32> to vector<16xi32>
        %swap3A_1246 = vector.shape_cast %add3A_1240 : vector<16xi32> to vector<1x16xi32>
        tpu.vector_store %arg10[%swap3A_1242, %swap3A_1243], %swap3A_1246 {strides = array<i32>} : memref<5x256xi32, #tpu.memory_space<vmem>>, vector<1x16xi32>,
        %add3A_1247 = arith.constant 128 : i32
        %add3A_1248 = arith.addi %add3A_1070, %add3A_1247 : i32
        %add3A_1249 = vector.broadcast %add3A_1248 : i32 to vector<16xi32>
        %add3A_1250 = arith.addi %add3A_1249, %iota3A : vector<16xi32>
        %rem3A_1251 = arith.constant 200 : i32
        %rem3A_1252 = vector.broadcast %rem3A_1251 : i32 to vector<16xi32>
        %rem3A_1253 = arith.remsi %add3A_1250, %rem3A_1252 : vector<16xi32>
        %get3A_1254 = arith.constant 0 : i32
        %get3A_1255 = arith.index_cast %get3A_1254 : i32 to index
        %get3A_1256 = arith.constant 128 : index
        %get3A_1257 = tpu.vector_load %arg9[%get3A_1255, %get3A_1256] {strides = array<i32>} : memref<5x256xi32, #tpu.memory_space<vmem>>, vector<1x16xi32>,
        %get3A_1258 = vector.shape_cast %get3A_1257 : vector<1x16xi32> to vector<16xi32>
        %mul3A_1259 = arith.constant 3 : i32
        %mul3A_1260 = vector.broadcast %mul3A_1259 : i32 to vector<16xi32>
        %mul3A_1261 = arith.muli %rem3A_1253, %mul3A_1260 : vector<16xi32>
        %add3A_1262 = arith.addi %mul3A_1261, %get3A_1258 : vector<16xi32>
        %swap3A_1263 = arith.constant 0 : i32
        %swap3A_1264 = arith.index_cast %swap3A_1263 : i32 to index
        %swap3A_1265 = arith.constant 128 : index
        %swap3A_1266 = tpu.vector_load %arg10[%swap3A_1264, %swap3A_1265] {strides = array<i32>} : memref<5x256xi32, #tpu.memory_space<vmem>>, vector<1x16xi32>,
        %swap3A_1267 = vector.shape_cast %swap3A_1266 : vector<1x16xi32> to vector<16xi32>
        %swap3A_1268 = vector.shape_cast %add3A_1262 : vector<16xi32> to vector<1x16xi32>
        tpu.vector_store %arg10[%swap3A_1264, %swap3A_1265], %swap3A_1268 {strides = array<i32>} : memref<5x256xi32, #tpu.memory_space<vmem>>, vector<1x16xi32>,
        %add3A_1269 = arith.constant 144 : i32
        %add3A_1270 = arith.addi %add3A_1070, %add3A_1269 : i32
        %add3A_1271 = vector.broadcast %add3A_1270 : i32 to vector<16xi32>
        %add3A_1272 = arith.addi %add3A_1271, %iota3A : vector<16xi32>
        %rem3A_1273 = arith.constant 200 : i32
        %rem3A_1274 = vector.broadcast %rem3A_1273 : i32 to vector<16xi32>
        %rem3A_1275 = arith.remsi %add3A_1272, %rem3A_1274 : vector<16xi32>
        %get3A_1276 = arith.constant 0 : i32
        %get3A_1277 = arith.index_cast %get3A_1276 : i32 to index
        %get3A_1278 = arith.constant 144 : index
        %get3A_1279 = tpu.vector_load %arg9[%get3A_1277, %get3A_1278] {strides = array<i32>} : memref<5x256xi32, #tpu.memory_space<vmem>>, vector<1x16xi32>,
        %get3A_1280 = vector.shape_cast %get3A_1279 : vector<1x16xi32> to vector<16xi32>
        %mul3A_1281 = arith.constant 3 : i32
        %mul3A_1282 = vector.broadcast %mul3A_1281 : i32 to vector<16xi32>
        %mul3A_1283 = arith.muli %rem3A_1275, %mul3A_1282 : vector<16xi32>
        %add3A_1284 = arith.addi %mul3A_1283, %get3A_1280 : vector<16xi32>
        %swap3A_1285 = arith.constant 0 : i32
        %swap3A_1286 = arith.index_cast %swap3A_1285 : i32 to index
        %swap3A_1287 = arith.constant 144 : index
        %swap3A_1288 = tpu.vector_load %arg10[%swap3A_1286, %swap3A_1287] {strides = array<i32>} : memref<5x256xi32, #tpu.memory_space<vmem>>, vector<1x16xi32>,
        %swap3A_1289 = vector.shape_cast %swap3A_1288 : vector<1x16xi32> to vector<16xi32>
        %swap3A_1290 = vector.shape_cast %add3A_1284 : vector<16xi32> to vector<1x16xi32>
        tpu.vector_store %arg10[%swap3A_1286, %swap3A_1287], %swap3A_1290 {strides = array<i32>} : memref<5x256xi32, #tpu.memory_space<vmem>>, vector<1x16xi32>,
        %add3A_1291 = arith.constant 160 : i32
        %add3A_1292 = arith.addi %add3A_1070, %add3A_1291 : i32
        %add3A_1293 = vector.broadcast %add3A_1292 : i32 to vector<16xi32>
        %add3A_1294 = arith.addi %add3A_1293, %iota3A : vector<16xi32>
        %rem3A_1295 = arith.constant 200 : i32
        %rem3A_1296 = vector.broadcast %rem3A_1295 : i32 to vector<16xi32>
        %rem3A_1297 = arith.remsi %add3A_1294, %rem3A_1296 : vector<16xi32>
        %get3A_1298 = arith.constant 0 : i32
        %get3A_1299 = arith.index_cast %get3A_1298 : i32 to index
        %get3A_1300 = arith.constant 160 : index
        %get3A_1301 = tpu.vector_load %arg9[%get3A_1299, %get3A_1300] {strides = array<i32>} : memref<5x256xi32, #tpu.memory_space<vmem>>, vector<1x16xi32>,
        %get3A_1302 = vector.shape_cast %get3A_1301 : vector<1x16xi32> to vector<16xi32>
        %mul3A_1303 = arith.constant 3 : i32
        %mul3A_1304 = vector.broadcast %mul3A_1303 : i32 to vector<16xi32>
        %mul3A_1305 = arith.muli %rem3A_1297, %mul3A_1304 : vector<16xi32>
        %add3A_1306 = arith.addi %mul3A_1305, %get3A_1302 : vector<16xi32>
        %swap3A_1307 = arith.constant 0 : i32
        %swap3A_1308 = arith.index_cast %swap3A_1307 : i32 to index
        %swap3A_1309 = arith.constant 160 : index
        %swap3A_1310 = tpu.vector_load %arg10[%swap3A_1308, %swap3A_1309] {strides = array<i32>} : memref<5x256xi32, #tpu.memory_space<vmem>>, vector<1x16xi32>,
        %swap3A_1311 = vector.shape_cast %swap3A_1310 : vector<1x16xi32> to vector<16xi32>
        %swap3A_1312 = vector.shape_cast %add3A_1306 : vector<16xi32> to vector<1x16xi32>
        tpu.vector_store %arg10[%swap3A_1308, %swap3A_1309], %swap3A_1312 {strides = array<i32>} : memref<5x256xi32, #tpu.memory_space<vmem>>, vector<1x16xi32>,
        %add3A_1313 = arith.constant 176 : i32
        %add3A_1314 = arith.addi %add3A_1070, %add3A_1313 : i32
        %add3A_1315 = vector.broadcast %add3A_1314 : i32 to vector<16xi32>
        %add3A_1316 = arith.addi %add3A_1315, %iota3A : vector<16xi32>
        %rem3A_1317 = arith.constant 200 : i32
        %rem3A_1318 = vector.broadcast %rem3A_1317 : i32 to vector<16xi32>
        %rem3A_1319 = arith.remsi %add3A_1316, %rem3A_1318 : vector<16xi32>
        %get3A_1320 = arith.constant 0 : i32
        %get3A_1321 = arith.index_cast %get3A_1320 : i32 to index
        %get3A_1322 = arith.constant 176 : index
        %get3A_1323 = tpu.vector_load %arg9[%get3A_1321, %get3A_1322] {strides = array<i32>} : memref<5x256xi32, #tpu.memory_space<vmem>>, vector<1x16xi32>,
        %get3A_1324 = vector.shape_cast %get3A_1323 : vector<1x16xi32> to vector<16xi32>
        %mul3A_1325 = arith.constant 3 : i32
        %mul3A_1326 = vector.broadcast %mul3A_1325 : i32 to vector<16xi32>
        %mul3A_1327 = arith.muli %rem3A_1319, %mul3A_1326 : vector<16xi32>
        %add3A_1328 = arith.addi %mul3A_1327, %get3A_1324 : vector<16xi32>
        %swap3A_1329 = arith.constant 0 : i32
        %swap3A_1330 = arith.index_cast %swap3A_1329 : i32 to index
        %swap3A_1331 = arith.constant 176 : index
        %swap3A_1332 = tpu.vector_load %arg10[%swap3A_1330, %swap3A_1331] {strides = array<i32>} : memref<5x256xi32, #tpu.memory_space<vmem>>, vector<1x16xi32>,
        %swap3A_1333 = vector.shape_cast %swap3A_1332 : vector<1x16xi32> to vector<16xi32>
        %swap3A_1334 = vector.shape_cast %add3A_1328 : vector<16xi32> to vector<1x16xi32>
        tpu.vector_store %arg10[%swap3A_1330, %swap3A_1331], %swap3A_1334 {strides = array<i32>} : memref<5x256xi32, #tpu.memory_space<vmem>>, vector<1x16xi32>,
        %add3A_1335 = arith.constant 192 : i32
        %add3A_1336 = arith.addi %add3A_1070, %add3A_1335 : i32
        %add3A_1337 = vector.broadcast %add3A_1336 : i32 to vector<16xi32>
        %add3A_1338 = arith.addi %add3A_1337, %iota3A : vector<16xi32>
        %rem3A_1339 = arith.constant 200 : i32
        %rem3A_1340 = vector.broadcast %rem3A_1339 : i32 to vector<16xi32>
        %rem3A_1341 = arith.remsi %add3A_1338, %rem3A_1340 : vector<16xi32>
        %get3A_1342 = arith.constant 0 : i32
        %get3A_1343 = arith.index_cast %get3A_1342 : i32 to index
        %get3A_1344 = arith.constant 192 : index
        %get3A_1345 = tpu.vector_load %arg9[%get3A_1343, %get3A_1344] {strides = array<i32>} : memref<5x256xi32, #tpu.memory_space<vmem>>, vector<1x16xi32>,
        %get3A_1346 = vector.shape_cast %get3A_1345 : vector<1x16xi32> to vector<16xi32>
        %mul3A_1347 = arith.constant 3 : i32
        %mul3A_1348 = vector.broadcast %mul3A_1347 : i32 to vector<16xi32>
        %mul3A_1349 = arith.muli %rem3A_1341, %mul3A_1348 : vector<16xi32>
        %add3A_1350 = arith.addi %mul3A_1349, %get3A_1346 : vector<16xi32>
        %swap3A_1351 = arith.constant 0 : i32
        %swap3A_1352 = arith.index_cast %swap3A_1351 : i32 to index
        %swap3A_1353 = arith.constant 192 : index
        %swap3A_1354 = tpu.vector_load %arg10[%swap3A_1352, %swap3A_1353] {strides = array<i32>} : memref<5x256xi32, #tpu.memory_space<vmem>>, vector<1x16xi32>,
        %swap3A_1355 = vector.shape_cast %swap3A_1354 : vector<1x16xi32> to vector<16xi32>
        %swap3A_1356 = vector.shape_cast %add3A_1350 : vector<16xi32> to vector<1x16xi32>
        tpu.vector_store %arg10[%swap3A_1352, %swap3A_1353], %swap3A_1356 {strides = array<i32>} : memref<5x256xi32, #tpu.memory_space<vmem>>, vector<1x16xi32>,
        %add3A_1357 = arith.constant 208 : i32
        %add3A_1358 = arith.addi %add3A_1070, %add3A_1357 : i32
        %add3A_1359 = vector.broadcast %add3A_1358 : i32 to vector<16xi32>
        %add3A_1360 = arith.addi %add3A_1359, %iota3A : vector<16xi32>
        %rem3A_1361 = arith.constant 200 : i32
        %rem3A_1362 = vector.broadcast %rem3A_1361 : i32 to vector<16xi32>
        %rem3A_1363 = arith.remsi %add3A_1360, %rem3A_1362 : vector<16xi32>
        %get3A_1364 = arith.constant 0 : i32
        %get3A_1365 = arith.index_cast %get3A_1364 : i32 to index
        %get3A_1366 = arith.constant 208 : index
        %get3A_1367 = tpu.vector_load %arg9[%get3A_1365, %get3A_1366] {strides = array<i32>} : memref<5x256xi32, #tpu.memory_space<vmem>>, vector<1x16xi32>,
        %get3A_1368 = vector.shape_cast %get3A_1367 : vector<1x16xi32> to vector<16xi32>
        %mul3A_1369 = arith.constant 3 : i32
        %mul3A_1370 = vector.broadcast %mul3A_1369 : i32 to vector<16xi32>
        %mul3A_1371 = arith.muli %rem3A_1363, %mul3A_1370 : vector<16xi32>
        %add3A_1372 = arith.addi %mul3A_1371, %get3A_1368 : vector<16xi32>
        %swap3A_1373 = arith.constant 0 : i32
        %swap3A_1374 = arith.index_cast %swap3A_1373 : i32 to index
        %swap3A_1375 = arith.constant 208 : index
        %swap3A_1376 = tpu.vector_load %arg10[%swap3A_1374, %swap3A_1375] {strides = array<i32>} : memref<5x256xi32, #tpu.memory_space<vmem>>, vector<1x16xi32>,
        %swap3A_1377 = vector.shape_cast %swap3A_1376 : vector<1x16xi32> to vector<16xi32>
        %swap3A_1378 = vector.shape_cast %add3A_1372 : vector<16xi32> to vector<1x16xi32>
        tpu.vector_store %arg10[%swap3A_1374, %swap3A_1375], %swap3A_1378 {strides = array<i32>} : memref<5x256xi32, #tpu.memory_space<vmem>>, vector<1x16xi32>,
        %add3A_1379 = arith.constant 224 : i32
        %add3A_1380 = arith.addi %add3A_1070, %add3A_1379 : i32
        %add3A_1381 = vector.broadcast %add3A_1380 : i32 to vector<16xi32>
        %add3A_1382 = arith.addi %add3A_1381, %iota3A : vector<16xi32>
        %rem3A_1383 = arith.constant 200 : i32
        %rem3A_1384 = vector.broadcast %rem3A_1383 : i32 to vector<16xi32>
        %rem3A_1385 = arith.remsi %add3A_1382, %rem3A_1384 : vector<16xi32>
        %get3A_1386 = arith.constant 0 : i32
        %get3A_1387 = arith.index_cast %get3A_1386 : i32 to index
        %get3A_1388 = arith.constant 224 : index
        %get3A_1389 = tpu.vector_load %arg9[%get3A_1387, %get3A_1388] {strides = array<i32>} : memref<5x256xi32, #tpu.memory_space<vmem>>, vector<1x16xi32>,
        %get3A_1390 = vector.shape_cast %get3A_1389 : vector<1x16xi32> to vector<16xi32>
        %mul3A_1391 = arith.constant 3 : i32
        %mul3A_1392 = vector.broadcast %mul3A_1391 : i32 to vector<16xi32>
        %mul3A_1393 = arith.muli %rem3A_1385, %mul3A_1392 : vector<16xi32>
        %add3A_1394 = arith.addi %mul3A_1393, %get3A_1390 : vector<16xi32>
        %swap3A_1395 = arith.constant 0 : i32
        %swap3A_1396 = arith.index_cast %swap3A_1395 : i32 to index
        %swap3A_1397 = arith.constant 224 : index
        %swap3A_1398 = tpu.vector_load %arg10[%swap3A_1396, %swap3A_1397] {strides = array<i32>} : memref<5x256xi32, #tpu.memory_space<vmem>>, vector<1x16xi32>,
        %swap3A_1399 = vector.shape_cast %swap3A_1398 : vector<1x16xi32> to vector<16xi32>
        %swap3A_1400 = vector.shape_cast %add3A_1394 : vector<16xi32> to vector<1x16xi32>
        tpu.vector_store %arg10[%swap3A_1396, %swap3A_1397], %swap3A_1400 {strides = array<i32>} : memref<5x256xi32, #tpu.memory_space<vmem>>, vector<1x16xi32>,
        %add3A_1401 = arith.constant 240 : i32
        %add3A_1402 = arith.addi %add3A_1070, %add3A_1401 : i32
        %add3A_1403 = vector.broadcast %add3A_1402 : i32 to vector<16xi32>
        %add3A_1404 = arith.addi %add3A_1403, %iota3A : vector<16xi32>
        %rem3A_1405 = arith.constant 200 : i32
        %rem3A_1406 = vector.broadcast %rem3A_1405 : i32 to vector<16xi32>
        %rem3A_1407 = arith.remsi %add3A_1404, %rem3A_1406 : vector<16xi32>
        %get3A_1408 = arith.constant 0 : i32
        %get3A_1409 = arith.index_cast %get3A_1408 : i32 to index
        %get3A_1410 = arith.constant 240 : index
        %get3A_1411 = tpu.vector_load %arg9[%get3A_1409, %get3A_1410] {strides = array<i32>} : memref<5x256xi32, #tpu.memory_space<vmem>>, vector<1x16xi32>,
        %get3A_1412 = vector.shape_cast %get3A_1411 : vector<1x16xi32> to vector<16xi32>
        %mul3A_1413 = arith.constant 3 : i32
        %mul3A_1414 = vector.broadcast %mul3A_1413 : i32 to vector<16xi32>
        %mul3A_1415 = arith.muli %rem3A_1407, %mul3A_1414 : vector<16xi32>
        %add3A_1416 = arith.addi %mul3A_1415, %get3A_1412 : vector<16xi32>
        %swap3A_1417 = arith.constant 0 : i32
        %swap3A_1418 = arith.index_cast %swap3A_1417 : i32 to index
        %swap3A_1419 = arith.constant 240 : index
        %swap3A_1420 = tpu.vector_load %arg10[%swap3A_1418, %swap3A_1419] {strides = array<i32>} : memref<5x256xi32, #tpu.memory_space<vmem>>, vector<1x16xi32>,
        %swap3A_1421 = vector.shape_cast %swap3A_1420 : vector<1x16xi32> to vector<16xi32>
        %swap3A_1422 = vector.shape_cast %add3A_1416 : vector<16xi32> to vector<1x16xi32>
        tpu.vector_store %arg10[%swap3A_1418, %swap3A_1419], %swap3A_1422 {strides = array<i32>} : memref<5x256xi32, #tpu.memory_space<vmem>>, vector<1x16xi32>,
        %add3A_1423 = arith.constant 1 : i32
        %add3A_1424 = arith.addi %add3A_978, %add3A_1423 : i32
        %ge3A = arith.constant 5 : i32
        %ge3A_1425 = arith.cmpi sge, %add3A_1424, %ge3A : i32
        %convert_element_type3A_1426 = arith.extui %ge3A_1425 : i1 to i32
        %cond3A_1427 = arith.constant 0 : i32
        %cond3A_1428 = arith.cmpi ne, %convert_element_type3A_1426, %cond3A_1427 : i32
        scf.if %cond3A_1428 {
          %add3A_1637 = arith.constant 1 : i32
          %add3A_1638 = arith.addi %add3A_978, %add3A_1637 : i32
          %sub3A = arith.constant 5 : i32
          %sub3A_1639 = arith.subi %add3A_1638, %sub3A : i32
          %mul3A_1640 = arith.constant 256 : i32
          %mul3A_1641 = arith.muli %sub3A_1639, %mul3A_1640 : i32
          %add3A_1642 = arith.addi %mul3A_2, %mul3A_1641 : i32
          %dma_wait3A_1643 = arith.constant 0 : i32
          %dma_wait3A_1644 = arith.constant 0 : i32
          %dma_wait3A_1645 = arith.constant 0 : i32
          %dma_wait3A_1646 = tpu.memref_slice %arg11[%dma_wait3A_1643, %dma_wait3A_1644, %dma_wait3A_1645] : memref<5x256x64xf32, #tpu.memory_space<vmem>> -> memref<1x256x64xf32, #tpu.memory_space<vmem>>
          %dma_wait3A_1647 = tpu.memref_squeeze %dma_wait3A_1646 : memref<1x256x64xf32, #tpu.memory_space<vmem>> -> memref<256x64xf32, #tpu.memory_space<vmem>>
          %dma_wait3A_1648 = arith.constant 0 : i32
          %dma_wait3A_1649 = tpu.memref_slice %arg6[%add3A_1642, %dma_wait3A_1648] : memref<819200x64xf32, #tpu.memory_space<hbm>> -> memref<256x64xf32, #tpu.memory_space<hbm>>
          %dma_wait3A_1650 = arith.constant 0 : i32
          %dma_wait3A_1651 = tpu.memref_slice %arg6[%add3A_1642, %dma_wait3A_1650] : memref<819200x64xf32, #tpu.memory_space<hbm>> -> memref<256x64xf32, #tpu.memory_space<hbm>>
          %dma_wait3A_1652 = arith.constant 0 : i32
          %dma_wait3A_1653 = arith.constant 0 : i32
          %dma_wait3A_1654 = tpu.memref_slice %arg11[%dma_wait3A_1643, %dma_wait3A_1652, %dma_wait3A_1653] : memref<5x256x64xf32, #tpu.memory_space<vmem>> -> memref<1x256x64xf32, #tpu.memory_space<vmem>>
          %dma_wait3A_1655 = tpu.memref_squeeze %dma_wait3A_1654 : memref<1x256x64xf32, #tpu.memory_space<vmem>> -> memref<256x64xf32, #tpu.memory_space<vmem>>
          tpu.wait_dma2 semaphore(%arg17 : memref<!tpu.dma_semaphore, #tpu.memory_space<semaphore_mem>>) src(%dma_wait3A_1655 : memref<256x64xf32, #tpu.memory_space<vmem>>) dst(%dma_wait3A_1651 : memref<256x64xf32, #tpu.memory_space<hbm>>)
        } else {
        }
        %get3A_1429 = arith.constant 0 : i32
        %get3A_1430 = arith.index_cast %get3A_1429 : i32 to index
        %get3A_1431 = arith.constant 0 : index
        %get3A_1432 = tpu.vector_load %arg8[%get3A_1430, %get3A_1431] {strides = array<i32>} : memref<5x256xi32, #tpu.memory_space<vmem>>, vector<1x16xi32>,
        %get3A_1433 = vector.shape_cast %get3A_1432 : vector<1x16xi32> to vector<16xi32>
        %dma_start3A_1434 = arith.constant 0 : i32
        %dma_start3A_1435 = arith.constant 0 : i32
        %dma_start3A_1436 = arith.constant 0 : i32
        %dma_start3A_1437 = tpu.memref_slice %arg11[%dma_start3A_1434, %dma_start3A_1435, %dma_start3A_1436] : memref<5x256x64xf32, #tpu.memory_space<vmem>> -> memref<1x16x64xf32, #tpu.memory_space<vmem>>
        %dma_start3A_1438 = tpu.memref_squeeze %dma_start3A_1437 : memref<1x16x64xf32, #tpu.memory_space<vmem>> -> memref<16x64xf32, #tpu.memory_space<vmem>>
        %dma_start3A_1439 = arith.constant 0 : i32
        %dma_start3A_1440 = arith.constant 0 : i32
        %dma_start3A_1441 = tpu.memref_slice %arg4[%dma_start3A_1439, %dma_start3A_1440] : memref<1000000x64xf32, #tpu.memory_space<hbm>> -> memref<1000000x64xf32, #tpu.memory_space<hbm>>
        tpu.enqueue_indirect_dma source(%dma_start3A_1441 : memref<1000000x64xf32, #tpu.memory_space<hbm>>) target(%dma_start3A_1438 : memref<16x64xf32, #tpu.memory_space<vmem>>) offsets(%get3A_1433 : vector<16xi32>) semaphore(%arg12 : memref<!tpu.dma_semaphore, #tpu.memory_space<semaphore_mem>>)
        %get3A_1442 = arith.constant 0 : i32
        %get3A_1443 = arith.index_cast %get3A_1442 : i32 to index
        %get3A_1444 = arith.constant 16 : index
        %get3A_1445 = tpu.vector_load %arg8[%get3A_1443, %get3A_1444] {strides = array<i32>} : memref<5x256xi32, #tpu.memory_space<vmem>>, vector<1x16xi32>,
        %get3A_1446 = vector.shape_cast %get3A_1445 : vector<1x16xi32> to vector<16xi32>
        %dma_start3A_1447 = arith.constant 0 : i32
        %dma_start3A_1448 = arith.constant 16 : i32
        %dma_start3A_1449 = arith.constant 0 : i32
        %dma_start3A_1450 = tpu.memref_slice %arg11[%dma_start3A_1447, %dma_start3A_1448, %dma_start3A_1449] : memref<5x256x64xf32, #tpu.memory_space<vmem>> -> memref<1x16x64xf32, #tpu.memory_space<vmem>>
        %dma_start3A_1451 = tpu.memref_squeeze %dma_start3A_1450 : memref<1x16x64xf32, #tpu.memory_space<vmem>> -> memref<16x64xf32, #tpu.memory_space<vmem>>
        %dma_start3A_1452 = arith.constant 0 : i32
        %dma_start3A_1453 = arith.constant 0 : i32
        %dma_start3A_1454 = tpu.memref_slice %arg4[%dma_start3A_1452, %dma_start3A_1453] : memref<1000000x64xf32, #tpu.memory_space<hbm>> -> memref<1000000x64xf32, #tpu.memory_space<hbm>>
        tpu.enqueue_indirect_dma source(%dma_start3A_1454 : memref<1000000x64xf32, #tpu.memory_space<hbm>>) target(%dma_start3A_1451 : memref<16x64xf32, #tpu.memory_space<vmem>>) offsets(%get3A_1446 : vector<16xi32>) semaphore(%arg12 : memref<!tpu.dma_semaphore, #tpu.memory_space<semaphore_mem>>)
        %get3A_1455 = arith.constant 0 : i32
        %get3A_1456 = arith.index_cast %get3A_1455 : i32 to index
        %get3A_1457 = arith.constant 32 : index
        %get3A_1458 = tpu.vector_load %arg8[%get3A_1456, %get3A_1457] {strides = array<i32>} : memref<5x256xi32, #tpu.memory_space<vmem>>, vector<1x16xi32>,
        %get3A_1459 = vector.shape_cast %get3A_1458 : vector<1x16xi32> to vector<16xi32>
        %dma_start3A_1460 = arith.constant 0 : i32
        %dma_start3A_1461 = arith.constant 32 : i32
        %dma_start3A_1462 = arith.constant 0 : i32
        %dma_start3A_1463 = tpu.memref_slice %arg11[%dma_start3A_1460, %dma_start3A_1461, %dma_start3A_1462] : memref<5x256x64xf32, #tpu.memory_space<vmem>> -> memref<1x16x64xf32, #tpu.memory_space<vmem>>
        %dma_start3A_1464 = tpu.memref_squeeze %dma_start3A_1463 : memref<1x16x64xf32, #tpu.memory_space<vmem>> -> memref<16x64xf32, #tpu.memory_space<vmem>>
        %dma_start3A_1465 = arith.constant 0 : i32
        %dma_start3A_1466 = arith.constant 0 : i32
        %dma_start3A_1467 = tpu.memref_slice %arg4[%dma_start3A_1465, %dma_start3A_1466] : memref<1000000x64xf32, #tpu.memory_space<hbm>> -> memref<1000000x64xf32, #tpu.memory_space<hbm>>
        tpu.enqueue_indirect_dma source(%dma_start3A_1467 : memref<1000000x64xf32, #tpu.memory_space<hbm>>) target(%dma_start3A_1464 : memref<16x64xf32, #tpu.memory_space<vmem>>) offsets(%get3A_1459 : vector<16xi32>) semaphore(%arg12 : memref<!tpu.dma_semaphore, #tpu.memory_space<semaphore_mem>>)
        %get3A_1468 = arith.constant 0 : i32
        %get3A_1469 = arith.index_cast %get3A_1468 : i32 to index
        %get3A_1470 = arith.constant 48 : index
        %get3A_1471 = tpu.vector_load %arg8[%get3A_1469, %get3A_1470] {strides = array<i32>} : memref<5x256xi32, #tpu.memory_space<vmem>>, vector<1x16xi32>,
        %get3A_1472 = vector.shape_cast %get3A_1471 : vector<1x16xi32> to vector<16xi32>
        %dma_start3A_1473 = arith.constant 0 : i32
        %dma_start3A_1474 = arith.constant 48 : i32
        %dma_start3A_1475 = arith.constant 0 : i32
        %dma_start3A_1476 = tpu.memref_slice %arg11[%dma_start3A_1473, %dma_start3A_1474, %dma_start3A_1475] : memref<5x256x64xf32, #tpu.memory_space<vmem>> -> memref<1x16x64xf32, #tpu.memory_space<vmem>>
        %dma_start3A_1477 = tpu.memref_squeeze %dma_start3A_1476 : memref<1x16x64xf32, #tpu.memory_space<vmem>> -> memref<16x64xf32, #tpu.memory_space<vmem>>
        %dma_start3A_1478 = arith.constant 0 : i32
        %dma_start3A_1479 = arith.constant 0 : i32
        %dma_start3A_1480 = tpu.memref_slice %arg4[%dma_start3A_1478, %dma_start3A_1479] : memref<1000000x64xf32, #tpu.memory_space<hbm>> -> memref<1000000x64xf32, #tpu.memory_space<hbm>>
        tpu.enqueue_indirect_dma source(%dma_start3A_1480 : memref<1000000x64xf32, #tpu.memory_space<hbm>>) target(%dma_start3A_1477 : memref<16x64xf32, #tpu.memory_space<vmem>>) offsets(%get3A_1472 : vector<16xi32>) semaphore(%arg12 : memref<!tpu.dma_semaphore, #tpu.memory_space<semaphore_mem>>)
        %get3A_1481 = arith.constant 0 : i32
        %get3A_1482 = arith.index_cast %get3A_1481 : i32 to index
        %get3A_1483 = arith.constant 64 : index
        %get3A_1484 = tpu.vector_load %arg8[%get3A_1482, %get3A_1483] {strides = array<i32>} : memref<5x256xi32, #tpu.memory_space<vmem>>, vector<1x16xi32>,
        %get3A_1485 = vector.shape_cast %get3A_1484 : vector<1x16xi32> to vector<16xi32>
        %dma_start3A_1486 = arith.constant 0 : i32
        %dma_start3A_1487 = arith.constant 64 : i32
        %dma_start3A_1488 = arith.constant 0 : i32
        %dma_start3A_1489 = tpu.memref_slice %arg11[%dma_start3A_1486, %dma_start3A_1487, %dma_start3A_1488] : memref<5x256x64xf32, #tpu.memory_space<vmem>> -> memref<1x16x64xf32, #tpu.memory_space<vmem>>
        %dma_start3A_1490 = tpu.memref_squeeze %dma_start3A_1489 : memref<1x16x64xf32, #tpu.memory_space<vmem>> -> memref<16x64xf32, #tpu.memory_space<vmem>>
        %dma_start3A_1491 = arith.constant 0 : i32
        %dma_start3A_1492 = arith.constant 0 : i32
        %dma_start3A_1493 = tpu.memref_slice %arg4[%dma_start3A_1491, %dma_start3A_1492] : memref<1000000x64xf32, #tpu.memory_space<hbm>> -> memref<1000000x64xf32, #tpu.memory_space<hbm>>
        tpu.enqueue_indirect_dma source(%dma_start3A_1493 : memref<1000000x64xf32, #tpu.memory_space<hbm>>) target(%dma_start3A_1490 : memref<16x64xf32, #tpu.memory_space<vmem>>) offsets(%get3A_1485 : vector<16xi32>) semaphore(%arg12 : memref<!tpu.dma_semaphore, #tpu.memory_space<semaphore_mem>>)
        %get3A_1494 = arith.constant 0 : i32
        %get3A_1495 = arith.index_cast %get3A_1494 : i32 to index
        %get3A_1496 = arith.constant 80 : index
        %get3A_1497 = tpu.vector_load %arg8[%get3A_1495, %get3A_1496] {strides = array<i32>} : memref<5x256xi32, #tpu.memory_space<vmem>>, vector<1x16xi32>,
        %get3A_1498 = vector.shape_cast %get3A_1497 : vector<1x16xi32> to vector<16xi32>
        %dma_start3A_1499 = arith.constant 0 : i32
        %dma_start3A_1500 = arith.constant 80 : i32
        %dma_start3A_1501 = arith.constant 0 : i32
        %dma_start3A_1502 = tpu.memref_slice %arg11[%dma_start3A_1499, %dma_start3A_1500, %dma_start3A_1501] : memref<5x256x64xf32, #tpu.memory_space<vmem>> -> memref<1x16x64xf32, #tpu.memory_space<vmem>>
        %dma_start3A_1503 = tpu.memref_squeeze %dma_start3A_1502 : memref<1x16x64xf32, #tpu.memory_space<vmem>> -> memref<16x64xf32, #tpu.memory_space<vmem>>
        %dma_start3A_1504 = arith.constant 0 : i32
        %dma_start3A_1505 = arith.constant 0 : i32
        %dma_start3A_1506 = tpu.memref_slice %arg4[%dma_start3A_1504, %dma_start3A_1505] : memref<1000000x64xf32, #tpu.memory_space<hbm>> -> memref<1000000x64xf32, #tpu.memory_space<hbm>>
        tpu.enqueue_indirect_dma source(%dma_start3A_1506 : memref<1000000x64xf32, #tpu.memory_space<hbm>>) target(%dma_start3A_1503 : memref<16x64xf32, #tpu.memory_space<vmem>>) offsets(%get3A_1498 : vector<16xi32>) semaphore(%arg12 : memref<!tpu.dma_semaphore, #tpu.memory_space<semaphore_mem>>)
        %get3A_1507 = arith.constant 0 : i32
        %get3A_1508 = arith.index_cast %get3A_1507 : i32 to index
        %get3A_1509 = arith.constant 96 : index
        %get3A_1510 = tpu.vector_load %arg8[%get3A_1508, %get3A_1509] {strides = array<i32>} : memref<5x256xi32, #tpu.memory_space<vmem>>, vector<1x16xi32>,
        %get3A_1511 = vector.shape_cast %get3A_1510 : vector<1x16xi32> to vector<16xi32>
        %dma_start3A_1512 = arith.constant 0 : i32
        %dma_start3A_1513 = arith.constant 96 : i32
        %dma_start3A_1514 = arith.constant 0 : i32
        %dma_start3A_1515 = tpu.memref_slice %arg11[%dma_start3A_1512, %dma_start3A_1513, %dma_start3A_1514] : memref<5x256x64xf32, #tpu.memory_space<vmem>> -> memref<1x16x64xf32, #tpu.memory_space<vmem>>
        %dma_start3A_1516 = tpu.memref_squeeze %dma_start3A_1515 : memref<1x16x64xf32, #tpu.memory_space<vmem>> -> memref<16x64xf32, #tpu.memory_space<vmem>>
        %dma_start3A_1517 = arith.constant 0 : i32
        %dma_start3A_1518 = arith.constant 0 : i32
        %dma_start3A_1519 = tpu.memref_slice %arg4[%dma_start3A_1517, %dma_start3A_1518] : memref<1000000x64xf32, #tpu.memory_space<hbm>> -> memref<1000000x64xf32, #tpu.memory_space<hbm>>
        tpu.enqueue_indirect_dma source(%dma_start3A_1519 : memref<1000000x64xf32, #tpu.memory_space<hbm>>) target(%dma_start3A_1516 : memref<16x64xf32, #tpu.memory_space<vmem>>) offsets(%get3A_1511 : vector<16xi32>) semaphore(%arg12 : memref<!tpu.dma_semaphore, #tpu.memory_space<semaphore_mem>>)
        %get3A_1520 = arith.constant 0 : i32
        %get3A_1521 = arith.index_cast %get3A_1520 : i32 to index
        %get3A_1522 = arith.constant 112 : index
        %get3A_1523 = tpu.vector_load %arg8[%get3A_1521, %get3A_1522] {strides = array<i32>} : memref<5x256xi32, #tpu.memory_space<vmem>>, vector<1x16xi32>,
        %get3A_1524 = vector.shape_cast %get3A_1523 : vector<1x16xi32> to vector<16xi32>
        %dma_start3A_1525 = arith.constant 0 : i32
        %dma_start3A_1526 = arith.constant 112 : i32
        %dma_start3A_1527 = arith.constant 0 : i32
        %dma_start3A_1528 = tpu.memref_slice %arg11[%dma_start3A_1525, %dma_start3A_1526, %dma_start3A_1527] : memref<5x256x64xf32, #tpu.memory_space<vmem>> -> memref<1x16x64xf32, #tpu.memory_space<vmem>>
        %dma_start3A_1529 = tpu.memref_squeeze %dma_start3A_1528 : memref<1x16x64xf32, #tpu.memory_space<vmem>> -> memref<16x64xf32, #tpu.memory_space<vmem>>
        %dma_start3A_1530 = arith.constant 0 : i32
        %dma_start3A_1531 = arith.constant 0 : i32
        %dma_start3A_1532 = tpu.memref_slice %arg4[%dma_start3A_1530, %dma_start3A_1531] : memref<1000000x64xf32, #tpu.memory_space<hbm>> -> memref<1000000x64xf32, #tpu.memory_space<hbm>>
        tpu.enqueue_indirect_dma source(%dma_start3A_1532 : memref<1000000x64xf32, #tpu.memory_space<hbm>>) target(%dma_start3A_1529 : memref<16x64xf32, #tpu.memory_space<vmem>>) offsets(%get3A_1524 : vector<16xi32>) semaphore(%arg12 : memref<!tpu.dma_semaphore, #tpu.memory_space<semaphore_mem>>)
        %get3A_1533 = arith.constant 0 : i32
        %get3A_1534 = arith.index_cast %get3A_1533 : i32 to index
        %get3A_1535 = arith.constant 128 : index
        %get3A_1536 = tpu.vector_load %arg8[%get3A_1534, %get3A_1535] {strides = array<i32>} : memref<5x256xi32, #tpu.memory_space<vmem>>, vector<1x16xi32>,
        %get3A_1537 = vector.shape_cast %get3A_1536 : vector<1x16xi32> to vector<16xi32>
        %dma_start3A_1538 = arith.constant 0 : i32
        %dma_start3A_1539 = arith.constant 128 : i32
        %dma_start3A_1540 = arith.constant 0 : i32
        %dma_start3A_1541 = tpu.memref_slice %arg11[%dma_start3A_1538, %dma_start3A_1539, %dma_start3A_1540] : memref<5x256x64xf32, #tpu.memory_space<vmem>> -> memref<1x16x64xf32, #tpu.memory_space<vmem>>
        %dma_start3A_1542 = tpu.memref_squeeze %dma_start3A_1541 : memref<1x16x64xf32, #tpu.memory_space<vmem>> -> memref<16x64xf32, #tpu.memory_space<vmem>>
        %dma_start3A_1543 = arith.constant 0 : i32
        %dma_start3A_1544 = arith.constant 0 : i32
        %dma_start3A_1545 = tpu.memref_slice %arg4[%dma_start3A_1543, %dma_start3A_1544] : memref<1000000x64xf32, #tpu.memory_space<hbm>> -> memref<1000000x64xf32, #tpu.memory_space<hbm>>
        tpu.enqueue_indirect_dma source(%dma_start3A_1545 : memref<1000000x64xf32, #tpu.memory_space<hbm>>) target(%dma_start3A_1542 : memref<16x64xf32, #tpu.memory_space<vmem>>) offsets(%get3A_1537 : vector<16xi32>) semaphore(%arg12 : memref<!tpu.dma_semaphore, #tpu.memory_space<semaphore_mem>>)
        %get3A_1546 = arith.constant 0 : i32
        %get3A_1547 = arith.index_cast %get3A_1546 : i32 to index
        %get3A_1548 = arith.constant 144 : index
        %get3A_1549 = tpu.vector_load %arg8[%get3A_1547, %get3A_1548] {strides = array<i32>} : memref<5x256xi32, #tpu.memory_space<vmem>>, vector<1x16xi32>,
        %get3A_1550 = vector.shape_cast %get3A_1549 : vector<1x16xi32> to vector<16xi32>
        %dma_start3A_1551 = arith.constant 0 : i32
        %dma_start3A_1552 = arith.constant 144 : i32
        %dma_start3A_1553 = arith.constant 0 : i32
        %dma_start3A_1554 = tpu.memref_slice %arg11[%dma_start3A_1551, %dma_start3A_1552, %dma_start3A_1553] : memref<5x256x64xf32, #tpu.memory_space<vmem>> -> memref<1x16x64xf32, #tpu.memory_space<vmem>>
        %dma_start3A_1555 = tpu.memref_squeeze %dma_start3A_1554 : memref<1x16x64xf32, #tpu.memory_space<vmem>> -> memref<16x64xf32, #tpu.memory_space<vmem>>
        %dma_start3A_1556 = arith.constant 0 : i32
        %dma_start3A_1557 = arith.constant 0 : i32
        %dma_start3A_1558 = tpu.memref_slice %arg4[%dma_start3A_1556, %dma_start3A_1557] : memref<1000000x64xf32, #tpu.memory_space<hbm>> -> memref<1000000x64xf32, #tpu.memory_space<hbm>>
        tpu.enqueue_indirect_dma source(%dma_start3A_1558 : memref<1000000x64xf32, #tpu.memory_space<hbm>>) target(%dma_start3A_1555 : memref<16x64xf32, #tpu.memory_space<vmem>>) offsets(%get3A_1550 : vector<16xi32>) semaphore(%arg12 : memref<!tpu.dma_semaphore, #tpu.memory_space<semaphore_mem>>)
        %get3A_1559 = arith.constant 0 : i32
        %get3A_1560 = arith.index_cast %get3A_1559 : i32 to index
        %get3A_1561 = arith.constant 160 : index
        %get3A_1562 = tpu.vector_load %arg8[%get3A_1560, %get3A_1561] {strides = array<i32>} : memref<5x256xi32, #tpu.memory_space<vmem>>, vector<1x16xi32>,
        %get3A_1563 = vector.shape_cast %get3A_1562 : vector<1x16xi32> to vector<16xi32>
        %dma_start3A_1564 = arith.constant 0 : i32
        %dma_start3A_1565 = arith.constant 160 : i32
        %dma_start3A_1566 = arith.constant 0 : i32
        %dma_start3A_1567 = tpu.memref_slice %arg11[%dma_start3A_1564, %dma_start3A_1565, %dma_start3A_1566] : memref<5x256x64xf32, #tpu.memory_space<vmem>> -> memref<1x16x64xf32, #tpu.memory_space<vmem>>
        %dma_start3A_1568 = tpu.memref_squeeze %dma_start3A_1567 : memref<1x16x64xf32, #tpu.memory_space<vmem>> -> memref<16x64xf32, #tpu.memory_space<vmem>>
        %dma_start3A_1569 = arith.constant 0 : i32
        %dma_start3A_1570 = arith.constant 0 : i32
        %dma_start3A_1571 = tpu.memref_slice %arg4[%dma_start3A_1569, %dma_start3A_1570] : memref<1000000x64xf32, #tpu.memory_space<hbm>> -> memref<1000000x64xf32, #tpu.memory_space<hbm>>
        tpu.enqueue_indirect_dma source(%dma_start3A_1571 : memref<1000000x64xf32, #tpu.memory_space<hbm>>) target(%dma_start3A_1568 : memref<16x64xf32, #tpu.memory_space<vmem>>) offsets(%get3A_1563 : vector<16xi32>) semaphore(%arg12 : memref<!tpu.dma_semaphore, #tpu.memory_space<semaphore_mem>>)
        %get3A_1572 = arith.constant 0 : i32
        %get3A_1573 = arith.index_cast %get3A_1572 : i32 to index
        %get3A_1574 = arith.constant 176 : index
        %get3A_1575 = tpu.vector_load %arg8[%get3A_1573, %get3A_1574] {strides = array<i32>} : memref<5x256xi32, #tpu.memory_space<vmem>>, vector<1x16xi32>,
        %get3A_1576 = vector.shape_cast %get3A_1575 : vector<1x16xi32> to vector<16xi32>
        %dma_start3A_1577 = arith.constant 0 : i32
        %dma_start3A_1578 = arith.constant 176 : i32
        %dma_start3A_1579 = arith.constant 0 : i32
        %dma_start3A_1580 = tpu.memref_slice %arg11[%dma_start3A_1577, %dma_start3A_1578, %dma_start3A_1579] : memref<5x256x64xf32, #tpu.memory_space<vmem>> -> memref<1x16x64xf32, #tpu.memory_space<vmem>>
        %dma_start3A_1581 = tpu.memref_squeeze %dma_start3A_1580 : memref<1x16x64xf32, #tpu.memory_space<vmem>> -> memref<16x64xf32, #tpu.memory_space<vmem>>
        %dma_start3A_1582 = arith.constant 0 : i32
        %dma_start3A_1583 = arith.constant 0 : i32
        %dma_start3A_1584 = tpu.memref_slice %arg4[%dma_start3A_1582, %dma_start3A_1583] : memref<1000000x64xf32, #tpu.memory_space<hbm>> -> memref<1000000x64xf32, #tpu.memory_space<hbm>>
        tpu.enqueue_indirect_dma source(%dma_start3A_1584 : memref<1000000x64xf32, #tpu.memory_space<hbm>>) target(%dma_start3A_1581 : memref<16x64xf32, #tpu.memory_space<vmem>>) offsets(%get3A_1576 : vector<16xi32>) semaphore(%arg12 : memref<!tpu.dma_semaphore, #tpu.memory_space<semaphore_mem>>)
        %get3A_1585 = arith.constant 0 : i32
        %get3A_1586 = arith.index_cast %get3A_1585 : i32 to index
        %get3A_1587 = arith.constant 192 : index
        %get3A_1588 = tpu.vector_load %arg8[%get3A_1586, %get3A_1587] {strides = array<i32>} : memref<5x256xi32, #tpu.memory_space<vmem>>, vector<1x16xi32>,
        %get3A_1589 = vector.shape_cast %get3A_1588 : vector<1x16xi32> to vector<16xi32>
        %dma_start3A_1590 = arith.constant 0 : i32
        %dma_start3A_1591 = arith.constant 192 : i32
        %dma_start3A_1592 = arith.constant 0 : i32
        %dma_start3A_1593 = tpu.memref_slice %arg11[%dma_start3A_1590, %dma_start3A_1591, %dma_start3A_1592] : memref<5x256x64xf32, #tpu.memory_space<vmem>> -> memref<1x16x64xf32, #tpu.memory_space<vmem>>
        %dma_start3A_1594 = tpu.memref_squeeze %dma_start3A_1593 : memref<1x16x64xf32, #tpu.memory_space<vmem>> -> memref<16x64xf32, #tpu.memory_space<vmem>>
        %dma_start3A_1595 = arith.constant 0 : i32
        %dma_start3A_1596 = arith.constant 0 : i32
        %dma_start3A_1597 = tpu.memref_slice %arg4[%dma_start3A_1595, %dma_start3A_1596] : memref<1000000x64xf32, #tpu.memory_space<hbm>> -> memref<1000000x64xf32, #tpu.memory_space<hbm>>
        tpu.enqueue_indirect_dma source(%dma_start3A_1597 : memref<1000000x64xf32, #tpu.memory_space<hbm>>) target(%dma_start3A_1594 : memref<16x64xf32, #tpu.memory_space<vmem>>) offsets(%get3A_1589 : vector<16xi32>) semaphore(%arg12 : memref<!tpu.dma_semaphore, #tpu.memory_space<semaphore_mem>>)
        %get3A_1598 = arith.constant 0 : i32
        %get3A_1599 = arith.index_cast %get3A_1598 : i32 to index
        %get3A_1600 = arith.constant 208 : index
        %get3A_1601 = tpu.vector_load %arg8[%get3A_1599, %get3A_1600] {strides = array<i32>} : memref<5x256xi32, #tpu.memory_space<vmem>>, vector<1x16xi32>,
        %get3A_1602 = vector.shape_cast %get3A_1601 : vector<1x16xi32> to vector<16xi32>
        %dma_start3A_1603 = arith.constant 0 : i32
        %dma_start3A_1604 = arith.constant 208 : i32
        %dma_start3A_1605 = arith.constant 0 : i32
        %dma_start3A_1606 = tpu.memref_slice %arg11[%dma_start3A_1603, %dma_start3A_1604, %dma_start3A_1605] : memref<5x256x64xf32, #tpu.memory_space<vmem>> -> memref<1x16x64xf32, #tpu.memory_space<vmem>>
        %dma_start3A_1607 = tpu.memref_squeeze %dma_start3A_1606 : memref<1x16x64xf32, #tpu.memory_space<vmem>> -> memref<16x64xf32, #tpu.memory_space<vmem>>
        %dma_start3A_1608 = arith.constant 0 : i32
        %dma_start3A_1609 = arith.constant 0 : i32
        %dma_start3A_1610 = tpu.memref_slice %arg4[%dma_start3A_1608, %dma_start3A_1609] : memref<1000000x64xf32, #tpu.memory_space<hbm>> -> memref<1000000x64xf32, #tpu.memory_space<hbm>>
        tpu.enqueue_indirect_dma source(%dma_start3A_1610 : memref<1000000x64xf32, #tpu.memory_space<hbm>>) target(%dma_start3A_1607 : memref<16x64xf32, #tpu.memory_space<vmem>>) offsets(%get3A_1602 : vector<16xi32>) semaphore(%arg12 : memref<!tpu.dma_semaphore, #tpu.memory_space<semaphore_mem>>)
        %get3A_1611 = arith.constant 0 : i32
        %get3A_1612 = arith.index_cast %get3A_1611 : i32 to index
        %get3A_1613 = arith.constant 224 : index
        %get3A_1614 = tpu.vector_load %arg8[%get3A_1612, %get3A_1613] {strides = array<i32>} : memref<5x256xi32, #tpu.memory_space<vmem>>, vector<1x16xi32>,
        %get3A_1615 = vector.shape_cast %get3A_1614 : vector<1x16xi32> to vector<16xi32>
        %dma_start3A_1616 = arith.constant 0 : i32
        %dma_start3A_1617 = arith.constant 224 : i32
        %dma_start3A_1618 = arith.constant 0 : i32
        %dma_start3A_1619 = tpu.memref_slice %arg11[%dma_start3A_1616, %dma_start3A_1617, %dma_start3A_1618] : memref<5x256x64xf32, #tpu.memory_space<vmem>> -> memref<1x16x64xf32, #tpu.memory_space<vmem>>
        %dma_start3A_1620 = tpu.memref_squeeze %dma_start3A_1619 : memref<1x16x64xf32, #tpu.memory_space<vmem>> -> memref<16x64xf32, #tpu.memory_space<vmem>>
        %dma_start3A_1621 = arith.constant 0 : i32
        %dma_start3A_1622 = arith.constant 0 : i32
        %dma_start3A_1623 = tpu.memref_slice %arg4[%dma_start3A_1621, %dma_start3A_1622] : memref<1000000x64xf32, #tpu.memory_space<hbm>> -> memref<1000000x64xf32, #tpu.memory_space<hbm>>
        tpu.enqueue_indirect_dma source(%dma_start3A_1623 : memref<1000000x64xf32, #tpu.memory_space<hbm>>) target(%dma_start3A_1620 : memref<16x64xf32, #tpu.memory_space<vmem>>) offsets(%get3A_1615 : vector<16xi32>) semaphore(%arg12 : memref<!tpu.dma_semaphore, #tpu.memory_space<semaphore_mem>>)
        %get3A_1624 = arith.constant 0 : i32
        %get3A_1625 = arith.index_cast %get3A_1624 : i32 to index
        %get3A_1626 = arith.constant 240 : index
        %get3A_1627 = tpu.vector_load %arg8[%get3A_1625, %get3A_1626] {strides = array<i32>} : memref<5x256xi32, #tpu.memory_space<vmem>>, vector<1x16xi32>,
        %get3A_1628 = vector.shape_cast %get3A_1627 : vector<1x16xi32> to vector<16xi32>
        %dma_start3A_1629 = arith.constant 0 : i32
        %dma_start3A_1630 = arith.constant 240 : i32
        %dma_start3A_1631 = arith.constant 0 : i32
        %dma_start3A_1632 = tpu.memref_slice %arg11[%dma_start3A_1629, %dma_start3A_1630, %dma_start3A_1631] : memref<5x256x64xf32, #tpu.memory_space<vmem>> -> memref<1x16x64xf32, #tpu.memory_space<vmem>>
        %dma_start3A_1633 = tpu.memref_squeeze %dma_start3A_1632 : memref<1x16x64xf32, #tpu.memory_space<vmem>> -> memref<16x64xf32, #tpu.memory_space<vmem>>
        %dma_start3A_1634 = arith.constant 0 : i32
        %dma_start3A_1635 = arith.constant 0 : i32
        %dma_start3A_1636 = tpu.memref_slice %arg4[%dma_start3A_1634, %dma_start3A_1635] : memref<1000000x64xf32, #tpu.memory_space<hbm>> -> memref<1000000x64xf32, #tpu.memory_space<hbm>>
        tpu.enqueue_indirect_dma source(%dma_start3A_1636 : memref<1000000x64xf32, #tpu.memory_space<hbm>>) target(%dma_start3A_1633 : memref<16x64xf32, #tpu.memory_space<vmem>>) offsets(%get3A_1628 : vector<16xi32>) semaphore(%arg12 : memref<!tpu.dma_semaphore, #tpu.memory_space<semaphore_mem>>)
      } else {
      }
      %dma_wait3A_993 = arith.constant 4 : i32
      %dma_wait3A_994 = arith.constant 4 : i32
      %dma_wait3A_995 = arith.constant 0 : i32
      %dma_wait3A_996 = arith.constant 0 : i32
      %dma_wait3A_997 = tpu.memref_slice %arg11[%dma_wait3A_994, %dma_wait3A_995, %dma_wait3A_996] : memref<5x256x64xf32, #tpu.memory_space<vmem>> -> memref<1x256x64xf32, #tpu.memory_space<vmem>>
      %dma_wait3A_998 = tpu.memref_squeeze %dma_wait3A_997 : memref<1x256x64xf32, #tpu.memory_space<vmem>> -> memref<256x64xf32, #tpu.memory_space<vmem>>
      %dma_wait3A_999 = arith.constant 0 : i32
      %dma_wait3A_1000 = tpu.memref_slice %arg8[%dma_wait3A_993, %dma_wait3A_999] : memref<5x256xi32, #tpu.memory_space<vmem>> -> memref<1x256xi32, #tpu.memory_space<vmem>>
      %dma_wait3A_1001 = tpu.memref_squeeze %dma_wait3A_1000 : memref<1x256xi32, #tpu.memory_space<vmem>> -> memref<256xi32, #tpu.memory_space<vmem>>
      %dma_wait3A_1002 = arith.constant 0 : i32
      %dma_wait3A_1003 = arith.constant 0 : i32
      %dma_wait3A_1004 = tpu.memref_slice %arg4[%dma_wait3A_1002, %dma_wait3A_1003] : memref<1000000x64xf32, #tpu.memory_space<hbm>> -> memref<1000000x64xf32, #tpu.memory_space<hbm>>
      tpu.wait_indirect_dma semaphore(%arg16 : memref<!tpu.dma_semaphore, #tpu.memory_space<semaphore_mem>>) src(%dma_wait3A_1004 : memref<1000000x64xf32, #tpu.memory_space<hbm>>) dst(%dma_wait3A_998 : memref<256x64xf32, #tpu.memory_space<vmem>>)
      %dma_start3A_1005 = arith.constant 4 : i32
      %dma_start3A_1006 = arith.constant 4 : i32
      %dma_start3A_1007 = arith.constant 0 : i32
      %dma_start3A_1008 = arith.constant 0 : i32
      %dma_start3A_1009 = tpu.memref_slice %arg11[%dma_start3A_1006, %dma_start3A_1007, %dma_start3A_1008] : memref<5x256x64xf32, #tpu.memory_space<vmem>> -> memref<1x256x64xf32, #tpu.memory_space<vmem>>
      %dma_start3A_1010 = tpu.memref_squeeze %dma_start3A_1009 : memref<1x256x64xf32, #tpu.memory_space<vmem>> -> memref<256x64xf32, #tpu.memory_space<vmem>>
      %dma_start3A_1011 = arith.constant 0 : i32
      %dma_start3A_1012 = tpu.memref_slice %arg10[%dma_start3A_1005, %dma_start3A_1011] : memref<5x256xi32, #tpu.memory_space<vmem>> -> memref<1x256xi32, #tpu.memory_space<vmem>>
      %dma_start3A_1013 = tpu.memref_squeeze %dma_start3A_1012 : memref<1x256xi32, #tpu.memory_space<vmem>> -> memref<256xi32, #tpu.memory_space<vmem>>
      %dma_start3A_1014 = arith.constant 0 : i32
      %dma_start3A_1015 = arith.constant 0 : i32
      %dma_start3A_1016 = tpu.memref_slice %arg7[%dma_start3A_1014, %dma_start3A_1015] : memref<600x64xf32, #tpu.memory_space<vmem_shared>> -> memref<600x64xf32, #tpu.memory_space<vmem_shared>>
      tpu.enqueue_indirect_dma source(%dma_start3A_1016 : memref<600x64xf32, #tpu.memory_space<vmem_shared>>) target(%dma_start3A_1010 : memref<256x64xf32, #tpu.memory_space<vmem>>) offsets(%dma_start3A_1013 : memref<256xi32, #tpu.memory_space<vmem>>) semaphore(%arg27 : memref<!tpu.dma_semaphore, #tpu.memory_space<semaphore_mem>>) {add = true}
      %dma_wait3A_1017 = arith.constant 4 : i32
      %dma_wait3A_1018 = arith.constant 4 : i32
      %dma_wait3A_1019 = arith.constant 0 : i32
      %dma_wait3A_1020 = arith.constant 0 : i32
      %dma_wait3A_1021 = tpu.memref_slice %arg11[%dma_wait3A_1018, %dma_wait3A_1019, %dma_wait3A_1020] : memref<5x256x64xf32, #tpu.memory_space<vmem>> -> memref<1x256x64xf32, #tpu.memory_space<vmem>>
      %dma_wait3A_1022 = tpu.memref_squeeze %dma_wait3A_1021 : memref<1x256x64xf32, #tpu.memory_space<vmem>> -> memref<256x64xf32, #tpu.memory_space<vmem>>
      %dma_wait3A_1023 = arith.constant 0 : i32
      %dma_wait3A_1024 = tpu.memref_slice %arg10[%dma_wait3A_1017, %dma_wait3A_1023] : memref<5x256xi32, #tpu.memory_space<vmem>> -> memref<1x256xi32, #tpu.memory_space<vmem>>
      %dma_wait3A_1025 = tpu.memref_squeeze %dma_wait3A_1024 : memref<1x256xi32, #tpu.memory_space<vmem>> -> memref<256xi32, #tpu.memory_space<vmem>>
      %dma_wait3A_1026 = arith.constant 0 : i32
      %dma_wait3A_1027 = arith.constant 0 : i32
      %dma_wait3A_1028 = tpu.memref_slice %arg7[%dma_wait3A_1026, %dma_wait3A_1027] : memref<600x64xf32, #tpu.memory_space<vmem_shared>> -> memref<600x64xf32, #tpu.memory_space<vmem_shared>>
      tpu.wait_indirect_dma semaphore(%arg27 : memref<!tpu.dma_semaphore, #tpu.memory_space<semaphore_mem>>) src(%dma_wait3A_1028 : memref<600x64xf32, #tpu.memory_space<vmem_shared>>) dst(%dma_wait3A_1022 : memref<256x64xf32, #tpu.memory_space<vmem>>)
      %mul3A_1029 = arith.constant 256 : i32
      %mul3A_1030 = arith.muli %add3A_978, %mul3A_1029 : i32
      %add3A_1031 = arith.addi %mul3A_2, %mul3A_1030 : i32
      %dma_start3A_1032 = arith.constant 4 : i32
      %dma_start3A_1033 = arith.constant 0 : i32
      %dma_start3A_1034 = arith.constant 0 : i32
      %dma_start3A_1035 = tpu.memref_slice %arg11[%dma_start3A_1032, %dma_start3A_1033, %dma_start3A_1034] : memref<5x256x64xf32, #tpu.memory_space<vmem>> -> memref<1x256x64xf32, #tpu.memory_space<vmem>>
      %dma_start3A_1036 = tpu.memref_squeeze %dma_start3A_1035 : memref<1x256x64xf32, #tpu.memory_space<vmem>> -> memref<256x64xf32, #tpu.memory_space<vmem>>
      %dma_start3A_1037 = arith.constant 0 : i32
      %dma_start3A_1038 = tpu.memref_slice %arg6[%add3A_1031, %dma_start3A_1037] : memref<819200x64xf32, #tpu.memory_space<hbm>> -> memref<256x64xf32, #tpu.memory_space<hbm>>
      %dma_start3A_1039 = arith.constant 0 : i32
      %dma_start3A_1040 = tpu.memref_slice %arg6[%add3A_1031, %dma_start3A_1039] : memref<819200x64xf32, #tpu.memory_space<hbm>> -> memref<256x64xf32, #tpu.memory_space<hbm>>
      %dma_start3A_1041 = arith.constant 0 : i32
      %dma_start3A_1042 = arith.constant 0 : i32
      %dma_start3A_1043 = tpu.memref_slice %arg11[%dma_start3A_1032, %dma_start3A_1041, %dma_start3A_1042] : memref<5x256x64xf32, #tpu.memory_space<vmem>> -> memref<1x256x64xf32, #tpu.memory_space<vmem>>
      %dma_start3A_1044 = tpu.memref_squeeze %dma_start3A_1043 : memref<1x256x64xf32, #tpu.memory_space<vmem>> -> memref<256x64xf32, #tpu.memory_space<vmem>>
      tpu.enqueue_dma source(%dma_start3A_1044 : memref<256x64xf32, #tpu.memory_space<vmem>>) target(%dma_start3A_1040 : memref<256x64xf32, #tpu.memory_space<hbm>>) target_semaphore(%arg21 : memref<!tpu.dma_semaphore, #tpu.memory_space<semaphore_mem>>)
    }
    %scan3A_625 = arith.constant 20 : i32
    %add3A_626 = arith.constant 24320 : i32
    %add3A_627 = arith.addi %mul3A_2, %add3A_626 : i32
    %dma_wait3A_628 = arith.constant 0 : i32
    %dma_wait3A_629 = arith.constant 0 : i32
    %dma_wait3A_630 = arith.constant 0 : i32
    %dma_wait3A_631 = tpu.memref_slice %arg11[%dma_wait3A_628, %dma_wait3A_629, %dma_wait3A_630] : memref<5x256x64xf32, #tpu.memory_space<vmem>> -> memref<1x256x64xf32, #tpu.memory_space<vmem>>
    %dma_wait3A_632 = tpu.memref_squeeze %dma_wait3A_631 : memref<1x256x64xf32, #tpu.memory_space<vmem>> -> memref<256x64xf32, #tpu.memory_space<vmem>>
    %dma_wait3A_633 = arith.constant 0 : i32
    %dma_wait3A_634 = tpu.memref_slice %arg6[%add3A_627, %dma_wait3A_633] : memref<819200x64xf32, #tpu.memory_space<hbm>> -> memref<256x64xf32, #tpu.memory_space<hbm>>
    %dma_wait3A_635 = arith.constant 0 : i32
    %dma_wait3A_636 = tpu.memref_slice %arg6[%add3A_627, %dma_wait3A_635] : memref<819200x64xf32, #tpu.memory_space<hbm>> -> memref<256x64xf32, #tpu.memory_space<hbm>>
    %dma_wait3A_637 = arith.constant 0 : i32
    %dma_wait3A_638 = arith.constant 0 : i32
    %dma_wait3A_639 = tpu.memref_slice %arg11[%dma_wait3A_628, %dma_wait3A_637, %dma_wait3A_638] : memref<5x256x64xf32, #tpu.memory_space<vmem>> -> memref<1x256x64xf32, #tpu.memory_space<vmem>>
    %dma_wait3A_640 = tpu.memref_squeeze %dma_wait3A_639 : memref<1x256x64xf32, #tpu.memory_space<vmem>> -> memref<256x64xf32, #tpu.memory_space<vmem>>
    tpu.wait_dma2 semaphore(%arg17 : memref<!tpu.dma_semaphore, #tpu.memory_space<semaphore_mem>>) src(%dma_wait3A_640 : memref<256x64xf32, #tpu.memory_space<vmem>>) dst(%dma_wait3A_636 : memref<256x64xf32, #tpu.memory_space<hbm>>)
    %add3A_641 = arith.constant 24576 : i32
    %add3A_642 = arith.addi %mul3A_2, %add3A_641 : i32
    %dma_wait3A_643 = arith.constant 1 : i32
    %dma_wait3A_644 = arith.constant 0 : i32
    %dma_wait3A_645 = arith.constant 0 : i32
    %dma_wait3A_646 = tpu.memref_slice %arg11[%dma_wait3A_643, %dma_wait3A_644, %dma_wait3A_645] : memref<5x256x64xf32, #tpu.memory_space<vmem>> -> memref<1x256x64xf32, #tpu.memory_space<vmem>>
    %dma_wait3A_647 = tpu.memref_squeeze %dma_wait3A_646 : memref<1x256x64xf32, #tpu.memory_space<vmem>> -> memref<256x64xf32, #tpu.memory_space<vmem>>
    %dma_wait3A_648 = arith.constant 0 : i32
    %dma_wait3A_649 = tpu.memref_slice %arg6[%add3A_642, %dma_wait3A_648] : memref<819200x64xf32, #tpu.memory_space<hbm>> -> memref<256x64xf32, #tpu.memory_space<hbm>>
    %dma_wait3A_650 = arith.constant 0 : i32
    %dma_wait3A_651 = tpu.memref_slice %arg6[%add3A_642, %dma_wait3A_650] : memref<819200x64xf32, #tpu.memory_space<hbm>> -> memref<256x64xf32, #tpu.memory_space<hbm>>
    %dma_wait3A_652 = arith.constant 0 : i32
    %dma_wait3A_653 = arith.constant 0 : i32
    %dma_wait3A_654 = tpu.memref_slice %arg11[%dma_wait3A_643, %dma_wait3A_652, %dma_wait3A_653] : memref<5x256x64xf32, #tpu.memory_space<vmem>> -> memref<1x256x64xf32, #tpu.memory_space<vmem>>
    %dma_wait3A_655 = tpu.memref_squeeze %dma_wait3A_654 : memref<1x256x64xf32, #tpu.memory_space<vmem>> -> memref<256x64xf32, #tpu.memory_space<vmem>>
    tpu.wait_dma2 semaphore(%arg18 : memref<!tpu.dma_semaphore, #tpu.memory_space<semaphore_mem>>) src(%dma_wait3A_655 : memref<256x64xf32, #tpu.memory_space<vmem>>) dst(%dma_wait3A_651 : memref<256x64xf32, #tpu.memory_space<hbm>>)
    %add3A_656 = arith.constant 24832 : i32
    %add3A_657 = arith.addi %mul3A_2, %add3A_656 : i32
    %dma_wait3A_658 = arith.constant 2 : i32
    %dma_wait3A_659 = arith.constant 0 : i32
    %dma_wait3A_660 = arith.constant 0 : i32
    %dma_wait3A_661 = tpu.memref_slice %arg11[%dma_wait3A_658, %dma_wait3A_659, %dma_wait3A_660] : memref<5x256x64xf32, #tpu.memory_space<vmem>> -> memref<1x256x64xf32, #tpu.memory_space<vmem>>
    %dma_wait3A_662 = tpu.memref_squeeze %dma_wait3A_661 : memref<1x256x64xf32, #tpu.memory_space<vmem>> -> memref<256x64xf32, #tpu.memory_space<vmem>>
    %dma_wait3A_663 = arith.constant 0 : i32
    %dma_wait3A_664 = tpu.memref_slice %arg6[%add3A_657, %dma_wait3A_663] : memref<819200x64xf32, #tpu.memory_space<hbm>> -> memref<256x64xf32, #tpu.memory_space<hbm>>
    %dma_wait3A_665 = arith.constant 0 : i32
    %dma_wait3A_666 = tpu.memref_slice %arg6[%add3A_657, %dma_wait3A_665] : memref<819200x64xf32, #tpu.memory_space<hbm>> -> memref<256x64xf32, #tpu.memory_space<hbm>>
    %dma_wait3A_667 = arith.constant 0 : i32
    %dma_wait3A_668 = arith.constant 0 : i32
    %dma_wait3A_669 = tpu.memref_slice %arg11[%dma_wait3A_658, %dma_wait3A_667, %dma_wait3A_668] : memref<5x256x64xf32, #tpu.memory_space<vmem>> -> memref<1x256x64xf32, #tpu.memory_space<vmem>>
    %dma_wait3A_670 = tpu.memref_squeeze %dma_wait3A_669 : memref<1x256x64xf32, #tpu.memory_space<vmem>> -> memref<256x64xf32, #tpu.memory_space<vmem>>
    tpu.wait_dma2 semaphore(%arg19 : memref<!tpu.dma_semaphore, #tpu.memory_space<semaphore_mem>>) src(%dma_wait3A_670 : memref<256x64xf32, #tpu.memory_space<vmem>>) dst(%dma_wait3A_666 : memref<256x64xf32, #tpu.memory_space<hbm>>)
    %add3A_671 = arith.constant 25088 : i32
    %add3A_672 = arith.addi %mul3A_2, %add3A_671 : i32
    %dma_wait3A_673 = arith.constant 3 : i32
    %dma_wait3A_674 = arith.constant 0 : i32
    %dma_wait3A_675 = arith.constant 0 : i32
    %dma_wait3A_676 = tpu.memref_slice %arg11[%dma_wait3A_673, %dma_wait3A_674, %dma_wait3A_675] : memref<5x256x64xf32, #tpu.memory_space<vmem>> -> memref<1x256x64xf32, #tpu.memory_space<vmem>>
    %dma_wait3A_677 = tpu.memref_squeeze %dma_wait3A_676 : memref<1x256x64xf32, #tpu.memory_space<vmem>> -> memref<256x64xf32, #tpu.memory_space<vmem>>
    %dma_wait3A_678 = arith.constant 0 : i32
    %dma_wait3A_679 = tpu.memref_slice %arg6[%add3A_672, %dma_wait3A_678] : memref<819200x64xf32, #tpu.memory_space<hbm>> -> memref<256x64xf32, #tpu.memory_space<hbm>>
    %dma_wait3A_680 = arith.constant 0 : i32
    %dma_wait3A_681 = tpu.memref_slice %arg6[%add3A_672, %dma_wait3A_680] : memref<819200x64xf32, #tpu.memory_space<hbm>> -> memref<256x64xf32, #tpu.memory_space<hbm>>
    %dma_wait3A_682 = arith.constant 0 : i32
    %dma_wait3A_683 = arith.constant 0 : i32
    %dma_wait3A_684 = tpu.memref_slice %arg11[%dma_wait3A_673, %dma_wait3A_682, %dma_wait3A_683] : memref<5x256x64xf32, #tpu.memory_space<vmem>> -> memref<1x256x64xf32, #tpu.memory_space<vmem>>
    %dma_wait3A_685 = tpu.memref_squeeze %dma_wait3A_684 : memref<1x256x64xf32, #tpu.memory_space<vmem>> -> memref<256x64xf32, #tpu.memory_space<vmem>>
    tpu.wait_dma2 semaphore(%arg20 : memref<!tpu.dma_semaphore, #tpu.memory_space<semaphore_mem>>) src(%dma_wait3A_685 : memref<256x64xf32, #tpu.memory_space<vmem>>) dst(%dma_wait3A_681 : memref<256x64xf32, #tpu.memory_space<hbm>>)
    %add3A_686 = arith.constant 25344 : i32
    %add3A_687 = arith.addi %mul3A_2, %add3A_686 : i32
    %dma_wait3A_688 = arith.constant 4 : i32
    %dma_wait3A_689 = arith.constant 0 : i32
    %dma_wait3A_690 = arith.constant 0 : i32
    %dma_wait3A_691 = tpu.memref_slice %arg11[%dma_wait3A_688, %dma_wait3A_689, %dma_wait3A_690] : memref<5x256x64xf32, #tpu.memory_space<vmem>> -> memref<1x256x64xf32, #tpu.memory_space<vmem>>
    %dma_wait3A_692 = tpu.memref_squeeze %dma_wait3A_691 : memref<1x256x64xf32, #tpu.memory_space<vmem>> -> memref<256x64xf32, #tpu.memory_space<vmem>>
    %dma_wait3A_693 = arith.constant 0 : i32
    %dma_wait3A_694 = tpu.memref_slice %arg6[%add3A_687, %dma_wait3A_693] : memref<819200x64xf32, #tpu.memory_space<hbm>> -> memref<256x64xf32, #tpu.memory_space<hbm>>
    %dma_wait3A_695 = arith.constant 0 : i32
    %dma_wait3A_696 = tpu.memref_slice %arg6[%add3A_687, %dma_wait3A_695] : memref<819200x64xf32, #tpu.memory_space<hbm>> -> memref<256x64xf32, #tpu.memory_space<hbm>>
    %dma_wait3A_697 = arith.constant 0 : i32
    %dma_wait3A_698 = arith.constant 0 : i32
    %dma_wait3A_699 = tpu.memref_slice %arg11[%dma_wait3A_688, %dma_wait3A_697, %dma_wait3A_698] : memref<5x256x64xf32, #tpu.memory_space<vmem>> -> memref<1x256x64xf32, #tpu.memory_space<vmem>>
    %dma_wait3A_700 = tpu.memref_squeeze %dma_wait3A_699 : memref<1x256x64xf32, #tpu.memory_space<vmem>> -> memref<256x64xf32, #tpu.memory_space<vmem>>
    tpu.wait_dma2 semaphore(%arg21 : memref<!tpu.dma_semaphore, #tpu.memory_space<semaphore_mem>>) src(%dma_wait3A_700 : memref<256x64xf32, #tpu.memory_space<vmem>>) dst(%dma_wait3A_696 : memref<256x64xf32, #tpu.memory_space<hbm>>)
    return
  }
}

</mosaic_0001>

<sc_bundles>
// kernel: kernel.3.cloned.1.call-start
scs
__scs_entry_jumppad:
0x0: {  	(pc) =	sbr.rel $0x88, $3  }
0x1: {  	(tag) =	ssettag $0x0;
	lr =	simm.s32 $0x1  }
0x2: {  	[smem:$0x3F9C] =	sst lr;
	_ =	strace $0xD0000000  }
0x3: {  	_ = 	snop  }
0x4: {  	_ = 	snop  }
0x5: {  	_ = 	snop  }
0x6: {  	_ = 	snop  }
0x7: {  	_ = 	snop  }
__scs_overlays_trampoline_lowered:
0x8: {  	[smem:$0x3FAB] =	sst s0  }
0x9: {  	[smem:$0x3FAC] =	sst s1  }
0xa: {  	[smem:$0x3FAD] =	sst s2  }
0xb: {  	[smem:$0x3FAE] =	sst s3  }
0xc: {  	[smem:$0x3FAF] =	sst s4  }
0xd: {  	[smem:$0x3FB0] =	sst s5  }
0xe: {  	[smem:$0x3FB1] =	sst s6  }
0xf: {  	[smem:$0x3FB2] =	sst s7  }
0x10: {  	[smem:$0x3FB3] =	sst s8  }
0x11: {  	[smem:$0x3FB4] =	sst s9;
	s0 =	simm.s32 @!p0 $0x0  }
0x12: {  	s1 =	sld [smem:$0x3F9A];
	s0 =	simm.s32 @p0 $0x1  }
0x13: {  	[smem:$0x3FB5] =	sst s0;
	s0 =	simm.s32 @!p1 $0x0  }
0x14: {  	s2 =	sld [smem:$0x3F99];
	s0 =	simm.s32 @p1 $0x1  }
0x15: {  	[smem:$0x3FB6] =	sst s0;
	s0 =	simm.s32 @!p2 $0x0  }
0x16: {  	s3 =	sld [smem:$0x3FDB];
	s0 =	simm.s32 @p2 $0x1  }
0x17: {  	s4 =	simm.s32 $0x1BF5;
	[smem:$0x3FB8] =	sst s0  }
0x18: {  	s0 =	sld [smem:$0x3F9B];
	_ =	swait.ge [sflag:s4], $0x0  }
0x19: {  	s7 =	sld [smem:$0x3F9C]  }
0x1a: {  	s8 =	sadd.s32 $0xFFFFE003, lr  }
0x1b: {  	s9 =	sadd.s32 $0xFFFFFEF7, lr;
	s5 =	simm.s32 $0xFFFFFFFF;
	p2 =	slt.u32 s8, $0xFFFFF086  }
0x1c: {  	p1 =	slt.u32 s9, $0xF7A;
	s5 =	simm.s32 @!p2 $0x0  }
0x1d: {  	s5 =	simm.s32 @p1 $0x1;
	p0 =	seq.s32 s7, s2  }
0x1e: {  	s7 =	smul.u32 @!p0 $0xF7A, s2;
	p2 =	seq.s32 @!p0 s5, $0x0  }
0x1f: {  	s9 =	smul.u32 $0xF7A, s1;
	s8 =	simm.s32 @!p0 $0x1BF5;
	p2 =	por !p2, p0  }
0x20: {  	[sflag:s8] =	ssyncset.s32 @!p0 $0xFFFFF086;
	s6 =	sadd.s32 @!p0 s3, s7;
	s7 =	simm.s32 @!p0 $0x108  }
0x21: {  	s3 =	sadd.s32 s3, s9;
	s6 =	sadd.s32 @!p0 $0x88, s6;
	s7 =	simm.s32 @p2 $0x1082  }
0x22: {  	[simem:s7], [sflag:s8] =	dma.local @!p0 [hbm:s6], $0xF7A  }
0x23: {  	s9 =	sor.u32 $0xD0000000, s2;
	s6 =	simm.s32 $0x108;
	_ =	swait.ge @!p0 [sflag:s8], $0x0  }
0x24: {  	s3 =	sadd.s32 $0x88, s3;
	s6 =	simm.s32 @!p1 $0x1082;
	[sflag:s4] =	ssyncset.s32 $0xFFFFF086  }
0x25: {  	[simem:s6], [sflag:s4] =	dma.local [hbm:s3], $0xF7A  }
0x26: {  	[smem:$0x3F9C] =	sst s1;
	(tag) =	ssettag s2;
	_ =	strace s9  }
0x27: {  	s1 =	sld [smem:$0x3FAC]  }
0x28: {  	s2 =	sld [smem:$0x3FAD]  }
0x29: {  	s4 =	sld [smem:$0x3FAF]  }
0x2a: {  	p0 =	seq.s32 s5, $0x0;
	s5 =	sld [smem:$0x3FB0]  }
0x2b: {  	s6 =	sld [smem:$0x3FB1]  }
0x2c: {  	s7 =	sld [smem:$0x3FB2]  }
0x2d: {  	s3 =	simm.s32 $0x108;
	s8 =	sld [smem:$0x3FB3]  }
0x2e: {  	s3 =	simm.s32 @!p0 $0x1082;
	s9 =	sld [smem:$0x3FB4]  }
0x2f: {  	lr =	sadd.s32 s0, s3;
	s0 =	sld [smem:$0x3FAB]  }
0x30: {  	s3 =	sld [smem:$0x3FAE]  }
0x31: {  	[smem:$0x3FB7] =	sst s10  }
0x32: {  	s10 =	sld [smem:$0x3FB5];
	_ =	sdelay $0x3  }
0x33: {  	p0 =	seq.s32 s10, $0x1;
	s10 =	sld [smem:$0x3FB7];
	_ =	sdelay $0x3  }
0x34: {  	[smem:$0x3FB7] =	sst s10  }
0x35: {  	s10 =	sld [smem:$0x3FB6];
	_ =	sdelay $0x3  }
0x36: {  	p1 =	seq.s32 s10, $0x1;
	s10 =	sld [smem:$0x3FB7];
	_ =	sdelay $0x3  }
0x37: {  	[smem:$0x3FB7] =	sst s10  }
0x38: {  	s10 =	sld [smem:$0x3FB8]  }
0x39: {  	_ = 	snop;
	(pc) =	sbr.ind lr, $3  }
0x3a: {  	_ = 	snop  }
0x3b: {  	_ = 	snop  }
0x3c: {  	p2 =	seq.s32 s10, $0x1;
	s10 =	sld [smem:$0x3FB7]  }
0x3d: {  	_ =	shalt  }
0x3e: {  	_ =	shalt  }
0x3f: {  	_ =	shalt  }
0x40: {  	_ =	shalt  }
0x41: {  	_ =	shalt  }
0x42: {  	_ =	shalt  }
0x43: {  	_ =	shalt  }
0x44: {  	_ =	shalt  }
0x45: {  	_ =	shalt  }
0x46: {  	_ =	shalt  }
0x47: {  	_ =	shalt  }
0x48: {  	_ =	shalt  }
0x49: {  	_ =	shalt  }
0x4a: {  	_ =	shalt  }
0x4b: {  	_ =	shalt  }
0x4c: {  	_ =	shalt  }
0x4d: {  	_ =	shalt  }
0x4e: {  	_ =	shalt  }
0x4f: {  	_ =	shalt  }
0x50: {  	_ =	shalt  }
0x51: {  	_ =	shalt  }
0x52: {  	_ =	shalt  }
0x53: {  	_ =	shalt  }
0x54: {  	_ =	shalt  }
0x55: {  	_ =	shalt  }
0x56: {  	_ =	shalt  }
0x57: {  	_ =	shalt  }
0x58: {  	_ =	shalt  }
0x59: {  	_ =	shalt  }
0x5a: {  	_ =	shalt  }
0x5b: {  	_ =	shalt  }
0x5c: {  	_ =	shalt  }
0x5d: {  	_ =	shalt  }
0x5e: {  	_ =	shalt  }
0x5f: {  	_ =	shalt  }
0x60: {  	_ =	shalt  }
0x61: {  	_ =	shalt  }
0x62: {  	_ =	shalt  }
0x63: {  	_ =	shalt  }
0x64: {  	_ =	shalt  }
0x65: {  	_ =	shalt  }
0x66: {  	_ =	shalt  }
0x67: {  	_ =	shalt  }
0x68: {  	_ =	shalt  }
0x69: {  	_ =	shalt  }
0x6a: {  	_ =	shalt  }
0x6b: {  	_ =	shalt  }
0x6c: {  	_ =	shalt  }
0x6d: {  	_ =	shalt  }
0x6e: {  	_ =	shalt  }
0x6f: {  	_ =	shalt  }
0x70: {  	_ =	shalt  }
0x71: {  	_ =	shalt  }
0x72: {  	_ =	shalt  }
0x73: {  	_ =	shalt  }
0x74: {  	_ =	shalt  }
0x75: {  	_ =	shalt  }
0x76: {  	_ =	shalt  }
0x77: {  	_ =	shalt  }
0x78: {  	_ =	shalt  }
0x79: {  	_ =	shalt  }
0x7a: {  	_ =	shalt  }
0x7b: {  	_ =	shalt  }
0x7c: {  	_ =	shalt  }
0x7d: {  	_ =	shalt  }
0x7e: {  	_ =	shalt  }
0x7f: {  	_ =	shalt  }
0x80: {  	_ =	shalt  }
0x81: {  	_ =	shalt  }
0x82: {  	_ =	shalt  }
0x83: {  	_ =	shalt  }
0x84: {  	_ =	shalt  }
0x85: {  	_ =	shalt  }
0x86: {  	_ =	shalt  }
0x87: {  	_ =	shalt  }
.Lfunc_end0:
.L_simem_size_0:
called_computation.1_lowered:
.L_overlay_start_0:
0x88: {  	s2 =	sld [smem:$0x3FD9]  }
0x89: {  	s3 =	sld [smem:$0x3FFE];
	_ =	sdelay $0x1  }
0x8a: {  	s1 =	srdreg.scid  }
0x8b: {  	s0 =	sand.u32 $0x1, s1  }
0x8c: {  	s17 =	sshll.u32 s0, $0xA;
	s2 =	sadd.s32 s3, s2  }
0x8d: {  	s2 =	sadd.s32 s2, s17  }
0x8e: {  	[smem:$0x3FC3] =	sst s2  }
0x8f: {  	_ = 	snop  }
0x90: {  	s2 =	sld [smem:$0x3FD0];
	(tm) =	ssettm $0x1  }
0x91: {  	s18 =	sld [smem:$0x3FFB];
	_ =	sdelay $0x3  }
0x92: {  	_ =	strace s18  }
0x93: {  	s3 =	sld [smem:$0x3FFC];
	_ =	sdelay $0x3  }
0x94: {  	_ =	strace s3  }
0x95: {  	s3 =	sld [smem:$0x3FFD];
	_ =	sdelay $0x3  }
0x96: {  	_ =	strace s3  }
0x97: {  	_ =	strace $0x8FFFFFFF  }
0x98: {  	s19 =	sld [smem:$0x3FDB];
	_ =	sdelay $0x1  }
0x99: {  	s4 =	simm.s32 $_scs_section_size  }
0x9a: {  	s5 =	simm.s32 $_size__tile_overlayer_lowered;
	s6 =	simm.s32 $_tile_overlayer_lowered  }
0x9b: {  	s22 =	simm.s32 $0x1BFF;
	s21 =	sshll.u32 s6, $0x1;
	s3 =	sadd.s32 s4, s19  }
0x9c: {  	s7 =	simm.s32 $0x0;
	s20 =	sshll.u32 s5, $0x1;
	s5 =	sadd.s32 s21, s3  }
0x9d: {  	[timem:s7], [sflag:s22] =	dma.local [hbm:s5], s20  }
0x9e: {  	_ =	swait.ge [sflag:s22], s20  }
0x9f: {  	s4 =	ssub.s32 $0x0, s20;
	[sflag:s22] =	ssyncset.done $0x0  }
0xa0: {  	[sflag:s22] =	ssyncadd.s32 s4;
	_ =	sdelay $0x1  }
0xa1: {  	s23 =	simm.s32 $0x1B8B  }
0xa2: {  	_ =	swait.ge [sflag:s23], $0x1  }
0xa3: {  	[sflag:s23] =	ssyncset.done $0x0  }
0xa4: {  	s25 =	simm.s32 $0x1B8E;
	s24 =	sld [smem:$0x3FFE];
	[sflag:s23] =	ssyncadd.s32 $0xFFFFFFFF  }
0xa5: {  	s26 =	simm.s32 $execute0_lowered;
	[smem:$0x3FD2] =	sst s25  }
0xa6: {  	s5 =	sshll.u32 s26, $0x1;
	_ =	strace $0x80000046;
	[dreg:$0x1] =	wrdreg $0xFFFFFFFF  }
0xa7: {  	s28 =	simm.s32 $_size_execute0_lowered;
	s3 =	sadd.s32 s3, s5;
	[dreg:$0x0] =	wrdreg $0x0  }
0xa8: {  	s5 =	sshll.u32 s28, $0x1;
	[dreg:$0x2] =	wrdreg s3  }
0xa9: {  	[dreg:$0x3] =	wrdreg s5  }
0xaa: {  	[dreg:$0x4] =	wrdreg $0xC0  }
0xab: {  	_ =	task [dreg:s7], $0x5FFFF  }
0xac: {  	[dreg:$0x1] =	wrdreg $0xFFFFFFFF  }
0xad: {  	[dreg:$0x0] =	wrdreg $0x60  }
0xae: {  	[dreg:$0x2] =	wrdreg s24  }
0xaf: {  	[dreg:$0x3] =	wrdreg s2  }
0xb0: {  	[dreg:$0x4] =	wrdreg $0x0  }
0xb1: {  	[dreg:$0x5] =	wrdreg $0x9  }
0xb2: {  	_ =	task.clear_ibuf [dreg:s7], $0x6FFFF;
	_ =	strace $0x90000046  }
0xb3: {  	s29 =	simm.s32 $0x9;
	_ =	strace $0x80000048  }
0xb4: {  	_ =	swait.ge [sflag:s29], $0x1  }
0xb5: {  	[sflag:s29] =	ssyncadd.s32 $0xFFFFFFFF  }
0xb6: {  	_ =	strace $0x90000048  }
0xb7: {  	_ =	sfence  }
0xb8: {  	s30 =	sld [smem:$0x0];
	_ =	sdelay $0x2  }
0xb9: {  	s31 =	sshll.u32 s1, $0xD;
	s1 =	sshrl.u32 s1, $0x2  }
0xba: {  	s3 =	sand.u32 $0x4000, s31;
	s1 =	sadd.s32 s1, s30  }
0xbb: {  	s0 =	sor.u32 s3, s0;
	s1 =	sshll.u32 s1, $0x11  }
0xbc: {  	s0 =	sor.u32 s1, s0  }
0xbd: {  	s0 =	sadd.s32 $0x8F2B, s0  }
0xbe: {  	[sflag:s0] =	ssyncadd.remote.s32 $0x1  }
0xbf: {  	_ =	sfence.sel $0xFFFF  }
0xc0: {  	[dreg:$0x0] =	wrdreg $0xFFFFFFFF;
	(pc) =	sbr.abs _section_cstart, $3  }
0xc1: {  	[dreg:$0x1] =	wrdreg $0xFFFFFFFF  }
0xc2: {  	_ =	task.clear_ibuf [dreg:s7], $0x2FFFF;
	_ =	strace $0x9FFFFFFF  }
0xc3: {  	(tm) =	ssettm $0x7FFFFFFF  }
tec
execute0_lowered:
.L_overlay_start_1:
0x0: {  	(tag) =	ssettag $0x1  }
0x1: {  	s0 =	rddreg [dreg:$0x0]  }
0x2: {  	s4 =	rddreg [dreg:$0x1]  }
0x3: {  	s1 =	rddreg [dreg:$0x2];
	s6 =	stileid.u32  }
0x4: {  	s2 =	simm.s32 $0x0;
	s3 =	srdreg.scid;
	s9 =	smul.u32 $0xC800, s6  }
0x5: {  	[smem:$0x7FF] =	sst s2;
	s7 =	sand.u32 $0x1, s3;
	s25 =	smul.u32 $0x320000, s6  }
0x6: {  	s20 =	sshll.u32 s6, $0x1;
	s12 =	sadd.s32 $0x1A000, s0;
	s16 =	smul.u32 $0x64000, s6  }
0x7: {  	s13 =	sadd.s32 $0x1000, s0;
	s5 =	sadd.s32 $0xF43400, s0;
	s10 =	smul.u32 $0x6400, s7  }
0x8: {  	s0 =	sadd.s32 $0x33000, s0;
	_ =	strace $0x80000047;
	s29 =	smul.u32 $0x190000, s7  }
0x9: {  	s3 =	sor.u32 s7, s20;
	s8 =	ssub.s32 $0x2, s7;
	s7 =	smul.u32 $0x32000, s7  }
0xa: {  	[dreg:$0x6] =	wrdreg s0;
	s3 =	smul.u32 $0x6400, s3;
	s21 =	sshrl.u32 s8, $0x1  }
0xb: {  	[dreg:$0x5] =	wrdreg s13;
	s17 =	sadd.s32 s16, s4;
	s0 =	ssub.s32 s8, s21  }
0xc: {  	s10 =	sadd.s32 s10, s9;
	s9 =	sadd.s32 s29, s25;
	s22 =	sshrl.u32 s3, $0x3  }
0xd: {  	s26 =	sadd.s32 $0x600, s10;
	s0 =	smax.u32 s0, $0x1;
	s18 =	sadd.s32 $0x10000, s9  }
0xe: {  	s20 =	sadd.s32 $0x400, s10;
	s25 =	sor.u32 $0x4000, s9;
	s29 =	sor.u32 $0x300, s10  }
0xf: {  	s16 =	sor.u32 $0xB0, s3;
	s11 =	sadd.s32 s12, s22;
	s23 =	sadd.s32 s13, s22  }
0x10: {  	s8 =	sor.u32 $0x20, s22;
	[dreg:$0xb] =	wrdreg s0;
	s15 =	sshrl.u32 s26, $0x3  }
0x11: {  	s19 =	sshrl.u32 s18, $0x3;
	s21 =	sshrl.u32 s20, $0x3;
	[dreg:$0x7] =	wrdreg s11  }
0x12: {  	s22 =	sor.u32 $0xC000, s9;
	[dreg:$0x8] =	wrdreg s23;
	s24 =	sadd.s32 s12, s8  }
0x13: {  	s26 =	sor.u32 $0x8000, s9;
	s8 =	sadd.s32 s13, s8;
	[dreg:$0x9] =	wrdreg s24  }
0x14: {  	s18 =	sor.u32 $0xD0, s3;
	s14 =	sadd.s32 s15, s13;
	[dreg:$0xa] =	wrdreg s8  }
0x15: {  	s0 =	sadd.s32 s15, s12;
	s23 =	sadd.s32 s21, s13;
	[dreg:$0xc] =	wrdreg s14  }
0x16: {  	s15 =	sor.u32 $0xA0, s3;
	[dreg:$0xd] =	wrdreg s0;
	s0 =	sadd.s32 s7, s17  }
0x17: {  	[dreg:$0x10] =	wrdreg s23;
	s24 =	sshrl.u32 s22, $0x3;
	s7 =	sshrl.u32 s26, $0x3  }
0x18: {  	v0 =	vlaneseq.u32;
	s8 =	sshrl.u32 s29, $0x3;
	s14 =	sor.u32 $0x20, s3;
	s22 =	sor.u32 $0x40, s3  }
0x19: {  	v1 =	vor.u32 s3, v0;
	s23 =	sor.u32 $0x50, s3;
	[dreg:$0xe] =	wrdreg s0;
	s0 =	sadd.s32 s19, s4  }
0x1a: {  	vm0 =	vmmov $0xffff;
	v12 =	vor.u32 s16, v0;
	v13 =	vmulhi.u32 $0x51EB851F, v1;
	s26 =	sor.u32 $0x80, s3;
	[dreg:$0xf] =	wrdreg s0;
	s0 =	sadd.s32 s21, s12  }
0x1b: {  	v16 =	vor.u32 s18, v0;
	v62 =	vmulhi.u32 $0x51EB851F, v12;
	s29 =	sor.u32 $0x90, s3;
	v11 =	vor.u32 s15, v0;
	[dreg:$0x11] =	wrdreg s0;
	s0 =	sadd.s32 s24, s4  }
0x1c: {  	s17 =	sor.u32 $0xC0, s3;
	v13 =	vshrl.u32 v13, $0x6;
	v3 =	vor.u32 s14, v0;
	v61 =	vmulhi.u32 $0x51EB851F, v11;
	[dreg:$0x12] =	wrdreg s0;
	s0 =	sshrl.u32 s25, $0x3  }
0x1d: {  	v5 =	vor.u32 s22, v0;
	v6 =	vor.u32 s23, v0;
	v18 =	vmulhi.u32 $0x51EB851F, v3;
	s0 =	sadd.s32 s0, s4;
	s4 =	sadd.s32 s7, s4;
	s7 =	sor.u32 $0x200, s10  }
0x1e: {  	s19 =	sor.u32 $0xE0, s3;
	v9 =	vor.u32 s26, v0;
	v10 =	vor.u32 s29, v0;
	v21 =	vmulhi.u32 $0x51EB851F, v5;
	[dreg:$0x13] =	wrdreg s0;
	s0 =	sshrl.u32 s7, $0x3  }
0x1f: {  	s9 =	sadd.s32 s8, s13;
	v13 =	vmul.u32 $0xC8, v13;
	v17 =	vor.u32 s19, v0;
	v60 =	vmulhi.u32 $0x51EB851F, v10;
	s11 =	sadd.s32 s0, s13;
	s13 =	sor.u32 $0x10, s3  }
0x20: {  	v14 =	vor.u32 s17, v0;
	s21 =	sor.u32 $0x30, s3;
	v63 =	vmulhi.u32 $0x51EB851F, v17;
	v2 =	vor.u32 s13, v0  }
0x21: {  	s24 =	sor.u32 $0x60, s3;
	v4 =	vor.u32 s21, v0;
	v1 =	vsub.s32 v1, v13;
	v15 =	vmulhi.u32 $0x51EB851F, v2  }
0x22: {  	v7 =	vor.u32 s24, v0;
	v13 =	vshrl.u32 v18, $0x6;
	v18 =	vmulhi.u32 $0x51EB851F, v6  }
0x23: {  	v20 =	vmulhi.u32 $0x51EB851F, v4;
	v13 =	vmul.u32 $0xC8, v13;
	v19 =	vshrl.u32 v15, $0x6  }
0x24: {  	s25 =	sor.u32 $0x70, s3;
	v58 =	vshrl.u32 v21, $0x6;
	v18 =	vshrl.u32 v18, $0x6;
	v19 =	vmul.u32 $0xC8, v19  }
0x25: {  	v8 =	vor.u32 s25, v0;
	v18 =	vmul.u32 $0xC8, v18;
	v3 =	vsub.s32 v3, v13  }
0x26: {  	v13 =	vmulhi.u32 $0x51EB851F, v8;
	v2 =	vsub.s32 v2, v19;
	v19 =	vshrl.u32 v20, $0x6  }
0x27: {  	v1 =	vmul.u32 $0x3, v1;
	v59 =	vmulhi.u32 $0x51EB851F, v7;
	v19 =	vmul.u32 $0xC8, v19  }
0x28: {  	v6 =	vsub.s32 v6, v18;
	v18 =	vmulhi.u32 $0x51EB851F, v9;
	v13 =	vshrl.u32 v13, $0x6  }
0x29: {  	v20 =	vmul.u32 $0xC8, v58;
	v4 =	vsub.s32 v4, v19;
	v19 =	vshrl.u32 v59, $0x6  }
0x2a: {  	v13 =	vmul.u32 $0xC8, v13;
	v18 =	vshrl.u32 v18, $0x6;
	v19 =	vmul.u32 $0xC8, v19  }
0x2b: {  	v18 =	vmul.u32 $0xC8, v18;
	v5 =	vsub.s32 v5, v20;
	v20 =	vshrl.u32 v60, $0x6  }
0x2c: {  	v21 =	vshrl.u32 v63, $0x6;
	v7 =	vsub.s32 v7, v19;
	v19 =	vmul.u32 $0xC8, v20  }
0x2d: {  	v8 =	vsub.s32 v8, v13;
	v13 =	vmulhi.u32 $0x51EB851F, v14;
	v9 =	vsub.s32 v9, v18  }
0x2e: {  	v18 =	vshrl.u32 v61, $0x6;
	v10 =	vsub.s32 v10, v19;
	v19 =	vmulhi.u32 $0x51EB851F, v16  }
0x2f: {  	v3 =	vmul.u32 $0x3, v3;
	v13 =	vshrl.u32 v13, $0x6;
	v18 =	vmul.u32 $0xC8, v18  }
0x30: {  	v6 =	vmul.u32 $0x3, v6;
	v13 =	vmul.u32 $0xC8, v13;
	v19 =	vshrl.u32 v19, $0x6  }
0x31: {  	s31 =	simm.s32 $0xB;
	s30 =	simm.s32 $0x3;
	s20 =	sor.u32 $0xF0, s3;
	v11 =	vsub.s32 v11, v18;
	v18 =	vmul.u32 $0xC8, v21;
	v19 =	vmul.u32 $0xC8, v19  }
0x32: {  	s28 =	simm.s32 $0x11860;
	p0 =	sne.s32 s6, $0x0;
	s6 =	simm.s32 $0xC;
	v15 =	vor.u32 s20, v0;
	v8 =	vmul.u32 $0x3, v8;
	v13 =	vsub.s32 v14, v13  }
0x33: {  	[dreg:$0x4] =	wrdreg s12;
	s16 =	simm.s32 $0xE;
	s15 =	simm.s32 $0x5;
	v14 =	vsub.s32 v16, v19;
	v16 =	vsub.s32 v17, v18;
	v17 =	vmulhi.u32 $0x51EB851F, v15  }
0x34: {  	s26 =	simm.s32 $0x2;
	s14 =	simm.s32 $0xF;
	[dreg:$0x15] =	wrdreg s9;
	v2 =	vmul.u32 $0x3, v2;
	v9 =	vmul.u32 $0x3, v9;
	v20 =	vshrl.u32 v62, $0x6  }
.Ltmp0:
0x35: {  	s9 =	simm.s32 $0x100;
	s19 =	simm.s32 $0xD;
	v5 =	vmul.u32 $0x3, v5;
	v20 =	vmul.u32 $0xC8, v20;
	v17 =	vshrl.u32 v17, $0x6;
	(pc) =	sbr.rel .LBB2_1-.Ltmp0, $4  }
0x36: {  	s21 =	simm.s32 $0xD860;
	[dreg:$0x14] =	wrdreg s4;
	s4 =	sadd.s32 s8, s12;
	v4 =	vmul.u32 $0x3, v4;
	v11 =	vmul.u32 $0x3, v11;
	v17 =	vmul.u32 $0xC8, v17  }
0x37: {  	s8 =	simm.s32 $0x1860;
	[dreg:$0x16] =	wrdreg s4;
	s0 =	sadd.s32 s0, s12;
	v13 =	vmul.u32 $0x3, v13;
	v7 =	vmul.u32 $0x3, v7;
	v12 =	vsub.s32 v12, v20  }
0x38: {  	s12 =	simm.s32 $0x10;
	s4 =	simm.s32 $0x0;
	[dreg:$0x17] =	wrdreg s11;
	v10 =	vmul.u32 $0x3, v10;
	v12 =	vmul.u32 $0x3, v12;
	v17 =	vsub.s32 v15, v17  }
0x39: {  	[dreg:$0x18] =	wrdreg s0;
	s13 =	simm.s32 $0x4;
	s20 =	simm.s32 $0x9860;
	v14 =	vmul.u32 $0x3, v14;
	v15 =	vmul.u32 $0x3, v16;
	v16 =	vmul.u32 $0x3, v17  }
.LBB2_5:
0x3a: {  	s0 =	simm.s32 $0x6  }
0x3b: {  	_ =	swait.ge [sflag:s0], $0x4000  }
0x3c: {  	[sflag:s0] =	ssyncset.done $0x0  }
0x3d: {  	s23 =	simm.s32 $0x7;
	[sflag:s0] =	ssyncadd.s32 $0xFFFFC000  }
0x3e: {  	_ =	swait.ge [sflag:s23], $0x4000  }
0x3f: {  	[sflag:s23] =	ssyncset.done $0x0  }
0x40: {  	s24 =	simm.s32 $0x8;
	[sflag:s23] =	ssyncadd.s32 $0xFFFFC000  }
0x41: {  	_ =	swait.ge [sflag:s24], $0x4000  }
0x42: {  	[sflag:s24] =	ssyncset.done $0x0  }
0x43: {  	s25 =	simm.s32 $0x9;
	[sflag:s24] =	ssyncadd.s32 $0xFFFFC000  }
0x44: {  	_ =	swait.ge [sflag:s25], $0x4000  }
0x45: {  	[sflag:s25] =	ssyncset.done $0x0  }
0x46: {  	s3 =	simm.s32 $0xA;
	[sflag:s25] =	ssyncadd.s32 $0xFFFFC000  }
0x47: {  	_ =	swait.ge [sflag:s3], $0x4000  }
0x48: {  	s4 =	rddreg [dreg:$0x19]  }
0x49: {  	s29 =	rddreg [dreg:$0xb];
	s4 =	sadd.s32 $0x1, s4  }
0x4a: {  	p1 =	sne.s32 s4, s29  }
.Ltmp1:
0x4b: {  	_ = 	snop;
	(pc) =	sbr.rel @!p1 .LBB2_6-.Ltmp1, $3  }
0x4c: {  	_ =	sdelay $0x1  }
0x4d: {  	[sflag:s3] =	ssyncset.done $0x0  }
0x4e: {  	[sflag:s3] =	ssyncadd.s32 $0xFFFFC000  }
.LBB2_1:
0x4f: {  	[dreg:$0x19] =	wrdreg s4  }
0x50: {  	s3 =	sshrl.u32 @!p0 s1, $0x3;
	s4 =	simm.s32 @!p0 $0x1C11;
	s0 =	rddreg [dreg:$0x6]  }
0x51: {  	[spmem:s3], [sflag:s4] =	dma.local @!p0 [hbm:s0], $0x12C0  }
0x52: {  	s3 =	simm.s32 @!p0 $0x11  }
0x53: {  	_ =	swait.ge @!p0 [sflag:s3], $0x12C0  }
0x54: {  	[sflag:s3] =	ssyncset.done @!p0 $0x0  }
0x55: {  	[sflag:s3] =	ssyncadd.s32 @!p0 $0xFFFFED40  }
0x56: {  	[bflag:$0x0] =	sbarrier.arrive $0xFFFF  }
0x57: {  	s25 =	simm.s32 $0x960;
	s24 =	rddreg [dreg:$0x7]  }
0x58: {  	[tilespmem:s25], [sflag:$0xB] =	stream.linear.gather [hbm4b:s24+s2], $0x100, $0x38;
	[tilespmem:$0x15860] =	vst v63  }
0x59: {  	s4 =	simm.s32 $0xE60;
	s3 =	rddreg [dreg:$0x8]  }
0x5a: {  	[tilespmem:s4], [sflag:$0xB] =	stream.linear.gather [hbm4b:s3+s2], $0x100, $0x38;
	[tilespmem:$0x15860] =	vst v63  }
0x5b: {  	s11 =	simm.s32 $0xA60;
	s7 =	rddreg [dreg:$0x9]  }
0x5c: {  	[tilespmem:s11], [sflag:$0xC] =	stream.linear.gather [hbm4b:s7+s2], $0x100, $0x38;
	[tilespmem:$0x15860] =	vst v63  }
0x5d: {  	s18 =	simm.s32 $0xF60;
	s17 =	rddreg [dreg:$0xa]  }
0x5e: {  	[tilespmem:s18], [sflag:$0xC] =	stream.linear.gather [hbm4b:s17+s2], $0x100, $0x38;
	[tilespmem:$0x15860] =	vst v63  }
0x5f: {  	_ =	swait.ge [sflag:s31], $0x100  }
0x60: {  	[sflag:s31] =	ssyncset.done $0x0  }
0x61: {  	[sflag:s31] =	ssyncadd.s32 $0xFFFFFF00  }
0x62: {  	_ =	swait.ge [sflag:s31], $0x100  }
0x63: {  	[sflag:s31] =	ssyncset.done $0x0  }
0x64: {  	[sflag:s31] =	ssyncadd.s32 $0xFFFFFF00  }
0x65: {  	v17 =	vld [tilespmem:$0xE60]  }
0x66: {  	v18 =	vld [tilespmem:$0xE70]  }
0x67: {  	v19 =	vld [tilespmem:$0xE80]  }
0x68: {  	v20 =	vld [tilespmem:$0xE90]  }
0x69: {  	v21 =	vld [tilespmem:$0xEA0]  }
0x6a: {  	v22 =	vld [tilespmem:$0xEB0]  }
0x6b: {  	v23 =	vld [tilespmem:$0xEC0];
	v17 =	vadd.s32 v1, v17  }
0x6c: {  	v58 =	vld [tilespmem:$0xEF0];
	[tilespmem:$0x1360] =	vst v17;
	v17 =	vadd.s32 v2, v18  }
0x6d: {  	v18 =	vld [tilespmem:$0xED0];
	[tilespmem:$0x1370] =	vst v17;
	v17 =	vadd.s32 v3, v19  }
0x6e: {  	v19 =	vld [tilespmem:$0xEE0];
	[tilespmem:$0x1380] =	vst v17;
	v17 =	vadd.s32 v4, v20  }
0x6f: {  	v59 =	vld [tilespmem:$0xF00];
	[tilespmem:$0x1390] =	vst v17;
	v17 =	vadd.s32 v5, v21  }
0x70: {  	v60 =	vld [tilespmem:$0xF10];
	[tilespmem:$0x13A0] =	vst v17;
	v17 =	vadd.s32 v6, v22  }
0x71: {  	v61 =	vld [tilespmem:$0xF20];
	[tilespmem:$0x13B0] =	vst v17;
	v17 =	vadd.s32 v7, v23  }
0x72: {  	v62 =	vld [tilespmem:$0x960];
	[tilespmem:$0x13C0] =	vst v17;
	v17 =	vadd.s32 v8, v18  }
0x73: {  	v18 =	vld [tilespmem:$0xF30];
	[tilespmem:$0x13D0] =	vst v17;
	v17 =	vadd.s32 v9, v19  }
0x74: {  	v19 =	vld [tilespmem:$0xF40];
	[tilespmem:$0x13E0] =	vst v17;
	v17 =	vadd.s32 v10, v58  }
0x75: {  	v63 =	vld [tilespmem:$0xF50];
	[tilespmem:$0x13F0] =	vst v17;
	v17 =	vadd.s32 v11, v59  }
0x76: {  	[tilespmem:$0x1400] =	vst v17;
	v17 =	vadd.s32 v12, v60  }
0x77: {  	[tilespmem:$0x1410] =	vst v17;
	v17 =	vadd.s32 v13, v61  }
0x78: {  	[tilespmem:$0x1420] =	vst v17;
	v17 =	vadd.s32 v14, v18  }
0x79: {  	[tilespmem:$0x1430] =	vst v17;
	v17 =	vadd.s32 v15, v19  }
0x7a: {  	[tilespmem:$0x1440] =	vst v17;
	v17 =	vadd.s32 v16, v63  }
0x7b: {  	[tilespmem:$0x1450] =	vst v17  }
0x7c: {  	[tilespmem:s8], [sflag:$0x1] =	stream.indirect_vreg.gather [hbm4b:s5+s2], $0x40, v62, vm0, $0xb8;
	[tilespmem:$0x15860] =	vst v63  }
0x7d: {  	v17 =	vld [tilespmem:$0x970];
	_ =	sdelay $0x6  }
0x7e: {  	s22 =	simm.s32 $0x1C60  }
0x7f: {  	[tilespmem:s22], [sflag:$0x1] =	stream.indirect_vreg.gather [hbm4b:s5+s2], $0x40, v17, vm0, $0xb8;
	[tilespmem:$0x15860] =	vst v63  }
0x80: {  	v17 =	vld [tilespmem:$0x980];
	_ =	sdelay $0x6  }
0x81: {  	s23 =	simm.s32 $0x2060  }
0x82: {  	[tilespmem:s23], [sflag:$0x1] =	stream.indirect_vreg.gather [hbm4b:s5+s2], $0x40, v17, vm0, $0xb8;
	[tilespmem:$0x15860] =	vst v63  }
0x83: {  	v17 =	vld [tilespmem:$0x990];
	_ =	sdelay $0x6  }
0x84: {  	s24 =	simm.s32 $0x2460  }
0x85: {  	[tilespmem:s24], [sflag:$0x1] =	stream.indirect_vreg.gather [hbm4b:s5+s2], $0x40, v17, vm0, $0xb8;
	[tilespmem:$0x15860] =	vst v63  }
0x86: {  	v17 =	vld [tilespmem:$0x9A0];
	_ =	sdelay $0x6  }
0x87: {  	s25 =	simm.s32 $0x2860  }
0x88: {  	[tilespmem:s25], [sflag:$0x1] =	stream.indirect_vreg.gather [hbm4b:s5+s2], $0x40, v17, vm0, $0xb8;
	[tilespmem:$0x15860] =	vst v63  }
0x89: {  	v17 =	vld [tilespmem:$0x9B0];
	_ =	sdelay $0x6  }
0x8a: {  	s3 =	simm.s32 $0x2C60  }
0x8b: {  	[tilespmem:s3], [sflag:$0x1] =	stream.indirect_vreg.gather [hbm4b:s5+s2], $0x40, v17, vm0, $0xb8;
	[tilespmem:$0x15860] =	vst v63  }
0x8c: {  	v17 =	vld [tilespmem:$0x9C0];
	_ =	sdelay $0x6  }
0x8d: {  	s4 =	simm.s32 $0x3060  }
0x8e: {  	[tilespmem:s4], [sflag:$0x1] =	stream.indirect_vreg.gather [hbm4b:s5+s2], $0x40, v17, vm0, $0xb8;
	[tilespmem:$0x15860] =	vst v63  }
0x8f: {  	v17 =	vld [tilespmem:$0x9D0];
	_ =	sdelay $0x6  }
0x90: {  	s7 =	simm.s32 $0x3460  }
0x91: {  	[tilespmem:s7], [sflag:$0x1] =	stream.indirect_vreg.gather [hbm4b:s5+s2], $0x40, v17, vm0, $0xb8;
	[tilespmem:$0x15860] =	vst v63  }
0x92: {  	v17 =	vld [tilespmem:$0x9E0];
	_ =	sdelay $0x6  }
0x93: {  	s8 =	simm.s32 $0x3860  }
0x94: {  	[tilespmem:s8], [sflag:$0x1] =	stream.indirect_vreg.gather [hbm4b:s5+s2], $0x40, v17, vm0, $0xb8;
	[tilespmem:$0x15860] =	vst v63  }
0x95: {  	v17 =	vld [tilespmem:$0x9F0];
	_ =	sdelay $0x6  }
0x96: {  	s11 =	simm.s32 $0x3C60  }
0x97: {  	[tilespmem:s11], [sflag:$0x1] =	stream.indirect_vreg.gather [hbm4b:s5+s2], $0x40, v17, vm0, $0xb8;
	[tilespmem:$0x15860] =	vst v63  }
0x98: {  	v17 =	vld [tilespmem:$0xA00];
	_ =	sdelay $0x6  }
0x99: {  	s17 =	simm.s32 $0x4060  }
0x9a: {  	[tilespmem:s17], [sflag:$0x1] =	stream.indirect_vreg.gather [hbm4b:s5+s2], $0x40, v17, vm0, $0xb8;
	[tilespmem:$0x15860] =	vst v63  }
0x9b: {  	v17 =	vld [tilespmem:$0xA10];
	_ =	sdelay $0x6  }
0x9c: {  	s18 =	simm.s32 $0x4460  }
0x9d: {  	[tilespmem:s18], [sflag:$0x1] =	stream.indirect_vreg.gather [hbm4b:s5+s2], $0x40, v17, vm0, $0xb8;
	[tilespmem:$0x15860] =	vst v63  }
0x9e: {  	v17 =	vld [tilespmem:$0xA20];
	_ =	sdelay $0x6  }
0x9f: {  	s22 =	simm.s32 $0x4860  }
0xa0: {  	[tilespmem:s22], [sflag:$0x1] =	stream.indirect_vreg.gather [hbm4b:s5+s2], $0x40, v17, vm0, $0xb8;
	[tilespmem:$0x15860] =	vst v63  }
0xa1: {  	v17 =	vld [tilespmem:$0xA30];
	_ =	sdelay $0x6  }
0xa2: {  	s23 =	simm.s32 $0x4C60  }
0xa3: {  	[tilespmem:s23], [sflag:$0x1] =	stream.indirect_vreg.gather [hbm4b:s5+s2], $0x40, v17, vm0, $0xb8;
	[tilespmem:$0x15860] =	vst v63  }
0xa4: {  	v17 =	vld [tilespmem:$0xA40];
	_ =	sdelay $0x6  }
0xa5: {  	s24 =	simm.s32 $0x5060  }
0xa6: {  	[tilespmem:s24], [sflag:$0x1] =	stream.indirect_vreg.gather [hbm4b:s5+s2], $0x40, v17, vm0, $0xb8;
	[tilespmem:$0x15860] =	vst v63  }
0xa7: {  	v17 =	vld [tilespmem:$0xA50];
	_ =	sdelay $0x2  }
0xa8: {  	s29 =	rddreg [dreg:$0x14]  }
.Ltmp2:
0xa9: {  	s3 =	rddreg [dreg:$0x12];
	(pc) =	sbr.rel .LBB2_2-.Ltmp2, $4  }
0xaa: {  	s4 =	rddreg [dreg:$0xf]  }
0xab: {  	s25 =	simm.s32 $0x5460;
	s11 =	rddreg [dreg:$0x13]  }
0xac: {  	s17 =	rddreg [dreg:$0xe];
	s18 =	simm.s32 $0x0;
	s22 =	simm.s32 $0x0  }
0xad: {  	[tilespmem:s25], [sflag:$0x1] =	stream.indirect_vreg.gather [hbm4b:s5+s2], $0x40, v17, vm0, $0xb8;
	[tilespmem:$0x15860] =	vst v63  }
.LBB2_4:
0xae: {  	_ =	swait.ge [sflag:s15], $0x4000  }
0xaf: {  	s22 =	sadd.s32 $0x500, s22;
	[sflag:s15] =	ssyncset.done $0x0  }
0xb0: {  	s0 =	simm.s32 $0x1760;
	p1 =	sne.s32 s22, $0x6400;
	[sflag:s15] =	ssyncadd.s32 $0xFFFFC000  }
0xb1: {  	[tilespmem:s28], [sflag:$0x10] =	stream.indirect.gather.add.f32 [spmem:s1], $0x40, s0, s9, $0xb8;
	[tilespmem:$0x15860] =	vst v63  }
.Ltmp3:
0xb2: {  	_ =	swait.ge [sflag:s12], $0x4000;
	(pc) =	sbr.rel @!p1 .LBB2_5-.Ltmp3, $4  }
0xb3: {  	s18 =	sadd.s32 $0xA0, s18;
	[sflag:s12] =	ssyncset.done $0x0  }
0xb4: {  	s17 =	sadd.s32 $0x2800, s17;
	s3 =	sadd.s32 $0x2800, s3;
	[sflag:s12] =	ssyncadd.s32 $0xFFFFC000  }
0xb5: {  	[hbm4b:s4+s2] =	stream.linear.scatter [tilespmem:s28], [sflag:$0xA], $0x4000, $0x38;
	[tilespmem:$0x15860] =	vst v63  }
0xb6: {  	s11 =	sadd.s32 $0x2800, s11;
	s29 =	sadd.s32 $0x2800, s29;
	s4 =	sadd.s32 $0x2800, s4  }
.LBB2_2:
0xb7: {  	s0 =	rddreg [dreg:$0x18]  }
0xb8: {  	s25 =	simm.s32 $0xB60;
	s23 =	sadd.s32 s18, s0  }
0xb9: {  	[tilespmem:s25], [sflag:$0xD] =	stream.linear.gather [hbm4b:s23+s2], $0x100, $0x38;
	[tilespmem:$0x15860] =	vst v63  }
0xba: {  	s7 =	rddreg [dreg:$0x17];
	s24 =	simm.s32 $0x1060;
	s23 =	sadd.s32 s22, s10  }
0xbb: {  	s8 =	sadd.s32 s18, s7;
	s25 =	sadd.s32 $0x110, s23;
	s7 =	sadd.s32 $0x130, s23  }
0xbc: {  	[tilespmem:s24], [sflag:$0xD] =	stream.linear.gather [hbm4b:s8+s2], $0x100, $0x38;
	v19 =	vor.u32 s25, v0;
	[tilespmem:$0x15860] =	vst v63  }
0xbd: {  	s24 =	sadd.s32 $0x100, s23;
	v46 =	vor.u32 s7, v0;
	v20 =	vmulhi.u32 $0x51EB851F, v19  }
0xbe: {  	s8 =	sadd.s32 $0x140, s23;
	v17 =	vor.u32 s24, v0;
	v48 =	vmulhi.u32 $0x51EB851F, v46  }
0xbf: {  	s0 =	sadd.s32 $0x120, s23;
	s25 =	sadd.s32 $0x150, s23;
	v24 =	vor.u32 s8, v0;
	v18 =	vmulhi.u32 $0x51EB851F, v17  }
0xc0: {  	v23 =	vor.u32 s0, v0;
	s0 =	sadd.s32 $0x160, s23;
	v25 =	vor.u32 s25, v0;
	v49 =	vmulhi.u32 $0x51EB851F, v24  }
0xc1: {  	s7 =	sadd.s32 $0x170, s23;
	v28 =	vor.u32 s0, v0;
	v26 =	vmulhi.u32 $0x51EB851F, v25  }
0xc2: {  	v54 =	vor.u32 s7, v0;
	s8 =	sadd.s32 $0x180, s23;
	v30 =	vmulhi.u32 $0x51EB851F, v28  }
0xc3: {  	_ =	swait.ge [sflag:s6], $0x100;
	s25 =	sadd.s32 $0x190, s23;
	v55 =	vmulhi.u32 $0x51EB851F, v54;
	v57 =	vor.u32 s8, v0  }
0xc4: {  	s0 =	sadd.s32 $0x1A0, s23;
	[sflag:s6] =	ssyncset.done $0x0;
	v59 =	vor.u32 s25, v0;
	v58 =	vmulhi.u32 $0x51EB851F, v57  }
0xc5: {  	s7 =	sadd.s32 $0x1B0, s23;
	v31 =	vor.u32 s0, v0;
	[sflag:s6] =	ssyncadd.s32 $0xFFFFFF00;
	v60 =	vmulhi.u32 $0x51EB851F, v59  }
0xc6: {  	v34 =	vor.u32 s7, v0;
	v32 =	vmulhi.u32 $0x51EB851F, v31;
	_ =	swait.ge [sflag:s6], $0x100  }
0xc7: {  	s8 =	sadd.s32 $0x1C0, s23;
	v20 =	vshrl.u32 v20, $0x6;
	v38 =	vmulhi.u32 $0x51EB851F, v34;
	[sflag:s6] =	ssyncset.done $0x0  }
0xc8: {  	v44 =	vor.u32 s8, v0;
	v18 =	vshrl.u32 v18, $0x6;
	v20 =	vmul.u32 $0xC8, v20;
	[sflag:s6] =	ssyncadd.s32 $0xFFFFFF00  }
0xc9: {  	v26 =	vshrl.u32 v26, $0x6;
	v52 =	vshrl.u32 v30, $0x6;
	v18 =	vmul.u32 $0xC8, v18;
	v21 =	vld [tilespmem:$0xF60]  }
0xca: {  	v50 =	vmul.u32 $0xC8, v26;
	v30 =	vshrl.u32 v60, $0x6;
	v32 =	vshrl.u32 v32, $0x6;
	v22 =	vld [tilespmem:$0xF70]  }
0xcb: {  	v42 =	vshrl.u32 v38, $0x6;
	v17 =	vsub.s32 v17, v18;
	v18 =	vmulhi.u32 $0x51EB851F, v23  }
0xcc: {  	v19 =	vsub.s32 v19, v20;
	v30 =	vmul.u32 $0xC8, v30;
	v36 =	vmul.u32 $0xC8, v32;
	v37 =	vld [tilespmem:$0x1000]  }
0xcd: {  	v19 =	vmul.u32 $0x3, v19;
	v17 =	vmul.u32 $0x3, v17;
	v18 =	vshrl.u32 v18, $0x6  }
0xce: {  	v43 =	vmul.u32 $0xC8, v42;
	v47 =	vld [tilespmem:$0xF80];
	v40 =	vsub.s32 v31, v36;
	v18 =	vmul.u32 $0xC8, v18  }
0xcf: {  	v41 =	vmul.u32 $0x3, v40;
	v17 =	vadd.s32 v17, v21;
	v19 =	vadd.s32 v19, v22  }
0xd0: {  	v51 =	vld [tilespmem:$0xFB0];
	v18 =	vsub.s32 v23, v18;
	v22 =	vshrl.u32 v48, $0x6;
	v23 =	vshrl.u32 v49, $0x6  }
0xd1: {  	v21 =	vsub.s32 v25, v50;
	v45 =	vadd.s32 v41, v37;
	v18 =	vmul.u32 $0x3, v18  }
0xd2: {  	s0 =	sadd.s32 $0x1E0, s23;
	v27 =	vld [tilespmem:$0xF90];
	v48 =	vsub.s32 v34, v43;
	v22 =	vmul.u32 $0xC8, v22;
	v23 =	vmul.u32 $0xC8, v23  }
0xd3: {  	v29 =	vld [tilespmem:$0xFA0];
	v50 =	vor.u32 s0, v0;
	v21 =	vmul.u32 $0x3, v21;
	v18 =	vadd.s32 v18, v47  }
0xd4: {  	s25 =	sadd.s32 $0x1D0, s23;
	v20 =	vsub.s32 v46, v22;
	v23 =	vsub.s32 v24, v23;
	v24 =	vmul.u32 $0xC8, v52  }
0xd5: {  	v21 =	vadd.s32 v21, v51;
	v46 =	vmulhi.u32 $0x51EB851F, v44;
	v47 =	vor.u32 s25, v0  }
0xd6: {  	v52 =	vmulhi.u32 $0x51EB851F, v50;
	v20 =	vmul.u32 $0x3, v20;
	v23 =	vmul.u32 $0x3, v23  }
0xd7: {  	v53 =	vld [tilespmem:$0xFC0];
	v49 =	vmulhi.u32 $0x51EB851F, v47;
	v24 =	vsub.s32 v28, v24;
	v28 =	vshrl.u32 v58, $0x6  }
0xd8: {  	v63 =	vld [tilespmem:$0xFE0];
	[tilespmem:$0x1460] =	vst v17;
	v20 =	vadd.s32 v20, v27;
	v23 =	vadd.s32 v23, v29;
	v62 =	vmul.u32 $0xC8, v28  }
0xd9: {  	v61 =	vld [tilespmem:$0xFD0];
	[tilespmem:$0x1470] =	vst v19;
	v56 =	vmul.u32 $0x3, v24;
	v27 =	vshrl.u32 v55, $0x6;
	v29 =	vsub.s32 v59, v30  }
0xda: {  	v33 =	vld [tilespmem:$0xFF0];
	[tilespmem:$0x1500] =	vst v45;
	v25 =	vshrl.u32 v49, $0x6;
	v27 =	vmul.u32 $0xC8, v27;
	v24 =	vsub.s32 v57, v62  }
0xdb: {  	s7 =	sadd.s32 $0x1F0, s23;
	[tilespmem:$0x1480] =	vst v18;
	v39 =	vmul.u32 $0x3, v29;
	v29 =	vshrl.u32 v52, $0x6;
	v24 =	vmul.u32 $0x3, v24  }
0xdc: {  	[tilespmem:$0x14B0] =	vst v21;
	v22 =	vadd.s32 v56, v53;
	v53 =	vor.u32 s7, v0;
	v26 =	vsub.s32 v54, v27  }
0xdd: {  	v51 =	vld [tilespmem:$0x1010];
	[tilespmem:$0x1490] =	vst v20;
	v26 =	vmul.u32 $0x3, v26;
	v19 =	vadd.s32 v24, v63;
	v24 =	vshrl.u32 v46, $0x6  }
0xde: {  	v55 =	vld [tilespmem:$0x1020];
	[tilespmem:$0x14A0] =	vst v23;
	v57 =	vmul.u32 $0xC8, v25;
	v56 =	vmulhi.u32 $0x51EB851F, v53;
	v54 =	vmul.u32 $0xC8, v24  }
0xdf: {  	v58 =	vld [tilespmem:$0x1030];
	v59 =	vmul.u32 $0xC8, v29;
	v18 =	vadd.s32 v39, v33;
	v17 =	vadd.s32 v26, v61;
	[tilespmem:$0x14E0] =	vst v19  }
0xe0: {  	v60 =	vld [tilespmem:$0x1040];
	v61 =	vshrl.u32 v56, $0x6;
	[tilespmem:$0x14D0] =	vst v17;
	v17 =	vmul.u32 $0x3, v48;
	v19 =	vsub.s32 v44, v54  }
0xe1: {  	[tilespmem:$0x14F0] =	vst v18;
	v63 =	vld [tilespmem:$0x1050];
	v62 =	vmul.u32 $0xC8, v61;
	v18 =	vmul.u32 $0x3, v19;
	v19 =	vsub.s32 v47, v57  }
0xe2: {  	[tilespmem:$0x14C0] =	vst v22;
	v29 =	vsub.s32 v50, v59;
	v17 =	vadd.s32 v17, v51;
	v19 =	vmul.u32 $0x3, v19  }
0xe3: {  	v30 =	vsub.s32 v53, v62;
	[tilespmem:$0x1510] =	vst v17;
	v17 =	vadd.s32 v18, v55;
	v18 =	vmul.u32 $0x3, v29  }
0xe4: {  	[tilespmem:$0x1520] =	vst v17;
	v17 =	vadd.s32 v19, v58;
	v19 =	vmul.u32 $0x3, v30  }
0xe5: {  	[tilespmem:$0x1530] =	vst v17;
	v17 =	vadd.s32 v18, v60  }
0xe6: {  	p1 =	seq.s32 s22, $0x0;
	[tilespmem:$0x1540] =	vst v17;
	v17 =	vadd.s32 v19, v63  }
0xe7: {  	s24 =	simm.s32 @!p1 $0x7;
	[tilespmem:$0x1550] =	vst v17  }
0xe8: {  	_ =	swait.ge @!p1 [sflag:s24], $0x4000  }
0xe9: {  	[sflag:s24] =	ssyncset.done @!p1 $0x0  }
0xea: {  	[sflag:s24] =	ssyncadd.s32 @!p1 $0xFFFFC000  }
0xeb: {  	v17 =	vld [tilespmem:$0xA60];
	_ =	sdelay $0x6  }
0xec: {  	s7 =	simm.s32 $0x5860  }
0xed: {  	[tilespmem:s7], [sflag:$0x2] =	stream.indirect_vreg.gather [hbm4b:s5+s2], $0x40, v17, vm0, $0xb8;
	[tilespmem:$0x15860] =	vst v63  }
0xee: {  	v17 =	vld [tilespmem:$0xA70];
	_ =	sdelay $0x6  }
0xef: {  	s8 =	simm.s32 $0x5C60  }
0xf0: {  	[tilespmem:s8], [sflag:$0x2] =	stream.indirect_vreg.gather [hbm4b:s5+s2], $0x40, v17, vm0, $0xb8;
	[tilespmem:$0x15860] =	vst v63  }
0xf1: {  	v17 =	vld [tilespmem:$0xA80];
	_ =	sdelay $0x6  }
0xf2: {  	s24 =	simm.s32 $0x6060  }
0xf3: {  	[tilespmem:s24], [sflag:$0x2] =	stream.indirect_vreg.gather [hbm4b:s5+s2], $0x40, v17, vm0, $0xb8;
	[tilespmem:$0x15860] =	vst v63  }
0xf4: {  	v17 =	vld [tilespmem:$0xA90];
	_ =	sdelay $0x6  }
0xf5: {  	s25 =	simm.s32 $0x6460  }
0xf6: {  	[tilespmem:s25], [sflag:$0x2] =	stream.indirect_vreg.gather [hbm4b:s5+s2], $0x40, v17, vm0, $0xb8;
	[tilespmem:$0x15860] =	vst v63  }
0xf7: {  	v17 =	vld [tilespmem:$0xAA0];
	_ =	sdelay $0x6  }
0xf8: {  	s8 =	simm.s32 $0x6860  }
0xf9: {  	[tilespmem:s8], [sflag:$0x2] =	stream.indirect_vreg.gather [hbm4b:s5+s2], $0x40, v17, vm0, $0xb8;
	[tilespmem:$0x15860] =	vst v63  }
0xfa: {  	v17 =	vld [tilespmem:$0xAB0];
	_ =	sdelay $0x6  }
0xfb: {  	s24 =	simm.s32 $0x6C60  }
0xfc: {  	[tilespmem:s24], [sflag:$0x2] =	stream.indirect_vreg.gather [hbm4b:s5+s2], $0x40, v17, vm0, $0xb8;
	[tilespmem:$0x15860] =	vst v63  }
0xfd: {  	v17 =	vld [tilespmem:$0xAC0];
	_ =	sdelay $0x6  }
0xfe: {  	s25 =	simm.s32 $0x7060  }
0xff: {  	[tilespmem:s25], [sflag:$0x2] =	stream.indirect_vreg.gather [hbm4b:s5+s2], $0x40, v17, vm0, $0xb8;
	[tilespmem:$0x15860] =	vst v63  }
0x100: {  	v17 =	vld [tilespmem:$0xAD0];
	_ =	sdelay $0x6  }
0x101: {  	s8 =	simm.s32 $0x7460  }
0x102: {  	[tilespmem:s8], [sflag:$0x2] =	stream.indirect_vreg.gather [hbm4b:s5+s2], $0x40, v17, vm0, $0xb8;
	[tilespmem:$0x15860] =	vst v63  }
0x103: {  	v17 =	vld [tilespmem:$0xAE0];
	_ =	sdelay $0x6  }
0x104: {  	s24 =	simm.s32 $0x7860  }
0x105: {  	[tilespmem:s24], [sflag:$0x2] =	stream.indirect_vreg.gather [hbm4b:s5+s2], $0x40, v17, vm0, $0xb8;
	[tilespmem:$0x15860] =	vst v63  }
0x106: {  	v17 =	vld [tilespmem:$0xAF0];
	_ =	sdelay $0x6  }
0x107: {  	s25 =	simm.s32 $0x7C60  }
0x108: {  	[tilespmem:s25], [sflag:$0x2] =	stream.indirect_vreg.gather [hbm4b:s5+s2], $0x40, v17, vm0, $0xb8;
	[tilespmem:$0x15860] =	vst v63  }
0x109: {  	v17 =	vld [tilespmem:$0xB00];
	_ =	sdelay $0x6  }
0x10a: {  	s8 =	simm.s32 $0x8060  }
0x10b: {  	[tilespmem:s8], [sflag:$0x2] =	stream.indirect_vreg.gather [hbm4b:s5+s2], $0x40, v17, vm0, $0xb8;
	[tilespmem:$0x15860] =	vst v63  }
0x10c: {  	v17 =	vld [tilespmem:$0xB10];
	_ =	sdelay $0x6  }
0x10d: {  	s24 =	simm.s32 $0x8460  }
0x10e: {  	[tilespmem:s24], [sflag:$0x2] =	stream.indirect_vreg.gather [hbm4b:s5+s2], $0x40, v17, vm0, $0xb8;
	[tilespmem:$0x15860] =	vst v63  }
0x10f: {  	v17 =	vld [tilespmem:$0xB20];
	_ =	sdelay $0x6  }
0x110: {  	s25 =	simm.s32 $0x8860  }
0x111: {  	[tilespmem:s25], [sflag:$0x2] =	stream.indirect_vreg.gather [hbm4b:s5+s2], $0x40, v17, vm0, $0xb8;
	[tilespmem:$0x15860] =	vst v63  }
0x112: {  	v17 =	vld [tilespmem:$0xB30];
	_ =	sdelay $0x6  }
0x113: {  	s8 =	simm.s32 $0x8C60  }
0x114: {  	[tilespmem:s8], [sflag:$0x2] =	stream.indirect_vreg.gather [hbm4b:s5+s2], $0x40, v17, vm0, $0xb8;
	[tilespmem:$0x15860] =	vst v63  }
0x115: {  	v17 =	vld [tilespmem:$0xB40];
	_ =	sdelay $0x6  }
0x116: {  	s24 =	simm.s32 $0x9060  }
0x117: {  	[tilespmem:s24], [sflag:$0x2] =	stream.indirect_vreg.gather [hbm4b:s5+s2], $0x40, v17, vm0, $0xb8;
	[tilespmem:$0x15860] =	vst v63  }
0x118: {  	v17 =	vld [tilespmem:$0xB50];
	_ =	sdelay $0x6  }
0x119: {  	s25 =	simm.s32 $0x9460;
	s8 =	simm.s32 $0x1  }
0x11a: {  	[tilespmem:s25], [sflag:$0x2] =	stream.indirect_vreg.gather [hbm4b:s5+s2], $0x40, v17, vm0, $0xb8;
	[tilespmem:$0x15860] =	vst v63  }
0x11b: {  	_ =	swait.ge [sflag:s8], $0x4000  }
0x11c: {  	[sflag:s8] =	ssyncset.done $0x0  }
0x11d: {  	s24 =	simm.s32 $0x1860;
	[sflag:s8] =	ssyncadd.s32 $0xFFFFC000;
	s8 =	simm.s32 $0x1360  }
0x11e: {  	[tilespmem:s24], [sflag:$0x10] =	stream.indirect.gather.add.f32 [spmem:s1], $0x40, s8, s9, $0xb8;
	[tilespmem:$0x15860] =	vst v63  }
0x11f: {  	_ =	swait.ge [sflag:s12], $0x4000  }
0x120: {  	[sflag:s12] =	ssyncset.done $0x0  }
0x121: {  	s25 =	rddreg [dreg:$0x16];
	[sflag:s12] =	ssyncadd.s32 $0xFFFFC000  }
0x122: {  	[hbm4b:s17+s2] =	stream.linear.scatter [tilespmem:s24], [sflag:$0x6], $0x4000, $0x38;
	[tilespmem:$0x15860] =	vst v63  }
0x123: {  	s0 =	sadd.s32 s18, s25;
	s25 =	simm.s32 $0xC60  }
0x124: {  	[tilespmem:s25], [sflag:$0xE] =	stream.linear.gather [hbm4b:s0+s2], $0x100, $0x38;
	[tilespmem:$0x15860] =	vst v63  }
0x125: {  	s25 =	rddreg [dreg:$0x15]  }
0x126: {  	s0 =	sadd.s32 s18, s25;
	s25 =	simm.s32 $0x1160  }
0x127: {  	[tilespmem:s25], [sflag:$0xE] =	stream.linear.gather [hbm4b:s0+s2], $0x100, $0x38;
	[tilespmem:$0x15860] =	vst v63  }
0x128: {  	s25 =	sadd.s32 $0x200, s23  }
0x129: {  	s0 =	sadd.s32 $0x210, s23;
	v17 =	vor.u32 s25, v0  }
0x12a: {  	v19 =	vor.u32 s0, v0;
	s25 =	sadd.s32 $0x220, s23;
	s0 =	sadd.s32 $0x230, s23;
	v18 =	vmulhi.u32 $0x51EB851F, v17  }
0x12b: {  	v31 =	vmulhi.u32 $0x51EB851F, v19;
	v34 =	vor.u32 s25, v0;
	v35 =	vor.u32 s0, v0;
	s25 =	sadd.s32 $0x240, s23;
	s0 =	sadd.s32 $0x250, s23  }
0x12c: {  	v37 =	vmulhi.u32 $0x51EB851F, v35;
	v38 =	vor.u32 s25, v0;
	v40 =	vor.u32 s0, v0  }
0x12d: {  	s25 =	sadd.s32 $0x260, s23;
	s0 =	sadd.s32 $0x270, s23;
	v18 =	vshrl.u32 v18, $0x6;
	v20 =	vshrl.u32 v31, $0x6;
	v39 =	vmulhi.u32 $0x51EB851F, v38  }
0x12e: {  	v41 =	vmulhi.u32 $0x51EB851F, v40;
	v43 =	vor.u32 s25, v0;
	v50 =	vor.u32 s0, v0  }
0x12f: {  	s25 =	sadd.s32 $0x280, s23;
	v18 =	vmul.u32 $0xC8, v18;
	v20 =	vmul.u32 $0xC8, v20;
	v45 =	vmulhi.u32 $0x51EB851F, v43  }
0x130: {  	_ =	swait.ge [sflag:s19], $0x100;
	s0 =	sadd.s32 $0x290, s23;
	v22 =	vshrl.u32 v37, $0x6;
	v51 =	vmulhi.u32 $0x51EB851F, v50;
	v53 =	vor.u32 s25, v0  }
0x131: {  	[sflag:s19] =	ssyncset.done $0x0;
	v55 =	vor.u32 s0, v0;
	v22 =	vmul.u32 $0xC8, v22;
	v54 =	vmulhi.u32 $0x51EB851F, v53  }
0x132: {  	[sflag:s19] =	ssyncadd.s32 $0xFFFFFF00;
	s25 =	sadd.s32 $0x2A0, s23;
	s0 =	sadd.s32 $0x2B0, s23;
	v23 =	vshrl.u32 v39, $0x6;
	v26 =	vshrl.u32 v41, $0x6;
	v56 =	vmulhi.u32 $0x51EB851F, v55  }
0x133: {  	_ =	swait.ge [sflag:s19], $0x100;
	v57 =	vor.u32 s25, v0;
	v37 =	vor.u32 s0, v0;
	v17 =	vsub.s32 v17, v18  }
0x134: {  	[sflag:s19] =	ssyncset.done $0x0;
	v18 =	vmulhi.u32 $0x51EB851F, v34;
	v19 =	vsub.s32 v19, v20;
	v23 =	vmul.u32 $0xC8, v23  }
0x135: {  	[sflag:s19] =	ssyncadd.s32 $0xFFFFFF00;
	v46 =	vmul.u32 $0xC8, v26;
	v48 =	vshrl.u32 v45, $0x6;
	v27 =	vshrl.u32 v51, $0x6  }
0x136: {  	v32 =	vld [tilespmem:$0x1060];
	v59 =	vmulhi.u32 $0x51EB851F, v57;
	v17 =	vmul.u32 $0x3, v17;
	v19 =	vmul.u32 $0x3, v19  }
0x137: {  	v33 =	vld [tilespmem:$0x1070];
	v20 =	vsub.s32 v35, v22;
	v24 =	vmul.u32 $0xC8, v48;
	v27 =	vmul.u32 $0xC8, v27  }
0x138: {  	v42 =	vld [tilespmem:$0x1090];
	v28 =	vshrl.u32 v54, $0x6;
	v30 =	vshrl.u32 v56, $0x6;
	v18 =	vshrl.u32 v18, $0x6  }
0x139: {  	v44 =	vld [tilespmem:$0x10A0];
	v20 =	vmul.u32 $0x3, v20;
	v23 =	vsub.s32 v38, v23;
	v21 =	vsub.s32 v40, v46  }
0x13a: {  	v47 =	vld [tilespmem:$0x10B0];
	v60 =	vmul.u32 $0xC8, v28;
	v30 =	vmul.u32 $0xC8, v30;
	v38 =	vmulhi.u32 $0x51EB851F, v37  }
0x13b: {  	v18 =	vmul.u32 $0xC8, v18;
	v23 =	vmul.u32 $0x3, v23;
	v24 =	vsub.s32 v43, v24  }
0x13c: {  	v21 =	vmul.u32 $0x3, v21;
	v26 =	vsub.s32 v50, v27;
	v52 =	vmul.u32 $0x3, v24  }
0x13d: {  	v49 =	vld [tilespmem:$0x10C0];
	v26 =	vmul.u32 $0x3, v26;
	v24 =	vsub.s32 v53, v60;
	v29 =	vsub.s32 v55, v30  }
0x13e: {  	v17 =	vadd.s32 v17, v32;
	v19 =	vadd.s32 v19, v33;
	v18 =	vsub.s32 v34, v18  }
0x13f: {  	v58 =	vld [tilespmem:$0x10D0];
	v20 =	vadd.s32 v20, v42;
	v23 =	vadd.s32 v23, v44;
	v21 =	vadd.s32 v21, v47  }
0x140: {  	s25 =	sadd.s32 $0x2C0, s23;
	s0 =	sadd.s32 $0x2D0, s23;
	v61 =	vld [tilespmem:$0x10E0];
	v32 =	vshrl.u32 v59, $0x6;
	v24 =	vmul.u32 $0x3, v24;
	v39 =	vmul.u32 $0x3, v29  }
0x141: {  	v36 =	vld [tilespmem:$0x1080];
	v42 =	vshrl.u32 v38, $0x6;
	v44 =	vor.u32 s25, v0;
	v47 =	vor.u32 s0, v0  }
0x142: {  	s25 =	sadd.s32 $0x2E0, s23;
	v18 =	vmul.u32 $0x3, v18;
	v22 =	vadd.s32 v52, v49;
	[tilespmem:$0x1560] =	vst v17;
	v46 =	vmulhi.u32 $0x51EB851F, v44  }
0x143: {  	v62 =	vld [tilespmem:$0x10F0];
	s0 =	sadd.s32 $0x2F0, s23;
	v63 =	vmul.u32 $0xC8, v32;
	[tilespmem:$0x1570] =	vst v19;
	v49 =	vmulhi.u32 $0x51EB851F, v47;
	v50 =	vor.u32 s25, v0  }
0x144: {  	v43 =	vmul.u32 $0xC8, v42;
	[tilespmem:$0x1590] =	vst v20;
	v53 =	vor.u32 s0, v0;
	v52 =	vmulhi.u32 $0x51EB851F, v50  }
0x145: {  	v17 =	vadd.s32 v26, v58;
	[tilespmem:$0x15A0] =	vst v23;
	v19 =	vadd.s32 v24, v61;
	v56 =	vmulhi.u32 $0x51EB851F, v53  }
0x146: {  	v51 =	vld [tilespmem:$0x1110];
	[tilespmem:$0x15B0] =	vst v21;
	v18 =	vadd.s32 v18, v36;
	v40 =	vsub.s32 v57, v63;
	v48 =	vsub.s32 v37, v43  }
0x147: {  	[tilespmem:$0x15D0] =	vst v17;
	v36 =	vld [tilespmem:$0x1100];
	v24 =	vshrl.u32 v46, $0x6;
	v25 =	vshrl.u32 v49, $0x6;
	v41 =	vmul.u32 $0x3, v40  }
0x148: {  	v55 =	vld [tilespmem:$0x1120];
	[tilespmem:$0x1580] =	vst v18;
	v18 =	vadd.s32 v39, v62;
	v54 =	vmul.u32 $0xC8, v24;
	v17 =	vmul.u32 $0x3, v48  }
0x149: {  	v58 =	vld [tilespmem:$0x1130];
	[tilespmem:$0x15C0] =	vst v22;
	v57 =	vmul.u32 $0xC8, v25;
	v29 =	vshrl.u32 v52, $0x6;
	v61 =	vshrl.u32 v56, $0x6  }
0x14a: {  	v60 =	vld [tilespmem:$0x1140];
	[tilespmem:$0x15E0] =	vst v19;
	v59 =	vmul.u32 $0xC8, v29;
	v62 =	vmul.u32 $0xC8, v61;
	v19 =	vsub.s32 v44, v54  }
0x14b: {  	v63 =	vld [tilespmem:$0x1150];
	[tilespmem:$0x15F0] =	vst v18;
	v17 =	vadd.s32 v17, v51;
	v18 =	vmul.u32 $0x3, v19;
	v19 =	vsub.s32 v47, v57  }
0x14c: {  	v29 =	vsub.s32 v50, v59;
	[tilespmem:$0x1610] =	vst v17;
	v45 =	vadd.s32 v41, v36;
	v19 =	vmul.u32 $0x3, v19  }
0x14d: {  	v30 =	vsub.s32 v53, v62;
	[tilespmem:$0x1600] =	vst v45;
	v17 =	vadd.s32 v18, v55;
	v18 =	vmul.u32 $0x3, v29  }
0x14e: {  	[tilespmem:$0x1620] =	vst v17;
	v17 =	vadd.s32 v19, v58;
	v19 =	vmul.u32 $0x3, v30  }
0x14f: {  	[tilespmem:$0x1630] =	vst v17;
	v17 =	vadd.s32 v18, v60  }
0x150: {  	[tilespmem:$0x1640] =	vst v17;
	v17 =	vadd.s32 v19, v63  }
0x151: {  	s24 =	simm.s32 @!p1 $0x8;
	[tilespmem:$0x1650] =	vst v17  }
0x152: {  	_ =	swait.ge @!p1 [sflag:s24], $0x4000  }
0x153: {  	[sflag:s24] =	ssyncset.done @!p1 $0x0  }
0x154: {  	[sflag:s24] =	ssyncadd.s32 @!p1 $0xFFFFC000  }
0x155: {  	v17 =	vld [tilespmem:$0xB60];
	_ =	sdelay $0x7  }
0x156: {  	[tilespmem:s20], [sflag:$0x3] =	stream.indirect_vreg.gather [hbm4b:s5+s2], $0x40, v17, vm0, $0xb8;
	[tilespmem:$0x15860] =	vst v63  }
0x157: {  	v17 =	vld [tilespmem:$0xB70];
	_ =	sdelay $0x6  }
0x158: {  	s25 =	simm.s32 $0x9C60  }
0x159: {  	[tilespmem:s25], [sflag:$0x3] =	stream.indirect_vreg.gather [hbm4b:s5+s2], $0x40, v17, vm0, $0xb8;
	[tilespmem:$0x15860] =	vst v63  }
0x15a: {  	v17 =	vld [tilespmem:$0xB80];
	_ =	sdelay $0x6  }
0x15b: {  	s24 =	simm.s32 $0xA060  }
0x15c: {  	[tilespmem:s24], [sflag:$0x3] =	stream.indirect_vreg.gather [hbm4b:s5+s2], $0x40, v17, vm0, $0xb8;
	[tilespmem:$0x15860] =	vst v63  }
0x15d: {  	v17 =	vld [tilespmem:$0xB90];
	_ =	sdelay $0x6  }
0x15e: {  	s25 =	simm.s32 $0xA460  }
0x15f: {  	[tilespmem:s25], [sflag:$0x3] =	stream.indirect_vreg.gather [hbm4b:s5+s2], $0x40, v17, vm0, $0xb8;
	[tilespmem:$0x15860] =	vst v63  }
0x160: {  	v17 =	vld [tilespmem:$0xBA0];
	_ =	sdelay $0x6  }
0x161: {  	s24 =	simm.s32 $0xA860  }
0x162: {  	[tilespmem:s24], [sflag:$0x3] =	stream.indirect_vreg.gather [hbm4b:s5+s2], $0x40, v17, vm0, $0xb8;
	[tilespmem:$0x15860] =	vst v63  }
0x163: {  	v17 =	vld [tilespmem:$0xBB0];
	_ =	sdelay $0x6  }
0x164: {  	s25 =	simm.s32 $0xAC60  }
0x165: {  	[tilespmem:s25], [sflag:$0x3] =	stream.indirect_vreg.gather [hbm4b:s5+s2], $0x40, v17, vm0, $0xb8;
	[tilespmem:$0x15860] =	vst v63  }
0x166: {  	v17 =	vld [tilespmem:$0xBC0];
	_ =	sdelay $0x6  }
0x167: {  	s24 =	simm.s32 $0xB060  }
0x168: {  	[tilespmem:s24], [sflag:$0x3] =	stream.indirect_vreg.gather [hbm4b:s5+s2], $0x40, v17, vm0, $0xb8;
	[tilespmem:$0x15860] =	vst v63  }
0x169: {  	v17 =	vld [tilespmem:$0xBD0];
	_ =	sdelay $0x6  }
0x16a: {  	s25 =	simm.s32 $0xB460  }
0x16b: {  	[tilespmem:s25], [sflag:$0x3] =	stream.indirect_vreg.gather [hbm4b:s5+s2], $0x40, v17, vm0, $0xb8;
	[tilespmem:$0x15860] =	vst v63  }
0x16c: {  	v17 =	vld [tilespmem:$0xBE0];
	_ =	sdelay $0x6  }
0x16d: {  	s24 =	simm.s32 $0xB860  }
0x16e: {  	[tilespmem:s24], [sflag:$0x3] =	stream.indirect_vreg.gather [hbm4b:s5+s2], $0x40, v17, vm0, $0xb8;
	[tilespmem:$0x15860] =	vst v63  }
0x16f: {  	v17 =	vld [tilespmem:$0xBF0];
	_ =	sdelay $0x6  }
0x170: {  	s25 =	simm.s32 $0xBC60  }
0x171: {  	[tilespmem:s25], [sflag:$0x3] =	stream.indirect_vreg.gather [hbm4b:s5+s2], $0x40, v17, vm0, $0xb8;
	[tilespmem:$0x15860] =	vst v63  }
0x172: {  	v17 =	vld [tilespmem:$0xC00];
	_ =	sdelay $0x6  }
0x173: {  	s24 =	simm.s32 $0xC060  }
0x174: {  	[tilespmem:s24], [sflag:$0x3] =	stream.indirect_vreg.gather [hbm4b:s5+s2], $0x40, v17, vm0, $0xb8;
	[tilespmem:$0x15860] =	vst v63  }
0x175: {  	v17 =	vld [tilespmem:$0xC10];
	_ =	sdelay $0x6  }
0x176: {  	s25 =	simm.s32 $0xC460  }
0x177: {  	[tilespmem:s25], [sflag:$0x3] =	stream.indirect_vreg.gather [hbm4b:s5+s2], $0x40, v17, vm0, $0xb8;
	[tilespmem:$0x15860] =	vst v63  }
0x178: {  	v17 =	vld [tilespmem:$0xC20];
	_ =	sdelay $0x6  }
0x179: {  	s24 =	simm.s32 $0xC860  }
0x17a: {  	[tilespmem:s24], [sflag:$0x3] =	stream.indirect_vreg.gather [hbm4b:s5+s2], $0x40, v17, vm0, $0xb8;
	[tilespmem:$0x15860] =	vst v63  }
0x17b: {  	v17 =	vld [tilespmem:$0xC30];
	_ =	sdelay $0x6  }
0x17c: {  	s25 =	simm.s32 $0xCC60  }
0x17d: {  	[tilespmem:s25], [sflag:$0x3] =	stream.indirect_vreg.gather [hbm4b:s5+s2], $0x40, v17, vm0, $0xb8;
	[tilespmem:$0x15860] =	vst v63  }
0x17e: {  	v17 =	vld [tilespmem:$0xC40];
	_ =	sdelay $0x6  }
0x17f: {  	s24 =	simm.s32 $0xD060  }
0x180: {  	[tilespmem:s24], [sflag:$0x3] =	stream.indirect_vreg.gather [hbm4b:s5+s2], $0x40, v17, vm0, $0xb8;
	[tilespmem:$0x15860] =	vst v63  }
0x181: {  	v17 =	vld [tilespmem:$0xC50];
	_ =	sdelay $0x6  }
0x182: {  	s25 =	simm.s32 $0xD460  }
0x183: {  	[tilespmem:s25], [sflag:$0x3] =	stream.indirect_vreg.gather [hbm4b:s5+s2], $0x40, v17, vm0, $0xb8;
	[tilespmem:$0x15860] =	vst v63  }
0x184: {  	_ =	swait.ge [sflag:s26], $0x4000  }
0x185: {  	[sflag:s26] =	ssyncset.done $0x0  }
0x186: {  	s24 =	simm.s32 $0x1460;
	[sflag:s26] =	ssyncadd.s32 $0xFFFFC000  }
0x187: {  	[tilespmem:s7], [sflag:$0x10] =	stream.indirect.gather.add.f32 [spmem:s1], $0x40, s24, s9, $0xb8;
	[tilespmem:$0x15860] =	vst v63  }
0x188: {  	_ =	swait.ge [sflag:s12], $0x4000  }
0x189: {  	[sflag:s12] =	ssyncset.done $0x0  }
0x18a: {  	s25 =	rddreg [dreg:$0x11];
	[sflag:s12] =	ssyncadd.s32 $0xFFFFC000  }
0x18b: {  	[hbm4b:s11+s2] =	stream.linear.scatter [tilespmem:s7], [sflag:$0x7], $0x4000, $0x38;
	[tilespmem:$0x15860] =	vst v63  }
0x18c: {  	s0 =	sadd.s32 s18, s25;
	s7 =	simm.s32 $0xD60  }
0x18d: {  	[tilespmem:s7], [sflag:$0xF] =	stream.linear.gather [hbm4b:s0+s2], $0x100, $0x38;
	[tilespmem:$0x15860] =	vst v63  }
0x18e: {  	s25 =	rddreg [dreg:$0x10];
	s0 =	sadd.s32 $0x300, s23  }
0x18f: {  	s7 =	sadd.s32 s18, s25;
	s25 =	simm.s32 $0x1260;
	v17 =	vor.u32 s0, v0;
	s0 =	sadd.s32 $0x330, s23  }
0x190: {  	[tilespmem:s25], [sflag:$0xF] =	stream.linear.gather [hbm4b:s7+s2], $0x100, $0x38;
	[tilespmem:$0x15860] =	vst v63  }
0x191: {  	s7 =	sadd.s32 $0x310, s23;
	v18 =	vmulhi.u32 $0x51EB851F, v17;
	s25 =	sadd.s32 $0x320, s23;
	v35 =	vor.u32 s0, v0  }
0x192: {  	s0 =	sadd.s32 $0x360, s23;
	v19 =	vor.u32 s7, v0;
	v34 =	vor.u32 s25, v0;
	v37 =	vmulhi.u32 $0x51EB851F, v35  }
0x193: {  	s7 =	sadd.s32 $0x340, s23;
	s25 =	sadd.s32 $0x350, s23;
	v43 =	vor.u32 s0, v0;
	v31 =	vmulhi.u32 $0x51EB851F, v19;
	v18 =	vshrl.u32 v18, $0x6  }
0x194: {  	s0 =	sadd.s32 $0x390, s23;
	v38 =	vor.u32 s7, v0;
	v40 =	vor.u32 s25, v0;
	v45 =	vmulhi.u32 $0x51EB851F, v43  }
0x195: {  	s7 =	sadd.s32 $0x370, s23;
	v55 =	vor.u32 s0, v0;
	v18 =	vmul.u32 $0xC8, v18;
	v39 =	vmulhi.u32 $0x51EB851F, v38  }
0x196: {  	s25 =	sadd.s32 $0x380, s23;
	v22 =	vshrl.u32 v37, $0x6;
	v41 =	vmulhi.u32 $0x51EB851F, v40;
	v50 =	vor.u32 s7, v0  }
0x197: {  	v53 =	vor.u32 s25, v0;
	v56 =	vmulhi.u32 $0x51EB851F, v55;
	v20 =	vshrl.u32 v31, $0x6  }
0x198: {  	_ =	swait.ge [sflag:s16], $0x100;
	s7 =	sadd.s32 $0x3A0, s23;
	s25 =	sadd.s32 $0x3B0, s23;
	v22 =	vmul.u32 $0xC8, v22;
	v48 =	vshrl.u32 v45, $0x6;
	v51 =	vmulhi.u32 $0x51EB851F, v50  }
0x199: {  	[sflag:s16] =	ssyncset.done $0x0;
	v54 =	vmulhi.u32 $0x51EB851F, v53;
	v57 =	vor.u32 s7, v0;
	v37 =	vor.u32 s25, v0  }
0x19a: {  	[sflag:s16] =	ssyncadd.s32 $0xFFFFFF00;
	v20 =	vmul.u32 $0xC8, v20;
	v17 =	vsub.s32 v17, v18;
	v18 =	vmulhi.u32 $0x51EB851F, v34  }
0x19b: {  	_ =	swait.ge [sflag:s16], $0x100;
	v23 =	vshrl.u32 v39, $0x6;
	v26 =	vshrl.u32 v41, $0x6;
	v24 =	vmul.u32 $0xC8, v48  }
0x19c: {  	[sflag:s16] =	ssyncset.done $0x0;
	v59 =	vmulhi.u32 $0x51EB851F, v57;
	v30 =	vshrl.u32 v56, $0x6;
	v17 =	vmul.u32 $0x3, v17  }
0x19d: {  	[sflag:s16] =	ssyncadd.s32 $0xFFFFFF00;
	v23 =	vmul.u32 $0xC8, v23;
	v46 =	vmul.u32 $0xC8, v26;
	v27 =	vshrl.u32 v51, $0x6  }
0x19e: {  	v28 =	vshrl.u32 v54, $0x6;
	v30 =	vmul.u32 $0xC8, v30;
	v32 =	vld [tilespmem:$0x1160];
	v19 =	vsub.s32 v19, v20  }
0x19f: {  	v33 =	vld [tilespmem:$0x1170];
	v18 =	vshrl.u32 v18, $0x6;
	v20 =	vsub.s32 v35, v22;
	v24 =	vsub.s32 v43, v24  }
0x1a0: {  	v42 =	vld [tilespmem:$0x1190];
	v27 =	vmul.u32 $0xC8, v27;
	v60 =	vmul.u32 $0xC8, v28;
	v19 =	vmul.u32 $0x3, v19  }
0x1a1: {  	v44 =	vld [tilespmem:$0x11A0];
	v18 =	vmul.u32 $0xC8, v18;
	v20 =	vmul.u32 $0x3, v20;
	v23 =	vsub.s32 v38, v23  }
0x1a2: {  	v47 =	vld [tilespmem:$0x11B0];
	v21 =	vsub.s32 v40, v46;
	v52 =	vmul.u32 $0x3, v24;
	v29 =	vsub.s32 v55, v30  }
0x1a3: {  	v49 =	vld [tilespmem:$0x11C0];
	v38 =	vmulhi.u32 $0x51EB851F, v37;
	v23 =	vmul.u32 $0x3, v23;
	v21 =	vmul.u32 $0x3, v21  }
0x1a4: {  	s25 =	sadd.s32 $0x3E0, s23;
	v36 =	vld [tilespmem:$0x1180];
	v26 =	vsub.s32 v50, v27;
	v24 =	vsub.s32 v53, v60;
	v39 =	vmul.u32 $0x3, v29  }
0x1a5: {  	v58 =	vld [tilespmem:$0x11D0];
	v50 =	vor.u32 s25, v0;
	v18 =	vsub.s32 v34, v18;
	v26 =	vmul.u32 $0x3, v26  }
0x1a6: {  	v61 =	vld [tilespmem:$0x11E0];
	v24 =	vmul.u32 $0x3, v24;
	v18 =	vmul.u32 $0x3, v18;
	v17 =	vadd.s32 v17, v32  }
0x1a7: {  	v19 =	vadd.s32 v19, v33;
	v20 =	vadd.s32 v20, v42;
	v23 =	vadd.s32 v23, v44  }
0x1a8: {  	s0 =	sadd.s32 $0x3C0, s23;
	s7 =	sadd.s32 $0x3D0, s23;
	v62 =	vld [tilespmem:$0x11F0];
	v21 =	vadd.s32 v21, v47;
	v22 =	vadd.s32 v52, v49;
	v32 =	vshrl.u32 v59, $0x6  }
0x1a9: {  	v42 =	vshrl.u32 v38, $0x6;
	v44 =	vor.u32 s0, v0;
	v47 =	vor.u32 s7, v0;
	[tilespmem:$0x1660] =	vst v17  }
0x1aa: {  	v52 =	vmulhi.u32 $0x51EB851F, v50;
	v18 =	vadd.s32 v18, v36;
	v63 =	vmul.u32 $0xC8, v32;
	[tilespmem:$0x1670] =	vst v19  }
0x1ab: {  	s0 =	sadd.s32 $0x3F0, s23;
	v17 =	vadd.s32 v26, v58;
	v19 =	vadd.s32 v24, v61;
	[tilespmem:$0x1690] =	vst v20;
	v46 =	vmulhi.u32 $0x51EB851F, v44  }
0x1ac: {  	v43 =	vmul.u32 $0xC8, v42;
	[tilespmem:$0x16A0] =	vst v23;
	v49 =	vmulhi.u32 $0x51EB851F, v47;
	v53 =	vor.u32 s0, v0  }
0x1ad: {  	v36 =	vld [tilespmem:$0x1200];
	[tilespmem:$0x1680] =	vst v18;
	v18 =	vadd.s32 v39, v62;
	v56 =	vmulhi.u32 $0x51EB851F, v53;
	v29 =	vshrl.u32 v52, $0x6  }
0x1ae: {  	v51 =	vld [tilespmem:$0x1210];
	[tilespmem:$0x16B0] =	vst v21;
	v40 =	vsub.s32 v57, v63;
	v48 =	vsub.s32 v37, v43;
	v24 =	vshrl.u32 v46, $0x6  }
0x1af: {  	v55 =	vld [tilespmem:$0x1220];
	[tilespmem:$0x16C0] =	vst v22;
	v25 =	vshrl.u32 v49, $0x6;
	v59 =	vmul.u32 $0xC8, v29;
	v54 =	vmul.u32 $0xC8, v24  }
0x1b0: {  	v58 =	vld [tilespmem:$0x1230];
	[tilespmem:$0x16D0] =	vst v17;
	v41 =	vmul.u32 $0x3, v40;
	v57 =	vmul.u32 $0xC8, v25;
	v61 =	vshrl.u32 v56, $0x6  }
0x1b1: {  	v60 =	vld [tilespmem:$0x1240];
	[tilespmem:$0x16E0] =	vst v19;
	v17 =	vmul.u32 $0x3, v48;
	v62 =	vmul.u32 $0xC8, v61;
	v19 =	vsub.s32 v44, v54  }
0x1b2: {  	[tilespmem:$0x16F0] =	vst v18;
	v63 =	vld [tilespmem:$0x1250];
	v45 =	vadd.s32 v41, v36;
	v18 =	vmul.u32 $0x3, v19;
	v19 =	vsub.s32 v47, v57  }
0x1b3: {  	v29 =	vsub.s32 v50, v59;
	v17 =	vadd.s32 v17, v51;
	[tilespmem:$0x1700] =	vst v45;
	v19 =	vmul.u32 $0x3, v19  }
0x1b4: {  	[tilespmem:$0x1710] =	vst v17;
	v30 =	vsub.s32 v53, v62;
	v17 =	vadd.s32 v18, v55;
	v18 =	vmul.u32 $0x3, v29  }
0x1b5: {  	[tilespmem:$0x1720] =	vst v17;
	v17 =	vadd.s32 v19, v58;
	v19 =	vmul.u32 $0x3, v30  }
0x1b6: {  	[tilespmem:$0x1730] =	vst v17;
	v17 =	vadd.s32 v18, v60  }
0x1b7: {  	[tilespmem:$0x1740] =	vst v17;
	v17 =	vadd.s32 v19, v63  }
0x1b8: {  	s24 =	simm.s32 @!p1 $0x9;
	[tilespmem:$0x1750] =	vst v17  }
0x1b9: {  	_ =	swait.ge @!p1 [sflag:s24], $0x4000  }
0x1ba: {  	[sflag:s24] =	ssyncset.done @!p1 $0x0  }
0x1bb: {  	[sflag:s24] =	ssyncadd.s32 @!p1 $0xFFFFC000  }
0x1bc: {  	v17 =	vld [tilespmem:$0xC60];
	_ =	sdelay $0x7  }
0x1bd: {  	[tilespmem:s21], [sflag:$0x4] =	stream.indirect_vreg.gather [hbm4b:s5+s2], $0x40, v17, vm0, $0xb8;
	[tilespmem:$0x15860] =	vst v63  }
0x1be: {  	v17 =	vld [tilespmem:$0xC70];
	_ =	sdelay $0x6  }
0x1bf: {  	s7 =	simm.s32 $0xDC60  }
0x1c0: {  	[tilespmem:s7], [sflag:$0x4] =	stream.indirect_vreg.gather [hbm4b:s5+s2], $0x40, v17, vm0, $0xb8;
	[tilespmem:$0x15860] =	vst v63  }
0x1c1: {  	v17 =	vld [tilespmem:$0xC80];
	_ =	sdelay $0x6  }
0x1c2: {  	s24 =	simm.s32 $0xE060  }
0x1c3: {  	[tilespmem:s24], [sflag:$0x4] =	stream.indirect_vreg.gather [hbm4b:s5+s2], $0x40, v17, vm0, $0xb8;
	[tilespmem:$0x15860] =	vst v63  }
0x1c4: {  	v17 =	vld [tilespmem:$0xC90];
	_ =	sdelay $0x6  }
0x1c5: {  	s25 =	simm.s32 $0xE460  }
0x1c6: {  	[tilespmem:s25], [sflag:$0x4] =	stream.indirect_vreg.gather [hbm4b:s5+s2], $0x40, v17, vm0, $0xb8;
	[tilespmem:$0x15860] =	vst v63  }
0x1c7: {  	v17 =	vld [tilespmem:$0xCA0];
	_ =	sdelay $0x6  }
0x1c8: {  	s7 =	simm.s32 $0xE860  }
0x1c9: {  	[tilespmem:s7], [sflag:$0x4] =	stream.indirect_vreg.gather [hbm4b:s5+s2], $0x40, v17, vm0, $0xb8;
	[tilespmem:$0x15860] =	vst v63  }
0x1ca: {  	v17 =	vld [tilespmem:$0xCB0];
	_ =	sdelay $0x6  }
0x1cb: {  	s24 =	simm.s32 $0xEC60  }
0x1cc: {  	[tilespmem:s24], [sflag:$0x4] =	stream.indirect_vreg.gather [hbm4b:s5+s2], $0x40, v17, vm0, $0xb8;
	[tilespmem:$0x15860] =	vst v63  }
0x1cd: {  	v17 =	vld [tilespmem:$0xCC0];
	_ =	sdelay $0x6  }
0x1ce: {  	s25 =	simm.s32 $0xF060  }
0x1cf: {  	[tilespmem:s25], [sflag:$0x4] =	stream.indirect_vreg.gather [hbm4b:s5+s2], $0x40, v17, vm0, $0xb8;
	[tilespmem:$0x15860] =	vst v63  }
0x1d0: {  	v17 =	vld [tilespmem:$0xCD0];
	_ =	sdelay $0x6  }
0x1d1: {  	s7 =	simm.s32 $0xF460  }
0x1d2: {  	[tilespmem:s7], [sflag:$0x4] =	stream.indirect_vreg.gather [hbm4b:s5+s2], $0x40, v17, vm0, $0xb8;
	[tilespmem:$0x15860] =	vst v63  }
0x1d3: {  	v17 =	vld [tilespmem:$0xCE0];
	_ =	sdelay $0x6  }
0x1d4: {  	s24 =	simm.s32 $0xF860  }
0x1d5: {  	[tilespmem:s24], [sflag:$0x4] =	stream.indirect_vreg.gather [hbm4b:s5+s2], $0x40, v17, vm0, $0xb8;
	[tilespmem:$0x15860] =	vst v63  }
0x1d6: {  	v17 =	vld [tilespmem:$0xCF0];
	_ =	sdelay $0x6  }
0x1d7: {  	s25 =	simm.s32 $0xFC60  }
0x1d8: {  	[tilespmem:s25], [sflag:$0x4] =	stream.indirect_vreg.gather [hbm4b:s5+s2], $0x40, v17, vm0, $0xb8;
	[tilespmem:$0x15860] =	vst v63  }
0x1d9: {  	v17 =	vld [tilespmem:$0xD00];
	_ =	sdelay $0x6  }
0x1da: {  	s7 =	simm.s32 $0x10060  }
0x1db: {  	[tilespmem:s7], [sflag:$0x4] =	stream.indirect_vreg.gather [hbm4b:s5+s2], $0x40, v17, vm0, $0xb8;
	[tilespmem:$0x15860] =	vst v63  }
0x1dc: {  	v17 =	vld [tilespmem:$0xD10];
	_ =	sdelay $0x6  }
0x1dd: {  	s24 =	simm.s32 $0x10460  }
0x1de: {  	[tilespmem:s24], [sflag:$0x4] =	stream.indirect_vreg.gather [hbm4b:s5+s2], $0x40, v17, vm0, $0xb8;
	[tilespmem:$0x15860] =	vst v63  }
0x1df: {  	v17 =	vld [tilespmem:$0xD20];
	_ =	sdelay $0x6  }
0x1e0: {  	s25 =	simm.s32 $0x10860  }
0x1e1: {  	[tilespmem:s25], [sflag:$0x4] =	stream.indirect_vreg.gather [hbm4b:s5+s2], $0x40, v17, vm0, $0xb8;
	[tilespmem:$0x15860] =	vst v63  }
0x1e2: {  	v17 =	vld [tilespmem:$0xD30];
	_ =	sdelay $0x6  }
0x1e3: {  	s7 =	simm.s32 $0x10C60  }
0x1e4: {  	[tilespmem:s7], [sflag:$0x4] =	stream.indirect_vreg.gather [hbm4b:s5+s2], $0x40, v17, vm0, $0xb8;
	[tilespmem:$0x15860] =	vst v63  }
0x1e5: {  	v17 =	vld [tilespmem:$0xD40];
	_ =	sdelay $0x6  }
0x1e6: {  	s24 =	simm.s32 $0x11060  }
0x1e7: {  	[tilespmem:s24], [sflag:$0x4] =	stream.indirect_vreg.gather [hbm4b:s5+s2], $0x40, v17, vm0, $0xb8;
	[tilespmem:$0x15860] =	vst v63  }
0x1e8: {  	v17 =	vld [tilespmem:$0xD50];
	_ =	sdelay $0x6  }
0x1e9: {  	s25 =	simm.s32 $0x11460  }
0x1ea: {  	[tilespmem:s25], [sflag:$0x4] =	stream.indirect_vreg.gather [hbm4b:s5+s2], $0x40, v17, vm0, $0xb8;
	[tilespmem:$0x15860] =	vst v63  }
0x1eb: {  	_ =	swait.ge [sflag:s30], $0x4000  }
0x1ec: {  	[sflag:s30] =	ssyncset.done $0x0  }
0x1ed: {  	p2 =	seq.s32 s22, $0x5F00;
	s7 =	simm.s32 $0x1560;
	[sflag:s30] =	ssyncadd.s32 $0xFFFFC000  }
0x1ee: {  	[tilespmem:s20], [sflag:$0x10] =	stream.indirect.gather.add.f32 [spmem:s1], $0x40, s7, s9, $0xb8;
	[tilespmem:$0x15860] =	vst v63  }
0x1ef: {  	s24 =	sadd.s32 @!p2 s22, s10;
	_ =	swait.ge [sflag:s12], $0x4000  }
0x1f0: {  	s24 =	sadd.s32 @!p2 $0x500, s24;
	[sflag:s12] =	ssyncset.done $0x0  }
0x1f1: {  	s24 =	sshrl.u32 @!p2 s24, $0x3;
	s0 =	rddreg [dreg:$0x4];
	[sflag:s12] =	ssyncadd.s32 $0xFFFFC000  }
0x1f2: {  	[hbm4b:s29+s2] =	stream.linear.scatter [tilespmem:s20], [sflag:$0x8], $0x4000, $0x38;
	[tilespmem:$0x15860] =	vst v63  }
0x1f3: {  	s7 =	simm.s32 @!p2 $0x960;
	s25 =	sadd.s32 @!p2 s0, s24;
	s0 =	simm.s32 @!p2 $0x0  }
0x1f4: {  	[tilespmem:s7], [sflag:$0xB] =	stream.linear.gather @!p2 [hbm4b:s25+s0], $0x100, $0x38;
	[tilespmem:$0x15860] =	vst v63  }
0x1f5: {  	s7 =	rddreg [dreg:$0x5];
	s25 =	sadd.s32 $0x410, s23  }
0x1f6: {  	s7 =	sadd.s32 @!p2 s7, s24;
	s24 =	simm.s32 @!p2 $0xE60;
	v19 =	vor.u32 s25, v0;
	s25 =	sadd.s32 $0x440, s23  }
0x1f7: {  	[tilespmem:s24], [sflag:$0xB] =	stream.linear.gather @!p2 [hbm4b:s7+s0], $0x100, $0x38;
	[tilespmem:$0x15860] =	vst v63  }
0x1f8: {  	s24 =	sadd.s32 $0x400, s23;
	v31 =	vmulhi.u32 $0x51EB851F, v19;
	s7 =	sadd.s32 $0x420, s23;
	v38 =	vor.u32 s25, v0  }
0x1f9: {  	s25 =	sadd.s32 $0x470, s23;
	v17 =	vor.u32 s24, v0;
	v34 =	vor.u32 s7, v0;
	v39 =	vmulhi.u32 $0x51EB851F, v38  }
0x1fa: {  	s24 =	sadd.s32 $0x430, s23;
	s7 =	sadd.s32 $0x450, s23;
	v50 =	vor.u32 s25, v0;
	v18 =	vmulhi.u32 $0x51EB851F, v17;
	v20 =	vshrl.u32 v31, $0x6  }
0x1fb: {  	s25 =	sadd.s32 $0x4A0, s23;
	v35 =	vor.u32 s24, v0;
	v40 =	vor.u32 s7, v0;
	v51 =	vmulhi.u32 $0x51EB851F, v50  }
0x1fc: {  	s24 =	sadd.s32 $0x460, s23;
	v57 =	vor.u32 s25, v0;
	v20 =	vmul.u32 $0xC8, v20;
	v37 =	vmulhi.u32 $0x51EB851F, v35  }
0x1fd: {  	s7 =	sadd.s32 $0x480, s23;
	v41 =	vmulhi.u32 $0x51EB851F, v40;
	v23 =	vshrl.u32 v39, $0x6;
	v43 =	vor.u32 s24, v0  }
0x1fe: {  	v53 =	vor.u32 s7, v0;
	v59 =	vmulhi.u32 $0x51EB851F, v57;
	v18 =	vshrl.u32 v18, $0x6  }
0x1ff: {  	s24 =	sadd.s32 $0x490, s23;
	v23 =	vmul.u32 $0xC8, v23;
	v45 =	vmulhi.u32 $0x51EB851F, v43;
	v27 =	vshrl.u32 v51, $0x6  }
0x200: {  	_ =	swait.ge [sflag:s14], $0x100;
	v54 =	vmulhi.u32 $0x51EB851F, v53;
	v55 =	vor.u32 s24, v0;
	v18 =	vmul.u32 $0xC8, v18  }
0x201: {  	[sflag:s14] =	ssyncset.done $0x0;
	s7 =	sadd.s32 $0x4B0, s23;
	v19 =	vsub.s32 v19, v20;
	v22 =	vshrl.u32 v37, $0x6;
	v26 =	vshrl.u32 v41, $0x6  }
0x202: {  	[sflag:s14] =	ssyncadd.s32 $0xFFFFFF00;
	v27 =	vmul.u32 $0xC8, v27;
	v56 =	vmulhi.u32 $0x51EB851F, v55;
	v37 =	vor.u32 s7, v0  }
0x203: {  	_ =	swait.ge [sflag:s14], $0x100;
	v19 =	vmul.u32 $0x3, v19;
	v22 =	vmul.u32 $0xC8, v22;
	v46 =	vmul.u32 $0xC8, v26  }
0x204: {  	[sflag:s14] =	ssyncset.done $0x0;
	v23 =	vsub.s32 v38, v23;
	v48 =	vshrl.u32 v45, $0x6;
	v38 =	vmulhi.u32 $0x51EB851F, v37  }
0x205: {  	[sflag:s14] =	ssyncadd.s32 $0xFFFFFF00;
	v28 =	vshrl.u32 v54, $0x6;
	v17 =	vsub.s32 v17, v18;
	v18 =	vmulhi.u32 $0x51EB851F, v34  }
0x206: {  	v32 =	vld [tilespmem:$0x1260];
	v23 =	vmul.u32 $0x3, v23;
	v24 =	vmul.u32 $0xC8, v48;
	v26 =	vsub.s32 v50, v27  }
0x207: {  	v33 =	vld [tilespmem:$0x1270];
	v60 =	vmul.u32 $0xC8, v28;
	v30 =	vshrl.u32 v56, $0x6;
	v17 =	vmul.u32 $0x3, v17  }
0x208: {  	s25 =	sadd.s32 $0x4D0, s23;
	v42 =	vld [tilespmem:$0x1290];
	v20 =	vsub.s32 v35, v22;
	v21 =	vsub.s32 v40, v46;
	v26 =	vmul.u32 $0x3, v26  }
0x209: {  	v44 =	vld [tilespmem:$0x12A0];
	v30 =	vmul.u32 $0xC8, v30;
	v46 =	vor.u32 s25, v0;
	v18 =	vshrl.u32 v18, $0x6  }
0x20a: {  	s24 =	sadd.s32 $0x4C0, s23;
	v47 =	vld [tilespmem:$0x12B0];
	v20 =	vmul.u32 $0x3, v20;
	v21 =	vmul.u32 $0x3, v21;
	v24 =	vsub.s32 v43, v24  }
0x20b: {  	v49 =	vld [tilespmem:$0x12C0];
	v43 =	vor.u32 s24, v0;
	v48 =	vmulhi.u32 $0x51EB851F, v46;
	v18 =	vmul.u32 $0xC8, v18  }
0x20c: {  	v58 =	vld [tilespmem:$0x12D0];
	v52 =	vmul.u32 $0x3, v24;
	v24 =	vsub.s32 v53, v60;
	v29 =	vsub.s32 v55, v30  }
0x20d: {  	v61 =	vld [tilespmem:$0x12E0];
	v45 =	vmulhi.u32 $0x51EB851F, v43;
	v24 =	vmul.u32 $0x3, v24;
	v40 =	vmul.u32 $0x3, v29  }
0x20e: {  	v17 =	vadd.s32 v17, v32;
	v19 =	vadd.s32 v19, v33;
	v18 =	vsub.s32 v34, v18  }
0x20f: {  	v36 =	vld [tilespmem:$0x1280];
	v20 =	vadd.s32 v20, v42;
	v23 =	vadd.s32 v23, v44;
	v21 =	vadd.s32 v21, v47  }
0x210: {  	s7 =	sadd.s32 $0x4E0, s23;
	s24 =	sadd.s32 $0x4F0, s23;
	v22 =	vadd.s32 v52, v49;
	v32 =	vshrl.u32 v59, $0x6;
	v42 =	vshrl.u32 v38, $0x6;
	[tilespmem:$0x1760] =	vst v17  }
0x211: {  	v62 =	vld [tilespmem:$0x12F0];
	v49 =	vor.u32 s7, v0;
	v52 =	vor.u32 s24, v0;
	v18 =	vmul.u32 $0x3, v18;
	[tilespmem:$0x1770] =	vst v19  }
0x212: {  	v63 =	vmul.u32 $0xC8, v32;
	v17 =	vadd.s32 v26, v58;
	v19 =	vadd.s32 v24, v61;
	[tilespmem:$0x1790] =	vst v20  }
0x213: {  	v25 =	vmul.u32 $0xC8, v42;
	[tilespmem:$0x17A0] =	vst v23;
	v24 =	vshrl.u32 v45, $0x6;
	v51 =	vmulhi.u32 $0x51EB851F, v49  }
0x214: {  	v50 =	vld [tilespmem:$0x1310];
	[tilespmem:$0x17B0] =	vst v21;
	v55 =	vmulhi.u32 $0x51EB851F, v52;
	v53 =	vmul.u32 $0xC8, v24;
	v18 =	vadd.s32 v18, v36  }
0x215: {  	v54 =	vld [tilespmem:$0x1320];
	[tilespmem:$0x17D0] =	vst v17;
	v39 =	vsub.s32 v57, v63;
	v47 =	vsub.s32 v37, v25;
	v25 =	vshrl.u32 v48, $0x6  }
0x216: {  	v36 =	vld [tilespmem:$0x1300];
	v29 =	vshrl.u32 v51, $0x6;
	v60 =	vshrl.u32 v55, $0x6;
	[tilespmem:$0x1780] =	vst v18;
	v18 =	vadd.s32 v40, v62  }
0x217: {  	[tilespmem:$0x17E0] =	vst v19;
	v57 =	vld [tilespmem:$0x1330];
	v17 =	vmul.u32 $0x3, v47;
	v56 =	vmul.u32 $0xC8, v25;
	v19 =	vsub.s32 v43, v53  }
0x218: {  	v59 =	vld [tilespmem:$0x1340];
	v41 =	vmul.u32 $0x3, v39;
	v58 =	vmul.u32 $0xC8, v29;
	[tilespmem:$0x17F0] =	vst v18;
	v18 =	vmul.u32 $0x3, v19  }
0x219: {  	[tilespmem:$0x17C0] =	vst v22;
	v61 =	vmul.u32 $0xC8, v60;
	v62 =	vld [tilespmem:$0x1350];
	v19 =	vsub.s32 v46, v56;
	v17 =	vadd.s32 v17, v50  }
0x21a: {  	v63 =	vsub.s32 v49, v58;
	v19 =	vmul.u32 $0x3, v19;
	[tilespmem:$0x1810] =	vst v17;
	v17 =	vadd.s32 v18, v54  }
0x21b: {  	v18 =	vsub.s32 v52, v61;
	v20 =	vmul.u32 $0x3, v63;
	v44 =	vadd.s32 v41, v36;
	[tilespmem:$0x1820] =	vst v17  }
0x21c: {  	v18 =	vmul.u32 $0x3, v18;
	[tilespmem:$0x1800] =	vst v44;
	v17 =	vadd.s32 v19, v57  }
0x21d: {  	[tilespmem:$0x1830] =	vst v17;
	v17 =	vadd.s32 v20, v59  }
0x21e: {  	[tilespmem:$0x1840] =	vst v17;
	v17 =	vadd.s32 v18, v62  }
0x21f: {  	s0 =	simm.s32 @!p1 $0xA;
	[tilespmem:$0x1850] =	vst v17  }
0x220: {  	_ =	swait.ge @!p1 [sflag:s0], $0x4000  }
0x221: {  	[sflag:s0] =	ssyncset.done @!p1 $0x0  }
0x222: {  	[sflag:s0] =	ssyncadd.s32 @!p1 $0xFFFFC000  }
0x223: {  	v17 =	vld [tilespmem:$0xD60];
	_ =	sdelay $0x7  }
0x224: {  	[tilespmem:s28], [sflag:$0x5] =	stream.indirect_vreg.gather [hbm4b:s5+s2], $0x40, v17, vm0, $0xb8;
	[tilespmem:$0x15860] =	vst v63  }
0x225: {  	v17 =	vld [tilespmem:$0xD70];
	_ =	sdelay $0x6  }
0x226: {  	s25 =	simm.s32 $0x11C60  }
0x227: {  	[tilespmem:s25], [sflag:$0x5] =	stream.indirect_vreg.gather [hbm4b:s5+s2], $0x40, v17, vm0, $0xb8;
	[tilespmem:$0x15860] =	vst v63  }
0x228: {  	v17 =	vld [tilespmem:$0xD80];
	_ =	sdelay $0x6  }
0x229: {  	s7 =	simm.s32 $0x12060  }
0x22a: {  	[tilespmem:s7], [sflag:$0x5] =	stream.indirect_vreg.gather [hbm4b:s5+s2], $0x40, v17, vm0, $0xb8;
	[tilespmem:$0x15860] =	vst v63  }
0x22b: {  	v17 =	vld [tilespmem:$0xD90];
	_ =	sdelay $0x6  }
0x22c: {  	s24 =	simm.s32 $0x12460  }
0x22d: {  	[tilespmem:s24], [sflag:$0x5] =	stream.indirect_vreg.gather [hbm4b:s5+s2], $0x40, v17, vm0, $0xb8;
	[tilespmem:$0x15860] =	vst v63  }
0x22e: {  	v17 =	vld [tilespmem:$0xDA0];
	_ =	sdelay $0x6  }
0x22f: {  	s25 =	simm.s32 $0x12860  }
0x230: {  	[tilespmem:s25], [sflag:$0x5] =	stream.indirect_vreg.gather [hbm4b:s5+s2], $0x40, v17, vm0, $0xb8;
	[tilespmem:$0x15860] =	vst v63  }
0x231: {  	v17 =	vld [tilespmem:$0xDB0];
	_ =	sdelay $0x6  }
0x232: {  	s7 =	simm.s32 $0x12C60  }
0x233: {  	[tilespmem:s7], [sflag:$0x5] =	stream.indirect_vreg.gather [hbm4b:s5+s2], $0x40, v17, vm0, $0xb8;
	[tilespmem:$0x15860] =	vst v63  }
0x234: {  	v17 =	vld [tilespmem:$0xDC0];
	_ =	sdelay $0x6  }
0x235: {  	s24 =	simm.s32 $0x13060  }
0x236: {  	[tilespmem:s24], [sflag:$0x5] =	stream.indirect_vreg.gather [hbm4b:s5+s2], $0x40, v17, vm0, $0xb8;
	[tilespmem:$0x15860] =	vst v63  }
0x237: {  	v17 =	vld [tilespmem:$0xDD0];
	_ =	sdelay $0x6  }
0x238: {  	s25 =	simm.s32 $0x13460  }
0x239: {  	[tilespmem:s25], [sflag:$0x5] =	stream.indirect_vreg.gather [hbm4b:s5+s2], $0x40, v17, vm0, $0xb8;
	[tilespmem:$0x15860] =	vst v63  }
0x23a: {  	v17 =	vld [tilespmem:$0xDE0];
	_ =	sdelay $0x6  }
0x23b: {  	s7 =	simm.s32 $0x13860  }
0x23c: {  	[tilespmem:s7], [sflag:$0x5] =	stream.indirect_vreg.gather [hbm4b:s5+s2], $0x40, v17, vm0, $0xb8;
	[tilespmem:$0x15860] =	vst v63  }
0x23d: {  	v17 =	vld [tilespmem:$0xDF0];
	_ =	sdelay $0x6  }
0x23e: {  	s24 =	simm.s32 $0x13C60  }
0x23f: {  	[tilespmem:s24], [sflag:$0x5] =	stream.indirect_vreg.gather [hbm4b:s5+s2], $0x40, v17, vm0, $0xb8;
	[tilespmem:$0x15860] =	vst v63  }
0x240: {  	v17 =	vld [tilespmem:$0xE00];
	_ =	sdelay $0x6  }
0x241: {  	s25 =	simm.s32 $0x14060  }
0x242: {  	[tilespmem:s25], [sflag:$0x5] =	stream.indirect_vreg.gather [hbm4b:s5+s2], $0x40, v17, vm0, $0xb8;
	[tilespmem:$0x15860] =	vst v63  }
0x243: {  	v17 =	vld [tilespmem:$0xE10];
	_ =	sdelay $0x6  }
0x244: {  	s7 =	simm.s32 $0x14460  }
0x245: {  	[tilespmem:s7], [sflag:$0x5] =	stream.indirect_vreg.gather [hbm4b:s5+s2], $0x40, v17, vm0, $0xb8;
	[tilespmem:$0x15860] =	vst v63  }
0x246: {  	v17 =	vld [tilespmem:$0xE20];
	_ =	sdelay $0x6  }
0x247: {  	s24 =	simm.s32 $0x14860  }
0x248: {  	[tilespmem:s24], [sflag:$0x5] =	stream.indirect_vreg.gather [hbm4b:s5+s2], $0x40, v17, vm0, $0xb8;
	[tilespmem:$0x15860] =	vst v63  }
0x249: {  	v17 =	vld [tilespmem:$0xE30];
	_ =	sdelay $0x6  }
0x24a: {  	s25 =	simm.s32 $0x14C60  }
0x24b: {  	[tilespmem:s25], [sflag:$0x5] =	stream.indirect_vreg.gather [hbm4b:s5+s2], $0x40, v17, vm0, $0xb8;
	[tilespmem:$0x15860] =	vst v63  }
0x24c: {  	v17 =	vld [tilespmem:$0xE40];
	_ =	sdelay $0x6  }
0x24d: {  	s7 =	simm.s32 $0x15060  }
0x24e: {  	[tilespmem:s7], [sflag:$0x5] =	stream.indirect_vreg.gather [hbm4b:s5+s2], $0x40, v17, vm0, $0xb8;
	[tilespmem:$0x15860] =	vst v63  }
0x24f: {  	v17 =	vld [tilespmem:$0xE50];
	_ =	sdelay $0x6  }
0x250: {  	s24 =	simm.s32 $0x15460  }
0x251: {  	[tilespmem:s24], [sflag:$0x5] =	stream.indirect_vreg.gather [hbm4b:s5+s2], $0x40, v17, vm0, $0xb8;
	[tilespmem:$0x15860] =	vst v63  }
0x252: {  	_ =	swait.ge [sflag:s13], $0x4000  }
0x253: {  	[sflag:s13] =	ssyncset.done $0x0  }
0x254: {  	s25 =	simm.s32 $0x1660;
	[sflag:s13] =	ssyncadd.s32 $0xFFFFC000  }
0x255: {  	[tilespmem:s21], [sflag:$0x10] =	stream.indirect.gather.add.f32 [spmem:s1], $0x40, s25, s9, $0xb8;
	[tilespmem:$0x15860] =	vst v63  }
.Ltmp4:
0x256: {  	_ = 	snop;
	(pc) =	sbr.rel @p2 .LBB2_4-.Ltmp4, $4  }
0x257: {  	_ =	swait.ge [sflag:s12], $0x4000  }
0x258: {  	[sflag:s12] =	ssyncset.done $0x0  }
0x259: {  	s8 =	simm.s32 $0x1860;
	[sflag:s12] =	ssyncadd.s32 $0xFFFFC000  }
0x25a: {  	[hbm4b:s3+s2] =	stream.linear.scatter [tilespmem:s21], [sflag:$0x9], $0x4000, $0x38;
	[tilespmem:$0x15860] =	vst v63  }
0x25b: {  	s0 =	rddreg [dreg:$0xd]  }
0x25c: {  	s7 =	simm.s32 $0xA60;
	s24 =	rddreg [dreg:$0xc];
	s0 =	sadd.s32 s18, s0  }
0x25d: {  	[tilespmem:s7], [sflag:$0xC] =	stream.linear.gather [hbm4b:s0+s2], $0x100, $0x38;
	[tilespmem:$0x15860] =	vst v63  }
0x25e: {  	s0 =	sadd.s32 s18, s24;
	s24 =	sadd.s32 $0x500, s23;
	s7 =	sadd.s32 $0x520, s23  }
0x25f: {  	s25 =	simm.s32 $0xF60;
	v17 =	vor.u32 s24, v0;
	s24 =	sadd.s32 $0x540, s23;
	v20 =	vor.u32 s7, v0;
	s7 =	sadd.s32 $0x5D0, s23  }
0x260: {  	[tilespmem:s25], [sflag:$0xC] =	stream.linear.gather [hbm4b:s0+s2], $0x100, $0x38;
	v18 =	vmulhi.u32 $0x51EB851F, v17;
	[tilespmem:$0x15860] =	vst v63  }
0x261: {  	s25 =	sadd.s32 $0x510, s23;
	v22 =	vor.u32 s24, v0;
	s24 =	sadd.s32 $0x550, s23;
	v32 =	vmulhi.u32 $0x51EB851F, v20;
	v33 =	vor.u32 s7, v0  }
0x262: {  	v19 =	vor.u32 s25, v0;
	s25 =	sadd.s32 $0x530, s23;
	v23 =	vor.u32 s24, v0;
	v46 =	vmulhi.u32 $0x51EB851F, v22  }
0x263: {  	s24 =	sadd.s32 $0x570, s23;
	v21 =	vor.u32 s25, v0;
	v18 =	vshrl.u32 v18, $0x6;
	v28 =	vmulhi.u32 $0x51EB851F, v19  }
0x264: {  	s25 =	sadd.s32 $0x560, s23;
	v25 =	vor.u32 s24, v0;
	s24 =	sadd.s32 $0x590, s23;
	v32 =	vshrl.u32 v32, $0x6;
	v38 =	vmulhi.u32 $0x51EB851F, v23  }
0x265: {  	v24 =	vor.u32 s25, v0;
	v18 =	vmul.u32 $0xC8, v18;
	v29 =	vor.u32 s24, v0  }
0x266: {  	_ =	swait.ge [sflag:s31], $0x100;
	s25 =	sadd.s32 $0x580, s23;
	s24 =	sadd.s32 $0x5B0, s23;
	v37 =	vmulhi.u32 $0x51EB851F, v21;
	v43 =	vmul.u32 $0xC8, v32;
	v49 =	vshrl.u32 v46, $0x6  }
0x267: {  	[sflag:s31] =	ssyncset.done $0x0;
	v54 =	vmulhi.u32 $0x51EB851F, v25;
	v26 =	vor.u32 s25, v0;
	v31 =	vor.u32 s24, v0  }
0x268: {  	[sflag:s31] =	ssyncadd.s32 $0xFFFFFF00;
	s25 =	sadd.s32 $0x5A0, s23;
	v28 =	vshrl.u32 v28, $0x6;
	v50 =	vmul.u32 $0xC8, v49;
	v39 =	vmulhi.u32 $0x51EB851F, v24  }
0x269: {  	_ =	swait.ge [sflag:s31], $0x100;
	s24 =	sadd.s32 $0x5E0, s23;
	v52 =	vshrl.u32 v38, $0x6;
	v59 =	vmulhi.u32 $0x51EB851F, v29;
	v30 =	vor.u32 s25, v0  }
0x26a: {  	[sflag:s31] =	ssyncset.done $0x0;
	v17 =	vsub.s32 v17, v18;
	v34 =	vor.u32 s24, v0;
	v28 =	vmul.u32 $0xC8, v28  }
0x26b: {  	s25 =	sadd.s32 $0x5C0, s23;
	v45 =	vshrl.u32 v37, $0x6;
	v20 =	vsub.s32 v20, v43;
	v37 =	vmul.u32 $0xC8, v52;
	[sflag:s31] =	ssyncadd.s32 $0xFFFFFF00  }
0x26c: {  	v57 =	vmulhi.u32 $0x51EB851F, v26;
	v18 =	vor.u32 s25, v0;
	v17 =	vmul.u32 $0x3, v17;
	v27 =	vld [tilespmem:$0xE60]  }
0x26d: {  	v47 =	vmul.u32 $0xC8, v45;
	v20 =	vmul.u32 $0x3, v20;
	v60 =	vmulhi.u32 $0x51EB851F, v30;
	v35 =	vld [tilespmem:$0xE70]  }
0x26e: {  	s25 =	sadd.s32 $0x5F0, s23;
	v22 =	vsub.s32 v22, v50;
	v55 =	vshrl.u32 v39, $0x6;
	v45 =	vmulhi.u32 $0x51EB851F, v31;
	v44 =	vld [tilespmem:$0xE80]  }
0x26f: {  	v38 =	vshrl.u32 v59, $0x6;
	v50 =	vmulhi.u32 $0x51EB851F, v33;
	v36 =	vor.u32 s25, v0;
	v48 =	vld [tilespmem:$0xE90]  }
0x270: {  	v19 =	vsub.s32 v19, v28;
	v51 =	vld [tilespmem:$0xEA0];
	v22 =	vmul.u32 $0x3, v22;
	v23 =	vsub.s32 v23, v37  }
0x271: {  	v53 =	vld [tilespmem:$0xEB0];
	v28 =	vmul.u32 $0xC8, v55;
	v61 =	vshrl.u32 v57, $0x6;
	v42 =	vmul.u32 $0xC8, v38  }
0x272: {  	v56 =	vld [tilespmem:$0xEC0];
	v49 =	vmulhi.u32 $0x51EB851F, v18;
	v19 =	vmul.u32 $0x3, v19;
	v21 =	vsub.s32 v21, v47  }
0x273: {  	v23 =	vmul.u32 $0x3, v23;
	v21 =	vmul.u32 $0x3, v21;
	v24 =	vsub.s32 v24, v28  }
0x274: {  	v28 =	vmul.u32 $0xC8, v61;
	v24 =	vmul.u32 $0x3, v24;
	v17 =	vadd.s32 v17, v27  }
0x275: {  	v19 =	vadd.s32 v19, v35;
	v20 =	vadd.s32 v20, v44;
	v21 =	vadd.s32 v21, v48  }
0x276: {  	v27 =	vshrl.u32 v54, $0x6;
	v22 =	vadd.s32 v22, v51;
	v23 =	vadd.s32 v23, v53  }
0x277: {  	v24 =	vadd.s32 v24, v56;
	v44 =	vsub.s32 v26, v28;
	v53 =	vmulhi.u32 $0x51EB851F, v34  }
0x278: {  	v63 =	vld [tilespmem:$0xEF0];
	v26 =	vshrl.u32 v45, $0x6;
	v56 =	vmulhi.u32 $0x51EB851F, v36;
	v27 =	vmul.u32 $0xC8, v27;
	[tilespmem:$0x1360] =	vst v17  }
0x279: {  	v58 =	vld [tilespmem:$0xED0];
	[tilespmem:$0x1370] =	vst v19;
	v19 =	vsub.s32 v29, v42;
	v48 =	vmul.u32 $0xC8, v26;
	v26 =	vshrl.u32 v49, $0x6  }
0x27a: {  	[tilespmem:$0x13A0] =	vst v22;
	v22 =	vshrl.u32 v50, $0x6;
	v19 =	vmul.u32 $0x3, v19;
	v54 =	vmul.u32 $0xC8, v26  }
0x27b: {  	v62 =	vld [tilespmem:$0xEE0];
	[tilespmem:$0x1380] =	vst v20;
	v22 =	vmul.u32 $0xC8, v22;
	v25 =	vsub.s32 v25, v27;
	v27 =	vshrl.u32 v60, $0x6  }
0x27c: {  	v43 =	vld [tilespmem:$0xF00];
	[tilespmem:$0x1390] =	vst v21;
	v51 =	vsub.s32 v31, v48;
	v25 =	vmul.u32 $0x3, v25;
	v27 =	vmul.u32 $0xC8, v27  }
0x27d: {  	v52 =	vld [tilespmem:$0xF10];
	[tilespmem:$0x13B0] =	vst v23;
	v60 =	vshrl.u32 v56, $0x6;
	v19 =	vadd.s32 v19, v63;
	v18 =	vsub.s32 v18, v54  }
0x27e: {  	v55 =	vld [tilespmem:$0xF20];
	[tilespmem:$0x13C0] =	vst v24;
	v17 =	vadd.s32 v25, v58;
	v27 =	vsub.s32 v30, v27;
	v25 =	vmul.u32 $0x3, v44  }
0x27f: {  	v57 =	vld [tilespmem:$0xF30];
	v61 =	vmul.u32 $0xC8, v60;
	[tilespmem:$0x13F0] =	vst v19;
	v46 =	vmul.u32 $0x3, v27;
	v27 =	vshrl.u32 v53, $0x6  }
0x280: {  	v59 =	vld [tilespmem:$0xF40];
	[tilespmem:$0x13D0] =	vst v17;
	v17 =	vmul.u32 $0x3, v51;
	v47 =	vadd.s32 v25, v62;
	v58 =	vmul.u32 $0xC8, v27  }
0x281: {  	v18 =	vmul.u32 $0x3, v18;
	v19 =	vsub.s32 v33, v22;
	v62 =	vld [tilespmem:$0xF50];
	v20 =	vadd.s32 v46, v43;
	[tilespmem:$0x13E0] =	vst v47  }
0x282: {  	v19 =	vmul.u32 $0x3, v19;
	v17 =	vadd.s32 v17, v52;
	[tilespmem:$0x1400] =	vst v20;
	v63 =	vsub.s32 v34, v58  }
0x283: {  	[tilespmem:$0x1410] =	vst v17;
	v17 =	vadd.s32 v18, v55;
	v18 =	vsub.s32 v36, v61;
	v20 =	vmul.u32 $0x3, v63  }
0x284: {  	[tilespmem:$0x1420] =	vst v17;
	v17 =	vadd.s32 v19, v57;
	v18 =	vmul.u32 $0x3, v18  }
0x285: {  	[tilespmem:$0x1430] =	vst v17;
	v17 =	vadd.s32 v20, v59  }
0x286: {  	[tilespmem:$0x1440] =	vst v17;
	v17 =	vadd.s32 v18, v62  }
0x287: {  	s7 =	simm.s32 $0x6;
	[tilespmem:$0x1450] =	vst v17  }
0x288: {  	_ =	swait.ge [sflag:s7], $0x4000  }
0x289: {  	[sflag:s7] =	ssyncset.done $0x0  }
0x28a: {  	[sflag:s7] =	ssyncadd.s32 $0xFFFFC000  }
0x28b: {  	v17 =	vld [tilespmem:$0x960];
	_ =	sdelay $0x7  }
0x28c: {  	[tilespmem:s8], [sflag:$0x1] =	stream.indirect_vreg.gather [hbm4b:s5+s2], $0x40, v17, vm0, $0xb8;
	[tilespmem:$0x15860] =	vst v63  }
0x28d: {  	v17 =	vld [tilespmem:$0x970];
	_ =	sdelay $0x6  }
0x28e: {  	s23 =	simm.s32 $0x1C60  }
0x28f: {  	[tilespmem:s23], [sflag:$0x1] =	stream.indirect_vreg.gather [hbm4b:s5+s2], $0x40, v17, vm0, $0xb8;
	[tilespmem:$0x15860] =	vst v63  }
0x290: {  	v17 =	vld [tilespmem:$0x980];
	_ =	sdelay $0x6  }
0x291: {  	s24 =	simm.s32 $0x2060  }
0x292: {  	[tilespmem:s24], [sflag:$0x1] =	stream.indirect_vreg.gather [hbm4b:s5+s2], $0x40, v17, vm0, $0xb8;
	[tilespmem:$0x15860] =	vst v63  }
0x293: {  	v17 =	vld [tilespmem:$0x990];
	_ =	sdelay $0x6  }
0x294: {  	s25 =	simm.s32 $0x2460  }
0x295: {  	[tilespmem:s25], [sflag:$0x1] =	stream.indirect_vreg.gather [hbm4b:s5+s2], $0x40, v17, vm0, $0xb8;
	[tilespmem:$0x15860] =	vst v63  }
0x296: {  	v17 =	vld [tilespmem:$0x9A0];
	_ =	sdelay $0x6  }
0x297: {  	s7 =	simm.s32 $0x2860  }
0x298: {  	[tilespmem:s7], [sflag:$0x1] =	stream.indirect_vreg.gather [hbm4b:s5+s2], $0x40, v17, vm0, $0xb8;
	[tilespmem:$0x15860] =	vst v63  }
0x299: {  	v17 =	vld [tilespmem:$0x9B0];
	_ =	sdelay $0x6  }
0x29a: {  	s23 =	simm.s32 $0x2C60  }
0x29b: {  	[tilespmem:s23], [sflag:$0x1] =	stream.indirect_vreg.gather [hbm4b:s5+s2], $0x40, v17, vm0, $0xb8;
	[tilespmem:$0x15860] =	vst v63  }
0x29c: {  	v17 =	vld [tilespmem:$0x9C0];
	_ =	sdelay $0x6  }
0x29d: {  	s24 =	simm.s32 $0x3060  }
0x29e: {  	[tilespmem:s24], [sflag:$0x1] =	stream.indirect_vreg.gather [hbm4b:s5+s2], $0x40, v17, vm0, $0xb8;
	[tilespmem:$0x15860] =	vst v63  }
0x29f: {  	v17 =	vld [tilespmem:$0x9D0];
	_ =	sdelay $0x6  }
0x2a0: {  	s25 =	simm.s32 $0x3460  }
0x2a1: {  	[tilespmem:s25], [sflag:$0x1] =	stream.indirect_vreg.gather [hbm4b:s5+s2], $0x40, v17, vm0, $0xb8;
	[tilespmem:$0x15860] =	vst v63  }
0x2a2: {  	v17 =	vld [tilespmem:$0x9E0];
	_ =	sdelay $0x6  }
0x2a3: {  	s7 =	simm.s32 $0x3860  }
0x2a4: {  	[tilespmem:s7], [sflag:$0x1] =	stream.indirect_vreg.gather [hbm4b:s5+s2], $0x40, v17, vm0, $0xb8;
	[tilespmem:$0x15860] =	vst v63  }
0x2a5: {  	v17 =	vld [tilespmem:$0x9F0];
	_ =	sdelay $0x6  }
0x2a6: {  	s23 =	simm.s32 $0x3C60  }
0x2a7: {  	[tilespmem:s23], [sflag:$0x1] =	stream.indirect_vreg.gather [hbm4b:s5+s2], $0x40, v17, vm0, $0xb8;
	[tilespmem:$0x15860] =	vst v63  }
0x2a8: {  	v17 =	vld [tilespmem:$0xA00];
	_ =	sdelay $0x6  }
0x2a9: {  	s24 =	simm.s32 $0x4060  }
0x2aa: {  	[tilespmem:s24], [sflag:$0x1] =	stream.indirect_vreg.gather [hbm4b:s5+s2], $0x40, v17, vm0, $0xb8;
	[tilespmem:$0x15860] =	vst v63  }
0x2ab: {  	v17 =	vld [tilespmem:$0xA10];
	_ =	sdelay $0x6  }
0x2ac: {  	s25 =	simm.s32 $0x4460  }
0x2ad: {  	[tilespmem:s25], [sflag:$0x1] =	stream.indirect_vreg.gather [hbm4b:s5+s2], $0x40, v17, vm0, $0xb8;
	[tilespmem:$0x15860] =	vst v63  }
0x2ae: {  	v17 =	vld [tilespmem:$0xA20];
	_ =	sdelay $0x6  }
0x2af: {  	s7 =	simm.s32 $0x4860  }
0x2b0: {  	[tilespmem:s7], [sflag:$0x1] =	stream.indirect_vreg.gather [hbm4b:s5+s2], $0x40, v17, vm0, $0xb8;
	[tilespmem:$0x15860] =	vst v63  }
0x2b1: {  	v17 =	vld [tilespmem:$0xA30];
	_ =	sdelay $0x6  }
0x2b2: {  	s23 =	simm.s32 $0x4C60  }
0x2b3: {  	[tilespmem:s23], [sflag:$0x1] =	stream.indirect_vreg.gather [hbm4b:s5+s2], $0x40, v17, vm0, $0xb8;
	[tilespmem:$0x15860] =	vst v63  }
0x2b4: {  	v17 =	vld [tilespmem:$0xA40];
	_ =	sdelay $0x6  }
0x2b5: {  	s24 =	simm.s32 $0x5060  }
0x2b6: {  	[tilespmem:s24], [sflag:$0x1] =	stream.indirect_vreg.gather [hbm4b:s5+s2], $0x40, v17, vm0, $0xb8;
	[tilespmem:$0x15860] =	vst v63  }
0x2b7: {  	v17 =	vld [tilespmem:$0xA50];
	_ =	sdelay $0x3  }
.Ltmp5:
0x2b8: {  	_ = 	snop;
	(pc) =	sbr.rel .LBB2_4-.Ltmp5, $3  }
0x2b9: {  	_ =	sdelay $0x1  }
0x2ba: {  	s25 =	simm.s32 $0x5460  }
0x2bb: {  	[tilespmem:s25], [sflag:$0x1] =	stream.indirect_vreg.gather [hbm4b:s5+s2], $0x40, v17, vm0, $0xb8;
	[tilespmem:$0x15860] =	vst v63  }
.LBB2_6:
0x2bc: {  	_ =	sfence.sel $0x180000  }
0x2bd: {  	[bflag:$0x0] =	sbarrier.arrive $0xFFFF  }
0x2be: {  	_ =	strace $0x90000047  }
0x2bf: {  	[bflag:$0x2] =	sbarrier.arrive $0xFFFF  }
0x2c0: {  	s0 =	rddreg [dreg:$0x3]  }
0x2c1: {  	s0 =	sadd.s32 @!p0 $0x100000, s0  }
0x2c2: {  	[sflag:s0] =	ssyncadd.tile.s32 @!p0 $0x1;
	_ =	shalt  }
.Lfunc_end2:
_tile_overlayer_lowered:
.L_overlay_start_2:
0x2c3: {  	(tag) =	ssettag $0x2  }
0x2c4: {  	s0 =	rddreg [dreg:$0x0];
	s2 =	stileid.u32  }
0x2c5: {  	s1 =	rddreg [dreg:$0x1];
	p0 =	sne.s32 s2, $0x0  }
0x2c6: {  	s3 =	rddreg [dreg:$0x2];
	[bflag:$0x3] =	sbarrier.arrive $0xFFFF;
	s2 =	simm.s32 @!p0 $0x1C11  }
0x2c7: {  	[timem:s3], [sflag:s2] =	dma.local @!p0 [hbm:s0], s1  }
0x2c8: {  	s0 =	simm.s32 @!p0 $0x11  }
0x2c9: {  	_ =	swait.ge @!p0 [sflag:s0], s1  }
0x2ca: {  	s1 =	ssub.s32 @!p0 $0x0, s1;
	[sflag:s0] =	ssyncset.done @!p0 $0x0  }
0x2cb: {  	[sflag:s0] =	ssyncadd.s32 @!p0 s1  }
0x2cc: {  	[bflag:$0x3] =	sbarrier.arrive $0xFFFF  }
0x2cd: {  	_ =	shalt  }

// kernel: sparse-core-data-format-call.cloned.1.call-start
scs
called_computation_lowered:
.L_overlay_start_0:
0x0: {  	s2 =	sld [smem:$0x3FD9]  }
0x1: {  	s3 =	sld [smem:$0x3FFE];
	_ =	sdelay $0x1  }
0x2: {  	s1 =	srdreg.scid  }
0x3: {  	s0 =	sand.u32 $0x1, s1  }
0x4: {  	s18 =	sshll.u32 s0, $0xA;
	s2 =	sadd.s32 s3, s2  }
0x5: {  	s2 =	sadd.s32 s2, s18  }
0x6: {  	[smem:$0x3FC3] =	sst s2  }
0x7: {  	_ = 	snop  }
0x8: {  	s2 =	sld [smem:$0x3FD0];
	(tm) =	ssettm $0x1  }
0x9: {  	s19 =	sld [smem:$0x3FFB];
	_ =	sdelay $0x3  }
0xa: {  	_ =	strace s19  }
0xb: {  	s3 =	sld [smem:$0x3FFC];
	_ =	sdelay $0x3  }
0xc: {  	_ =	strace s3  }
0xd: {  	s3 =	sld [smem:$0x3FFD];
	_ =	sdelay $0x3  }
0xe: {  	_ =	strace s3  }
0xf: {  	_ =	strace $0x8FFFFFFF  }
0x10: {  	s20 =	sld [smem:$0x3FDB];
	_ =	sdelay $0x1  }
0x11: {  	s4 =	simm.s32 $_scs_section_size  }
0x12: {  	s5 =	simm.s32 $_size__tile_overlayer_lowered;
	s6 =	simm.s32 $_tile_overlayer_lowered  }
0x13: {  	s23 =	simm.s32 $0x1BFF;
	s22 =	sshll.u32 s6, $0x1;
	s3 =	sadd.s32 s4, s20  }
0x14: {  	s7 =	simm.s32 $0x0;
	s21 =	sshll.u32 s5, $0x1;
	s5 =	sadd.s32 s22, s3  }
0x15: {  	[timem:s7], [sflag:s23] =	dma.local [hbm:s5], s21  }
0x16: {  	_ =	swait.ge [sflag:s23], s21  }
0x17: {  	s4 =	ssub.s32 $0x0, s21;
	[sflag:s23] =	ssyncset.done $0x0  }
0x18: {  	[sflag:s23] =	ssyncadd.s32 s4;
	_ =	sdelay $0x1  }
0x19: {  	s24 =	simm.s32 $0x1B8B  }
0x1a: {  	_ =	swait.ge [sflag:s24], $0x1  }
0x1b: {  	[sflag:s24] =	ssyncset.done $0x0  }
0x1c: {  	s26 =	simm.s32 $0x1B8E;
	s25 =	sld [smem:$0x3FFE];
	[sflag:s24] =	ssyncadd.s32 $0xFFFFFFFF  }
0x1d: {  	s27 =	simm.s32 $execute0_lowered;
	[smem:$0x3FD2] =	sst s26  }
0x1e: {  	s5 =	sshll.u32 s27, $0x1;
	_ =	strace $0x80000049;
	[dreg:$0x1] =	wrdreg $0xFFFFFFFF  }
0x1f: {  	s28 =	simm.s32 $_size_execute0_lowered;
	s3 =	sadd.s32 s3, s5;
	[dreg:$0x0] =	wrdreg $0x0  }
0x20: {  	s5 =	sshll.u32 s28, $0x1;
	[dreg:$0x2] =	wrdreg s3  }
0x21: {  	[dreg:$0x3] =	wrdreg s5  }
0x22: {  	[dreg:$0x4] =	wrdreg $0xC0  }
0x23: {  	_ =	task [dreg:s7], $0x5FFFF  }
0x24: {  	[dreg:$0x1] =	wrdreg $0xFFFFFFFF  }
0x25: {  	[dreg:$0x0] =	wrdreg $0x60  }
0x26: {  	[dreg:$0x2] =	wrdreg s25  }
0x27: {  	[dreg:$0x3] =	wrdreg s2  }
0x28: {  	[dreg:$0x4] =	wrdreg $0x9  }
0x29: {  	_ =	task.clear_ibuf [dreg:s7], $0x5FFFF;
	_ =	strace $0x90000049  }
0x2a: {  	s29 =	simm.s32 $0x9;
	_ =	strace $0x8000004B  }
0x2b: {  	_ =	swait.ge [sflag:s29], $0x1  }
0x2c: {  	[sflag:s29] =	ssyncadd.s32 $0xFFFFFFFF  }
0x2d: {  	_ =	strace $0x9000004B  }
0x2e: {  	_ =	sfence  }
0x2f: {  	s30 =	sld [smem:$0x0];
	_ =	sdelay $0x2  }
0x30: {  	s31 =	sshll.u32 s1, $0xD;
	s1 =	sshrl.u32 s1, $0x2  }
0x31: {  	s3 =	sand.u32 $0x4000, s31;
	s1 =	sadd.s32 s1, s30  }
0x32: {  	s0 =	sor.u32 s3, s0;
	s1 =	sshll.u32 s1, $0x11  }
0x33: {  	s0 =	sor.u32 s1, s0  }
0x34: {  	s0 =	sadd.s32 $0x8F2B, s0  }
0x35: {  	[sflag:s0] =	ssyncadd.remote.s32 $0x1  }
0x36: {  	_ =	sfence.sel $0xFFFF  }
0x37: {  	[dreg:$0x0] =	wrdreg $0xFFFFFFFF;
	(pc) =	sbr.abs _section_cstart, $3  }
0x38: {  	[dreg:$0x1] =	wrdreg $0xFFFFFFFF  }
0x39: {  	_ =	task.clear_ibuf [dreg:s7], $0x2FFFF;
	_ =	strace $0x9FFFFFFF  }
0x3a: {  	(tm) =	ssettm $0x7FFFFFFF  }
0x3b: {  	_ =	shalt  }
tec
execute0_lowered:
.L_overlay_start_1:
0x0: {  	(tag) =	ssettag $0x1  }
0x1: {  	s0 =	srdreg.scid  }
0x2: {  	s1 =	sshll.u32 s0, $0x4  }
0x3: {  	s0 =	stileid.u32;
	s1 =	sand.u32 $0x10, s1  }
0x4: {  	s1 =	sor.u32 s0, s1  }
0x5: {  	s6 =	rddreg [dreg:$0x0];
	s4 =	simm.s32 $0x1;
	s2 =	sshll.u32 s1, $0x7  }
0x6: {  	s7 =	simm.s32 $0x2;
	s12 =	simm.s32 $0x0;
	s1 =	ssub.s32 $0x1000, s2  }
0x7: {  	s8 =	simm.s32 $0x8000;
	s13 =	simm.s32 $0x0;
	s3 =	sand.u32 $0xF80, s1  }
0x8: {  	s9 =	simm.s32 $0x0;
	s5 =	sshrl.u32 s1, $0xC;
	p0 =	sne.s32 s3, $0x0  }
.Ltmp0:
0x9: {  	s1 =	rddreg [dreg:$0x2];
	s4 =	simm.s32 @!p0 $0x0;
	(pc) =	sbr.rel .LBB1_1-.Ltmp0, $4  }
0xa: {  	s11 =	simm.s32 $0x0;
	s3 =	rddreg [dreg:$0x1];
	s5 =	sadd.s32 s4, s5  }
0xb: {  	_ =	strace $0x8000004A;
	s4 =	simm.s32 $0x1;
	s5 =	smul.u32 $0xC8, s5  }
0xc: {  	s6 =	sadd.s32 $0x1000, s6;
	s10 =	smov.u32 s2;
	[sflag:s4] =	ssyncpa.u1 $0x0  }
0xd: {  	p0 =	por $0x0, $0x0;
	[sflag:s7] =	ssyncpa.u1 $0x0;
	s7 =	sor.u32 $0x1, s5  }
.LBB1_4:
0xe: {  	s16 =	sshll.u32 s13, $0x3;
	s17 =	sand.u32 $0x78, s13  }
0xf: {  	s30 =	sand.u32 $0x7E00, s13;
	s12 =	sshll.u32 s12, $0xF;
	s16 =	sand.u32 $0xC00, s16  }
0x10: {  	[tilespmem:s15+$0x810 ss:$0x81] =	vst.msk $0xffff, v2;
	s31 =	sand.u32 $0x7, s13;
	s16 =	sor.u32 s17, s16;
	s17 =	sadd.s32 s3, s30  }
0x11: {  	[tilespmem:s15+$0x1020 ss:$0x81] =	vst.msk $0xffff, v0;
	s13 =	sshll.u32 s31, $0x12;
	s12 =	sadd.s32 s12, s17;
	s16 =	sshrl.u32 s16, $0x3  }
0x12: {  	[tilespmem:s15+$0x0 ss:$0x81] =	vst.msk $0xffff, v1;
	s13 =	sor.u32 $0x400, s13;
	s12 =	sadd.s32 s16, s12  }
0x13: {  	[hbm4b:s12+s13] =	stream.strided.scatter [tilespmem:s14], [sflag:$0x2], $0x2000, s8, s13, $0x20;
	[tilespmem:$0x8080] =	vst v63  }
.LBB1_5:
0x14: {  	s14 =	sadd.s32 $0x1, s9  }
0x15: {  	s12 =	sadd.s32 $0x1000, s10;
	s16 =	smov.u32 s10;
	p2 =	sgt.s32 s14, $0xC7  }
0x16: {  	s16 =	smov.u32 @p2 s12  }
0x17: {  	s14 =	simm.s32 @p2 $0x0;
	p2 =	sgt.s32 s16, $0xFFF  }
0x18: {  	s16 =	smov.u32 @p2 s2;
	p2 =	sne.s32 s11, s7  }
.Ltmp1:
0x19: {  	p1 =	slt.u32 s11, $0x2;
	(pc) =	sbr.rel @!p2 .LBB1_6-.Ltmp1, $4  }
0x1a: {  	s15 =	simm.s32 @!p1 $0x2  }
0x1b: {  	s13 =	smov.u32 s10;
	p0 =	por !p0, !p0;
	_ =	swait.ge @!p1 [sflag:s15], $0x2000  }
0x1c: {  	s12 =	smov.u32 s9;
	[sflag:s15] =	ssyncset.done @!p1 $0x0;
	s9 =	smov.u32 s14  }
0x1d: {  	s11 =	sadd.s32 $0x1, s11;
	[sflag:s15] =	ssyncadd.s32 @!p1 $0xFFFFE000;
	s10 =	smov.u32 s16  }
.LBB1_1:
0x1e: {  	p1 =	sge.u32 s11, s5  }
0x1f: {  	s14 =	sand.u32 @!p1 $0x1FFFFFF, s9  }
0x20: {  	s15 =	smulhi.u32 @!p1 $0x147AE15, s14;
	_ =	sdelay $0x1  }
0x21: {  	s15 =	smul.u32 @!p1 $0xC8, s15  }
0x22: {  	s16 =	sxor.u32 @!p1 $0xFFFFFFFF, s11;
	s17 =	smul.u32 @!p1 $0xC80, s10  }
0x23: {  	s31 =	sadd.s32 $0xFFFFFFFF, s11;
	s16 =	sshll.u32 @!p1 s16, $0xD;
	s14 =	ssub.s32 @!p1 s14, s15  }
0x24: {  	s15 =	sand.u32 @!p1 $0x2000, s16;
	s16 =	sadd.s32 @!p1 s6, s17;
	s14 =	sshll.u32 @!p1 s14, $0x4  }
0x25: {  	s17 =	simm.s32 @!p1 $0x6400;
	s14 =	sadd.s32 @!p1 s14, s16;
	s16 =	simm.s32 @!p1 $0x40  }
0x26: {  	[tilespmem:s15], [sflag:$0x1] =	stream.strided.gather @!p1 [hbm4b:s14+s16], $0x2000, s17, s16, $0x38;
	[tilespmem:$0x8080] =	vst v63  }
0x27: {  	p1 =	sge.u32 s31, s5  }
.Ltmp2:
0x28: {  	_ = 	snop;
	(pc) =	sbr.rel @p1 .LBB1_5-.Ltmp2, $1  }
0x29: {  	_ =	sdelay $0x3  }
0x2a: {  	s14 =	simm.s32 $0x1  }
0x2b: {  	_ =	swait.ge [sflag:s4], $0x2000;
	s14 =	simm.s32 @!p0 $0x0  }
0x2c: {  	[sflag:s4] =	ssyncset.done $0x0;
	s15 =	sshll.u32 s14, $0xD  }
0x2d: {  	[sflag:s4] =	ssyncadd.s32 $0xFFFFE000;
	s18 =	sor.u32 $0x20, s15  }
0x2e: {  	s14 =	smul.u32 $0x8100, s14;
	v3 =	vld [tilespmem:s18+$0x10]  }
0x2f: {  	s30 =	sand.u32 $0x1, s11;
	v2 =	vld [tilespmem:s18+$0xFFFFFFF0]  }
0x30: {  	s15 =	smul.u32 $0x8100, s30;
	s14 =	sshrl.u32 s14, $0x2;
	v0 =	vld [tilespmem:s18+$0x0]  }
0x31: {  	v1 =	vld [tilespmem:s18+$0xFFFFFFE0];
	s16 =	sor.u32 $0x4000, s14  }
0x32: {  	s31 =	sshrl.u32 s15, $0x2;
	s15 =	sadd.s32 $0x0, s16  }
0x33: {  	s17 =	simm.s32 $0x4;
	s18 =	sadd.s32 $0x40, s18;
	s14 =	sor.u32 $0x4000, s31;
	[tilespmem:s15+$0x1830 ss:$0x81] =	vst.msk $0xffff, v3  }
.LBB1_3:
0x34: {  	v3 =	vld [tilespmem:s18+$0x10];
	p1 =	sne.s32 s17, $0x1FC;
	[tilespmem:s15+$0x810 ss:$0x81] =	vst.msk $0xffff, v2;
	s19 =	smov.u32 s17;
	s17 =	sadd.s32 $0x4, s17  }
.Ltmp3:
0x35: {  	v2 =	vld [tilespmem:s18+$0xFFFFFFF0];
	[tilespmem:s15+$0x1020 ss:$0x81] =	vst.msk $0xffff, v0;
	(pc) =	sbr.rel @p1 .LBB1_3-.Ltmp3, $4  }
0x36: {  	v0 =	vld [tilespmem:s18+$0x0];
	[tilespmem:s15+$0x0 ss:$0x81] =	vst.msk $0xffff, v1  }
0x37: {  	s15 =	sshra.s32 s19, $0x2;
	v1 =	vld [tilespmem:s18+$0xFFFFFFE0]  }
0x38: {  	s15 =	sadd.s32 s15, s16  }
0x39: {  	s18 =	sadd.s32 $0x40, s18;
	[tilespmem:s15+$0x1830 ss:$0x81] =	vst.msk $0xffff, v3  }
.Ltmp4:
0x3a: {  	_ = 	snop;
	(pc) =	sbr.rel .LBB1_4-.Ltmp4, $1  }
0x3b: {  	_ =	sdelay $0x3  }
.LBB1_6:
0x3c: {  	_ =	sfence.sel $0x180000  }
0x3d: {  	s2 =	simm.s32 $0x1;
	[bflag:$0x0] =	sbarrier.arrive $0xFFFF  }
0x3e: {  	s31 =	simm.s32 $0x2;
	[sflag:s2] =	ssyncpa.u1 $0x1  }
0x3f: {  	[sflag:s31] =	ssyncpa.u1 $0x1  }
0x40: {  	p0 =	sne.s32 s0, $0x0;
	_ =	strace $0x9000004A  }
0x41: {  	s0 =	sadd.s32 @!p0 $0x100000, s1;
	[bflag:$0x2] =	sbarrier.arrive $0xFFFF  }
0x42: {  	[sflag:s0] =	ssyncadd.tile.s32 @!p0 $0x1;
	_ =	shalt  }
.Lfunc_end1:
_tile_overlayer_lowered:
.L_overlay_start_2:
0x43: {  	(tag) =	ssettag $0x2  }
0x44: {  	s0 =	rddreg [dreg:$0x0];
	s2 =	stileid.u32  }
0x45: {  	s1 =	rddreg [dreg:$0x1];
	p0 =	sne.s32 s2, $0x0  }
0x46: {  	s3 =	rddreg [dreg:$0x2];
	[bflag:$0x3] =	sbarrier.arrive $0xFFFF;
	s2 =	simm.s32 @!p0 $0x1C01  }
0x47: {  	[timem:s3], [sflag:s2] =	dma.local @!p0 [hbm:s0], s1  }
0x48: {  	s0 =	simm.s32 @!p0 $0x1  }
0x49: {  	_ =	swait.ge @!p0 [sflag:s0], s1  }
0x4a: {  	s1 =	ssub.s32 @!p0 $0x0, s1;
	[sflag:s0] =	ssyncset.done @!p0 $0x0  }
0x4b: {  	[sflag:s0] =	ssyncadd.s32 @!p0 s1  }
0x4c: {  	[bflag:$0x3] =	sbarrier.arrive $0xFFFF  }
0x4d: {  	_ =	shalt  }

</sc_bundles>
